<compile_context>
chip_gen: v7x
topology: tpu7x:2x2x1
jax: 0.10.2.dev20260603
libtpu: 0.0.44.dev20260713+nightly
codegen_flags: <defaults>
</compile_context>

<pallas_src>
import functools

import jax
import jax.numpy as jnp
from jax import lax
from jax.experimental import pallas as pl
from jax.experimental.pallas import tpu as pltpu
from jax.experimental.pallas import tpu_sc as plsc

_NC = 2
_NS = 16
_L = 16
_NW = _NC * _NS

_B, _N, _K = 64, 2048, 256
_BPW = _B // _NW
_CHUNK = 64
_NCHUNK = _N // _CHUNK


def _presence_counts(psi):
  mesh = plsc.VectorSubcoreMesh(core_axis_name="c", subcore_axis_name="s")

  @functools.partial(
      pl.kernel,
      out_type=jax.ShapeDtypeStruct((_NW * _K,), jnp.float32),
      mesh=mesh,
      scratch_types=[
          pltpu.VMEM((2, _CHUNK, _K), jnp.float32),
          pltpu.VMEM((_K,), jnp.float32),
          pltpu.VMEM((_K,), jnp.float32),
          pltpu.VMEM((_L * 17,), jnp.float32),
          pltpu.VMEM((_L * 17,), jnp.int32),
          pltpu.SemaphoreType.DMA,
          pltpu.SemaphoreType.DMA,
      ],
      compiler_params=pltpu.CompilerParams(
          use_tc_tiling_on_sc=True, needs_layout_passes=False),
  )
  def sc_kernel(psi_hbm, out_hbm, buf, presence, counts, tv, tk, sem0, sem1):
    wid = lax.axis_index("s") * _NC + lax.axis_index("c")
    lanes = lax.iota(jnp.int32, _L)
    zeros = jnp.zeros((_L,), jnp.float32)
    ones = jnp.ones((_L,), jnp.float32)
    lanes17 = lanes * 17

    for j in range(_K // _L):
      counts[pl.ds(j * _L, _L)] = zeros

    def copy_chunk(b, c, parity):
      return pltpu.make_async_copy(
          psi_hbm.at[b, pl.ds(c * _CHUNK, _CHUNK)],
          buf.at[parity],
          sem0 if parity == 0 else sem1,
      )

    def process_chunk(parity):
      def group_body(g, _):
        rowbase = g * _L

        def row_body(rr):
          r = rowbase + rr
          nch = 2
          span = _K // _L // nch
          cms = [jnp.full((_L,), -jnp.inf, jnp.float32) for _ in range(nch)]
          cts = [jnp.zeros((_L,), jnp.int32) for _ in range(nch)]
          for t in range(_K // _L):
            c = t // span
            v = buf[parity, r, pl.ds(t * _L, _L)]
            m = v > cms[c]
            cms[c] = jnp.where(m, v, cms[c])
            cts[c] = jnp.where(m, t, cts[c])
          pairs = [(cms[c], cts[c] * _L + lanes) for c in range(nch)]
          while len(pairs) > 1:
            nxtp = []
            for i in range(0, len(pairs), 2):
              (av, ak), (bv, bk) = pairs[i], pairs[i + 1]
              rp = (bv > av) | ((bv == av) & (bk < ak))
              nxtp.append((jnp.where(rp, bv, av), jnp.where(rp, bk, ak)))
            pairs = nxtp
          curmax, kvec = pairs[0]
          tidx = lanes17 + rr
          plsc.store_scatter(tv, [tidx], curmax)
          plsc.store_scatter(tk, [tidx], kvec)

        plsc.parallel_loop(0, _L, unroll=4)(row_body)

        cur = []
        for l in range(_L):
          gi = lanes + l * 17
          cur.append((plsc.load_gather(tv, [gi]), plsc.load_gather(tk, [gi])))
        while len(cur) > 1:
          nxt = []
          for i in range(0, len(cur), 2):
            (av, ak), (bv, bk) = cur[i], cur[i + 1]
            repl = (bv > av) | ((bv == av) & (bk < ak))
            nxt.append((jnp.where(repl, bv, av), jnp.where(repl, bk, ak)))
          cur = nxt
        _, bestk = cur[0]
        plsc.store_scatter(presence, [bestk], ones)
        return 0

      lax.fori_loop(0, _CHUNK // _L, group_body, 0)

    for bi in range(_BPW):
      b = wid * _BPW + bi
      for j in range(_K // _L):
        presence[pl.ds(j * _L, _L)] = zeros
      copy_chunk(b, 0, 0).start()
      copy_chunk(b, 1, 1).start()

      def pair(cp, _):
        base = cp * 2
        copy_chunk(b, base, 0).wait()
        process_chunk(0)

        @pl.when(base + 2 < _NCHUNK)
        def _():
          copy_chunk(b, base + 2, 0).start()

        copy_chunk(b, base + 1, 1).wait()
        process_chunk(1)

        @pl.when(base + 3 < _NCHUNK)
        def _():
          copy_chunk(b, base + 3, 1).start()

        return 0

      lax.fori_loop(0, _NCHUNK // 2, pair, 0)

      for j in range(_K // _L):
        sl = pl.ds(j * _L, _L)
        counts[sl] = counts[sl] + presence[sl]

    pltpu.sync_copy(counts, out_hbm.at[pl.ds(wid * _K, _K)])

  return sc_kernel(psi)


def _loss_from_partials(partials):
  def tc_kernel(p_ref, o_ref):
    x = p_ref[...].reshape(_NW, _K)
    counts = jnp.sum(x, axis=0)
    mean = jnp.sum(counts) / _K
    d = counts - mean
    o_ref[0, 0] = jnp.sum(d * d) / _K

  return pl.pallas_call(
      tc_kernel,
      out_shape=jax.ShapeDtypeStruct((1, 1), jnp.float32),
      out_specs=pl.BlockSpec(memory_space=pltpu.SMEM),
  )(partials)


@jax.jit
def kernel(psi):
  partials = _presence_counts(psi)
  loss = _loss_from_partials(partials)
  return loss[0, 0]

# --- scband reference (transcript-rebuilt; emitter-appended) ---
"""Pipeline reference for scband-balance-max-activations-loss-69123203662673 (READ-ONLY COPY).

The authoritative reference and input builder live on the scoring server;
editing this copy changes nothing except your own understanding.
"""

import jax, jax.numpy as jnp
import numpy as np


def setup_inputs(seed: int = 0) -> dict:
    key = jax.random.key(seed)
    psi = jax.random.normal(key, (64, 2048, 256), dtype=jnp.float32)
    return {"psi": psi}


def reference(psi):
    # psi: [B, N, K]
    B, N, K = psi.shape
    # torch.max(psi[i], dim=1) -> argmax over cluster axis for each row
    cluster_idx = jnp.argmax(psi, axis=2)  # [B, N]
    # torch semantics: cluster_counts[cluster_idx] += 1 is a NON-accumulating
    # index_put (gather old, add 1, scatter last-write-wins). Within one batch
    # iteration, every cluster that appears at least once among the N argmaxes
    # gets +1 exactly once. Over the batch loop, counts accumulate per batch.
    batch_ids = jnp.arange(B)[:, None]  # [B, 1] broadcast against [B, N]
    presence = jnp.zeros((B, K), dtype=jnp.float32).at[batch_ids, cluster_idx].set(1.0)
    cluster_counts = jnp.sum(presence, axis=0)  # [K]
    mean_count = jnp.mean(cluster_counts)
    loss = jnp.sum(jnp.square(cluster_counts - mean_count))
    loss = loss / K
    return loss

if __name__ == "__main__":
    import jax
    _d = setup_inputs()
    print(jax.jit(kernel)(*tuple(_d.values())))

</pallas_src>

<mosaic_0001>
#map = affine_map<(d0, d1) -> (0, 0, 0)>
#map1 = affine_map<(d0, d1) -> (0)>
module attributes {stable_mosaic.version = 14 : i64} {
  func.func @sc_kernel(%arg0: i32, %arg1: i32, %arg2: memref<64x2048x256xf32, #tpu.memory_space<hbm>>, %arg3: memref<8192xf32, #tpu.memory_space<hbm>>, %arg4: memref<2x64x256xf32, #tpu.memory_space<vmem>>, %arg5: memref<256xf32, #tpu.memory_space<vmem>>, %arg6: memref<256xf32, #tpu.memory_space<vmem>>, %arg7: memref<272xf32, #tpu.memory_space<vmem>>, %arg8: memref<272xi32, #tpu.memory_space<vmem>>, %arg9: memref<!tpu.dma_semaphore, #tpu.memory_space<semaphore_mem>>, %arg10: memref<!tpu.dma_semaphore, #tpu.memory_space<semaphore_mem>>) attributes {dimension_semantics = [#tpu.dimension_semantics<core_parallel>, #tpu.dimension_semantics<subcore_parallel>], iteration_bounds = array<i64: 2, 16>, scalar_prefetch = 0 : i64, scratch_operands = 7 : i64, tpu.core_type = #tpu.core_type<sc_vector_subcore>, window_params = [{transform_indices = #map}, {transform_indices = #map1}]} {
    %mul3A = arith.constant 2 : i32
    %mul3A_0 = arith.muli %arg1, %mul3A : i32
    %add3A = arith.addi %mul3A_0, %arg0 : i32
    %iota3A = tpu.iota {dimensions = array<i32: 0>} : vector<16xi32>
    %broadcast_in_dim3A = arith.constant 0.000000e+00 : f32
    %broadcast_in_dim3A_1 = vector.broadcast %broadcast_in_dim3A : f32 to vector<16xf32>
    %broadcast_in_dim3A_2 = arith.constant 1.000000e+00 : f32
    %broadcast_in_dim3A_3 = vector.broadcast %broadcast_in_dim3A_2 : f32 to vector<16xf32>
    %mul3A_4 = arith.constant 17 : i32
    %mul3A_5 = vector.broadcast %mul3A_4 : i32 to vector<16xi32>
    %mul3A_6 = arith.muli %iota3A, %mul3A_5 : vector<16xi32>
    %swap3A = arith.constant 0 : index
    %swap3A_7 = tpu.vector_load %arg6[%swap3A] {strides = array<i32>} : memref<256xf32, #tpu.memory_space<vmem>>, vector<16xf32>,
    tpu.vector_store %arg6[%swap3A], %broadcast_in_dim3A_1 {strides = array<i32>} : memref<256xf32, #tpu.memory_space<vmem>>, vector<16xf32>,
    %swap3A_8 = arith.constant 16 : index
    %swap3A_9 = tpu.vector_load %arg6[%swap3A_8] {strides = array<i32>} : memref<256xf32, #tpu.memory_space<vmem>>, vector<16xf32>,
    tpu.vector_store %arg6[%swap3A_8], %broadcast_in_dim3A_1 {strides = array<i32>} : memref<256xf32, #tpu.memory_space<vmem>>, vector<16xf32>,
    %swap3A_10 = arith.constant 32 : index
    %swap3A_11 = tpu.vector_load %arg6[%swap3A_10] {strides = array<i32>} : memref<256xf32, #tpu.memory_space<vmem>>, vector<16xf32>,
    tpu.vector_store %arg6[%swap3A_10], %broadcast_in_dim3A_1 {strides = array<i32>} : memref<256xf32, #tpu.memory_space<vmem>>, vector<16xf32>,
    %swap3A_12 = arith.constant 48 : index
    %swap3A_13 = tpu.vector_load %arg6[%swap3A_12] {strides = array<i32>} : memref<256xf32, #tpu.memory_space<vmem>>, vector<16xf32>,
    tpu.vector_store %arg6[%swap3A_12], %broadcast_in_dim3A_1 {strides = array<i32>} : memref<256xf32, #tpu.memory_space<vmem>>, vector<16xf32>,
    %swap3A_14 = arith.constant 64 : index
    %swap3A_15 = tpu.vector_load %arg6[%swap3A_14] {strides = array<i32>} : memref<256xf32, #tpu.memory_space<vmem>>, vector<16xf32>,
    tpu.vector_store %arg6[%swap3A_14], %broadcast_in_dim3A_1 {strides = array<i32>} : memref<256xf32, #tpu.memory_space<vmem>>, vector<16xf32>,
    %swap3A_16 = arith.constant 80 : index
    %swap3A_17 = tpu.vector_load %arg6[%swap3A_16] {strides = array<i32>} : memref<256xf32, #tpu.memory_space<vmem>>, vector<16xf32>,
    tpu.vector_store %arg6[%swap3A_16], %broadcast_in_dim3A_1 {strides = array<i32>} : memref<256xf32, #tpu.memory_space<vmem>>, vector<16xf32>,
    %swap3A_18 = arith.constant 96 : index
    %swap3A_19 = tpu.vector_load %arg6[%swap3A_18] {strides = array<i32>} : memref<256xf32, #tpu.memory_space<vmem>>, vector<16xf32>,
    tpu.vector_store %arg6[%swap3A_18], %broadcast_in_dim3A_1 {strides = array<i32>} : memref<256xf32, #tpu.memory_space<vmem>>, vector<16xf32>,
    %swap3A_20 = arith.constant 112 : index
    %swap3A_21 = tpu.vector_load %arg6[%swap3A_20] {strides = array<i32>} : memref<256xf32, #tpu.memory_space<vmem>>, vector<16xf32>,
    tpu.vector_store %arg6[%swap3A_20], %broadcast_in_dim3A_1 {strides = array<i32>} : memref<256xf32, #tpu.memory_space<vmem>>, vector<16xf32>,
    %swap3A_22 = arith.constant 128 : index
    %swap3A_23 = tpu.vector_load %arg6[%swap3A_22] {strides = array<i32>} : memref<256xf32, #tpu.memory_space<vmem>>, vector<16xf32>,
    tpu.vector_store %arg6[%swap3A_22], %broadcast_in_dim3A_1 {strides = array<i32>} : memref<256xf32, #tpu.memory_space<vmem>>, vector<16xf32>,
    %swap3A_24 = arith.constant 144 : index
    %swap3A_25 = tpu.vector_load %arg6[%swap3A_24] {strides = array<i32>} : memref<256xf32, #tpu.memory_space<vmem>>, vector<16xf32>,
    tpu.vector_store %arg6[%swap3A_24], %broadcast_in_dim3A_1 {strides = array<i32>} : memref<256xf32, #tpu.memory_space<vmem>>, vector<16xf32>,
    %swap3A_26 = arith.constant 160 : index
    %swap3A_27 = tpu.vector_load %arg6[%swap3A_26] {strides = array<i32>} : memref<256xf32, #tpu.memory_space<vmem>>, vector<16xf32>,
    tpu.vector_store %arg6[%swap3A_26], %broadcast_in_dim3A_1 {strides = array<i32>} : memref<256xf32, #tpu.memory_space<vmem>>, vector<16xf32>,
    %swap3A_28 = arith.constant 176 : index
    %swap3A_29 = tpu.vector_load %arg6[%swap3A_28] {strides = array<i32>} : memref<256xf32, #tpu.memory_space<vmem>>, vector<16xf32>,
    tpu.vector_store %arg6[%swap3A_28], %broadcast_in_dim3A_1 {strides = array<i32>} : memref<256xf32, #tpu.memory_space<vmem>>, vector<16xf32>,
    %swap3A_30 = arith.constant 192 : index
    %swap3A_31 = tpu.vector_load %arg6[%swap3A_30] {strides = array<i32>} : memref<256xf32, #tpu.memory_space<vmem>>, vector<16xf32>,
    tpu.vector_store %arg6[%swap3A_30], %broadcast_in_dim3A_1 {strides = array<i32>} : memref<256xf32, #tpu.memory_space<vmem>>, vector<16xf32>,
    %swap3A_32 = arith.constant 208 : index
    %swap3A_33 = tpu.vector_load %arg6[%swap3A_32] {strides = array<i32>} : memref<256xf32, #tpu.memory_space<vmem>>, vector<16xf32>,
    tpu.vector_store %arg6[%swap3A_32], %broadcast_in_dim3A_1 {strides = array<i32>} : memref<256xf32, #tpu.memory_space<vmem>>, vector<16xf32>,
    %swap3A_34 = arith.constant 224 : index
    %swap3A_35 = tpu.vector_load %arg6[%swap3A_34] {strides = array<i32>} : memref<256xf32, #tpu.memory_space<vmem>>, vector<16xf32>,
    tpu.vector_store %arg6[%swap3A_34], %broadcast_in_dim3A_1 {strides = array<i32>} : memref<256xf32, #tpu.memory_space<vmem>>, vector<16xf32>,
    %swap3A_36 = arith.constant 240 : index
    %swap3A_37 = tpu.vector_load %arg6[%swap3A_36] {strides = array<i32>} : memref<256xf32, #tpu.memory_space<vmem>>, vector<16xf32>,
    tpu.vector_store %arg6[%swap3A_36], %broadcast_in_dim3A_1 {strides = array<i32>} : memref<256xf32, #tpu.memory_space<vmem>>, vector<16xf32>,
    %mul3A_38 = arith.constant 2 : i32
    %mul3A_39 = arith.muli %add3A, %mul3A_38 : i32
    %add3A_40 = arith.constant 0 : i32
    %add3A_41 = arith.addi %mul3A_39, %add3A_40 : i32
    %swap3A_42 = arith.constant 0 : index
    %swap3A_43 = tpu.vector_load %arg5[%swap3A_42] {strides = array<i32>} : memref<256xf32, #tpu.memory_space<vmem>>, vector<16xf32>,
    tpu.vector_store %arg5[%swap3A_42], %broadcast_in_dim3A_1 {strides = array<i32>} : memref<256xf32, #tpu.memory_space<vmem>>, vector<16xf32>,
    %swap3A_44 = arith.constant 16 : index
    %swap3A_45 = tpu.vector_load %arg5[%swap3A_44] {strides = array<i32>} : memref<256xf32, #tpu.memory_space<vmem>>, vector<16xf32>,
    tpu.vector_store %arg5[%swap3A_44], %broadcast_in_dim3A_1 {strides = array<i32>} : memref<256xf32, #tpu.memory_space<vmem>>, vector<16xf32>,
    %swap3A_46 = arith.constant 32 : index
    %swap3A_47 = tpu.vector_load %arg5[%swap3A_46] {strides = array<i32>} : memref<256xf32, #tpu.memory_space<vmem>>, vector<16xf32>,
    tpu.vector_store %arg5[%swap3A_46], %broadcast_in_dim3A_1 {strides = array<i32>} : memref<256xf32, #tpu.memory_space<vmem>>, vector<16xf32>,
    %swap3A_48 = arith.constant 48 : index
    %swap3A_49 = tpu.vector_load %arg5[%swap3A_48] {strides = array<i32>} : memref<256xf32, #tpu.memory_space<vmem>>, vector<16xf32>,
    tpu.vector_store %arg5[%swap3A_48], %broadcast_in_dim3A_1 {strides = array<i32>} : memref<256xf32, #tpu.memory_space<vmem>>, vector<16xf32>,
    %swap3A_50 = arith.constant 64 : index
    %swap3A_51 = tpu.vector_load %arg5[%swap3A_50] {strides = array<i32>} : memref<256xf32, #tpu.memory_space<vmem>>, vector<16xf32>,
    tpu.vector_store %arg5[%swap3A_50], %broadcast_in_dim3A_1 {strides = array<i32>} : memref<256xf32, #tpu.memory_space<vmem>>, vector<16xf32>,
    %swap3A_52 = arith.constant 80 : index
    %swap3A_53 = tpu.vector_load %arg5[%swap3A_52] {strides = array<i32>} : memref<256xf32, #tpu.memory_space<vmem>>, vector<16xf32>,
    tpu.vector_store %arg5[%swap3A_52], %broadcast_in_dim3A_1 {strides = array<i32>} : memref<256xf32, #tpu.memory_space<vmem>>, vector<16xf32>,
    %swap3A_54 = arith.constant 96 : index
    %swap3A_55 = tpu.vector_load %arg5[%swap3A_54] {strides = array<i32>} : memref<256xf32, #tpu.memory_space<vmem>>, vector<16xf32>,
    tpu.vector_store %arg5[%swap3A_54], %broadcast_in_dim3A_1 {strides = array<i32>} : memref<256xf32, #tpu.memory_space<vmem>>, vector<16xf32>,
    %swap3A_56 = arith.constant 112 : index
    %swap3A_57 = tpu.vector_load %arg5[%swap3A_56] {strides = array<i32>} : memref<256xf32, #tpu.memory_space<vmem>>, vector<16xf32>,
    tpu.vector_store %arg5[%swap3A_56], %broadcast_in_dim3A_1 {strides = array<i32>} : memref<256xf32, #tpu.memory_space<vmem>>, vector<16xf32>,
    %swap3A_58 = arith.constant 128 : index
    %swap3A_59 = tpu.vector_load %arg5[%swap3A_58] {strides = array<i32>} : memref<256xf32, #tpu.memory_space<vmem>>, vector<16xf32>,
    tpu.vector_store %arg5[%swap3A_58], %broadcast_in_dim3A_1 {strides = array<i32>} : memref<256xf32, #tpu.memory_space<vmem>>, vector<16xf32>,
    %swap3A_60 = arith.constant 144 : index
    %swap3A_61 = tpu.vector_load %arg5[%swap3A_60] {strides = array<i32>} : memref<256xf32, #tpu.memory_space<vmem>>, vector<16xf32>,
    tpu.vector_store %arg5[%swap3A_60], %broadcast_in_dim3A_1 {strides = array<i32>} : memref<256xf32, #tpu.memory_space<vmem>>, vector<16xf32>,
    %swap3A_62 = arith.constant 160 : index
    %swap3A_63 = tpu.vector_load %arg5[%swap3A_62] {strides = array<i32>} : memref<256xf32, #tpu.memory_space<vmem>>, vector<16xf32>,
    tpu.vector_store %arg5[%swap3A_62], %broadcast_in_dim3A_1 {strides = array<i32>} : memref<256xf32, #tpu.memory_space<vmem>>, vector<16xf32>,
    %swap3A_64 = arith.constant 176 : index
    %swap3A_65 = tpu.vector_load %arg5[%swap3A_64] {strides = array<i32>} : memref<256xf32, #tpu.memory_space<vmem>>, vector<16xf32>,
    tpu.vector_store %arg5[%swap3A_64], %broadcast_in_dim3A_1 {strides = array<i32>} : memref<256xf32, #tpu.memory_space<vmem>>, vector<16xf32>,
    %swap3A_66 = arith.constant 192 : index
    %swap3A_67 = tpu.vector_load %arg5[%swap3A_66] {strides = array<i32>} : memref<256xf32, #tpu.memory_space<vmem>>, vector<16xf32>,
    tpu.vector_store %arg5[%swap3A_66], %broadcast_in_dim3A_1 {strides = array<i32>} : memref<256xf32, #tpu.memory_space<vmem>>, vector<16xf32>,
    %swap3A_68 = arith.constant 208 : index
    %swap3A_69 = tpu.vector_load %arg5[%swap3A_68] {strides = array<i32>} : memref<256xf32, #tpu.memory_space<vmem>>, vector<16xf32>,
    tpu.vector_store %arg5[%swap3A_68], %broadcast_in_dim3A_1 {strides = array<i32>} : memref<256xf32, #tpu.memory_space<vmem>>, vector<16xf32>,
    %swap3A_70 = arith.constant 224 : index
    %swap3A_71 = tpu.vector_load %arg5[%swap3A_70] {strides = array<i32>} : memref<256xf32, #tpu.memory_space<vmem>>, vector<16xf32>,
    tpu.vector_store %arg5[%swap3A_70], %broadcast_in_dim3A_1 {strides = array<i32>} : memref<256xf32, #tpu.memory_space<vmem>>, vector<16xf32>,
    %swap3A_72 = arith.constant 240 : index
    %swap3A_73 = tpu.vector_load %arg5[%swap3A_72] {strides = array<i32>} : memref<256xf32, #tpu.memory_space<vmem>>, vector<16xf32>,
    tpu.vector_store %arg5[%swap3A_72], %broadcast_in_dim3A_1 {strides = array<i32>} : memref<256xf32, #tpu.memory_space<vmem>>, vector<16xf32>,
    %dma_start3A = arith.constant 0 : i32
    %dma_start3A_74 = arith.constant 0 : i32
    %dma_start3A_75 = arith.constant 0 : i32
    %dma_start3A_76 = tpu.memref_slice %arg4[%dma_start3A, %dma_start3A_74, %dma_start3A_75] : memref<2x64x256xf32, #tpu.memory_space<vmem>> -> memref<1x64x256xf32, #tpu.memory_space<vmem>>
    %dma_start3A_77 = tpu.memref_squeeze %dma_start3A_76 : memref<1x64x256xf32, #tpu.memory_space<vmem>> -> memref<64x256xf32, #tpu.memory_space<vmem>>
    %dma_start3A_78 = arith.constant 0 : i32
    %dma_start3A_79 = arith.constant 0 : i32
    %dma_start3A_80 = tpu.memref_slice %arg2[%add3A_41, %dma_start3A_78, %dma_start3A_79] : memref<64x2048x256xf32, #tpu.memory_space<hbm>> -> memref<1x64x256xf32, #tpu.memory_space<hbm>>
    %dma_start3A_81 = tpu.memref_squeeze %dma_start3A_80 : memref<1x64x256xf32, #tpu.memory_space<hbm>> -> memref<64x256xf32, #tpu.memory_space<hbm>>
    %dma_start3A_82 = arith.constant 0 : i32
    %dma_start3A_83 = arith.constant 0 : i32
    %dma_start3A_84 = tpu.memref_slice %arg4[%dma_start3A, %dma_start3A_82, %dma_start3A_83] : memref<2x64x256xf32, #tpu.memory_space<vmem>> -> memref<1x64x256xf32, #tpu.memory_space<vmem>>
    %dma_start3A_85 = tpu.memref_squeeze %dma_start3A_84 : memref<1x64x256xf32, #tpu.memory_space<vmem>> -> memref<64x256xf32, #tpu.memory_space<vmem>>
    %dma_start3A_86 = arith.constant 0 : i32
    %dma_start3A_87 = arith.constant 0 : i32
    %dma_start3A_88 = tpu.memref_slice %arg2[%add3A_41, %dma_start3A_86, %dma_start3A_87] : memref<64x2048x256xf32, #tpu.memory_space<hbm>> -> memref<1x64x256xf32, #tpu.memory_space<hbm>>
    %dma_start3A_89 = tpu.memref_squeeze %dma_start3A_88 : memref<1x64x256xf32, #tpu.memory_space<hbm>> -> memref<64x256xf32, #tpu.memory_space<hbm>>
    tpu.enqueue_dma source(%dma_start3A_89 : memref<64x256xf32, #tpu.memory_space<hbm>>) target(%dma_start3A_85 : memref<64x256xf32, #tpu.memory_space<vmem>>) target_semaphore(%arg9 : memref<!tpu.dma_semaphore, #tpu.memory_space<semaphore_mem>>)
    %dma_start3A_90 = arith.constant 1 : i32
    %dma_start3A_91 = arith.constant 0 : i32
    %dma_start3A_92 = arith.constant 0 : i32
    %dma_start3A_93 = tpu.memref_slice %arg4[%dma_start3A_90, %dma_start3A_91, %dma_start3A_92] : memref<2x64x256xf32, #tpu.memory_space<vmem>> -> memref<1x64x256xf32, #tpu.memory_space<vmem>>
    %dma_start3A_94 = tpu.memref_squeeze %dma_start3A_93 : memref<1x64x256xf32, #tpu.memory_space<vmem>> -> memref<64x256xf32, #tpu.memory_space<vmem>>
    %dma_start3A_95 = arith.constant 64 : i32
    %dma_start3A_96 = arith.constant 0 : i32
    %dma_start3A_97 = tpu.memref_slice %arg2[%add3A_41, %dma_start3A_95, %dma_start3A_96] : memref<64x2048x256xf32, #tpu.memory_space<hbm>> -> memref<1x64x256xf32, #tpu.memory_space<hbm>>
    %dma_start3A_98 = tpu.memref_squeeze %dma_start3A_97 : memref<1x64x256xf32, #tpu.memory_space<hbm>> -> memref<64x256xf32, #tpu.memory_space<hbm>>
    %dma_start3A_99 = arith.constant 0 : i32
    %dma_start3A_100 = arith.constant 0 : i32
    %dma_start3A_101 = tpu.memref_slice %arg4[%dma_start3A_90, %dma_start3A_99, %dma_start3A_100] : memref<2x64x256xf32, #tpu.memory_space<vmem>> -> memref<1x64x256xf32, #tpu.memory_space<vmem>>
    %dma_start3A_102 = tpu.memref_squeeze %dma_start3A_101 : memref<1x64x256xf32, #tpu.memory_space<vmem>> -> memref<64x256xf32, #tpu.memory_space<vmem>>
    %dma_start3A_103 = arith.constant 64 : i32
    %dma_start3A_104 = arith.constant 0 : i32
    %dma_start3A_105 = tpu.memref_slice %arg2[%add3A_41, %dma_start3A_103, %dma_start3A_104] : memref<64x2048x256xf32, #tpu.memory_space<hbm>> -> memref<1x64x256xf32, #tpu.memory_space<hbm>>
    %dma_start3A_106 = tpu.memref_squeeze %dma_start3A_105 : memref<1x64x256xf32, #tpu.memory_space<hbm>> -> memref<64x256xf32, #tpu.memory_space<hbm>>
    tpu.enqueue_dma source(%dma_start3A_106 : memref<64x256xf32, #tpu.memory_space<hbm>>) target(%dma_start3A_102 : memref<64x256xf32, #tpu.memory_space<vmem>>) target_semaphore(%arg10 : memref<!tpu.dma_semaphore, #tpu.memory_space<semaphore_mem>>)
    %scan3A = arith.constant 0 : i32
    %scan3A_107 = arith.constant 0 : i32
    %scan3A_108 = arith.constant 16 : i32
    %scan3A_109 = arith.addi %scan3A_107, %scan3A_108 : i32
    %scan3A_110 = arith.constant 1 : i32
    %scan3A_111 = scf.for %scan3A_415 = %scan3A_107 to %scan3A_109 step %scan3A_110 iter_args(%scan3A_416 = %scan3A) -> (i32)  : i32 {
      %mul3A_417 = arith.constant 2 : i32
      %mul3A_418 = arith.muli %scan3A_415, %mul3A_417 : i32
      %mul3A_419 = arith.constant 64 : i32
      %mul3A_420 = arith.muli %mul3A_418, %mul3A_419 : i32
      %dma_wait3A = arith.constant 0 : i32
      %dma_wait3A_421 = arith.constant 0 : i32
      %dma_wait3A_422 = arith.constant 0 : i32
      %dma_wait3A_423 = tpu.memref_slice %arg4[%dma_wait3A, %dma_wait3A_421, %dma_wait3A_422] : memref<2x64x256xf32, #tpu.memory_space<vmem>> -> memref<1x64x256xf32, #tpu.memory_space<vmem>>
      %dma_wait3A_424 = tpu.memref_squeeze %dma_wait3A_423 : memref<1x64x256xf32, #tpu.memory_space<vmem>> -> memref<64x256xf32, #tpu.memory_space<vmem>>
      %dma_wait3A_425 = arith.constant 0 : i32
      %dma_wait3A_426 = tpu.memref_slice %arg2[%add3A_41, %mul3A_420, %dma_wait3A_425] : memref<64x2048x256xf32, #tpu.memory_space<hbm>> -> memref<1x64x256xf32, #tpu.memory_space<hbm>>
      %dma_wait3A_427 = tpu.memref_squeeze %dma_wait3A_426 : memref<1x64x256xf32, #tpu.memory_space<hbm>> -> memref<64x256xf32, #tpu.memory_space<hbm>>
      %dma_wait3A_428 = arith.constant 0 : i32
      %dma_wait3A_429 = arith.constant 0 : i32
      %dma_wait3A_430 = tpu.memref_slice %arg4[%dma_wait3A, %dma_wait3A_428, %dma_wait3A_429] : memref<2x64x256xf32, #tpu.memory_space<vmem>> -> memref<1x64x256xf32, #tpu.memory_space<vmem>>
      %dma_wait3A_431 = tpu.memref_squeeze %dma_wait3A_430 : memref<1x64x256xf32, #tpu.memory_space<vmem>> -> memref<64x256xf32, #tpu.memory_space<vmem>>
      %dma_wait3A_432 = arith.constant 0 : i32
      %dma_wait3A_433 = tpu.memref_slice %arg2[%add3A_41, %mul3A_420, %dma_wait3A_432] : memref<64x2048x256xf32, #tpu.memory_space<hbm>> -> memref<1x64x256xf32, #tpu.memory_space<hbm>>
      %dma_wait3A_434 = tpu.memref_squeeze %dma_wait3A_433 : memref<1x64x256xf32, #tpu.memory_space<hbm>> -> memref<64x256xf32, #tpu.memory_space<hbm>>
      tpu.wait_dma2 semaphore(%arg9 : memref<!tpu.dma_semaphore, #tpu.memory_space<semaphore_mem>>) src(%dma_wait3A_434 : memref<64x256xf32, #tpu.memory_space<hbm>>) dst(%dma_wait3A_431 : memref<64x256xf32, #tpu.memory_space<vmem>>)
      %scan3A_435 = arith.constant 0 : i32
      %scan3A_436 = arith.constant 0 : i32
      %scan3A_437 = arith.constant 4 : i32
      %scan3A_438 = arith.addi %scan3A_436, %scan3A_437 : i32
      %scan3A_439 = arith.constant 1 : i32
      %scan3A_440 = scf.for %scan3A_480 = %scan3A_436 to %scan3A_438 step %scan3A_439 iter_args(%scan3A_481 = %scan3A_435) -> (i32)  : i32 {
        %mul3A_482 = arith.constant 16 : i32
        %mul3A_483 = arith.muli %scan3A_480, %mul3A_482 : i32
        %parallel_loop3A = arith.constant 0 : i32
        %parallel_loop3A_484 = arith.constant 16 : i32
        %parallel_loop3A_485 = arith.constant 1 : i32
        scf.for %parallel_loop3A_666 = %parallel_loop3A to %parallel_loop3A_484 step %parallel_loop3A_485  : i32 {
          %parallel_loop3A_667 = arith.addi %mul3A_483, %parallel_loop3A_666 : i32
          %parallel_loop3A_668 = arith.constant 0xFF800000 : f32
          %parallel_loop3A_669 = vector.broadcast %parallel_loop3A_668 : f32 to vector<16xf32>
          %parallel_loop3A_670 = arith.constant 0xFF800000 : f32
          %parallel_loop3A_671 = vector.broadcast %parallel_loop3A_670 : f32 to vector<16xf32>
          %parallel_loop3A_672 = arith.constant 0 : i32
          %parallel_loop3A_673 = vector.broadcast %parallel_loop3A_672 : i32 to vector<16xi32>
          %parallel_loop3A_674 = arith.constant 0 : i32
          %parallel_loop3A_675 = vector.broadcast %parallel_loop3A_674 : i32 to vector<16xi32>
          %parallel_loop3A_676 = arith.constant 0 : i32
          %parallel_loop3A_677 = arith.index_cast %parallel_loop3A_676 : i32 to index
          %parallel_loop3A_678 = arith.index_cast %parallel_loop3A_667 : i32 to index
          %parallel_loop3A_679 = arith.constant 0 : index
          %parallel_loop3A_680 = tpu.vector_load %arg4[%parallel_loop3A_677, %parallel_loop3A_678, %parallel_loop3A_679] {strides = array<i32>} : memref<2x64x256xf32, #tpu.memory_space<vmem>>, vector<16xf32>,
          %parallel_loop3A_681 = arith.cmpf ogt, %parallel_loop3A_680, %parallel_loop3A_669 : vector<16xf32>
          %parallel_loop3A_682 = arith.select %parallel_loop3A_681, %parallel_loop3A_680, %parallel_loop3A_669 : vector<16xi1>, vector<16xf32>
          %parallel_loop3A_683 = arith.constant 0 : i32
          %parallel_loop3A_684 = vector.broadcast %parallel_loop3A_683 : i32 to vector<16xi32>
          %parallel_loop3A_685 = arith.select %parallel_loop3A_681, %parallel_loop3A_684, %parallel_loop3A_673 : vector<16xi1>, vector<16xi32>
          %parallel_loop3A_686 = arith.constant 0 : i32
          %parallel_loop3A_687 = arith.index_cast %parallel_loop3A_686 : i32 to index
          %parallel_loop3A_688 = arith.index_cast %parallel_loop3A_667 : i32 to index
          %parallel_loop3A_689 = arith.constant 16 : index
          %parallel_loop3A_690 = tpu.vector_load %arg4[%parallel_loop3A_687, %parallel_loop3A_688, %parallel_loop3A_689] {strides = array<i32>} : memref<2x64x256xf32, #tpu.memory_space<vmem>>, vector<16xf32>,
          %parallel_loop3A_691 = arith.cmpf ogt, %parallel_loop3A_690, %parallel_loop3A_682 : vector<16xf32>
          %parallel_loop3A_692 = arith.select %parallel_loop3A_691, %parallel_loop3A_690, %parallel_loop3A_682 : vector<16xi1>, vector<16xf32>
          %parallel_loop3A_693 = arith.constant 1 : i32
          %parallel_loop3A_694 = vector.broadcast %parallel_loop3A_693 : i32 to vector<16xi32>
          %parallel_loop3A_695 = arith.select %parallel_loop3A_691, %parallel_loop3A_694, %parallel_loop3A_685 : vector<16xi1>, vector<16xi32>
          %parallel_loop3A_696 = arith.constant 0 : i32
          %parallel_loop3A_697 = arith.index_cast %parallel_loop3A_696 : i32 to index
          %parallel_loop3A_698 = arith.index_cast %parallel_loop3A_667 : i32 to index
          %parallel_loop3A_699 = arith.constant 32 : index
          %parallel_loop3A_700 = tpu.vector_load %arg4[%parallel_loop3A_697, %parallel_loop3A_698, %parallel_loop3A_699] {strides = array<i32>} : memref<2x64x256xf32, #tpu.memory_space<vmem>>, vector<16xf32>,
          %parallel_loop3A_701 = arith.cmpf ogt, %parallel_loop3A_700, %parallel_loop3A_692 : vector<16xf32>
          %parallel_loop3A_702 = arith.select %parallel_loop3A_701, %parallel_loop3A_700, %parallel_loop3A_692 : vector<16xi1>, vector<16xf32>
          %parallel_loop3A_703 = arith.constant 2 : i32
          %parallel_loop3A_704 = vector.broadcast %parallel_loop3A_703 : i32 to vector<16xi32>
          %parallel_loop3A_705 = arith.select %parallel_loop3A_701, %parallel_loop3A_704, %parallel_loop3A_695 : vector<16xi1>, vector<16xi32>
          %parallel_loop3A_706 = arith.constant 0 : i32
          %parallel_loop3A_707 = arith.index_cast %parallel_loop3A_706 : i32 to index
          %parallel_loop3A_708 = arith.index_cast %parallel_loop3A_667 : i32 to index
          %parallel_loop3A_709 = arith.constant 48 : index
          %parallel_loop3A_710 = tpu.vector_load %arg4[%parallel_loop3A_707, %parallel_loop3A_708, %parallel_loop3A_709] {strides = array<i32>} : memref<2x64x256xf32, #tpu.memory_space<vmem>>, vector<16xf32>,
          %parallel_loop3A_711 = arith.cmpf ogt, %parallel_loop3A_710, %parallel_loop3A_702 : vector<16xf32>
          %parallel_loop3A_712 = arith.select %parallel_loop3A_711, %parallel_loop3A_710, %parallel_loop3A_702 : vector<16xi1>, vector<16xf32>
          %parallel_loop3A_713 = arith.constant 3 : i32
          %parallel_loop3A_714 = vector.broadcast %parallel_loop3A_713 : i32 to vector<16xi32>
          %parallel_loop3A_715 = arith.select %parallel_loop3A_711, %parallel_loop3A_714, %parallel_loop3A_705 : vector<16xi1>, vector<16xi32>
          %parallel_loop3A_716 = arith.constant 0 : i32
          %parallel_loop3A_717 = arith.index_cast %parallel_loop3A_716 : i32 to index
          %parallel_loop3A_718 = arith.index_cast %parallel_loop3A_667 : i32 to index
          %parallel_loop3A_719 = arith.constant 64 : index
          %parallel_loop3A_720 = tpu.vector_load %arg4[%parallel_loop3A_717, %parallel_loop3A_718, %parallel_loop3A_719] {strides = array<i32>} : memref<2x64x256xf32, #tpu.memory_space<vmem>>, vector<16xf32>,
          %parallel_loop3A_721 = arith.cmpf ogt, %parallel_loop3A_720, %parallel_loop3A_712 : vector<16xf32>
          %parallel_loop3A_722 = arith.select %parallel_loop3A_721, %parallel_loop3A_720, %parallel_loop3A_712 : vector<16xi1>, vector<16xf32>
          %parallel_loop3A_723 = arith.constant 4 : i32
          %parallel_loop3A_724 = vector.broadcast %parallel_loop3A_723 : i32 to vector<16xi32>
          %parallel_loop3A_725 = arith.select %parallel_loop3A_721, %parallel_loop3A_724, %parallel_loop3A_715 : vector<16xi1>, vector<16xi32>
          %parallel_loop3A_726 = arith.constant 0 : i32
          %parallel_loop3A_727 = arith.index_cast %parallel_loop3A_726 : i32 to index
          %parallel_loop3A_728 = arith.index_cast %parallel_loop3A_667 : i32 to index
          %parallel_loop3A_729 = arith.constant 80 : index
          %parallel_loop3A_730 = tpu.vector_load %arg4[%parallel_loop3A_727, %parallel_loop3A_728, %parallel_loop3A_729] {strides = array<i32>} : memref<2x64x256xf32, #tpu.memory_space<vmem>>, vector<16xf32>,
          %parallel_loop3A_731 = arith.cmpf ogt, %parallel_loop3A_730, %parallel_loop3A_722 : vector<16xf32>
          %parallel_loop3A_732 = arith.select %parallel_loop3A_731, %parallel_loop3A_730, %parallel_loop3A_722 : vector<16xi1>, vector<16xf32>
          %parallel_loop3A_733 = arith.constant 5 : i32
          %parallel_loop3A_734 = vector.broadcast %parallel_loop3A_733 : i32 to vector<16xi32>
          %parallel_loop3A_735 = arith.select %parallel_loop3A_731, %parallel_loop3A_734, %parallel_loop3A_725 : vector<16xi1>, vector<16xi32>
          %parallel_loop3A_736 = arith.constant 0 : i32
          %parallel_loop3A_737 = arith.index_cast %parallel_loop3A_736 : i32 to index
          %parallel_loop3A_738 = arith.index_cast %parallel_loop3A_667 : i32 to index
          %parallel_loop3A_739 = arith.constant 96 : index
          %parallel_loop3A_740 = tpu.vector_load %arg4[%parallel_loop3A_737, %parallel_loop3A_738, %parallel_loop3A_739] {strides = array<i32>} : memref<2x64x256xf32, #tpu.memory_space<vmem>>, vector<16xf32>,
          %parallel_loop3A_741 = arith.cmpf ogt, %parallel_loop3A_740, %parallel_loop3A_732 : vector<16xf32>
          %parallel_loop3A_742 = arith.select %parallel_loop3A_741, %parallel_loop3A_740, %parallel_loop3A_732 : vector<16xi1>, vector<16xf32>
          %parallel_loop3A_743 = arith.constant 6 : i32
          %parallel_loop3A_744 = vector.broadcast %parallel_loop3A_743 : i32 to vector<16xi32>
          %parallel_loop3A_745 = arith.select %parallel_loop3A_741, %parallel_loop3A_744, %parallel_loop3A_735 : vector<16xi1>, vector<16xi32>
          %parallel_loop3A_746 = arith.constant 0 : i32
          %parallel_loop3A_747 = arith.index_cast %parallel_loop3A_746 : i32 to index
          %parallel_loop3A_748 = arith.index_cast %parallel_loop3A_667 : i32 to index
          %parallel_loop3A_749 = arith.constant 112 : index
          %parallel_loop3A_750 = tpu.vector_load %arg4[%parallel_loop3A_747, %parallel_loop3A_748, %parallel_loop3A_749] {strides = array<i32>} : memref<2x64x256xf32, #tpu.memory_space<vmem>>, vector<16xf32>,
          %parallel_loop3A_751 = arith.cmpf ogt, %parallel_loop3A_750, %parallel_loop3A_742 : vector<16xf32>
          %parallel_loop3A_752 = arith.select %parallel_loop3A_751, %parallel_loop3A_750, %parallel_loop3A_742 : vector<16xi1>, vector<16xf32>
          %parallel_loop3A_753 = arith.constant 7 : i32
          %parallel_loop3A_754 = vector.broadcast %parallel_loop3A_753 : i32 to vector<16xi32>
          %parallel_loop3A_755 = arith.select %parallel_loop3A_751, %parallel_loop3A_754, %parallel_loop3A_745 : vector<16xi1>, vector<16xi32>
          %parallel_loop3A_756 = arith.constant 0 : i32
          %parallel_loop3A_757 = arith.index_cast %parallel_loop3A_756 : i32 to index
          %parallel_loop3A_758 = arith.index_cast %parallel_loop3A_667 : i32 to index
          %parallel_loop3A_759 = arith.constant 128 : index
          %parallel_loop3A_760 = tpu.vector_load %arg4[%parallel_loop3A_757, %parallel_loop3A_758, %parallel_loop3A_759] {strides = array<i32>} : memref<2x64x256xf32, #tpu.memory_space<vmem>>, vector<16xf32>,
          %parallel_loop3A_761 = arith.cmpf ogt, %parallel_loop3A_760, %parallel_loop3A_671 : vector<16xf32>
          %parallel_loop3A_762 = arith.select %parallel_loop3A_761, %parallel_loop3A_760, %parallel_loop3A_671 : vector<16xi1>, vector<16xf32>
          %parallel_loop3A_763 = arith.constant 8 : i32
          %parallel_loop3A_764 = vector.broadcast %parallel_loop3A_763 : i32 to vector<16xi32>
          %parallel_loop3A_765 = arith.select %parallel_loop3A_761, %parallel_loop3A_764, %parallel_loop3A_675 : vector<16xi1>, vector<16xi32>
          %parallel_loop3A_766 = arith.constant 0 : i32
          %parallel_loop3A_767 = arith.index_cast %parallel_loop3A_766 : i32 to index
          %parallel_loop3A_768 = arith.index_cast %parallel_loop3A_667 : i32 to index
          %parallel_loop3A_769 = arith.constant 144 : index
          %parallel_loop3A_770 = tpu.vector_load %arg4[%parallel_loop3A_767, %parallel_loop3A_768, %parallel_loop3A_769] {strides = array<i32>} : memref<2x64x256xf32, #tpu.memory_space<vmem>>, vector<16xf32>,
          %parallel_loop3A_771 = arith.cmpf ogt, %parallel_loop3A_770, %parallel_loop3A_762 : vector<16xf32>
          %parallel_loop3A_772 = arith.select %parallel_loop3A_771, %parallel_loop3A_770, %parallel_loop3A_762 : vector<16xi1>, vector<16xf32>
          %parallel_loop3A_773 = arith.constant 9 : i32
          %parallel_loop3A_774 = vector.broadcast %parallel_loop3A_773 : i32 to vector<16xi32>
          %parallel_loop3A_775 = arith.select %parallel_loop3A_771, %parallel_loop3A_774, %parallel_loop3A_765 : vector<16xi1>, vector<16xi32>
          %parallel_loop3A_776 = arith.constant 0 : i32
          %parallel_loop3A_777 = arith.index_cast %parallel_loop3A_776 : i32 to index
          %parallel_loop3A_778 = arith.index_cast %parallel_loop3A_667 : i32 to index
          %parallel_loop3A_779 = arith.constant 160 : index
          %parallel_loop3A_780 = tpu.vector_load %arg4[%parallel_loop3A_777, %parallel_loop3A_778, %parallel_loop3A_779] {strides = array<i32>} : memref<2x64x256xf32, #tpu.memory_space<vmem>>, vector<16xf32>,
          %parallel_loop3A_781 = arith.cmpf ogt, %parallel_loop3A_780, %parallel_loop3A_772 : vector<16xf32>
          %parallel_loop3A_782 = arith.select %parallel_loop3A_781, %parallel_loop3A_780, %parallel_loop3A_772 : vector<16xi1>, vector<16xf32>
          %parallel_loop3A_783 = arith.constant 10 : i32
          %parallel_loop3A_784 = vector.broadcast %parallel_loop3A_783 : i32 to vector<16xi32>
          %parallel_loop3A_785 = arith.select %parallel_loop3A_781, %parallel_loop3A_784, %parallel_loop3A_775 : vector<16xi1>, vector<16xi32>
          %parallel_loop3A_786 = arith.constant 0 : i32
          %parallel_loop3A_787 = arith.index_cast %parallel_loop3A_786 : i32 to index
          %parallel_loop3A_788 = arith.index_cast %parallel_loop3A_667 : i32 to index
          %parallel_loop3A_789 = arith.constant 176 : index
          %parallel_loop3A_790 = tpu.vector_load %arg4[%parallel_loop3A_787, %parallel_loop3A_788, %parallel_loop3A_789] {strides = array<i32>} : memref<2x64x256xf32, #tpu.memory_space<vmem>>, vector<16xf32>,
          %parallel_loop3A_791 = arith.cmpf ogt, %parallel_loop3A_790, %parallel_loop3A_782 : vector<16xf32>
          %parallel_loop3A_792 = arith.select %parallel_loop3A_791, %parallel_loop3A_790, %parallel_loop3A_782 : vector<16xi1>, vector<16xf32>
          %parallel_loop3A_793 = arith.constant 11 : i32
          %parallel_loop3A_794 = vector.broadcast %parallel_loop3A_793 : i32 to vector<16xi32>
          %parallel_loop3A_795 = arith.select %parallel_loop3A_791, %parallel_loop3A_794, %parallel_loop3A_785 : vector<16xi1>, vector<16xi32>
          %parallel_loop3A_796 = arith.constant 0 : i32
          %parallel_loop3A_797 = arith.index_cast %parallel_loop3A_796 : i32 to index
          %parallel_loop3A_798 = arith.index_cast %parallel_loop3A_667 : i32 to index
          %parallel_loop3A_799 = arith.constant 192 : index
          %parallel_loop3A_800 = tpu.vector_load %arg4[%parallel_loop3A_797, %parallel_loop3A_798, %parallel_loop3A_799] {strides = array<i32>} : memref<2x64x256xf32, #tpu.memory_space<vmem>>, vector<16xf32>,
          %parallel_loop3A_801 = arith.cmpf ogt, %parallel_loop3A_800, %parallel_loop3A_792 : vector<16xf32>
          %parallel_loop3A_802 = arith.select %parallel_loop3A_801, %parallel_loop3A_800, %parallel_loop3A_792 : vector<16xi1>, vector<16xf32>
          %parallel_loop3A_803 = arith.constant 12 : i32
          %parallel_loop3A_804 = vector.broadcast %parallel_loop3A_803 : i32 to vector<16xi32>
          %parallel_loop3A_805 = arith.select %parallel_loop3A_801, %parallel_loop3A_804, %parallel_loop3A_795 : vector<16xi1>, vector<16xi32>
          %parallel_loop3A_806 = arith.constant 0 : i32
          %parallel_loop3A_807 = arith.index_cast %parallel_loop3A_806 : i32 to index
          %parallel_loop3A_808 = arith.index_cast %parallel_loop3A_667 : i32 to index
          %parallel_loop3A_809 = arith.constant 208 : index
          %parallel_loop3A_810 = tpu.vector_load %arg4[%parallel_loop3A_807, %parallel_loop3A_808, %parallel_loop3A_809] {strides = array<i32>} : memref<2x64x256xf32, #tpu.memory_space<vmem>>, vector<16xf32>,
          %parallel_loop3A_811 = arith.cmpf ogt, %parallel_loop3A_810, %parallel_loop3A_802 : vector<16xf32>
          %parallel_loop3A_812 = arith.select %parallel_loop3A_811, %parallel_loop3A_810, %parallel_loop3A_802 : vector<16xi1>, vector<16xf32>
          %parallel_loop3A_813 = arith.constant 13 : i32
          %parallel_loop3A_814 = vector.broadcast %parallel_loop3A_813 : i32 to vector<16xi32>
          %parallel_loop3A_815 = arith.select %parallel_loop3A_811, %parallel_loop3A_814, %parallel_loop3A_805 : vector<16xi1>, vector<16xi32>
          %parallel_loop3A_816 = arith.constant 0 : i32
          %parallel_loop3A_817 = arith.index_cast %parallel_loop3A_816 : i32 to index
          %parallel_loop3A_818 = arith.index_cast %parallel_loop3A_667 : i32 to index
          %parallel_loop3A_819 = arith.constant 224 : index
          %parallel_loop3A_820 = tpu.vector_load %arg4[%parallel_loop3A_817, %parallel_loop3A_818, %parallel_loop3A_819] {strides = array<i32>} : memref<2x64x256xf32, #tpu.memory_space<vmem>>, vector<16xf32>,
          %parallel_loop3A_821 = arith.cmpf ogt, %parallel_loop3A_820, %parallel_loop3A_812 : vector<16xf32>
          %parallel_loop3A_822 = arith.select %parallel_loop3A_821, %parallel_loop3A_820, %parallel_loop3A_812 : vector<16xi1>, vector<16xf32>
          %parallel_loop3A_823 = arith.constant 14 : i32
          %parallel_loop3A_824 = vector.broadcast %parallel_loop3A_823 : i32 to vector<16xi32>
          %parallel_loop3A_825 = arith.select %parallel_loop3A_821, %parallel_loop3A_824, %parallel_loop3A_815 : vector<16xi1>, vector<16xi32>
          %parallel_loop3A_826 = arith.constant 0 : i32
          %parallel_loop3A_827 = arith.index_cast %parallel_loop3A_826 : i32 to index
          %parallel_loop3A_828 = arith.index_cast %parallel_loop3A_667 : i32 to index
          %parallel_loop3A_829 = arith.constant 240 : index
          %parallel_loop3A_830 = tpu.vector_load %arg4[%parallel_loop3A_827, %parallel_loop3A_828, %parallel_loop3A_829] {strides = array<i32>} : memref<2x64x256xf32, #tpu.memory_space<vmem>>, vector<16xf32>,
          %parallel_loop3A_831 = arith.cmpf ogt, %parallel_loop3A_830, %parallel_loop3A_822 : vector<16xf32>
          %parallel_loop3A_832 = arith.select %parallel_loop3A_831, %parallel_loop3A_830, %parallel_loop3A_822 : vector<16xi1>, vector<16xf32>
          %parallel_loop3A_833 = arith.constant 15 : i32
          %parallel_loop3A_834 = vector.broadcast %parallel_loop3A_833 : i32 to vector<16xi32>
          %parallel_loop3A_835 = arith.select %parallel_loop3A_831, %parallel_loop3A_834, %parallel_loop3A_825 : vector<16xi1>, vector<16xi32>
          %parallel_loop3A_836 = arith.constant 16 : i32
          %parallel_loop3A_837 = vector.broadcast %parallel_loop3A_836 : i32 to vector<16xi32>
          %parallel_loop3A_838 = arith.muli %parallel_loop3A_755, %parallel_loop3A_837 : vector<16xi32>
          %parallel_loop3A_839 = arith.addi %parallel_loop3A_838, %iota3A : vector<16xi32>
          %parallel_loop3A_840 = arith.constant 16 : i32
          %parallel_loop3A_841 = vector.broadcast %parallel_loop3A_840 : i32 to vector<16xi32>
          %parallel_loop3A_842 = arith.muli %parallel_loop3A_835, %parallel_loop3A_841 : vector<16xi32>
          %parallel_loop3A_843 = arith.addi %parallel_loop3A_842, %iota3A : vector<16xi32>
          %parallel_loop3A_844 = arith.cmpf ogt, %parallel_loop3A_832, %parallel_loop3A_752 : vector<16xf32>
          %parallel_loop3A_845 = arith.cmpf oeq, %parallel_loop3A_832, %parallel_loop3A_752 : vector<16xf32>
          %parallel_loop3A_846 = arith.cmpi slt, %parallel_loop3A_843, %parallel_loop3A_839 : vector<16xi32>
          %parallel_loop3A_847 = arith.andi %parallel_loop3A_845, %parallel_loop3A_846 : vector<16xi1>
          %parallel_loop3A_848 = arith.ori %parallel_loop3A_844, %parallel_loop3A_847 : vector<16xi1>
          %parallel_loop3A_849 = arith.select %parallel_loop3A_848, %parallel_loop3A_832, %parallel_loop3A_752 : vector<16xi1>, vector<16xf32>
          %parallel_loop3A_850 = arith.select %parallel_loop3A_848, %parallel_loop3A_843, %parallel_loop3A_839 : vector<16xi1>, vector<16xi32>
          %parallel_loop3A_851 = vector.broadcast %parallel_loop3A_666 : i32 to vector<16xi32>
          %parallel_loop3A_852 = arith.addi %mul3A_6, %parallel_loop3A_851 : vector<16xi32>
          tpu.vector_store_idx %arg7[%parallel_loop3A_852], %parallel_loop3A_849 : memref<272xf32, #tpu.memory_space<vmem>>[vector<16xi32>], vector<16xf32>,
          tpu.vector_store_idx %arg8[%parallel_loop3A_852], %parallel_loop3A_850 : memref<272xi32, #tpu.memory_space<vmem>>[vector<16xi32>], vector<16xi32>,
        } {sc.loop_unroll_factor = 4 : i64, sc.parallel_access}
        %add3A_486 = arith.constant 0 : i32
        %add3A_487 = vector.broadcast %add3A_486 : i32 to vector<16xi32>
        %add3A_488 = arith.addi %iota3A, %add3A_487 : vector<16xi32>
        %gather3A = tpu.vector_load_idx %arg7[%add3A_488] : memref<272xf32, #tpu.memory_space<vmem>>[vector<16xi32>], vector<16xf32>,
        %gather3A_489 = tpu.vector_load_idx %arg8[%add3A_488] : memref<272xi32, #tpu.memory_space<vmem>>[vector<16xi32>], vector<16xi32>,
        %add3A_490 = arith.constant 17 : i32
        %add3A_491 = vector.broadcast %add3A_490 : i32 to vector<16xi32>
        %add3A_492 = arith.addi %iota3A, %add3A_491 : vector<16xi32>
        %gather3A_493 = tpu.vector_load_idx %arg7[%add3A_492] : memref<272xf32, #tpu.memory_space<vmem>>[vector<16xi32>], vector<16xf32>,
        %gather3A_494 = tpu.vector_load_idx %arg8[%add3A_492] : memref<272xi32, #tpu.memory_space<vmem>>[vector<16xi32>], vector<16xi32>,
        %add3A_495 = arith.constant 34 : i32
        %add3A_496 = vector.broadcast %add3A_495 : i32 to vector<16xi32>
        %add3A_497 = arith.addi %iota3A, %add3A_496 : vector<16xi32>
        %gather3A_498 = tpu.vector_load_idx %arg7[%add3A_497] : memref<272xf32, #tpu.memory_space<vmem>>[vector<16xi32>], vector<16xf32>,
        %gather3A_499 = tpu.vector_load_idx %arg8[%add3A_497] : memref<272xi32, #tpu.memory_space<vmem>>[vector<16xi32>], vector<16xi32>,
        %add3A_500 = arith.constant 51 : i32
        %add3A_501 = vector.broadcast %add3A_500 : i32 to vector<16xi32>
        %add3A_502 = arith.addi %iota3A, %add3A_501 : vector<16xi32>
        %gather3A_503 = tpu.vector_load_idx %arg7[%add3A_502] : memref<272xf32, #tpu.memory_space<vmem>>[vector<16xi32>], vector<16xf32>,
        %gather3A_504 = tpu.vector_load_idx %arg8[%add3A_502] : memref<272xi32, #tpu.memory_space<vmem>>[vector<16xi32>], vector<16xi32>,
        %add3A_505 = arith.constant 68 : i32
        %add3A_506 = vector.broadcast %add3A_505 : i32 to vector<16xi32>
        %add3A_507 = arith.addi %iota3A, %add3A_506 : vector<16xi32>
        %gather3A_508 = tpu.vector_load_idx %arg7[%add3A_507] : memref<272xf32, #tpu.memory_space<vmem>>[vector<16xi32>], vector<16xf32>,
        %gather3A_509 = tpu.vector_load_idx %arg8[%add3A_507] : memref<272xi32, #tpu.memory_space<vmem>>[vector<16xi32>], vector<16xi32>,
        %add3A_510 = arith.constant 85 : i32
        %add3A_511 = vector.broadcast %add3A_510 : i32 to vector<16xi32>
        %add3A_512 = arith.addi %iota3A, %add3A_511 : vector<16xi32>
        %gather3A_513 = tpu.vector_load_idx %arg7[%add3A_512] : memref<272xf32, #tpu.memory_space<vmem>>[vector<16xi32>], vector<16xf32>,
        %gather3A_514 = tpu.vector_load_idx %arg8[%add3A_512] : memref<272xi32, #tpu.memory_space<vmem>>[vector<16xi32>], vector<16xi32>,
        %add3A_515 = arith.constant 102 : i32
        %add3A_516 = vector.broadcast %add3A_515 : i32 to vector<16xi32>
        %add3A_517 = arith.addi %iota3A, %add3A_516 : vector<16xi32>
        %gather3A_518 = tpu.vector_load_idx %arg7[%add3A_517] : memref<272xf32, #tpu.memory_space<vmem>>[vector<16xi32>], vector<16xf32>,
        %gather3A_519 = tpu.vector_load_idx %arg8[%add3A_517] : memref<272xi32, #tpu.memory_space<vmem>>[vector<16xi32>], vector<16xi32>,
        %add3A_520 = arith.constant 119 : i32
        %add3A_521 = vector.broadcast %add3A_520 : i32 to vector<16xi32>
        %add3A_522 = arith.addi %iota3A, %add3A_521 : vector<16xi32>
        %gather3A_523 = tpu.vector_load_idx %arg7[%add3A_522] : memref<272xf32, #tpu.memory_space<vmem>>[vector<16xi32>], vector<16xf32>,
        %gather3A_524 = tpu.vector_load_idx %arg8[%add3A_522] : memref<272xi32, #tpu.memory_space<vmem>>[vector<16xi32>], vector<16xi32>,
        %add3A_525 = arith.constant 136 : i32
        %add3A_526 = vector.broadcast %add3A_525 : i32 to vector<16xi32>
        %add3A_527 = arith.addi %iota3A, %add3A_526 : vector<16xi32>
        %gather3A_528 = tpu.vector_load_idx %arg7[%add3A_527] : memref<272xf32, #tpu.memory_space<vmem>>[vector<16xi32>], vector<16xf32>,
        %gather3A_529 = tpu.vector_load_idx %arg8[%add3A_527] : memref<272xi32, #tpu.memory_space<vmem>>[vector<16xi32>], vector<16xi32>,
        %add3A_530 = arith.constant 153 : i32
        %add3A_531 = vector.broadcast %add3A_530 : i32 to vector<16xi32>
        %add3A_532 = arith.addi %iota3A, %add3A_531 : vector<16xi32>
        %gather3A_533 = tpu.vector_load_idx %arg7[%add3A_532] : memref<272xf32, #tpu.memory_space<vmem>>[vector<16xi32>], vector<16xf32>,
        %gather3A_534 = tpu.vector_load_idx %arg8[%add3A_532] : memref<272xi32, #tpu.memory_space<vmem>>[vector<16xi32>], vector<16xi32>,
        %add3A_535 = arith.constant 170 : i32
        %add3A_536 = vector.broadcast %add3A_535 : i32 to vector<16xi32>
        %add3A_537 = arith.addi %iota3A, %add3A_536 : vector<16xi32>
        %gather3A_538 = tpu.vector_load_idx %arg7[%add3A_537] : memref<272xf32, #tpu.memory_space<vmem>>[vector<16xi32>], vector<16xf32>,
        %gather3A_539 = tpu.vector_load_idx %arg8[%add3A_537] : memref<272xi32, #tpu.memory_space<vmem>>[vector<16xi32>], vector<16xi32>,
        %add3A_540 = arith.constant 187 : i32
        %add3A_541 = vector.broadcast %add3A_540 : i32 to vector<16xi32>
        %add3A_542 = arith.addi %iota3A, %add3A_541 : vector<16xi32>
        %gather3A_543 = tpu.vector_load_idx %arg7[%add3A_542] : memref<272xf32, #tpu.memory_space<vmem>>[vector<16xi32>], vector<16xf32>,
        %gather3A_544 = tpu.vector_load_idx %arg8[%add3A_542] : memref<272xi32, #tpu.memory_space<vmem>>[vector<16xi32>], vector<16xi32>,
        %add3A_545 = arith.constant 204 : i32
        %add3A_546 = vector.broadcast %add3A_545 : i32 to vector<16xi32>
        %add3A_547 = arith.addi %iota3A, %add3A_546 : vector<16xi32>
        %gather3A_548 = tpu.vector_load_idx %arg7[%add3A_547] : memref<272xf32, #tpu.memory_space<vmem>>[vector<16xi32>], vector<16xf32>,
        %gather3A_549 = tpu.vector_load_idx %arg8[%add3A_547] : memref<272xi32, #tpu.memory_space<vmem>>[vector<16xi32>], vector<16xi32>,
        %add3A_550 = arith.constant 221 : i32
        %add3A_551 = vector.broadcast %add3A_550 : i32 to vector<16xi32>
        %add3A_552 = arith.addi %iota3A, %add3A_551 : vector<16xi32>
        %gather3A_553 = tpu.vector_load_idx %arg7[%add3A_552] : memref<272xf32, #tpu.memory_space<vmem>>[vector<16xi32>], vector<16xf32>,
        %gather3A_554 = tpu.vector_load_idx %arg8[%add3A_552] : memref<272xi32, #tpu.memory_space<vmem>>[vector<16xi32>], vector<16xi32>,
        %add3A_555 = arith.constant 238 : i32
        %add3A_556 = vector.broadcast %add3A_555 : i32 to vector<16xi32>
        %add3A_557 = arith.addi %iota3A, %add3A_556 : vector<16xi32>
        %gather3A_558 = tpu.vector_load_idx %arg7[%add3A_557] : memref<272xf32, #tpu.memory_space<vmem>>[vector<16xi32>], vector<16xf32>,
        %gather3A_559 = tpu.vector_load_idx %arg8[%add3A_557] : memref<272xi32, #tpu.memory_space<vmem>>[vector<16xi32>], vector<16xi32>,
        %add3A_560 = arith.constant 255 : i32
        %add3A_561 = vector.broadcast %add3A_560 : i32 to vector<16xi32>
        %add3A_562 = arith.addi %iota3A, %add3A_561 : vector<16xi32>
        %gather3A_563 = tpu.vector_load_idx %arg7[%add3A_562] : memref<272xf32, #tpu.memory_space<vmem>>[vector<16xi32>], vector<16xf32>,
        %gather3A_564 = tpu.vector_load_idx %arg8[%add3A_562] : memref<272xi32, #tpu.memory_space<vmem>>[vector<16xi32>], vector<16xi32>,
        %gt3A = arith.cmpf ogt, %gather3A_493, %gather3A : vector<16xf32>
        %eq3A = arith.cmpf oeq, %gather3A_493, %gather3A : vector<16xf32>
        %lt3A_565 = arith.cmpi slt, %gather3A_494, %gather3A_489 : vector<16xi32>
        %and3A = arith.andi %eq3A, %lt3A_565 : vector<16xi1>
        %or3A = arith.ori %gt3A, %and3A : vector<16xi1>
        %select_n3A = arith.select %or3A, %gather3A_493, %gather3A : vector<16xi1>, vector<16xf32>
        %select_n3A_566 = arith.select %or3A, %gather3A_494, %gather3A_489 : vector<16xi1>, vector<16xi32>
        %gt3A_567 = arith.cmpf ogt, %gather3A_503, %gather3A_498 : vector<16xf32>
        %eq3A_568 = arith.cmpf oeq, %gather3A_503, %gather3A_498 : vector<16xf32>
        %lt3A_569 = arith.cmpi slt, %gather3A_504, %gather3A_499 : vector<16xi32>
        %and3A_570 = arith.andi %eq3A_568, %lt3A_569 : vector<16xi1>
        %or3A_571 = arith.ori %gt3A_567, %and3A_570 : vector<16xi1>
        %select_n3A_572 = arith.select %or3A_571, %gather3A_503, %gather3A_498 : vector<16xi1>, vector<16xf32>
        %select_n3A_573 = arith.select %or3A_571, %gather3A_504, %gather3A_499 : vector<16xi1>, vector<16xi32>
        %gt3A_574 = arith.cmpf ogt, %gather3A_513, %gather3A_508 : vector<16xf32>
        %eq3A_575 = arith.cmpf oeq, %gather3A_513, %gather3A_508 : vector<16xf32>
        %lt3A_576 = arith.cmpi slt, %gather3A_514, %gather3A_509 : vector<16xi32>
        %and3A_577 = arith.andi %eq3A_575, %lt3A_576 : vector<16xi1>
        %or3A_578 = arith.ori %gt3A_574, %and3A_577 : vector<16xi1>
        %select_n3A_579 = arith.select %or3A_578, %gather3A_513, %gather3A_508 : vector<16xi1>, vector<16xf32>
        %select_n3A_580 = arith.select %or3A_578, %gather3A_514, %gather3A_509 : vector<16xi1>, vector<16xi32>
        %gt3A_581 = arith.cmpf ogt, %gather3A_523, %gather3A_518 : vector<16xf32>
        %eq3A_582 = arith.cmpf oeq, %gather3A_523, %gather3A_518 : vector<16xf32>
        %lt3A_583 = arith.cmpi slt, %gather3A_524, %gather3A_519 : vector<16xi32>
        %and3A_584 = arith.andi %eq3A_582, %lt3A_583 : vector<16xi1>
        %or3A_585 = arith.ori %gt3A_581, %and3A_584 : vector<16xi1>
        %select_n3A_586 = arith.select %or3A_585, %gather3A_523, %gather3A_518 : vector<16xi1>, vector<16xf32>
        %select_n3A_587 = arith.select %or3A_585, %gather3A_524, %gather3A_519 : vector<16xi1>, vector<16xi32>
        %gt3A_588 = arith.cmpf ogt, %gather3A_533, %gather3A_528 : vector<16xf32>
        %eq3A_589 = arith.cmpf oeq, %gather3A_533, %gather3A_528 : vector<16xf32>
        %lt3A_590 = arith.cmpi slt, %gather3A_534, %gather3A_529 : vector<16xi32>
        %and3A_591 = arith.andi %eq3A_589, %lt3A_590 : vector<16xi1>
        %or3A_592 = arith.ori %gt3A_588, %and3A_591 : vector<16xi1>
        %select_n3A_593 = arith.select %or3A_592, %gather3A_533, %gather3A_528 : vector<16xi1>, vector<16xf32>
        %select_n3A_594 = arith.select %or3A_592, %gather3A_534, %gather3A_529 : vector<16xi1>, vector<16xi32>
        %gt3A_595 = arith.cmpf ogt, %gather3A_543, %gather3A_538 : vector<16xf32>
        %eq3A_596 = arith.cmpf oeq, %gather3A_543, %gather3A_538 : vector<16xf32>
        %lt3A_597 = arith.cmpi slt, %gather3A_544, %gather3A_539 : vector<16xi32>
        %and3A_598 = arith.andi %eq3A_596, %lt3A_597 : vector<16xi1>
        %or3A_599 = arith.ori %gt3A_595, %and3A_598 : vector<16xi1>
        %select_n3A_600 = arith.select %or3A_599, %gather3A_543, %gather3A_538 : vector<16xi1>, vector<16xf32>
        %select_n3A_601 = arith.select %or3A_599, %gather3A_544, %gather3A_539 : vector<16xi1>, vector<16xi32>
        %gt3A_602 = arith.cmpf ogt, %gather3A_553, %gather3A_548 : vector<16xf32>
        %eq3A_603 = arith.cmpf oeq, %gather3A_553, %gather3A_548 : vector<16xf32>
        %lt3A_604 = arith.cmpi slt, %gather3A_554, %gather3A_549 : vector<16xi32>
        %and3A_605 = arith.andi %eq3A_603, %lt3A_604 : vector<16xi1>
        %or3A_606 = arith.ori %gt3A_602, %and3A_605 : vector<16xi1>
        %select_n3A_607 = arith.select %or3A_606, %gather3A_553, %gather3A_548 : vector<16xi1>, vector<16xf32>
        %select_n3A_608 = arith.select %or3A_606, %gather3A_554, %gather3A_549 : vector<16xi1>, vector<16xi32>
        %gt3A_609 = arith.cmpf ogt, %gather3A_563, %gather3A_558 : vector<16xf32>
        %eq3A_610 = arith.cmpf oeq, %gather3A_563, %gather3A_558 : vector<16xf32>
        %lt3A_611 = arith.cmpi slt, %gather3A_564, %gather3A_559 : vector<16xi32>
        %and3A_612 = arith.andi %eq3A_610, %lt3A_611 : vector<16xi1>
        %or3A_613 = arith.ori %gt3A_609, %and3A_612 : vector<16xi1>
        %select_n3A_614 = arith.select %or3A_613, %gather3A_563, %gather3A_558 : vector<16xi1>, vector<16xf32>
        %select_n3A_615 = arith.select %or3A_613, %gather3A_564, %gather3A_559 : vector<16xi1>, vector<16xi32>
        %gt3A_616 = arith.cmpf ogt, %select_n3A_572, %select_n3A : vector<16xf32>
        %eq3A_617 = arith.cmpf oeq, %select_n3A_572, %select_n3A : vector<16xf32>
        %lt3A_618 = arith.cmpi slt, %select_n3A_573, %select_n3A_566 : vector<16xi32>
        %and3A_619 = arith.andi %eq3A_617, %lt3A_618 : vector<16xi1>
        %or3A_620 = arith.ori %gt3A_616, %and3A_619 : vector<16xi1>
        %select_n3A_621 = arith.select %or3A_620, %select_n3A_572, %select_n3A : vector<16xi1>, vector<16xf32>
        %select_n3A_622 = arith.select %or3A_620, %select_n3A_573, %select_n3A_566 : vector<16xi1>, vector<16xi32>
        %gt3A_623 = arith.cmpf ogt, %select_n3A_586, %select_n3A_579 : vector<16xf32>
        %eq3A_624 = arith.cmpf oeq, %select_n3A_586, %select_n3A_579 : vector<16xf32>
        %lt3A_625 = arith.cmpi slt, %select_n3A_587, %select_n3A_580 : vector<16xi32>
        %and3A_626 = arith.andi %eq3A_624, %lt3A_625 : vector<16xi1>
        %or3A_627 = arith.ori %gt3A_623, %and3A_626 : vector<16xi1>
        %select_n3A_628 = arith.select %or3A_627, %select_n3A_586, %select_n3A_579 : vector<16xi1>, vector<16xf32>
        %select_n3A_629 = arith.select %or3A_627, %select_n3A_587, %select_n3A_580 : vector<16xi1>, vector<16xi32>
        %gt3A_630 = arith.cmpf ogt, %select_n3A_600, %select_n3A_593 : vector<16xf32>
        %eq3A_631 = arith.cmpf oeq, %select_n3A_600, %select_n3A_593 : vector<16xf32>
        %lt3A_632 = arith.cmpi slt, %select_n3A_601, %select_n3A_594 : vector<16xi32>
        %and3A_633 = arith.andi %eq3A_631, %lt3A_632 : vector<16xi1>
        %or3A_634 = arith.ori %gt3A_630, %and3A_633 : vector<16xi1>
        %select_n3A_635 = arith.select %or3A_634, %select_n3A_600, %select_n3A_593 : vector<16xi1>, vector<16xf32>
        %select_n3A_636 = arith.select %or3A_634, %select_n3A_601, %select_n3A_594 : vector<16xi1>, vector<16xi32>
        %gt3A_637 = arith.cmpf ogt, %select_n3A_614, %select_n3A_607 : vector<16xf32>
        %eq3A_638 = arith.cmpf oeq, %select_n3A_614, %select_n3A_607 : vector<16xf32>
        %lt3A_639 = arith.cmpi slt, %select_n3A_615, %select_n3A_608 : vector<16xi32>
        %and3A_640 = arith.andi %eq3A_638, %lt3A_639 : vector<16xi1>
        %or3A_641 = arith.ori %gt3A_637, %and3A_640 : vector<16xi1>
        %select_n3A_642 = arith.select %or3A_641, %select_n3A_614, %select_n3A_607 : vector<16xi1>, vector<16xf32>
        %select_n3A_643 = arith.select %or3A_641, %select_n3A_615, %select_n3A_608 : vector<16xi1>, vector<16xi32>
        %gt3A_644 = arith.cmpf ogt, %select_n3A_628, %select_n3A_621 : vector<16xf32>
        %eq3A_645 = arith.cmpf oeq, %select_n3A_628, %select_n3A_621 : vector<16xf32>
        %lt3A_646 = arith.cmpi slt, %select_n3A_629, %select_n3A_622 : vector<16xi32>
        %and3A_647 = arith.andi %eq3A_645, %lt3A_646 : vector<16xi1>
        %or3A_648 = arith.ori %gt3A_644, %and3A_647 : vector<16xi1>
        %select_n3A_649 = arith.select %or3A_648, %select_n3A_628, %select_n3A_621 : vector<16xi1>, vector<16xf32>
        %select_n3A_650 = arith.select %or3A_648, %select_n3A_629, %select_n3A_622 : vector<16xi1>, vector<16xi32>
        %gt3A_651 = arith.cmpf ogt, %select_n3A_642, %select_n3A_635 : vector<16xf32>
        %eq3A_652 = arith.cmpf oeq, %select_n3A_642, %select_n3A_635 : vector<16xf32>
        %lt3A_653 = arith.cmpi slt, %select_n3A_643, %select_n3A_636 : vector<16xi32>
        %and3A_654 = arith.andi %eq3A_652, %lt3A_653 : vector<16xi1>
        %or3A_655 = arith.ori %gt3A_651, %and3A_654 : vector<16xi1>
        %select_n3A_656 = arith.select %or3A_655, %select_n3A_642, %select_n3A_635 : vector<16xi1>, vector<16xf32>
        %select_n3A_657 = arith.select %or3A_655, %select_n3A_643, %select_n3A_636 : vector<16xi1>, vector<16xi32>
        %gt3A_658 = arith.cmpf ogt, %select_n3A_656, %select_n3A_649 : vector<16xf32>
        %eq3A_659 = arith.cmpf oeq, %select_n3A_656, %select_n3A_649 : vector<16xf32>
        %lt3A_660 = arith.cmpi slt, %select_n3A_657, %select_n3A_650 : vector<16xi32>
        %and3A_661 = arith.andi %eq3A_659, %lt3A_660 : vector<16xi1>
        %or3A_662 = arith.ori %gt3A_658, %and3A_661 : vector<16xi1>
        %select_n3A_663 = arith.select %or3A_662, %select_n3A_656, %select_n3A_649 : vector<16xi1>, vector<16xf32>
        %select_n3A_664 = arith.select %or3A_662, %select_n3A_657, %select_n3A_650 : vector<16xi1>, vector<16xi32>
        tpu.vector_store_idx %arg5[%select_n3A_664], %broadcast_in_dim3A_3 : memref<256xf32, #tpu.memory_space<vmem>>[vector<16xi32>], vector<16xf32>,
        %scan3A_665 = arith.constant 0 : i32
        scf.yield %scan3A_665 : i32
      }
      %scan3A_441 = arith.constant 4 : i32
      %add3A_442 = arith.constant 2 : i32
      %add3A_443 = arith.addi %mul3A_418, %add3A_442 : i32
      %lt3A = arith.constant 32 : i32
      %lt3A_444 = arith.cmpi slt, %add3A_443, %lt3A : i32
      %convert_element_type3A = arith.extui %lt3A_444 : i1 to i32
      %cond3A = arith.constant 0 : i32
      %cond3A_445 = arith.cmpi ne, %convert_element_type3A, %cond3A : i32
      scf.if %cond3A_445 {
        %add3A_480 = arith.constant 2 : i32
        %add3A_481 = arith.addi %mul3A_418, %add3A_480 : i32
        %mul3A_482 = arith.constant 64 : i32
        %mul3A_483 = arith.muli %add3A_481, %mul3A_482 : i32
        %dma_start3A_484 = arith.constant 0 : i32
        %dma_start3A_485 = arith.constant 0 : i32
        %dma_start3A_486 = arith.constant 0 : i32
        %dma_start3A_487 = tpu.memref_slice %arg4[%dma_start3A_484, %dma_start3A_485, %dma_start3A_486] : memref<2x64x256xf32, #tpu.memory_space<vmem>> -> memref<1x64x256xf32, #tpu.memory_space<vmem>>
        %dma_start3A_488 = tpu.memref_squeeze %dma_start3A_487 : memref<1x64x256xf32, #tpu.memory_space<vmem>> -> memref<64x256xf32, #tpu.memory_space<vmem>>
        %dma_start3A_489 = arith.constant 0 : i32
        %dma_start3A_490 = tpu.memref_slice %arg2[%add3A_41, %mul3A_483, %dma_start3A_489] : memref<64x2048x256xf32, #tpu.memory_space<hbm>> -> memref<1x64x256xf32, #tpu.memory_space<hbm>>
        %dma_start3A_491 = tpu.memref_squeeze %dma_start3A_490 : memref<1x64x256xf32, #tpu.memory_space<hbm>> -> memref<64x256xf32, #tpu.memory_space<hbm>>
        %dma_start3A_492 = arith.constant 0 : i32
        %dma_start3A_493 = arith.constant 0 : i32
        %dma_start3A_494 = tpu.memref_slice %arg4[%dma_start3A_484, %dma_start3A_492, %dma_start3A_493] : memref<2x64x256xf32, #tpu.memory_space<vmem>> -> memref<1x64x256xf32, #tpu.memory_space<vmem>>
        %dma_start3A_495 = tpu.memref_squeeze %dma_start3A_494 : memref<1x64x256xf32, #tpu.memory_space<vmem>> -> memref<64x256xf32, #tpu.memory_space<vmem>>
        %dma_start3A_496 = arith.constant 0 : i32
        %dma_start3A_497 = tpu.memref_slice %arg2[%add3A_41, %mul3A_483, %dma_start3A_496] : memref<64x2048x256xf32, #tpu.memory_space<hbm>> -> memref<1x64x256xf32, #tpu.memory_space<hbm>>
        %dma_start3A_498 = tpu.memref_squeeze %dma_start3A_497 : memref<1x64x256xf32, #tpu.memory_space<hbm>> -> memref<64x256xf32, #tpu.memory_space<hbm>>
        tpu.enqueue_dma source(%dma_start3A_498 : memref<64x256xf32, #tpu.memory_space<hbm>>) target(%dma_start3A_495 : memref<64x256xf32, #tpu.memory_space<vmem>>) target_semaphore(%arg9 : memref<!tpu.dma_semaphore, #tpu.memory_space<semaphore_mem>>)
      } else {
      }
      %add3A_446 = arith.constant 1 : i32
      %add3A_447 = arith.addi %mul3A_418, %add3A_446 : i32
      %mul3A_448 = arith.constant 64 : i32
      %mul3A_449 = arith.muli %add3A_447, %mul3A_448 : i32
      %dma_wait3A_450 = arith.constant 1 : i32
      %dma_wait3A_451 = arith.constant 0 : i32
      %dma_wait3A_452 = arith.constant 0 : i32
      %dma_wait3A_453 = tpu.memref_slice %arg4[%dma_wait3A_450, %dma_wait3A_451, %dma_wait3A_452] : memref<2x64x256xf32, #tpu.memory_space<vmem>> -> memref<1x64x256xf32, #tpu.memory_space<vmem>>
      %dma_wait3A_454 = tpu.memref_squeeze %dma_wait3A_453 : memref<1x64x256xf32, #tpu.memory_space<vmem>> -> memref<64x256xf32, #tpu.memory_space<vmem>>
      %dma_wait3A_455 = arith.constant 0 : i32
      %dma_wait3A_456 = tpu.memref_slice %arg2[%add3A_41, %mul3A_449, %dma_wait3A_455] : memref<64x2048x256xf32, #tpu.memory_space<hbm>> -> memref<1x64x256xf32, #tpu.memory_space<hbm>>
      %dma_wait3A_457 = tpu.memref_squeeze %dma_wait3A_456 : memref<1x64x256xf32, #tpu.memory_space<hbm>> -> memref<64x256xf32, #tpu.memory_space<hbm>>
      %dma_wait3A_458 = arith.constant 0 : i32
      %dma_wait3A_459 = arith.constant 0 : i32
      %dma_wait3A_460 = tpu.memref_slice %arg4[%dma_wait3A_450, %dma_wait3A_458, %dma_wait3A_459] : memref<2x64x256xf32, #tpu.memory_space<vmem>> -> memref<1x64x256xf32, #tpu.memory_space<vmem>>
      %dma_wait3A_461 = tpu.memref_squeeze %dma_wait3A_460 : memref<1x64x256xf32, #tpu.memory_space<vmem>> -> memref<64x256xf32, #tpu.memory_space<vmem>>
      %dma_wait3A_462 = arith.constant 0 : i32
      %dma_wait3A_463 = tpu.memref_slice %arg2[%add3A_41, %mul3A_449, %dma_wait3A_462] : memref<64x2048x256xf32, #tpu.memory_space<hbm>> -> memref<1x64x256xf32, #tpu.memory_space<hbm>>
      %dma_wait3A_464 = tpu.memref_squeeze %dma_wait3A_463 : memref<1x64x256xf32, #tpu.memory_space<hbm>> -> memref<64x256xf32, #tpu.memory_space<hbm>>
      tpu.wait_dma2 semaphore(%arg10 : memref<!tpu.dma_semaphore, #tpu.memory_space<semaphore_mem>>) src(%dma_wait3A_464 : memref<64x256xf32, #tpu.memory_space<hbm>>) dst(%dma_wait3A_461 : memref<64x256xf32, #tpu.memory_space<vmem>>)
      %scan3A_465 = arith.constant 0 : i32
      %scan3A_466 = arith.constant 0 : i32
      %scan3A_467 = arith.constant 4 : i32
      %scan3A_468 = arith.addi %scan3A_466, %scan3A_467 : i32
      %scan3A_469 = arith.constant 1 : i32
      %scan3A_470 = scf.for %scan3A_480 = %scan3A_466 to %scan3A_468 step %scan3A_469 iter_args(%scan3A_481 = %scan3A_465) -> (i32)  : i32 {
        %mul3A_482 = arith.constant 16 : i32
        %mul3A_483 = arith.muli %scan3A_480, %mul3A_482 : i32
        %parallel_loop3A = arith.constant 0 : i32
        %parallel_loop3A_484 = arith.constant 16 : i32
        %parallel_loop3A_485 = arith.constant 1 : i32
        scf.for %parallel_loop3A_666 = %parallel_loop3A to %parallel_loop3A_484 step %parallel_loop3A_485  : i32 {
          %parallel_loop3A_667 = arith.addi %mul3A_483, %parallel_loop3A_666 : i32
          %parallel_loop3A_668 = arith.constant 0xFF800000 : f32
          %parallel_loop3A_669 = vector.broadcast %parallel_loop3A_668 : f32 to vector<16xf32>
          %parallel_loop3A_670 = arith.constant 0xFF800000 : f32
          %parallel_loop3A_671 = vector.broadcast %parallel_loop3A_670 : f32 to vector<16xf32>
          %parallel_loop3A_672 = arith.constant 0 : i32
          %parallel_loop3A_673 = vector.broadcast %parallel_loop3A_672 : i32 to vector<16xi32>
          %parallel_loop3A_674 = arith.constant 0 : i32
          %parallel_loop3A_675 = vector.broadcast %parallel_loop3A_674 : i32 to vector<16xi32>
          %parallel_loop3A_676 = arith.constant 1 : i32
          %parallel_loop3A_677 = arith.index_cast %parallel_loop3A_676 : i32 to index
          %parallel_loop3A_678 = arith.index_cast %parallel_loop3A_667 : i32 to index
          %parallel_loop3A_679 = arith.constant 0 : index
          %parallel_loop3A_680 = tpu.vector_load %arg4[%parallel_loop3A_677, %parallel_loop3A_678, %parallel_loop3A_679] {strides = array<i32>} : memref<2x64x256xf32, #tpu.memory_space<vmem>>, vector<16xf32>,
          %parallel_loop3A_681 = arith.cmpf ogt, %parallel_loop3A_680, %parallel_loop3A_669 : vector<16xf32>
          %parallel_loop3A_682 = arith.select %parallel_loop3A_681, %parallel_loop3A_680, %parallel_loop3A_669 : vector<16xi1>, vector<16xf32>
          %parallel_loop3A_683 = arith.constant 0 : i32
          %parallel_loop3A_684 = vector.broadcast %parallel_loop3A_683 : i32 to vector<16xi32>
          %parallel_loop3A_685 = arith.select %parallel_loop3A_681, %parallel_loop3A_684, %parallel_loop3A_673 : vector<16xi1>, vector<16xi32>
          %parallel_loop3A_686 = arith.constant 1 : i32
          %parallel_loop3A_687 = arith.index_cast %parallel_loop3A_686 : i32 to index
          %parallel_loop3A_688 = arith.index_cast %parallel_loop3A_667 : i32 to index
          %parallel_loop3A_689 = arith.constant 16 : index
          %parallel_loop3A_690 = tpu.vector_load %arg4[%parallel_loop3A_687, %parallel_loop3A_688, %parallel_loop3A_689] {strides = array<i32>} : memref<2x64x256xf32, #tpu.memory_space<vmem>>, vector<16xf32>,
          %parallel_loop3A_691 = arith.cmpf ogt, %parallel_loop3A_690, %parallel_loop3A_682 : vector<16xf32>
          %parallel_loop3A_692 = arith.select %parallel_loop3A_691, %parallel_loop3A_690, %parallel_loop3A_682 : vector<16xi1>, vector<16xf32>
          %parallel_loop3A_693 = arith.constant 1 : i32
          %parallel_loop3A_694 = vector.broadcast %parallel_loop3A_693 : i32 to vector<16xi32>
          %parallel_loop3A_695 = arith.select %parallel_loop3A_691, %parallel_loop3A_694, %parallel_loop3A_685 : vector<16xi1>, vector<16xi32>
          %parallel_loop3A_696 = arith.constant 1 : i32
          %parallel_loop3A_697 = arith.index_cast %parallel_loop3A_696 : i32 to index
          %parallel_loop3A_698 = arith.index_cast %parallel_loop3A_667 : i32 to index
          %parallel_loop3A_699 = arith.constant 32 : index
          %parallel_loop3A_700 = tpu.vector_load %arg4[%parallel_loop3A_697, %parallel_loop3A_698, %parallel_loop3A_699] {strides = array<i32>} : memref<2x64x256xf32, #tpu.memory_space<vmem>>, vector<16xf32>,
          %parallel_loop3A_701 = arith.cmpf ogt, %parallel_loop3A_700, %parallel_loop3A_692 : vector<16xf32>
          %parallel_loop3A_702 = arith.select %parallel_loop3A_701, %parallel_loop3A_700, %parallel_loop3A_692 : vector<16xi1>, vector<16xf32>
          %parallel_loop3A_703 = arith.constant 2 : i32
          %parallel_loop3A_704 = vector.broadcast %parallel_loop3A_703 : i32 to vector<16xi32>
          %parallel_loop3A_705 = arith.select %parallel_loop3A_701, %parallel_loop3A_704, %parallel_loop3A_695 : vector<16xi1>, vector<16xi32>
          %parallel_loop3A_706 = arith.constant 1 : i32
          %parallel_loop3A_707 = arith.index_cast %parallel_loop3A_706 : i32 to index
          %parallel_loop3A_708 = arith.index_cast %parallel_loop3A_667 : i32 to index
          %parallel_loop3A_709 = arith.constant 48 : index
          %parallel_loop3A_710 = tpu.vector_load %arg4[%parallel_loop3A_707, %parallel_loop3A_708, %parallel_loop3A_709] {strides = array<i32>} : memref<2x64x256xf32, #tpu.memory_space<vmem>>, vector<16xf32>,
          %parallel_loop3A_711 = arith.cmpf ogt, %parallel_loop3A_710, %parallel_loop3A_702 : vector<16xf32>
          %parallel_loop3A_712 = arith.select %parallel_loop3A_711, %parallel_loop3A_710, %parallel_loop3A_702 : vector<16xi1>, vector<16xf32>
          %parallel_loop3A_713 = arith.constant 3 : i32
          %parallel_loop3A_714 = vector.broadcast %parallel_loop3A_713 : i32 to vector<16xi32>
          %parallel_loop3A_715 = arith.select %parallel_loop3A_711, %parallel_loop3A_714, %parallel_loop3A_705 : vector<16xi1>, vector<16xi32>
          %parallel_loop3A_716 = arith.constant 1 : i32
          %parallel_loop3A_717 = arith.index_cast %parallel_loop3A_716 : i32 to index
          %parallel_loop3A_718 = arith.index_cast %parallel_loop3A_667 : i32 to index
          %parallel_loop3A_719 = arith.constant 64 : index
          %parallel_loop3A_720 = tpu.vector_load %arg4[%parallel_loop3A_717, %parallel_loop3A_718, %parallel_loop3A_719] {strides = array<i32>} : memref<2x64x256xf32, #tpu.memory_space<vmem>>, vector<16xf32>,
          %parallel_loop3A_721 = arith.cmpf ogt, %parallel_loop3A_720, %parallel_loop3A_712 : vector<16xf32>
          %parallel_loop3A_722 = arith.select %parallel_loop3A_721, %parallel_loop3A_720, %parallel_loop3A_712 : vector<16xi1>, vector<16xf32>
          %parallel_loop3A_723 = arith.constant 4 : i32
          %parallel_loop3A_724 = vector.broadcast %parallel_loop3A_723 : i32 to vector<16xi32>
          %parallel_loop3A_725 = arith.select %parallel_loop3A_721, %parallel_loop3A_724, %parallel_loop3A_715 : vector<16xi1>, vector<16xi32>
          %parallel_loop3A_726 = arith.constant 1 : i32
          %parallel_loop3A_727 = arith.index_cast %parallel_loop3A_726 : i32 to index
          %parallel_loop3A_728 = arith.index_cast %parallel_loop3A_667 : i32 to index
          %parallel_loop3A_729 = arith.constant 80 : index
          %parallel_loop3A_730 = tpu.vector_load %arg4[%parallel_loop3A_727, %parallel_loop3A_728, %parallel_loop3A_729] {strides = array<i32>} : memref<2x64x256xf32, #tpu.memory_space<vmem>>, vector<16xf32>,
          %parallel_loop3A_731 = arith.cmpf ogt, %parallel_loop3A_730, %parallel_loop3A_722 : vector<16xf32>
          %parallel_loop3A_732 = arith.select %parallel_loop3A_731, %parallel_loop3A_730, %parallel_loop3A_722 : vector<16xi1>, vector<16xf32>
          %parallel_loop3A_733 = arith.constant 5 : i32
          %parallel_loop3A_734 = vector.broadcast %parallel_loop3A_733 : i32 to vector<16xi32>
          %parallel_loop3A_735 = arith.select %parallel_loop3A_731, %parallel_loop3A_734, %parallel_loop3A_725 : vector<16xi1>, vector<16xi32>
          %parallel_loop3A_736 = arith.constant 1 : i32
          %parallel_loop3A_737 = arith.index_cast %parallel_loop3A_736 : i32 to index
          %parallel_loop3A_738 = arith.index_cast %parallel_loop3A_667 : i32 to index
          %parallel_loop3A_739 = arith.constant 96 : index
          %parallel_loop3A_740 = tpu.vector_load %arg4[%parallel_loop3A_737, %parallel_loop3A_738, %parallel_loop3A_739] {strides = array<i32>} : memref<2x64x256xf32, #tpu.memory_space<vmem>>, vector<16xf32>,
          %parallel_loop3A_741 = arith.cmpf ogt, %parallel_loop3A_740, %parallel_loop3A_732 : vector<16xf32>
          %parallel_loop3A_742 = arith.select %parallel_loop3A_741, %parallel_loop3A_740, %parallel_loop3A_732 : vector<16xi1>, vector<16xf32>
          %parallel_loop3A_743 = arith.constant 6 : i32
          %parallel_loop3A_744 = vector.broadcast %parallel_loop3A_743 : i32 to vector<16xi32>
          %parallel_loop3A_745 = arith.select %parallel_loop3A_741, %parallel_loop3A_744, %parallel_loop3A_735 : vector<16xi1>, vector<16xi32>
          %parallel_loop3A_746 = arith.constant 1 : i32
          %parallel_loop3A_747 = arith.index_cast %parallel_loop3A_746 : i32 to index
          %parallel_loop3A_748 = arith.index_cast %parallel_loop3A_667 : i32 to index
          %parallel_loop3A_749 = arith.constant 112 : index
          %parallel_loop3A_750 = tpu.vector_load %arg4[%parallel_loop3A_747, %parallel_loop3A_748, %parallel_loop3A_749] {strides = array<i32>} : memref<2x64x256xf32, #tpu.memory_space<vmem>>, vector<16xf32>,
          %parallel_loop3A_751 = arith.cmpf ogt, %parallel_loop3A_750, %parallel_loop3A_742 : vector<16xf32>
          %parallel_loop3A_752 = arith.select %parallel_loop3A_751, %parallel_loop3A_750, %parallel_loop3A_742 : vector<16xi1>, vector<16xf32>
          %parallel_loop3A_753 = arith.constant 7 : i32
          %parallel_loop3A_754 = vector.broadcast %parallel_loop3A_753 : i32 to vector<16xi32>
          %parallel_loop3A_755 = arith.select %parallel_loop3A_751, %parallel_loop3A_754, %parallel_loop3A_745 : vector<16xi1>, vector<16xi32>
          %parallel_loop3A_756 = arith.constant 1 : i32
          %parallel_loop3A_757 = arith.index_cast %parallel_loop3A_756 : i32 to index
          %parallel_loop3A_758 = arith.index_cast %parallel_loop3A_667 : i32 to index
          %parallel_loop3A_759 = arith.constant 128 : index
          %parallel_loop3A_760 = tpu.vector_load %arg4[%parallel_loop3A_757, %parallel_loop3A_758, %parallel_loop3A_759] {strides = array<i32>} : memref<2x64x256xf32, #tpu.memory_space<vmem>>, vector<16xf32>,
          %parallel_loop3A_761 = arith.cmpf ogt, %parallel_loop3A_760, %parallel_loop3A_671 : vector<16xf32>
          %parallel_loop3A_762 = arith.select %parallel_loop3A_761, %parallel_loop3A_760, %parallel_loop3A_671 : vector<16xi1>, vector<16xf32>
          %parallel_loop3A_763 = arith.constant 8 : i32
          %parallel_loop3A_764 = vector.broadcast %parallel_loop3A_763 : i32 to vector<16xi32>
          %parallel_loop3A_765 = arith.select %parallel_loop3A_761, %parallel_loop3A_764, %parallel_loop3A_675 : vector<16xi1>, vector<16xi32>
          %parallel_loop3A_766 = arith.constant 1 : i32
          %parallel_loop3A_767 = arith.index_cast %parallel_loop3A_766 : i32 to index
          %parallel_loop3A_768 = arith.index_cast %parallel_loop3A_667 : i32 to index
          %parallel_loop3A_769 = arith.constant 144 : index
          %parallel_loop3A_770 = tpu.vector_load %arg4[%parallel_loop3A_767, %parallel_loop3A_768, %parallel_loop3A_769] {strides = array<i32>} : memref<2x64x256xf32, #tpu.memory_space<vmem>>, vector<16xf32>,
          %parallel_loop3A_771 = arith.cmpf ogt, %parallel_loop3A_770, %parallel_loop3A_762 : vector<16xf32>
          %parallel_loop3A_772 = arith.select %parallel_loop3A_771, %parallel_loop3A_770, %parallel_loop3A_762 : vector<16xi1>, vector<16xf32>
          %parallel_loop3A_773 = arith.constant 9 : i32
          %parallel_loop3A_774 = vector.broadcast %parallel_loop3A_773 : i32 to vector<16xi32>
          %parallel_loop3A_775 = arith.select %parallel_loop3A_771, %parallel_loop3A_774, %parallel_loop3A_765 : vector<16xi1>, vector<16xi32>
          %parallel_loop3A_776 = arith.constant 1 : i32
          %parallel_loop3A_777 = arith.index_cast %parallel_loop3A_776 : i32 to index
          %parallel_loop3A_778 = arith.index_cast %parallel_loop3A_667 : i32 to index
          %parallel_loop3A_779 = arith.constant 160 : index
          %parallel_loop3A_780 = tpu.vector_load %arg4[%parallel_loop3A_777, %parallel_loop3A_778, %parallel_loop3A_779] {strides = array<i32>} : memref<2x64x256xf32, #tpu.memory_space<vmem>>, vector<16xf32>,
          %parallel_loop3A_781 = arith.cmpf ogt, %parallel_loop3A_780, %parallel_loop3A_772 : vector<16xf32>
          %parallel_loop3A_782 = arith.select %parallel_loop3A_781, %parallel_loop3A_780, %parallel_loop3A_772 : vector<16xi1>, vector<16xf32>
          %parallel_loop3A_783 = arith.constant 10 : i32
          %parallel_loop3A_784 = vector.broadcast %parallel_loop3A_783 : i32 to vector<16xi32>
          %parallel_loop3A_785 = arith.select %parallel_loop3A_781, %parallel_loop3A_784, %parallel_loop3A_775 : vector<16xi1>, vector<16xi32>
          %parallel_loop3A_786 = arith.constant 1 : i32
          %parallel_loop3A_787 = arith.index_cast %parallel_loop3A_786 : i32 to index
          %parallel_loop3A_788 = arith.index_cast %parallel_loop3A_667 : i32 to index
          %parallel_loop3A_789 = arith.constant 176 : index
          %parallel_loop3A_790 = tpu.vector_load %arg4[%parallel_loop3A_787, %parallel_loop3A_788, %parallel_loop3A_789] {strides = array<i32>} : memref<2x64x256xf32, #tpu.memory_space<vmem>>, vector<16xf32>,
          %parallel_loop3A_791 = arith.cmpf ogt, %parallel_loop3A_790, %parallel_loop3A_782 : vector<16xf32>
          %parallel_loop3A_792 = arith.select %parallel_loop3A_791, %parallel_loop3A_790, %parallel_loop3A_782 : vector<16xi1>, vector<16xf32>
          %parallel_loop3A_793 = arith.constant 11 : i32
          %parallel_loop3A_794 = vector.broadcast %parallel_loop3A_793 : i32 to vector<16xi32>
          %parallel_loop3A_795 = arith.select %parallel_loop3A_791, %parallel_loop3A_794, %parallel_loop3A_785 : vector<16xi1>, vector<16xi32>
          %parallel_loop3A_796 = arith.constant 1 : i32
          %parallel_loop3A_797 = arith.index_cast %parallel_loop3A_796 : i32 to index
          %parallel_loop3A_798 = arith.index_cast %parallel_loop3A_667 : i32 to index
          %parallel_loop3A_799 = arith.constant 192 : index
          %parallel_loop3A_800 = tpu.vector_load %arg4[%parallel_loop3A_797, %parallel_loop3A_798, %parallel_loop3A_799] {strides = array<i32>} : memref<2x64x256xf32, #tpu.memory_space<vmem>>, vector<16xf32>,
          %parallel_loop3A_801 = arith.cmpf ogt, %parallel_loop3A_800, %parallel_loop3A_792 : vector<16xf32>
          %parallel_loop3A_802 = arith.select %parallel_loop3A_801, %parallel_loop3A_800, %parallel_loop3A_792 : vector<16xi1>, vector<16xf32>
          %parallel_loop3A_803 = arith.constant 12 : i32
          %parallel_loop3A_804 = vector.broadcast %parallel_loop3A_803 : i32 to vector<16xi32>
          %parallel_loop3A_805 = arith.select %parallel_loop3A_801, %parallel_loop3A_804, %parallel_loop3A_795 : vector<16xi1>, vector<16xi32>
          %parallel_loop3A_806 = arith.constant 1 : i32
          %parallel_loop3A_807 = arith.index_cast %parallel_loop3A_806 : i32 to index
          %parallel_loop3A_808 = arith.index_cast %parallel_loop3A_667 : i32 to index
          %parallel_loop3A_809 = arith.constant 208 : index
          %parallel_loop3A_810 = tpu.vector_load %arg4[%parallel_loop3A_807, %parallel_loop3A_808, %parallel_loop3A_809] {strides = array<i32>} : memref<2x64x256xf32, #tpu.memory_space<vmem>>, vector<16xf32>,
          %parallel_loop3A_811 = arith.cmpf ogt, %parallel_loop3A_810, %parallel_loop3A_802 : vector<16xf32>
          %parallel_loop3A_812 = arith.select %parallel_loop3A_811, %parallel_loop3A_810, %parallel_loop3A_802 : vector<16xi1>, vector<16xf32>
          %parallel_loop3A_813 = arith.constant 13 : i32
          %parallel_loop3A_814 = vector.broadcast %parallel_loop3A_813 : i32 to vector<16xi32>
          %parallel_loop3A_815 = arith.select %parallel_loop3A_811, %parallel_loop3A_814, %parallel_loop3A_805 : vector<16xi1>, vector<16xi32>
          %parallel_loop3A_816 = arith.constant 1 : i32
          %parallel_loop3A_817 = arith.index_cast %parallel_loop3A_816 : i32 to index
          %parallel_loop3A_818 = arith.index_cast %parallel_loop3A_667 : i32 to index
          %parallel_loop3A_819 = arith.constant 224 : index
          %parallel_loop3A_820 = tpu.vector_load %arg4[%parallel_loop3A_817, %parallel_loop3A_818, %parallel_loop3A_819] {strides = array<i32>} : memref<2x64x256xf32, #tpu.memory_space<vmem>>, vector<16xf32>,
          %parallel_loop3A_821 = arith.cmpf ogt, %parallel_loop3A_820, %parallel_loop3A_812 : vector<16xf32>
          %parallel_loop3A_822 = arith.select %parallel_loop3A_821, %parallel_loop3A_820, %parallel_loop3A_812 : vector<16xi1>, vector<16xf32>
          %parallel_loop3A_823 = arith.constant 14 : i32
          %parallel_loop3A_824 = vector.broadcast %parallel_loop3A_823 : i32 to vector<16xi32>
          %parallel_loop3A_825 = arith.select %parallel_loop3A_821, %parallel_loop3A_824, %parallel_loop3A_815 : vector<16xi1>, vector<16xi32>
          %parallel_loop3A_826 = arith.constant 1 : i32
          %parallel_loop3A_827 = arith.index_cast %parallel_loop3A_826 : i32 to index
          %parallel_loop3A_828 = arith.index_cast %parallel_loop3A_667 : i32 to index
          %parallel_loop3A_829 = arith.constant 240 : index
          %parallel_loop3A_830 = tpu.vector_load %arg4[%parallel_loop3A_827, %parallel_loop3A_828, %parallel_loop3A_829] {strides = array<i32>} : memref<2x64x256xf32, #tpu.memory_space<vmem>>, vector<16xf32>,
          %parallel_loop3A_831 = arith.cmpf ogt, %parallel_loop3A_830, %parallel_loop3A_822 : vector<16xf32>
          %parallel_loop3A_832 = arith.select %parallel_loop3A_831, %parallel_loop3A_830, %parallel_loop3A_822 : vector<16xi1>, vector<16xf32>
          %parallel_loop3A_833 = arith.constant 15 : i32
          %parallel_loop3A_834 = vector.broadcast %parallel_loop3A_833 : i32 to vector<16xi32>
          %parallel_loop3A_835 = arith.select %parallel_loop3A_831, %parallel_loop3A_834, %parallel_loop3A_825 : vector<16xi1>, vector<16xi32>
          %parallel_loop3A_836 = arith.constant 16 : i32
          %parallel_loop3A_837 = vector.broadcast %parallel_loop3A_836 : i32 to vector<16xi32>
          %parallel_loop3A_838 = arith.muli %parallel_loop3A_755, %parallel_loop3A_837 : vector<16xi32>
          %parallel_loop3A_839 = arith.addi %parallel_loop3A_838, %iota3A : vector<16xi32>
          %parallel_loop3A_840 = arith.constant 16 : i32
          %parallel_loop3A_841 = vector.broadcast %parallel_loop3A_840 : i32 to vector<16xi32>
          %parallel_loop3A_842 = arith.muli %parallel_loop3A_835, %parallel_loop3A_841 : vector<16xi32>
          %parallel_loop3A_843 = arith.addi %parallel_loop3A_842, %iota3A : vector<16xi32>
          %parallel_loop3A_844 = arith.cmpf ogt, %parallel_loop3A_832, %parallel_loop3A_752 : vector<16xf32>
          %parallel_loop3A_845 = arith.cmpf oeq, %parallel_loop3A_832, %parallel_loop3A_752 : vector<16xf32>
          %parallel_loop3A_846 = arith.cmpi slt, %parallel_loop3A_843, %parallel_loop3A_839 : vector<16xi32>
          %parallel_loop3A_847 = arith.andi %parallel_loop3A_845, %parallel_loop3A_846 : vector<16xi1>
          %parallel_loop3A_848 = arith.ori %parallel_loop3A_844, %parallel_loop3A_847 : vector<16xi1>
          %parallel_loop3A_849 = arith.select %parallel_loop3A_848, %parallel_loop3A_832, %parallel_loop3A_752 : vector<16xi1>, vector<16xf32>
          %parallel_loop3A_850 = arith.select %parallel_loop3A_848, %parallel_loop3A_843, %parallel_loop3A_839 : vector<16xi1>, vector<16xi32>
          %parallel_loop3A_851 = vector.broadcast %parallel_loop3A_666 : i32 to vector<16xi32>
          %parallel_loop3A_852 = arith.addi %mul3A_6, %parallel_loop3A_851 : vector<16xi32>
          tpu.vector_store_idx %arg7[%parallel_loop3A_852], %parallel_loop3A_849 : memref<272xf32, #tpu.memory_space<vmem>>[vector<16xi32>], vector<16xf32>,
          tpu.vector_store_idx %arg8[%parallel_loop3A_852], %parallel_loop3A_850 : memref<272xi32, #tpu.memory_space<vmem>>[vector<16xi32>], vector<16xi32>,
        } {sc.loop_unroll_factor = 4 : i64, sc.parallel_access}
        %add3A_486 = arith.constant 0 : i32
        %add3A_487 = vector.broadcast %add3A_486 : i32 to vector<16xi32>
        %add3A_488 = arith.addi %iota3A, %add3A_487 : vector<16xi32>
        %gather3A = tpu.vector_load_idx %arg7[%add3A_488] : memref<272xf32, #tpu.memory_space<vmem>>[vector<16xi32>], vector<16xf32>,
        %gather3A_489 = tpu.vector_load_idx %arg8[%add3A_488] : memref<272xi32, #tpu.memory_space<vmem>>[vector<16xi32>], vector<16xi32>,
        %add3A_490 = arith.constant 17 : i32
        %add3A_491 = vector.broadcast %add3A_490 : i32 to vector<16xi32>
        %add3A_492 = arith.addi %iota3A, %add3A_491 : vector<16xi32>
        %gather3A_493 = tpu.vector_load_idx %arg7[%add3A_492] : memref<272xf32, #tpu.memory_space<vmem>>[vector<16xi32>], vector<16xf32>,
        %gather3A_494 = tpu.vector_load_idx %arg8[%add3A_492] : memref<272xi32, #tpu.memory_space<vmem>>[vector<16xi32>], vector<16xi32>,
        %add3A_495 = arith.constant 34 : i32
        %add3A_496 = vector.broadcast %add3A_495 : i32 to vector<16xi32>
        %add3A_497 = arith.addi %iota3A, %add3A_496 : vector<16xi32>
        %gather3A_498 = tpu.vector_load_idx %arg7[%add3A_497] : memref<272xf32, #tpu.memory_space<vmem>>[vector<16xi32>], vector<16xf32>,
        %gather3A_499 = tpu.vector_load_idx %arg8[%add3A_497] : memref<272xi32, #tpu.memory_space<vmem>>[vector<16xi32>], vector<16xi32>,
        %add3A_500 = arith.constant 51 : i32
        %add3A_501 = vector.broadcast %add3A_500 : i32 to vector<16xi32>
        %add3A_502 = arith.addi %iota3A, %add3A_501 : vector<16xi32>
        %gather3A_503 = tpu.vector_load_idx %arg7[%add3A_502] : memref<272xf32, #tpu.memory_space<vmem>>[vector<16xi32>], vector<16xf32>,
        %gather3A_504 = tpu.vector_load_idx %arg8[%add3A_502] : memref<272xi32, #tpu.memory_space<vmem>>[vector<16xi32>], vector<16xi32>,
        %add3A_505 = arith.constant 68 : i32
        %add3A_506 = vector.broadcast %add3A_505 : i32 to vector<16xi32>
        %add3A_507 = arith.addi %iota3A, %add3A_506 : vector<16xi32>
        %gather3A_508 = tpu.vector_load_idx %arg7[%add3A_507] : memref<272xf32, #tpu.memory_space<vmem>>[vector<16xi32>], vector<16xf32>,
        %gather3A_509 = tpu.vector_load_idx %arg8[%add3A_507] : memref<272xi32, #tpu.memory_space<vmem>>[vector<16xi32>], vector<16xi32>,
        %add3A_510 = arith.constant 85 : i32
        %add3A_511 = vector.broadcast %add3A_510 : i32 to vector<16xi32>
        %add3A_512 = arith.addi %iota3A, %add3A_511 : vector<16xi32>
        %gather3A_513 = tpu.vector_load_idx %arg7[%add3A_512] : memref<272xf32, #tpu.memory_space<vmem>>[vector<16xi32>], vector<16xf32>,
        %gather3A_514 = tpu.vector_load_idx %arg8[%add3A_512] : memref<272xi32, #tpu.memory_space<vmem>>[vector<16xi32>], vector<16xi32>,
        %add3A_515 = arith.constant 102 : i32
        %add3A_516 = vector.broadcast %add3A_515 : i32 to vector<16xi32>
        %add3A_517 = arith.addi %iota3A, %add3A_516 : vector<16xi32>
        %gather3A_518 = tpu.vector_load_idx %arg7[%add3A_517] : memref<272xf32, #tpu.memory_space<vmem>>[vector<16xi32>], vector<16xf32>,
        %gather3A_519 = tpu.vector_load_idx %arg8[%add3A_517] : memref<272xi32, #tpu.memory_space<vmem>>[vector<16xi32>], vector<16xi32>,
        %add3A_520 = arith.constant 119 : i32
        %add3A_521 = vector.broadcast %add3A_520 : i32 to vector<16xi32>
        %add3A_522 = arith.addi %iota3A, %add3A_521 : vector<16xi32>
        %gather3A_523 = tpu.vector_load_idx %arg7[%add3A_522] : memref<272xf32, #tpu.memory_space<vmem>>[vector<16xi32>], vector<16xf32>,
        %gather3A_524 = tpu.vector_load_idx %arg8[%add3A_522] : memref<272xi32, #tpu.memory_space<vmem>>[vector<16xi32>], vector<16xi32>,
        %add3A_525 = arith.constant 136 : i32
        %add3A_526 = vector.broadcast %add3A_525 : i32 to vector<16xi32>
        %add3A_527 = arith.addi %iota3A, %add3A_526 : vector<16xi32>
        %gather3A_528 = tpu.vector_load_idx %arg7[%add3A_527] : memref<272xf32, #tpu.memory_space<vmem>>[vector<16xi32>], vector<16xf32>,
        %gather3A_529 = tpu.vector_load_idx %arg8[%add3A_527] : memref<272xi32, #tpu.memory_space<vmem>>[vector<16xi32>], vector<16xi32>,
        %add3A_530 = arith.constant 153 : i32
        %add3A_531 = vector.broadcast %add3A_530 : i32 to vector<16xi32>
        %add3A_532 = arith.addi %iota3A, %add3A_531 : vector<16xi32>
        %gather3A_533 = tpu.vector_load_idx %arg7[%add3A_532] : memref<272xf32, #tpu.memory_space<vmem>>[vector<16xi32>], vector<16xf32>,
        %gather3A_534 = tpu.vector_load_idx %arg8[%add3A_532] : memref<272xi32, #tpu.memory_space<vmem>>[vector<16xi32>], vector<16xi32>,
        %add3A_535 = arith.constant 170 : i32
        %add3A_536 = vector.broadcast %add3A_535 : i32 to vector<16xi32>
        %add3A_537 = arith.addi %iota3A, %add3A_536 : vector<16xi32>
        %gather3A_538 = tpu.vector_load_idx %arg7[%add3A_537] : memref<272xf32, #tpu.memory_space<vmem>>[vector<16xi32>], vector<16xf32>,
        %gather3A_539 = tpu.vector_load_idx %arg8[%add3A_537] : memref<272xi32, #tpu.memory_space<vmem>>[vector<16xi32>], vector<16xi32>,
        %add3A_540 = arith.constant 187 : i32
        %add3A_541 = vector.broadcast %add3A_540 : i32 to vector<16xi32>
        %add3A_542 = arith.addi %iota3A, %add3A_541 : vector<16xi32>
        %gather3A_543 = tpu.vector_load_idx %arg7[%add3A_542] : memref<272xf32, #tpu.memory_space<vmem>>[vector<16xi32>], vector<16xf32>,
        %gather3A_544 = tpu.vector_load_idx %arg8[%add3A_542] : memref<272xi32, #tpu.memory_space<vmem>>[vector<16xi32>], vector<16xi32>,
        %add3A_545 = arith.constant 204 : i32
        %add3A_546 = vector.broadcast %add3A_545 : i32 to vector<16xi32>
        %add3A_547 = arith.addi %iota3A, %add3A_546 : vector<16xi32>
        %gather3A_548 = tpu.vector_load_idx %arg7[%add3A_547] : memref<272xf32, #tpu.memory_space<vmem>>[vector<16xi32>], vector<16xf32>,
        %gather3A_549 = tpu.vector_load_idx %arg8[%add3A_547] : memref<272xi32, #tpu.memory_space<vmem>>[vector<16xi32>], vector<16xi32>,
        %add3A_550 = arith.constant 221 : i32
        %add3A_551 = vector.broadcast %add3A_550 : i32 to vector<16xi32>
        %add3A_552 = arith.addi %iota3A, %add3A_551 : vector<16xi32>
        %gather3A_553 = tpu.vector_load_idx %arg7[%add3A_552] : memref<272xf32, #tpu.memory_space<vmem>>[vector<16xi32>], vector<16xf32>,
        %gather3A_554 = tpu.vector_load_idx %arg8[%add3A_552] : memref<272xi32, #tpu.memory_space<vmem>>[vector<16xi32>], vector<16xi32>,
        %add3A_555 = arith.constant 238 : i32
        %add3A_556 = vector.broadcast %add3A_555 : i32 to vector<16xi32>
        %add3A_557 = arith.addi %iota3A, %add3A_556 : vector<16xi32>
        %gather3A_558 = tpu.vector_load_idx %arg7[%add3A_557] : memref<272xf32, #tpu.memory_space<vmem>>[vector<16xi32>], vector<16xf32>,
        %gather3A_559 = tpu.vector_load_idx %arg8[%add3A_557] : memref<272xi32, #tpu.memory_space<vmem>>[vector<16xi32>], vector<16xi32>,
        %add3A_560 = arith.constant 255 : i32
        %add3A_561 = vector.broadcast %add3A_560 : i32 to vector<16xi32>
        %add3A_562 = arith.addi %iota3A, %add3A_561 : vector<16xi32>
        %gather3A_563 = tpu.vector_load_idx %arg7[%add3A_562] : memref<272xf32, #tpu.memory_space<vmem>>[vector<16xi32>], vector<16xf32>,
        %gather3A_564 = tpu.vector_load_idx %arg8[%add3A_562] : memref<272xi32, #tpu.memory_space<vmem>>[vector<16xi32>], vector<16xi32>,
        %gt3A = arith.cmpf ogt, %gather3A_493, %gather3A : vector<16xf32>
        %eq3A = arith.cmpf oeq, %gather3A_493, %gather3A : vector<16xf32>
        %lt3A_565 = arith.cmpi slt, %gather3A_494, %gather3A_489 : vector<16xi32>
        %and3A = arith.andi %eq3A, %lt3A_565 : vector<16xi1>
        %or3A = arith.ori %gt3A, %and3A : vector<16xi1>
        %select_n3A = arith.select %or3A, %gather3A_493, %gather3A : vector<16xi1>, vector<16xf32>
        %select_n3A_566 = arith.select %or3A, %gather3A_494, %gather3A_489 : vector<16xi1>, vector<16xi32>
        %gt3A_567 = arith.cmpf ogt, %gather3A_503, %gather3A_498 : vector<16xf32>
        %eq3A_568 = arith.cmpf oeq, %gather3A_503, %gather3A_498 : vector<16xf32>
        %lt3A_569 = arith.cmpi slt, %gather3A_504, %gather3A_499 : vector<16xi32>
        %and3A_570 = arith.andi %eq3A_568, %lt3A_569 : vector<16xi1>
        %or3A_571 = arith.ori %gt3A_567, %and3A_570 : vector<16xi1>
        %select_n3A_572 = arith.select %or3A_571, %gather3A_503, %gather3A_498 : vector<16xi1>, vector<16xf32>
        %select_n3A_573 = arith.select %or3A_571, %gather3A_504, %gather3A_499 : vector<16xi1>, vector<16xi32>
        %gt3A_574 = arith.cmpf ogt, %gather3A_513, %gather3A_508 : vector<16xf32>
        %eq3A_575 = arith.cmpf oeq, %gather3A_513, %gather3A_508 : vector<16xf32>
        %lt3A_576 = arith.cmpi slt, %gather3A_514, %gather3A_509 : vector<16xi32>
        %and3A_577 = arith.andi %eq3A_575, %lt3A_576 : vector<16xi1>
        %or3A_578 = arith.ori %gt3A_574, %and3A_577 : vector<16xi1>
        %select_n3A_579 = arith.select %or3A_578, %gather3A_513, %gather3A_508 : vector<16xi1>, vector<16xf32>
        %select_n3A_580 = arith.select %or3A_578, %gather3A_514, %gather3A_509 : vector<16xi1>, vector<16xi32>
        %gt3A_581 = arith.cmpf ogt, %gather3A_523, %gather3A_518 : vector<16xf32>
        %eq3A_582 = arith.cmpf oeq, %gather3A_523, %gather3A_518 : vector<16xf32>
        %lt3A_583 = arith.cmpi slt, %gather3A_524, %gather3A_519 : vector<16xi32>
        %and3A_584 = arith.andi %eq3A_582, %lt3A_583 : vector<16xi1>
        %or3A_585 = arith.ori %gt3A_581, %and3A_584 : vector<16xi1>
        %select_n3A_586 = arith.select %or3A_585, %gather3A_523, %gather3A_518 : vector<16xi1>, vector<16xf32>
        %select_n3A_587 = arith.select %or3A_585, %gather3A_524, %gather3A_519 : vector<16xi1>, vector<16xi32>
        %gt3A_588 = arith.cmpf ogt, %gather3A_533, %gather3A_528 : vector<16xf32>
        %eq3A_589 = arith.cmpf oeq, %gather3A_533, %gather3A_528 : vector<16xf32>
        %lt3A_590 = arith.cmpi slt, %gather3A_534, %gather3A_529 : vector<16xi32>
        %and3A_591 = arith.andi %eq3A_589, %lt3A_590 : vector<16xi1>
        %or3A_592 = arith.ori %gt3A_588, %and3A_591 : vector<16xi1>
        %select_n3A_593 = arith.select %or3A_592, %gather3A_533, %gather3A_528 : vector<16xi1>, vector<16xf32>
        %select_n3A_594 = arith.select %or3A_592, %gather3A_534, %gather3A_529 : vector<16xi1>, vector<16xi32>
        %gt3A_595 = arith.cmpf ogt, %gather3A_543, %gather3A_538 : vector<16xf32>
        %eq3A_596 = arith.cmpf oeq, %gather3A_543, %gather3A_538 : vector<16xf32>
        %lt3A_597 = arith.cmpi slt, %gather3A_544, %gather3A_539 : vector<16xi32>
        %and3A_598 = arith.andi %eq3A_596, %lt3A_597 : vector<16xi1>
        %or3A_599 = arith.ori %gt3A_595, %and3A_598 : vector<16xi1>
        %select_n3A_600 = arith.select %or3A_599, %gather3A_543, %gather3A_538 : vector<16xi1>, vector<16xf32>
        %select_n3A_601 = arith.select %or3A_599, %gather3A_544, %gather3A_539 : vector<16xi1>, vector<16xi32>
        %gt3A_602 = arith.cmpf ogt, %gather3A_553, %gather3A_548 : vector<16xf32>
        %eq3A_603 = arith.cmpf oeq, %gather3A_553, %gather3A_548 : vector<16xf32>
        %lt3A_604 = arith.cmpi slt, %gather3A_554, %gather3A_549 : vector<16xi32>
        %and3A_605 = arith.andi %eq3A_603, %lt3A_604 : vector<16xi1>
        %or3A_606 = arith.ori %gt3A_602, %and3A_605 : vector<16xi1>
        %select_n3A_607 = arith.select %or3A_606, %gather3A_553, %gather3A_548 : vector<16xi1>, vector<16xf32>
        %select_n3A_608 = arith.select %or3A_606, %gather3A_554, %gather3A_549 : vector<16xi1>, vector<16xi32>
        %gt3A_609 = arith.cmpf ogt, %gather3A_563, %gather3A_558 : vector<16xf32>
        %eq3A_610 = arith.cmpf oeq, %gather3A_563, %gather3A_558 : vector<16xf32>
        %lt3A_611 = arith.cmpi slt, %gather3A_564, %gather3A_559 : vector<16xi32>
        %and3A_612 = arith.andi %eq3A_610, %lt3A_611 : vector<16xi1>
        %or3A_613 = arith.ori %gt3A_609, %and3A_612 : vector<16xi1>
        %select_n3A_614 = arith.select %or3A_613, %gather3A_563, %gather3A_558 : vector<16xi1>, vector<16xf32>
        %select_n3A_615 = arith.select %or3A_613, %gather3A_564, %gather3A_559 : vector<16xi1>, vector<16xi32>
        %gt3A_616 = arith.cmpf ogt, %select_n3A_572, %select_n3A : vector<16xf32>
        %eq3A_617 = arith.cmpf oeq, %select_n3A_572, %select_n3A : vector<16xf32>
        %lt3A_618 = arith.cmpi slt, %select_n3A_573, %select_n3A_566 : vector<16xi32>
        %and3A_619 = arith.andi %eq3A_617, %lt3A_618 : vector<16xi1>
        %or3A_620 = arith.ori %gt3A_616, %and3A_619 : vector<16xi1>
        %select_n3A_621 = arith.select %or3A_620, %select_n3A_572, %select_n3A : vector<16xi1>, vector<16xf32>
        %select_n3A_622 = arith.select %or3A_620, %select_n3A_573, %select_n3A_566 : vector<16xi1>, vector<16xi32>
        %gt3A_623 = arith.cmpf ogt, %select_n3A_586, %select_n3A_579 : vector<16xf32>
        %eq3A_624 = arith.cmpf oeq, %select_n3A_586, %select_n3A_579 : vector<16xf32>
        %lt3A_625 = arith.cmpi slt, %select_n3A_587, %select_n3A_580 : vector<16xi32>
        %and3A_626 = arith.andi %eq3A_624, %lt3A_625 : vector<16xi1>
        %or3A_627 = arith.ori %gt3A_623, %and3A_626 : vector<16xi1>
        %select_n3A_628 = arith.select %or3A_627, %select_n3A_586, %select_n3A_579 : vector<16xi1>, vector<16xf32>
        %select_n3A_629 = arith.select %or3A_627, %select_n3A_587, %select_n3A_580 : vector<16xi1>, vector<16xi32>
        %gt3A_630 = arith.cmpf ogt, %select_n3A_600, %select_n3A_593 : vector<16xf32>
        %eq3A_631 = arith.cmpf oeq, %select_n3A_600, %select_n3A_593 : vector<16xf32>
        %lt3A_632 = arith.cmpi slt, %select_n3A_601, %select_n3A_594 : vector<16xi32>
        %and3A_633 = arith.andi %eq3A_631, %lt3A_632 : vector<16xi1>
        %or3A_634 = arith.ori %gt3A_630, %and3A_633 : vector<16xi1>
        %select_n3A_635 = arith.select %or3A_634, %select_n3A_600, %select_n3A_593 : vector<16xi1>, vector<16xf32>
        %select_n3A_636 = arith.select %or3A_634, %select_n3A_601, %select_n3A_594 : vector<16xi1>, vector<16xi32>
        %gt3A_637 = arith.cmpf ogt, %select_n3A_614, %select_n3A_607 : vector<16xf32>
        %eq3A_638 = arith.cmpf oeq, %select_n3A_614, %select_n3A_607 : vector<16xf32>
        %lt3A_639 = arith.cmpi slt, %select_n3A_615, %select_n3A_608 : vector<16xi32>
        %and3A_640 = arith.andi %eq3A_638, %lt3A_639 : vector<16xi1>
        %or3A_641 = arith.ori %gt3A_637, %and3A_640 : vector<16xi1>
        %select_n3A_642 = arith.select %or3A_641, %select_n3A_614, %select_n3A_607 : vector<16xi1>, vector<16xf32>
        %select_n3A_643 = arith.select %or3A_641, %select_n3A_615, %select_n3A_608 : vector<16xi1>, vector<16xi32>
        %gt3A_644 = arith.cmpf ogt, %select_n3A_628, %select_n3A_621 : vector<16xf32>
        %eq3A_645 = arith.cmpf oeq, %select_n3A_628, %select_n3A_621 : vector<16xf32>
        %lt3A_646 = arith.cmpi slt, %select_n3A_629, %select_n3A_622 : vector<16xi32>
        %and3A_647 = arith.andi %eq3A_645, %lt3A_646 : vector<16xi1>
        %or3A_648 = arith.ori %gt3A_644, %and3A_647 : vector<16xi1>
        %select_n3A_649 = arith.select %or3A_648, %select_n3A_628, %select_n3A_621 : vector<16xi1>, vector<16xf32>
        %select_n3A_650 = arith.select %or3A_648, %select_n3A_629, %select_n3A_622 : vector<16xi1>, vector<16xi32>
        %gt3A_651 = arith.cmpf ogt, %select_n3A_642, %select_n3A_635 : vector<16xf32>
        %eq3A_652 = arith.cmpf oeq, %select_n3A_642, %select_n3A_635 : vector<16xf32>
        %lt3A_653 = arith.cmpi slt, %select_n3A_643, %select_n3A_636 : vector<16xi32>
        %and3A_654 = arith.andi %eq3A_652, %lt3A_653 : vector<16xi1>
        %or3A_655 = arith.ori %gt3A_651, %and3A_654 : vector<16xi1>
        %select_n3A_656 = arith.select %or3A_655, %select_n3A_642, %select_n3A_635 : vector<16xi1>, vector<16xf32>
        %select_n3A_657 = arith.select %or3A_655, %select_n3A_643, %select_n3A_636 : vector<16xi1>, vector<16xi32>
        %gt3A_658 = arith.cmpf ogt, %select_n3A_656, %select_n3A_649 : vector<16xf32>
        %eq3A_659 = arith.cmpf oeq, %select_n3A_656, %select_n3A_649 : vector<16xf32>
        %lt3A_660 = arith.cmpi slt, %select_n3A_657, %select_n3A_650 : vector<16xi32>
        %and3A_661 = arith.andi %eq3A_659, %lt3A_660 : vector<16xi1>
        %or3A_662 = arith.ori %gt3A_658, %and3A_661 : vector<16xi1>
        %select_n3A_663 = arith.select %or3A_662, %select_n3A_656, %select_n3A_649 : vector<16xi1>, vector<16xf32>
        %select_n3A_664 = arith.select %or3A_662, %select_n3A_657, %select_n3A_650 : vector<16xi1>, vector<16xi32>
        tpu.vector_store_idx %arg5[%select_n3A_664], %broadcast_in_dim3A_3 : memref<256xf32, #tpu.memory_space<vmem>>[vector<16xi32>], vector<16xf32>,
        %scan3A_665 = arith.constant 0 : i32
        scf.yield %scan3A_665 : i32
      }
      %scan3A_471 = arith.constant 4 : i32
      %add3A_472 = arith.constant 3 : i32
      %add3A_473 = arith.addi %mul3A_418, %add3A_472 : i32
      %lt3A_474 = arith.constant 32 : i32
      %lt3A_475 = arith.cmpi slt, %add3A_473, %lt3A_474 : i32
      %convert_element_type3A_476 = arith.extui %lt3A_475 : i1 to i32
      %cond3A_477 = arith.constant 0 : i32
      %cond3A_478 = arith.cmpi ne, %convert_element_type3A_476, %cond3A_477 : i32
      scf.if %cond3A_478 {
        %add3A_480 = arith.constant 3 : i32
        %add3A_481 = arith.addi %mul3A_418, %add3A_480 : i32
        %mul3A_482 = arith.constant 64 : i32
        %mul3A_483 = arith.muli %add3A_481, %mul3A_482 : i32
        %dma_start3A_484 = arith.constant 1 : i32
        %dma_start3A_485 = arith.constant 0 : i32
        %dma_start3A_486 = arith.constant 0 : i32
        %dma_start3A_487 = tpu.memref_slice %arg4[%dma_start3A_484, %dma_start3A_485, %dma_start3A_486] : memref<2x64x256xf32, #tpu.memory_space<vmem>> -> memref<1x64x256xf32, #tpu.memory_space<vmem>>
        %dma_start3A_488 = tpu.memref_squeeze %dma_start3A_487 : memref<1x64x256xf32, #tpu.memory_space<vmem>> -> memref<64x256xf32, #tpu.memory_space<vmem>>
        %dma_start3A_489 = arith.constant 0 : i32
        %dma_start3A_490 = tpu.memref_slice %arg2[%add3A_41, %mul3A_483, %dma_start3A_489] : memref<64x2048x256xf32, #tpu.memory_space<hbm>> -> memref<1x64x256xf32, #tpu.memory_space<hbm>>
        %dma_start3A_491 = tpu.memref_squeeze %dma_start3A_490 : memref<1x64x256xf32, #tpu.memory_space<hbm>> -> memref<64x256xf32, #tpu.memory_space<hbm>>
        %dma_start3A_492 = arith.constant 0 : i32
        %dma_start3A_493 = arith.constant 0 : i32
        %dma_start3A_494 = tpu.memref_slice %arg4[%dma_start3A_484, %dma_start3A_492, %dma_start3A_493] : memref<2x64x256xf32, #tpu.memory_space<vmem>> -> memref<1x64x256xf32, #tpu.memory_space<vmem>>
        %dma_start3A_495 = tpu.memref_squeeze %dma_start3A_494 : memref<1x64x256xf32, #tpu.memory_space<vmem>> -> memref<64x256xf32, #tpu.memory_space<vmem>>
        %dma_start3A_496 = arith.constant 0 : i32
        %dma_start3A_497 = tpu.memref_slice %arg2[%add3A_41, %mul3A_483, %dma_start3A_496] : memref<64x2048x256xf32, #tpu.memory_space<hbm>> -> memref<1x64x256xf32, #tpu.memory_space<hbm>>
        %dma_start3A_498 = tpu.memref_squeeze %dma_start3A_497 : memref<1x64x256xf32, #tpu.memory_space<hbm>> -> memref<64x256xf32, #tpu.memory_space<hbm>>
        tpu.enqueue_dma source(%dma_start3A_498 : memref<64x256xf32, #tpu.memory_space<hbm>>) target(%dma_start3A_495 : memref<64x256xf32, #tpu.memory_space<vmem>>) target_semaphore(%arg10 : memref<!tpu.dma_semaphore, #tpu.memory_space<semaphore_mem>>)
      } else {
      }
      %scan3A_479 = arith.constant 0 : i32
      scf.yield %scan3A_479 : i32
    }
    %scan3A_112 = arith.constant 16 : i32
    %get3A = arith.constant 0 : index
    %get3A_113 = tpu.vector_load %arg6[%get3A] {strides = array<i32>} : memref<256xf32, #tpu.memory_space<vmem>>, vector<16xf32>,
    %get3A_114 = arith.constant 0 : index
    %get3A_115 = tpu.vector_load %arg5[%get3A_114] {strides = array<i32>} : memref<256xf32, #tpu.memory_space<vmem>>, vector<16xf32>,
    %add3A_116 = arith.addf %get3A_113, %get3A_115 : vector<16xf32>
    %swap3A_117 = arith.constant 0 : index
    %swap3A_118 = tpu.vector_load %arg6[%swap3A_117] {strides = array<i32>} : memref<256xf32, #tpu.memory_space<vmem>>, vector<16xf32>,
    tpu.vector_store %arg6[%swap3A_117], %add3A_116 {strides = array<i32>} : memref<256xf32, #tpu.memory_space<vmem>>, vector<16xf32>,
    %get3A_119 = arith.constant 16 : index
    %get3A_120 = tpu.vector_load %arg6[%get3A_119] {strides = array<i32>} : memref<256xf32, #tpu.memory_space<vmem>>, vector<16xf32>,
    %get3A_121 = arith.constant 16 : index
    %get3A_122 = tpu.vector_load %arg5[%get3A_121] {strides = array<i32>} : memref<256xf32, #tpu.memory_space<vmem>>, vector<16xf32>,
    %add3A_123 = arith.addf %get3A_120, %get3A_122 : vector<16xf32>
    %swap3A_124 = arith.constant 16 : index
    %swap3A_125 = tpu.vector_load %arg6[%swap3A_124] {strides = array<i32>} : memref<256xf32, #tpu.memory_space<vmem>>, vector<16xf32>,
    tpu.vector_store %arg6[%swap3A_124], %add3A_123 {strides = array<i32>} : memref<256xf32, #tpu.memory_space<vmem>>, vector<16xf32>,
    %get3A_126 = arith.constant 32 : index
    %get3A_127 = tpu.vector_load %arg6[%get3A_126] {strides = array<i32>} : memref<256xf32, #tpu.memory_space<vmem>>, vector<16xf32>,
    %get3A_128 = arith.constant 32 : index
    %get3A_129 = tpu.vector_load %arg5[%get3A_128] {strides = array<i32>} : memref<256xf32, #tpu.memory_space<vmem>>, vector<16xf32>,
    %add3A_130 = arith.addf %get3A_127, %get3A_129 : vector<16xf32>
    %swap3A_131 = arith.constant 32 : index
    %swap3A_132 = tpu.vector_load %arg6[%swap3A_131] {strides = array<i32>} : memref<256xf32, #tpu.memory_space<vmem>>, vector<16xf32>,
    tpu.vector_store %arg6[%swap3A_131], %add3A_130 {strides = array<i32>} : memref<256xf32, #tpu.memory_space<vmem>>, vector<16xf32>,
    %get3A_133 = arith.constant 48 : index
    %get3A_134 = tpu.vector_load %arg6[%get3A_133] {strides = array<i32>} : memref<256xf32, #tpu.memory_space<vmem>>, vector<16xf32>,
    %get3A_135 = arith.constant 48 : index
    %get3A_136 = tpu.vector_load %arg5[%get3A_135] {strides = array<i32>} : memref<256xf32, #tpu.memory_space<vmem>>, vector<16xf32>,
    %add3A_137 = arith.addf %get3A_134, %get3A_136 : vector<16xf32>
    %swap3A_138 = arith.constant 48 : index
    %swap3A_139 = tpu.vector_load %arg6[%swap3A_138] {strides = array<i32>} : memref<256xf32, #tpu.memory_space<vmem>>, vector<16xf32>,
    tpu.vector_store %arg6[%swap3A_138], %add3A_137 {strides = array<i32>} : memref<256xf32, #tpu.memory_space<vmem>>, vector<16xf32>,
    %get3A_140 = arith.constant 64 : index
    %get3A_141 = tpu.vector_load %arg6[%get3A_140] {strides = array<i32>} : memref<256xf32, #tpu.memory_space<vmem>>, vector<16xf32>,
    %get3A_142 = arith.constant 64 : index
    %get3A_143 = tpu.vector_load %arg5[%get3A_142] {strides = array<i32>} : memref<256xf32, #tpu.memory_space<vmem>>, vector<16xf32>,
    %add3A_144 = arith.addf %get3A_141, %get3A_143 : vector<16xf32>
    %swap3A_145 = arith.constant 64 : index
    %swap3A_146 = tpu.vector_load %arg6[%swap3A_145] {strides = array<i32>} : memref<256xf32, #tpu.memory_space<vmem>>, vector<16xf32>,
    tpu.vector_store %arg6[%swap3A_145], %add3A_144 {strides = array<i32>} : memref<256xf32, #tpu.memory_space<vmem>>, vector<16xf32>,
    %get3A_147 = arith.constant 80 : index
    %get3A_148 = tpu.vector_load %arg6[%get3A_147] {strides = array<i32>} : memref<256xf32, #tpu.memory_space<vmem>>, vector<16xf32>,
    %get3A_149 = arith.constant 80 : index
    %get3A_150 = tpu.vector_load %arg5[%get3A_149] {strides = array<i32>} : memref<256xf32, #tpu.memory_space<vmem>>, vector<16xf32>,
    %add3A_151 = arith.addf %get3A_148, %get3A_150 : vector<16xf32>
    %swap3A_152 = arith.constant 80 : index
    %swap3A_153 = tpu.vector_load %arg6[%swap3A_152] {strides = array<i32>} : memref<256xf32, #tpu.memory_space<vmem>>, vector<16xf32>,
    tpu.vector_store %arg6[%swap3A_152], %add3A_151 {strides = array<i32>} : memref<256xf32, #tpu.memory_space<vmem>>, vector<16xf32>,
    %get3A_154 = arith.constant 96 : index
    %get3A_155 = tpu.vector_load %arg6[%get3A_154] {strides = array<i32>} : memref<256xf32, #tpu.memory_space<vmem>>, vector<16xf32>,
    %get3A_156 = arith.constant 96 : index
    %get3A_157 = tpu.vector_load %arg5[%get3A_156] {strides = array<i32>} : memref<256xf32, #tpu.memory_space<vmem>>, vector<16xf32>,
    %add3A_158 = arith.addf %get3A_155, %get3A_157 : vector<16xf32>
    %swap3A_159 = arith.constant 96 : index
    %swap3A_160 = tpu.vector_load %arg6[%swap3A_159] {strides = array<i32>} : memref<256xf32, #tpu.memory_space<vmem>>, vector<16xf32>,
    tpu.vector_store %arg6[%swap3A_159], %add3A_158 {strides = array<i32>} : memref<256xf32, #tpu.memory_space<vmem>>, vector<16xf32>,
    %get3A_161 = arith.constant 112 : index
    %get3A_162 = tpu.vector_load %arg6[%get3A_161] {strides = array<i32>} : memref<256xf32, #tpu.memory_space<vmem>>, vector<16xf32>,
    %get3A_163 = arith.constant 112 : index
    %get3A_164 = tpu.vector_load %arg5[%get3A_163] {strides = array<i32>} : memref<256xf32, #tpu.memory_space<vmem>>, vector<16xf32>,
    %add3A_165 = arith.addf %get3A_162, %get3A_164 : vector<16xf32>
    %swap3A_166 = arith.constant 112 : index
    %swap3A_167 = tpu.vector_load %arg6[%swap3A_166] {strides = array<i32>} : memref<256xf32, #tpu.memory_space<vmem>>, vector<16xf32>,
    tpu.vector_store %arg6[%swap3A_166], %add3A_165 {strides = array<i32>} : memref<256xf32, #tpu.memory_space<vmem>>, vector<16xf32>,
    %get3A_168 = arith.constant 128 : index
    %get3A_169 = tpu.vector_load %arg6[%get3A_168] {strides = array<i32>} : memref<256xf32, #tpu.memory_space<vmem>>, vector<16xf32>,
    %get3A_170 = arith.constant 128 : index
    %get3A_171 = tpu.vector_load %arg5[%get3A_170] {strides = array<i32>} : memref<256xf32, #tpu.memory_space<vmem>>, vector<16xf32>,
    %add3A_172 = arith.addf %get3A_169, %get3A_171 : vector<16xf32>
    %swap3A_173 = arith.constant 128 : index
    %swap3A_174 = tpu.vector_load %arg6[%swap3A_173] {strides = array<i32>} : memref<256xf32, #tpu.memory_space<vmem>>, vector<16xf32>,
    tpu.vector_store %arg6[%swap3A_173], %add3A_172 {strides = array<i32>} : memref<256xf32, #tpu.memory_space<vmem>>, vector<16xf32>,
    %get3A_175 = arith.constant 144 : index
    %get3A_176 = tpu.vector_load %arg6[%get3A_175] {strides = array<i32>} : memref<256xf32, #tpu.memory_space<vmem>>, vector<16xf32>,
    %get3A_177 = arith.constant 144 : index
    %get3A_178 = tpu.vector_load %arg5[%get3A_177] {strides = array<i32>} : memref<256xf32, #tpu.memory_space<vmem>>, vector<16xf32>,
    %add3A_179 = arith.addf %get3A_176, %get3A_178 : vector<16xf32>
    %swap3A_180 = arith.constant 144 : index
    %swap3A_181 = tpu.vector_load %arg6[%swap3A_180] {strides = array<i32>} : memref<256xf32, #tpu.memory_space<vmem>>, vector<16xf32>,
    tpu.vector_store %arg6[%swap3A_180], %add3A_179 {strides = array<i32>} : memref<256xf32, #tpu.memory_space<vmem>>, vector<16xf32>,
    %get3A_182 = arith.constant 160 : index
    %get3A_183 = tpu.vector_load %arg6[%get3A_182] {strides = array<i32>} : memref<256xf32, #tpu.memory_space<vmem>>, vector<16xf32>,
    %get3A_184 = arith.constant 160 : index
    %get3A_185 = tpu.vector_load %arg5[%get3A_184] {strides = array<i32>} : memref<256xf32, #tpu.memory_space<vmem>>, vector<16xf32>,
    %add3A_186 = arith.addf %get3A_183, %get3A_185 : vector<16xf32>
    %swap3A_187 = arith.constant 160 : index
    %swap3A_188 = tpu.vector_load %arg6[%swap3A_187] {strides = array<i32>} : memref<256xf32, #tpu.memory_space<vmem>>, vector<16xf32>,
    tpu.vector_store %arg6[%swap3A_187], %add3A_186 {strides = array<i32>} : memref<256xf32, #tpu.memory_space<vmem>>, vector<16xf32>,
    %get3A_189 = arith.constant 176 : index
    %get3A_190 = tpu.vector_load %arg6[%get3A_189] {strides = array<i32>} : memref<256xf32, #tpu.memory_space<vmem>>, vector<16xf32>,
    %get3A_191 = arith.constant 176 : index
    %get3A_192 = tpu.vector_load %arg5[%get3A_191] {strides = array<i32>} : memref<256xf32, #tpu.memory_space<vmem>>, vector<16xf32>,
    %add3A_193 = arith.addf %get3A_190, %get3A_192 : vector<16xf32>
    %swap3A_194 = arith.constant 176 : index
    %swap3A_195 = tpu.vector_load %arg6[%swap3A_194] {strides = array<i32>} : memref<256xf32, #tpu.memory_space<vmem>>, vector<16xf32>,
    tpu.vector_store %arg6[%swap3A_194], %add3A_193 {strides = array<i32>} : memref<256xf32, #tpu.memory_space<vmem>>, vector<16xf32>,
    %get3A_196 = arith.constant 192 : index
    %get3A_197 = tpu.vector_load %arg6[%get3A_196] {strides = array<i32>} : memref<256xf32, #tpu.memory_space<vmem>>, vector<16xf32>,
    %get3A_198 = arith.constant 192 : index
    %get3A_199 = tpu.vector_load %arg5[%get3A_198] {strides = array<i32>} : memref<256xf32, #tpu.memory_space<vmem>>, vector<16xf32>,
    %add3A_200 = arith.addf %get3A_197, %get3A_199 : vector<16xf32>
    %swap3A_201 = arith.constant 192 : index
    %swap3A_202 = tpu.vector_load %arg6[%swap3A_201] {strides = array<i32>} : memref<256xf32, #tpu.memory_space<vmem>>, vector<16xf32>,
    tpu.vector_store %arg6[%swap3A_201], %add3A_200 {strides = array<i32>} : memref<256xf32, #tpu.memory_space<vmem>>, vector<16xf32>,
    %get3A_203 = arith.constant 208 : index
    %get3A_204 = tpu.vector_load %arg6[%get3A_203] {strides = array<i32>} : memref<256xf32, #tpu.memory_space<vmem>>, vector<16xf32>,
    %get3A_205 = arith.constant 208 : index
    %get3A_206 = tpu.vector_load %arg5[%get3A_205] {strides = array<i32>} : memref<256xf32, #tpu.memory_space<vmem>>, vector<16xf32>,
    %add3A_207 = arith.addf %get3A_204, %get3A_206 : vector<16xf32>
    %swap3A_208 = arith.constant 208 : index
    %swap3A_209 = tpu.vector_load %arg6[%swap3A_208] {strides = array<i32>} : memref<256xf32, #tpu.memory_space<vmem>>, vector<16xf32>,
    tpu.vector_store %arg6[%swap3A_208], %add3A_207 {strides = array<i32>} : memref<256xf32, #tpu.memory_space<vmem>>, vector<16xf32>,
    %get3A_210 = arith.constant 224 : index
    %get3A_211 = tpu.vector_load %arg6[%get3A_210] {strides = array<i32>} : memref<256xf32, #tpu.memory_space<vmem>>, vector<16xf32>,
    %get3A_212 = arith.constant 224 : index
    %get3A_213 = tpu.vector_load %arg5[%get3A_212] {strides = array<i32>} : memref<256xf32, #tpu.memory_space<vmem>>, vector<16xf32>,
    %add3A_214 = arith.addf %get3A_211, %get3A_213 : vector<16xf32>
    %swap3A_215 = arith.constant 224 : index
    %swap3A_216 = tpu.vector_load %arg6[%swap3A_215] {strides = array<i32>} : memref<256xf32, #tpu.memory_space<vmem>>, vector<16xf32>,
    tpu.vector_store %arg6[%swap3A_215], %add3A_214 {strides = array<i32>} : memref<256xf32, #tpu.memory_space<vmem>>, vector<16xf32>,
    %get3A_217 = arith.constant 240 : index
    %get3A_218 = tpu.vector_load %arg6[%get3A_217] {strides = array<i32>} : memref<256xf32, #tpu.memory_space<vmem>>, vector<16xf32>,
    %get3A_219 = arith.constant 240 : index
    %get3A_220 = tpu.vector_load %arg5[%get3A_219] {strides = array<i32>} : memref<256xf32, #tpu.memory_space<vmem>>, vector<16xf32>,
    %add3A_221 = arith.addf %get3A_218, %get3A_220 : vector<16xf32>
    %swap3A_222 = arith.constant 240 : index
    %swap3A_223 = tpu.vector_load %arg6[%swap3A_222] {strides = array<i32>} : memref<256xf32, #tpu.memory_space<vmem>>, vector<16xf32>,
    tpu.vector_store %arg6[%swap3A_222], %add3A_221 {strides = array<i32>} : memref<256xf32, #tpu.memory_space<vmem>>, vector<16xf32>,
    %mul3A_224 = arith.constant 2 : i32
    %mul3A_225 = arith.muli %add3A, %mul3A_224 : i32
    %add3A_226 = arith.constant 1 : i32
    %add3A_227 = arith.addi %mul3A_225, %add3A_226 : i32
    %swap3A_228 = arith.constant 0 : index
    %swap3A_229 = tpu.vector_load %arg5[%swap3A_228] {strides = array<i32>} : memref<256xf32, #tpu.memory_space<vmem>>, vector<16xf32>,
    tpu.vector_store %arg5[%swap3A_228], %broadcast_in_dim3A_1 {strides = array<i32>} : memref<256xf32, #tpu.memory_space<vmem>>, vector<16xf32>,
    %swap3A_230 = arith.constant 16 : index
    %swap3A_231 = tpu.vector_load %arg5[%swap3A_230] {strides = array<i32>} : memref<256xf32, #tpu.memory_space<vmem>>, vector<16xf32>,
    tpu.vector_store %arg5[%swap3A_230], %broadcast_in_dim3A_1 {strides = array<i32>} : memref<256xf32, #tpu.memory_space<vmem>>, vector<16xf32>,
    %swap3A_232 = arith.constant 32 : index
    %swap3A_233 = tpu.vector_load %arg5[%swap3A_232] {strides = array<i32>} : memref<256xf32, #tpu.memory_space<vmem>>, vector<16xf32>,
    tpu.vector_store %arg5[%swap3A_232], %broadcast_in_dim3A_1 {strides = array<i32>} : memref<256xf32, #tpu.memory_space<vmem>>, vector<16xf32>,
    %swap3A_234 = arith.constant 48 : index
    %swap3A_235 = tpu.vector_load %arg5[%swap3A_234] {strides = array<i32>} : memref<256xf32, #tpu.memory_space<vmem>>, vector<16xf32>,
    tpu.vector_store %arg5[%swap3A_234], %broadcast_in_dim3A_1 {strides = array<i32>} : memref<256xf32, #tpu.memory_space<vmem>>, vector<16xf32>,
    %swap3A_236 = arith.constant 64 : index
    %swap3A_237 = tpu.vector_load %arg5[%swap3A_236] {strides = array<i32>} : memref<256xf32, #tpu.memory_space<vmem>>, vector<16xf32>,
    tpu.vector_store %arg5[%swap3A_236], %broadcast_in_dim3A_1 {strides = array<i32>} : memref<256xf32, #tpu.memory_space<vmem>>, vector<16xf32>,
    %swap3A_238 = arith.constant 80 : index
    %swap3A_239 = tpu.vector_load %arg5[%swap3A_238] {strides = array<i32>} : memref<256xf32, #tpu.memory_space<vmem>>, vector<16xf32>,
    tpu.vector_store %arg5[%swap3A_238], %broadcast_in_dim3A_1 {strides = array<i32>} : memref<256xf32, #tpu.memory_space<vmem>>, vector<16xf32>,
    %swap3A_240 = arith.constant 96 : index
    %swap3A_241 = tpu.vector_load %arg5[%swap3A_240] {strides = array<i32>} : memref<256xf32, #tpu.memory_space<vmem>>, vector<16xf32>,
    tpu.vector_store %arg5[%swap3A_240], %broadcast_in_dim3A_1 {strides = array<i32>} : memref<256xf32, #tpu.memory_space<vmem>>, vector<16xf32>,
    %swap3A_242 = arith.constant 112 : index
    %swap3A_243 = tpu.vector_load %arg5[%swap3A_242] {strides = array<i32>} : memref<256xf32, #tpu.memory_space<vmem>>, vector<16xf32>,
    tpu.vector_store %arg5[%swap3A_242], %broadcast_in_dim3A_1 {strides = array<i32>} : memref<256xf32, #tpu.memory_space<vmem>>, vector<16xf32>,
    %swap3A_244 = arith.constant 128 : index
    %swap3A_245 = tpu.vector_load %arg5[%swap3A_244] {strides = array<i32>} : memref<256xf32, #tpu.memory_space<vmem>>, vector<16xf32>,
    tpu.vector_store %arg5[%swap3A_244], %broadcast_in_dim3A_1 {strides = array<i32>} : memref<256xf32, #tpu.memory_space<vmem>>, vector<16xf32>,
    %swap3A_246 = arith.constant 144 : index
    %swap3A_247 = tpu.vector_load %arg5[%swap3A_246] {strides = array<i32>} : memref<256xf32, #tpu.memory_space<vmem>>, vector<16xf32>,
    tpu.vector_store %arg5[%swap3A_246], %broadcast_in_dim3A_1 {strides = array<i32>} : memref<256xf32, #tpu.memory_space<vmem>>, vector<16xf32>,
    %swap3A_248 = arith.constant 160 : index
    %swap3A_249 = tpu.vector_load %arg5[%swap3A_248] {strides = array<i32>} : memref<256xf32, #tpu.memory_space<vmem>>, vector<16xf32>,
    tpu.vector_store %arg5[%swap3A_248], %broadcast_in_dim3A_1 {strides = array<i32>} : memref<256xf32, #tpu.memory_space<vmem>>, vector<16xf32>,
    %swap3A_250 = arith.constant 176 : index
    %swap3A_251 = tpu.vector_load %arg5[%swap3A_250] {strides = array<i32>} : memref<256xf32, #tpu.memory_space<vmem>>, vector<16xf32>,
    tpu.vector_store %arg5[%swap3A_250], %broadcast_in_dim3A_1 {strides = array<i32>} : memref<256xf32, #tpu.memory_space<vmem>>, vector<16xf32>,
    %swap3A_252 = arith.constant 192 : index
    %swap3A_253 = tpu.vector_load %arg5[%swap3A_252] {strides = array<i32>} : memref<256xf32, #tpu.memory_space<vmem>>, vector<16xf32>,
    tpu.vector_store %arg5[%swap3A_252], %broadcast_in_dim3A_1 {strides = array<i32>} : memref<256xf32, #tpu.memory_space<vmem>>, vector<16xf32>,
    %swap3A_254 = arith.constant 208 : index
    %swap3A_255 = tpu.vector_load %arg5[%swap3A_254] {strides = array<i32>} : memref<256xf32, #tpu.memory_space<vmem>>, vector<16xf32>,
    tpu.vector_store %arg5[%swap3A_254], %broadcast_in_dim3A_1 {strides = array<i32>} : memref<256xf32, #tpu.memory_space<vmem>>, vector<16xf32>,
    %swap3A_256 = arith.constant 224 : index
    %swap3A_257 = tpu.vector_load %arg5[%swap3A_256] {strides = array<i32>} : memref<256xf32, #tpu.memory_space<vmem>>, vector<16xf32>,
    tpu.vector_store %arg5[%swap3A_256], %broadcast_in_dim3A_1 {strides = array<i32>} : memref<256xf32, #tpu.memory_space<vmem>>, vector<16xf32>,
    %swap3A_258 = arith.constant 240 : index
    %swap3A_259 = tpu.vector_load %arg5[%swap3A_258] {strides = array<i32>} : memref<256xf32, #tpu.memory_space<vmem>>, vector<16xf32>,
    tpu.vector_store %arg5[%swap3A_258], %broadcast_in_dim3A_1 {strides = array<i32>} : memref<256xf32, #tpu.memory_space<vmem>>, vector<16xf32>,
    %dma_start3A_260 = arith.constant 0 : i32
    %dma_start3A_261 = arith.constant 0 : i32
    %dma_start3A_262 = arith.constant 0 : i32
    %dma_start3A_263 = tpu.memref_slice %arg4[%dma_start3A_260, %dma_start3A_261, %dma_start3A_262] : memref<2x64x256xf32, #tpu.memory_space<vmem>> -> memref<1x64x256xf32, #tpu.memory_space<vmem>>
    %dma_start3A_264 = tpu.memref_squeeze %dma_start3A_263 : memref<1x64x256xf32, #tpu.memory_space<vmem>> -> memref<64x256xf32, #tpu.memory_space<vmem>>
    %dma_start3A_265 = arith.constant 0 : i32
    %dma_start3A_266 = arith.constant 0 : i32
    %dma_start3A_267 = tpu.memref_slice %arg2[%add3A_227, %dma_start3A_265, %dma_start3A_266] : memref<64x2048x256xf32, #tpu.memory_space<hbm>> -> memref<1x64x256xf32, #tpu.memory_space<hbm>>
    %dma_start3A_268 = tpu.memref_squeeze %dma_start3A_267 : memref<1x64x256xf32, #tpu.memory_space<hbm>> -> memref<64x256xf32, #tpu.memory_space<hbm>>
    %dma_start3A_269 = arith.constant 0 : i32
    %dma_start3A_270 = arith.constant 0 : i32
    %dma_start3A_271 = tpu.memref_slice %arg4[%dma_start3A_260, %dma_start3A_269, %dma_start3A_270] : memref<2x64x256xf32, #tpu.memory_space<vmem>> -> memref<1x64x256xf32, #tpu.memory_space<vmem>>
    %dma_start3A_272 = tpu.memref_squeeze %dma_start3A_271 : memref<1x64x256xf32, #tpu.memory_space<vmem>> -> memref<64x256xf32, #tpu.memory_space<vmem>>
    %dma_start3A_273 = arith.constant 0 : i32
    %dma_start3A_274 = arith.constant 0 : i32
    %dma_start3A_275 = tpu.memref_slice %arg2[%add3A_227, %dma_start3A_273, %dma_start3A_274] : memref<64x2048x256xf32, #tpu.memory_space<hbm>> -> memref<1x64x256xf32, #tpu.memory_space<hbm>>
    %dma_start3A_276 = tpu.memref_squeeze %dma_start3A_275 : memref<1x64x256xf32, #tpu.memory_space<hbm>> -> memref<64x256xf32, #tpu.memory_space<hbm>>
    tpu.enqueue_dma source(%dma_start3A_276 : memref<64x256xf32, #tpu.memory_space<hbm>>) target(%dma_start3A_272 : memref<64x256xf32, #tpu.memory_space<vmem>>) target_semaphore(%arg9 : memref<!tpu.dma_semaphore, #tpu.memory_space<semaphore_mem>>)
    %dma_start3A_277 = arith.constant 1 : i32
    %dma_start3A_278 = arith.constant 0 : i32
    %dma_start3A_279 = arith.constant 0 : i32
    %dma_start3A_280 = tpu.memref_slice %arg4[%dma_start3A_277, %dma_start3A_278, %dma_start3A_279] : memref<2x64x256xf32, #tpu.memory_space<vmem>> -> memref<1x64x256xf32, #tpu.memory_space<vmem>>
    %dma_start3A_281 = tpu.memref_squeeze %dma_start3A_280 : memref<1x64x256xf32, #tpu.memory_space<vmem>> -> memref<64x256xf32, #tpu.memory_space<vmem>>
    %dma_start3A_282 = arith.constant 64 : i32
    %dma_start3A_283 = arith.constant 0 : i32
    %dma_start3A_284 = tpu.memref_slice %arg2[%add3A_227, %dma_start3A_282, %dma_start3A_283] : memref<64x2048x256xf32, #tpu.memory_space<hbm>> -> memref<1x64x256xf32, #tpu.memory_space<hbm>>
    %dma_start3A_285 = tpu.memref_squeeze %dma_start3A_284 : memref<1x64x256xf32, #tpu.memory_space<hbm>> -> memref<64x256xf32, #tpu.memory_space<hbm>>
    %dma_start3A_286 = arith.constant 0 : i32
    %dma_start3A_287 = arith.constant 0 : i32
    %dma_start3A_288 = tpu.memref_slice %arg4[%dma_start3A_277, %dma_start3A_286, %dma_start3A_287] : memref<2x64x256xf32, #tpu.memory_space<vmem>> -> memref<1x64x256xf32, #tpu.memory_space<vmem>>
    %dma_start3A_289 = tpu.memref_squeeze %dma_start3A_288 : memref<1x64x256xf32, #tpu.memory_space<vmem>> -> memref<64x256xf32, #tpu.memory_space<vmem>>
    %dma_start3A_290 = arith.constant 64 : i32
    %dma_start3A_291 = arith.constant 0 : i32
    %dma_start3A_292 = tpu.memref_slice %arg2[%add3A_227, %dma_start3A_290, %dma_start3A_291] : memref<64x2048x256xf32, #tpu.memory_space<hbm>> -> memref<1x64x256xf32, #tpu.memory_space<hbm>>
    %dma_start3A_293 = tpu.memref_squeeze %dma_start3A_292 : memref<1x64x256xf32, #tpu.memory_space<hbm>> -> memref<64x256xf32, #tpu.memory_space<hbm>>
    tpu.enqueue_dma source(%dma_start3A_293 : memref<64x256xf32, #tpu.memory_space<hbm>>) target(%dma_start3A_289 : memref<64x256xf32, #tpu.memory_space<vmem>>) target_semaphore(%arg10 : memref<!tpu.dma_semaphore, #tpu.memory_space<semaphore_mem>>)
    %scan3A_294 = arith.constant 0 : i32
    %scan3A_295 = arith.constant 0 : i32
    %scan3A_296 = arith.constant 16 : i32
    %scan3A_297 = arith.addi %scan3A_295, %scan3A_296 : i32
    %scan3A_298 = arith.constant 1 : i32
    %scan3A_299 = scf.for %scan3A_415 = %scan3A_295 to %scan3A_297 step %scan3A_298 iter_args(%scan3A_416 = %scan3A_294) -> (i32)  : i32 {
      %mul3A_417 = arith.constant 2 : i32
      %mul3A_418 = arith.muli %scan3A_415, %mul3A_417 : i32
      %mul3A_419 = arith.constant 64 : i32
      %mul3A_420 = arith.muli %mul3A_418, %mul3A_419 : i32
      %dma_wait3A = arith.constant 0 : i32
      %dma_wait3A_421 = arith.constant 0 : i32
      %dma_wait3A_422 = arith.constant 0 : i32
      %dma_wait3A_423 = tpu.memref_slice %arg4[%dma_wait3A, %dma_wait3A_421, %dma_wait3A_422] : memref<2x64x256xf32, #tpu.memory_space<vmem>> -> memref<1x64x256xf32, #tpu.memory_space<vmem>>
      %dma_wait3A_424 = tpu.memref_squeeze %dma_wait3A_423 : memref<1x64x256xf32, #tpu.memory_space<vmem>> -> memref<64x256xf32, #tpu.memory_space<vmem>>
      %dma_wait3A_425 = arith.constant 0 : i32
      %dma_wait3A_426 = tpu.memref_slice %arg2[%add3A_227, %mul3A_420, %dma_wait3A_425] : memref<64x2048x256xf32, #tpu.memory_space<hbm>> -> memref<1x64x256xf32, #tpu.memory_space<hbm>>
      %dma_wait3A_427 = tpu.memref_squeeze %dma_wait3A_426 : memref<1x64x256xf32, #tpu.memory_space<hbm>> -> memref<64x256xf32, #tpu.memory_space<hbm>>
      %dma_wait3A_428 = arith.constant 0 : i32
      %dma_wait3A_429 = arith.constant 0 : i32
      %dma_wait3A_430 = tpu.memref_slice %arg4[%dma_wait3A, %dma_wait3A_428, %dma_wait3A_429] : memref<2x64x256xf32, #tpu.memory_space<vmem>> -> memref<1x64x256xf32, #tpu.memory_space<vmem>>
      %dma_wait3A_431 = tpu.memref_squeeze %dma_wait3A_430 : memref<1x64x256xf32, #tpu.memory_space<vmem>> -> memref<64x256xf32, #tpu.memory_space<vmem>>
      %dma_wait3A_432 = arith.constant 0 : i32
      %dma_wait3A_433 = tpu.memref_slice %arg2[%add3A_227, %mul3A_420, %dma_wait3A_432] : memref<64x2048x256xf32, #tpu.memory_space<hbm>> -> memref<1x64x256xf32, #tpu.memory_space<hbm>>
      %dma_wait3A_434 = tpu.memref_squeeze %dma_wait3A_433 : memref<1x64x256xf32, #tpu.memory_space<hbm>> -> memref<64x256xf32, #tpu.memory_space<hbm>>
      tpu.wait_dma2 semaphore(%arg9 : memref<!tpu.dma_semaphore, #tpu.memory_space<semaphore_mem>>) src(%dma_wait3A_434 : memref<64x256xf32, #tpu.memory_space<hbm>>) dst(%dma_wait3A_431 : memref<64x256xf32, #tpu.memory_space<vmem>>)
      %scan3A_435 = arith.constant 0 : i32
      %scan3A_436 = arith.constant 0 : i32
      %scan3A_437 = arith.constant 4 : i32
      %scan3A_438 = arith.addi %scan3A_436, %scan3A_437 : i32
      %scan3A_439 = arith.constant 1 : i32
      %scan3A_440 = scf.for %scan3A_480 = %scan3A_436 to %scan3A_438 step %scan3A_439 iter_args(%scan3A_481 = %scan3A_435) -> (i32)  : i32 {
        %mul3A_482 = arith.constant 16 : i32
        %mul3A_483 = arith.muli %scan3A_480, %mul3A_482 : i32
        %parallel_loop3A = arith.constant 0 : i32
        %parallel_loop3A_484 = arith.constant 16 : i32
        %parallel_loop3A_485 = arith.constant 1 : i32
        scf.for %parallel_loop3A_666 = %parallel_loop3A to %parallel_loop3A_484 step %parallel_loop3A_485  : i32 {
          %parallel_loop3A_667 = arith.addi %mul3A_483, %parallel_loop3A_666 : i32
          %parallel_loop3A_668 = arith.constant 0xFF800000 : f32
          %parallel_loop3A_669 = vector.broadcast %parallel_loop3A_668 : f32 to vector<16xf32>
          %parallel_loop3A_670 = arith.constant 0xFF800000 : f32
          %parallel_loop3A_671 = vector.broadcast %parallel_loop3A_670 : f32 to vector<16xf32>
          %parallel_loop3A_672 = arith.constant 0 : i32
          %parallel_loop3A_673 = vector.broadcast %parallel_loop3A_672 : i32 to vector<16xi32>
          %parallel_loop3A_674 = arith.constant 0 : i32
          %parallel_loop3A_675 = vector.broadcast %parallel_loop3A_674 : i32 to vector<16xi32>
          %parallel_loop3A_676 = arith.constant 0 : i32
          %parallel_loop3A_677 = arith.index_cast %parallel_loop3A_676 : i32 to index
          %parallel_loop3A_678 = arith.index_cast %parallel_loop3A_667 : i32 to index
          %parallel_loop3A_679 = arith.constant 0 : index
          %parallel_loop3A_680 = tpu.vector_load %arg4[%parallel_loop3A_677, %parallel_loop3A_678, %parallel_loop3A_679] {strides = array<i32>} : memref<2x64x256xf32, #tpu.memory_space<vmem>>, vector<16xf32>,
          %parallel_loop3A_681 = arith.cmpf ogt, %parallel_loop3A_680, %parallel_loop3A_669 : vector<16xf32>
          %parallel_loop3A_682 = arith.select %parallel_loop3A_681, %parallel_loop3A_680, %parallel_loop3A_669 : vector<16xi1>, vector<16xf32>
          %parallel_loop3A_683 = arith.constant 0 : i32
          %parallel_loop3A_684 = vector.broadcast %parallel_loop3A_683 : i32 to vector<16xi32>
          %parallel_loop3A_685 = arith.select %parallel_loop3A_681, %parallel_loop3A_684, %parallel_loop3A_673 : vector<16xi1>, vector<16xi32>
          %parallel_loop3A_686 = arith.constant 0 : i32
          %parallel_loop3A_687 = arith.index_cast %parallel_loop3A_686 : i32 to index
          %parallel_loop3A_688 = arith.index_cast %parallel_loop3A_667 : i32 to index
          %parallel_loop3A_689 = arith.constant 16 : index
          %parallel_loop3A_690 = tpu.vector_load %arg4[%parallel_loop3A_687, %parallel_loop3A_688, %parallel_loop3A_689] {strides = array<i32>} : memref<2x64x256xf32, #tpu.memory_space<vmem>>, vector<16xf32>,
          %parallel_loop3A_691 = arith.cmpf ogt, %parallel_loop3A_690, %parallel_loop3A_682 : vector<16xf32>
          %parallel_loop3A_692 = arith.select %parallel_loop3A_691, %parallel_loop3A_690, %parallel_loop3A_682 : vector<16xi1>, vector<16xf32>
          %parallel_loop3A_693 = arith.constant 1 : i32
          %parallel_loop3A_694 = vector.broadcast %parallel_loop3A_693 : i32 to vector<16xi32>
          %parallel_loop3A_695 = arith.select %parallel_loop3A_691, %parallel_loop3A_694, %parallel_loop3A_685 : vector<16xi1>, vector<16xi32>
          %parallel_loop3A_696 = arith.constant 0 : i32
          %parallel_loop3A_697 = arith.index_cast %parallel_loop3A_696 : i32 to index
          %parallel_loop3A_698 = arith.index_cast %parallel_loop3A_667 : i32 to index
          %parallel_loop3A_699 = arith.constant 32 : index
          %parallel_loop3A_700 = tpu.vector_load %arg4[%parallel_loop3A_697, %parallel_loop3A_698, %parallel_loop3A_699] {strides = array<i32>} : memref<2x64x256xf32, #tpu.memory_space<vmem>>, vector<16xf32>,
          %parallel_loop3A_701 = arith.cmpf ogt, %parallel_loop3A_700, %parallel_loop3A_692 : vector<16xf32>
          %parallel_loop3A_702 = arith.select %parallel_loop3A_701, %parallel_loop3A_700, %parallel_loop3A_692 : vector<16xi1>, vector<16xf32>
          %parallel_loop3A_703 = arith.constant 2 : i32
          %parallel_loop3A_704 = vector.broadcast %parallel_loop3A_703 : i32 to vector<16xi32>
          %parallel_loop3A_705 = arith.select %parallel_loop3A_701, %parallel_loop3A_704, %parallel_loop3A_695 : vector<16xi1>, vector<16xi32>
          %parallel_loop3A_706 = arith.constant 0 : i32
          %parallel_loop3A_707 = arith.index_cast %parallel_loop3A_706 : i32 to index
          %parallel_loop3A_708 = arith.index_cast %parallel_loop3A_667 : i32 to index
          %parallel_loop3A_709 = arith.constant 48 : index
          %parallel_loop3A_710 = tpu.vector_load %arg4[%parallel_loop3A_707, %parallel_loop3A_708, %parallel_loop3A_709] {strides = array<i32>} : memref<2x64x256xf32, #tpu.memory_space<vmem>>, vector<16xf32>,
          %parallel_loop3A_711 = arith.cmpf ogt, %parallel_loop3A_710, %parallel_loop3A_702 : vector<16xf32>
          %parallel_loop3A_712 = arith.select %parallel_loop3A_711, %parallel_loop3A_710, %parallel_loop3A_702 : vector<16xi1>, vector<16xf32>
          %parallel_loop3A_713 = arith.constant 3 : i32
          %parallel_loop3A_714 = vector.broadcast %parallel_loop3A_713 : i32 to vector<16xi32>
          %parallel_loop3A_715 = arith.select %parallel_loop3A_711, %parallel_loop3A_714, %parallel_loop3A_705 : vector<16xi1>, vector<16xi32>
          %parallel_loop3A_716 = arith.constant 0 : i32
          %parallel_loop3A_717 = arith.index_cast %parallel_loop3A_716 : i32 to index
          %parallel_loop3A_718 = arith.index_cast %parallel_loop3A_667 : i32 to index
          %parallel_loop3A_719 = arith.constant 64 : index
          %parallel_loop3A_720 = tpu.vector_load %arg4[%parallel_loop3A_717, %parallel_loop3A_718, %parallel_loop3A_719] {strides = array<i32>} : memref<2x64x256xf32, #tpu.memory_space<vmem>>, vector<16xf32>,
          %parallel_loop3A_721 = arith.cmpf ogt, %parallel_loop3A_720, %parallel_loop3A_712 : vector<16xf32>
          %parallel_loop3A_722 = arith.select %parallel_loop3A_721, %parallel_loop3A_720, %parallel_loop3A_712 : vector<16xi1>, vector<16xf32>
          %parallel_loop3A_723 = arith.constant 4 : i32
          %parallel_loop3A_724 = vector.broadcast %parallel_loop3A_723 : i32 to vector<16xi32>
          %parallel_loop3A_725 = arith.select %parallel_loop3A_721, %parallel_loop3A_724, %parallel_loop3A_715 : vector<16xi1>, vector<16xi32>
          %parallel_loop3A_726 = arith.constant 0 : i32
          %parallel_loop3A_727 = arith.index_cast %parallel_loop3A_726 : i32 to index
          %parallel_loop3A_728 = arith.index_cast %parallel_loop3A_667 : i32 to index
          %parallel_loop3A_729 = arith.constant 80 : index
          %parallel_loop3A_730 = tpu.vector_load %arg4[%parallel_loop3A_727, %parallel_loop3A_728, %parallel_loop3A_729] {strides = array<i32>} : memref<2x64x256xf32, #tpu.memory_space<vmem>>, vector<16xf32>,
          %parallel_loop3A_731 = arith.cmpf ogt, %parallel_loop3A_730, %parallel_loop3A_722 : vector<16xf32>
          %parallel_loop3A_732 = arith.select %parallel_loop3A_731, %parallel_loop3A_730, %parallel_loop3A_722 : vector<16xi1>, vector<16xf32>
          %parallel_loop3A_733 = arith.constant 5 : i32
          %parallel_loop3A_734 = vector.broadcast %parallel_loop3A_733 : i32 to vector<16xi32>
          %parallel_loop3A_735 = arith.select %parallel_loop3A_731, %parallel_loop3A_734, %parallel_loop3A_725 : vector<16xi1>, vector<16xi32>
          %parallel_loop3A_736 = arith.constant 0 : i32
          %parallel_loop3A_737 = arith.index_cast %parallel_loop3A_736 : i32 to index
          %parallel_loop3A_738 = arith.index_cast %parallel_loop3A_667 : i32 to index
          %parallel_loop3A_739 = arith.constant 96 : index
          %parallel_loop3A_740 = tpu.vector_load %arg4[%parallel_loop3A_737, %parallel_loop3A_738, %parallel_loop3A_739] {strides = array<i32>} : memref<2x64x256xf32, #tpu.memory_space<vmem>>, vector<16xf32>,
          %parallel_loop3A_741 = arith.cmpf ogt, %parallel_loop3A_740, %parallel_loop3A_732 : vector<16xf32>
          %parallel_loop3A_742 = arith.select %parallel_loop3A_741, %parallel_loop3A_740, %parallel_loop3A_732 : vector<16xi1>, vector<16xf32>
          %parallel_loop3A_743 = arith.constant 6 : i32
          %parallel_loop3A_744 = vector.broadcast %parallel_loop3A_743 : i32 to vector<16xi32>
          %parallel_loop3A_745 = arith.select %parallel_loop3A_741, %parallel_loop3A_744, %parallel_loop3A_735 : vector<16xi1>, vector<16xi32>
          %parallel_loop3A_746 = arith.constant 0 : i32
          %parallel_loop3A_747 = arith.index_cast %parallel_loop3A_746 : i32 to index
          %parallel_loop3A_748 = arith.index_cast %parallel_loop3A_667 : i32 to index
          %parallel_loop3A_749 = arith.constant 112 : index
          %parallel_loop3A_750 = tpu.vector_load %arg4[%parallel_loop3A_747, %parallel_loop3A_748, %parallel_loop3A_749] {strides = array<i32>} : memref<2x64x256xf32, #tpu.memory_space<vmem>>, vector<16xf32>,
          %parallel_loop3A_751 = arith.cmpf ogt, %parallel_loop3A_750, %parallel_loop3A_742 : vector<16xf32>
          %parallel_loop3A_752 = arith.select %parallel_loop3A_751, %parallel_loop3A_750, %parallel_loop3A_742 : vector<16xi1>, vector<16xf32>
          %parallel_loop3A_753 = arith.constant 7 : i32
          %parallel_loop3A_754 = vector.broadcast %parallel_loop3A_753 : i32 to vector<16xi32>
          %parallel_loop3A_755 = arith.select %parallel_loop3A_751, %parallel_loop3A_754, %parallel_loop3A_745 : vector<16xi1>, vector<16xi32>
          %parallel_loop3A_756 = arith.constant 0 : i32
          %parallel_loop3A_757 = arith.index_cast %parallel_loop3A_756 : i32 to index
          %parallel_loop3A_758 = arith.index_cast %parallel_loop3A_667 : i32 to index
          %parallel_loop3A_759 = arith.constant 128 : index
          %parallel_loop3A_760 = tpu.vector_load %arg4[%parallel_loop3A_757, %parallel_loop3A_758, %parallel_loop3A_759] {strides = array<i32>} : memref<2x64x256xf32, #tpu.memory_space<vmem>>, vector<16xf32>,
          %parallel_loop3A_761 = arith.cmpf ogt, %parallel_loop3A_760, %parallel_loop3A_671 : vector<16xf32>
          %parallel_loop3A_762 = arith.select %parallel_loop3A_761, %parallel_loop3A_760, %parallel_loop3A_671 : vector<16xi1>, vector<16xf32>
          %parallel_loop3A_763 = arith.constant 8 : i32
          %parallel_loop3A_764 = vector.broadcast %parallel_loop3A_763 : i32 to vector<16xi32>
          %parallel_loop3A_765 = arith.select %parallel_loop3A_761, %parallel_loop3A_764, %parallel_loop3A_675 : vector<16xi1>, vector<16xi32>
          %parallel_loop3A_766 = arith.constant 0 : i32
          %parallel_loop3A_767 = arith.index_cast %parallel_loop3A_766 : i32 to index
          %parallel_loop3A_768 = arith.index_cast %parallel_loop3A_667 : i32 to index
          %parallel_loop3A_769 = arith.constant 144 : index
          %parallel_loop3A_770 = tpu.vector_load %arg4[%parallel_loop3A_767, %parallel_loop3A_768, %parallel_loop3A_769] {strides = array<i32>} : memref<2x64x256xf32, #tpu.memory_space<vmem>>, vector<16xf32>,
          %parallel_loop3A_771 = arith.cmpf ogt, %parallel_loop3A_770, %parallel_loop3A_762 : vector<16xf32>
          %parallel_loop3A_772 = arith.select %parallel_loop3A_771, %parallel_loop3A_770, %parallel_loop3A_762 : vector<16xi1>, vector<16xf32>
          %parallel_loop3A_773 = arith.constant 9 : i32
          %parallel_loop3A_774 = vector.broadcast %parallel_loop3A_773 : i32 to vector<16xi32>
          %parallel_loop3A_775 = arith.select %parallel_loop3A_771, %parallel_loop3A_774, %parallel_loop3A_765 : vector<16xi1>, vector<16xi32>
          %parallel_loop3A_776 = arith.constant 0 : i32
          %parallel_loop3A_777 = arith.index_cast %parallel_loop3A_776 : i32 to index
          %parallel_loop3A_778 = arith.index_cast %parallel_loop3A_667 : i32 to index
          %parallel_loop3A_779 = arith.constant 160 : index
          %parallel_loop3A_780 = tpu.vector_load %arg4[%parallel_loop3A_777, %parallel_loop3A_778, %parallel_loop3A_779] {strides = array<i32>} : memref<2x64x256xf32, #tpu.memory_space<vmem>>, vector<16xf32>,
          %parallel_loop3A_781 = arith.cmpf ogt, %parallel_loop3A_780, %parallel_loop3A_772 : vector<16xf32>
          %parallel_loop3A_782 = arith.select %parallel_loop3A_781, %parallel_loop3A_780, %parallel_loop3A_772 : vector<16xi1>, vector<16xf32>
          %parallel_loop3A_783 = arith.constant 10 : i32
          %parallel_loop3A_784 = vector.broadcast %parallel_loop3A_783 : i32 to vector<16xi32>
          %parallel_loop3A_785 = arith.select %parallel_loop3A_781, %parallel_loop3A_784, %parallel_loop3A_775 : vector<16xi1>, vector<16xi32>
          %parallel_loop3A_786 = arith.constant 0 : i32
          %parallel_loop3A_787 = arith.index_cast %parallel_loop3A_786 : i32 to index
          %parallel_loop3A_788 = arith.index_cast %parallel_loop3A_667 : i32 to index
          %parallel_loop3A_789 = arith.constant 176 : index
          %parallel_loop3A_790 = tpu.vector_load %arg4[%parallel_loop3A_787, %parallel_loop3A_788, %parallel_loop3A_789] {strides = array<i32>} : memref<2x64x256xf32, #tpu.memory_space<vmem>>, vector<16xf32>,
          %parallel_loop3A_791 = arith.cmpf ogt, %parallel_loop3A_790, %parallel_loop3A_782 : vector<16xf32>
          %parallel_loop3A_792 = arith.select %parallel_loop3A_791, %parallel_loop3A_790, %parallel_loop3A_782 : vector<16xi1>, vector<16xf32>
          %parallel_loop3A_793 = arith.constant 11 : i32
          %parallel_loop3A_794 = vector.broadcast %parallel_loop3A_793 : i32 to vector<16xi32>
          %parallel_loop3A_795 = arith.select %parallel_loop3A_791, %parallel_loop3A_794, %parallel_loop3A_785 : vector<16xi1>, vector<16xi32>
          %parallel_loop3A_796 = arith.constant 0 : i32
          %parallel_loop3A_797 = arith.index_cast %parallel_loop3A_796 : i32 to index
          %parallel_loop3A_798 = arith.index_cast %parallel_loop3A_667 : i32 to index
          %parallel_loop3A_799 = arith.constant 192 : index
          %parallel_loop3A_800 = tpu.vector_load %arg4[%parallel_loop3A_797, %parallel_loop3A_798, %parallel_loop3A_799] {strides = array<i32>} : memref<2x64x256xf32, #tpu.memory_space<vmem>>, vector<16xf32>,
          %parallel_loop3A_801 = arith.cmpf ogt, %parallel_loop3A_800, %parallel_loop3A_792 : vector<16xf32>
          %parallel_loop3A_802 = arith.select %parallel_loop3A_801, %parallel_loop3A_800, %parallel_loop3A_792 : vector<16xi1>, vector<16xf32>
          %parallel_loop3A_803 = arith.constant 12 : i32
          %parallel_loop3A_804 = vector.broadcast %parallel_loop3A_803 : i32 to vector<16xi32>
          %parallel_loop3A_805 = arith.select %parallel_loop3A_801, %parallel_loop3A_804, %parallel_loop3A_795 : vector<16xi1>, vector<16xi32>
          %parallel_loop3A_806 = arith.constant 0 : i32
          %parallel_loop3A_807 = arith.index_cast %parallel_loop3A_806 : i32 to index
          %parallel_loop3A_808 = arith.index_cast %parallel_loop3A_667 : i32 to index
          %parallel_loop3A_809 = arith.constant 208 : index
          %parallel_loop3A_810 = tpu.vector_load %arg4[%parallel_loop3A_807, %parallel_loop3A_808, %parallel_loop3A_809] {strides = array<i32>} : memref<2x64x256xf32, #tpu.memory_space<vmem>>, vector<16xf32>,
          %parallel_loop3A_811 = arith.cmpf ogt, %parallel_loop3A_810, %parallel_loop3A_802 : vector<16xf32>
          %parallel_loop3A_812 = arith.select %parallel_loop3A_811, %parallel_loop3A_810, %parallel_loop3A_802 : vector<16xi1>, vector<16xf32>
          %parallel_loop3A_813 = arith.constant 13 : i32
          %parallel_loop3A_814 = vector.broadcast %parallel_loop3A_813 : i32 to vector<16xi32>
          %parallel_loop3A_815 = arith.select %parallel_loop3A_811, %parallel_loop3A_814, %parallel_loop3A_805 : vector<16xi1>, vector<16xi32>
          %parallel_loop3A_816 = arith.constant 0 : i32
          %parallel_loop3A_817 = arith.index_cast %parallel_loop3A_816 : i32 to index
          %parallel_loop3A_818 = arith.index_cast %parallel_loop3A_667 : i32 to index
          %parallel_loop3A_819 = arith.constant 224 : index
          %parallel_loop3A_820 = tpu.vector_load %arg4[%parallel_loop3A_817, %parallel_loop3A_818, %parallel_loop3A_819] {strides = array<i32>} : memref<2x64x256xf32, #tpu.memory_space<vmem>>, vector<16xf32>,
          %parallel_loop3A_821 = arith.cmpf ogt, %parallel_loop3A_820, %parallel_loop3A_812 : vector<16xf32>
          %parallel_loop3A_822 = arith.select %parallel_loop3A_821, %parallel_loop3A_820, %parallel_loop3A_812 : vector<16xi1>, vector<16xf32>
          %parallel_loop3A_823 = arith.constant 14 : i32
          %parallel_loop3A_824 = vector.broadcast %parallel_loop3A_823 : i32 to vector<16xi32>
          %parallel_loop3A_825 = arith.select %parallel_loop3A_821, %parallel_loop3A_824, %parallel_loop3A_815 : vector<16xi1>, vector<16xi32>
          %parallel_loop3A_826 = arith.constant 0 : i32
          %parallel_loop3A_827 = arith.index_cast %parallel_loop3A_826 : i32 to index
          %parallel_loop3A_828 = arith.index_cast %parallel_loop3A_667 : i32 to index
          %parallel_loop3A_829 = arith.constant 240 : index
          %parallel_loop3A_830 = tpu.vector_load %arg4[%parallel_loop3A_827, %parallel_loop3A_828, %parallel_loop3A_829] {strides = array<i32>} : memref<2x64x256xf32, #tpu.memory_space<vmem>>, vector<16xf32>,
          %parallel_loop3A_831 = arith.cmpf ogt, %parallel_loop3A_830, %parallel_loop3A_822 : vector<16xf32>
          %parallel_loop3A_832 = arith.select %parallel_loop3A_831, %parallel_loop3A_830, %parallel_loop3A_822 : vector<16xi1>, vector<16xf32>
          %parallel_loop3A_833 = arith.constant 15 : i32
          %parallel_loop3A_834 = vector.broadcast %parallel_loop3A_833 : i32 to vector<16xi32>
          %parallel_loop3A_835 = arith.select %parallel_loop3A_831, %parallel_loop3A_834, %parallel_loop3A_825 : vector<16xi1>, vector<16xi32>
          %parallel_loop3A_836 = arith.constant 16 : i32
          %parallel_loop3A_837 = vector.broadcast %parallel_loop3A_836 : i32 to vector<16xi32>
          %parallel_loop3A_838 = arith.muli %parallel_loop3A_755, %parallel_loop3A_837 : vector<16xi32>
          %parallel_loop3A_839 = arith.addi %parallel_loop3A_838, %iota3A : vector<16xi32>
          %parallel_loop3A_840 = arith.constant 16 : i32
          %parallel_loop3A_841 = vector.broadcast %parallel_loop3A_840 : i32 to vector<16xi32>
          %parallel_loop3A_842 = arith.muli %parallel_loop3A_835, %parallel_loop3A_841 : vector<16xi32>
          %parallel_loop3A_843 = arith.addi %parallel_loop3A_842, %iota3A : vector<16xi32>
          %parallel_loop3A_844 = arith.cmpf ogt, %parallel_loop3A_832, %parallel_loop3A_752 : vector<16xf32>
          %parallel_loop3A_845 = arith.cmpf oeq, %parallel_loop3A_832, %parallel_loop3A_752 : vector<16xf32>
          %parallel_loop3A_846 = arith.cmpi slt, %parallel_loop3A_843, %parallel_loop3A_839 : vector<16xi32>
          %parallel_loop3A_847 = arith.andi %parallel_loop3A_845, %parallel_loop3A_846 : vector<16xi1>
          %parallel_loop3A_848 = arith.ori %parallel_loop3A_844, %parallel_loop3A_847 : vector<16xi1>
          %parallel_loop3A_849 = arith.select %parallel_loop3A_848, %parallel_loop3A_832, %parallel_loop3A_752 : vector<16xi1>, vector<16xf32>
          %parallel_loop3A_850 = arith.select %parallel_loop3A_848, %parallel_loop3A_843, %parallel_loop3A_839 : vector<16xi1>, vector<16xi32>
          %parallel_loop3A_851 = vector.broadcast %parallel_loop3A_666 : i32 to vector<16xi32>
          %parallel_loop3A_852 = arith.addi %mul3A_6, %parallel_loop3A_851 : vector<16xi32>
          tpu.vector_store_idx %arg7[%parallel_loop3A_852], %parallel_loop3A_849 : memref<272xf32, #tpu.memory_space<vmem>>[vector<16xi32>], vector<16xf32>,
          tpu.vector_store_idx %arg8[%parallel_loop3A_852], %parallel_loop3A_850 : memref<272xi32, #tpu.memory_space<vmem>>[vector<16xi32>], vector<16xi32>,
        } {sc.loop_unroll_factor = 4 : i64, sc.parallel_access}
        %add3A_486 = arith.constant 0 : i32
        %add3A_487 = vector.broadcast %add3A_486 : i32 to vector<16xi32>
        %add3A_488 = arith.addi %iota3A, %add3A_487 : vector<16xi32>
        %gather3A = tpu.vector_load_idx %arg7[%add3A_488] : memref<272xf32, #tpu.memory_space<vmem>>[vector<16xi32>], vector<16xf32>,
        %gather3A_489 = tpu.vector_load_idx %arg8[%add3A_488] : memref<272xi32, #tpu.memory_space<vmem>>[vector<16xi32>], vector<16xi32>,
        %add3A_490 = arith.constant 17 : i32
        %add3A_491 = vector.broadcast %add3A_490 : i32 to vector<16xi32>
        %add3A_492 = arith.addi %iota3A, %add3A_491 : vector<16xi32>
        %gather3A_493 = tpu.vector_load_idx %arg7[%add3A_492] : memref<272xf32, #tpu.memory_space<vmem>>[vector<16xi32>], vector<16xf32>,
        %gather3A_494 = tpu.vector_load_idx %arg8[%add3A_492] : memref<272xi32, #tpu.memory_space<vmem>>[vector<16xi32>], vector<16xi32>,
        %add3A_495 = arith.constant 34 : i32
        %add3A_496 = vector.broadcast %add3A_495 : i32 to vector<16xi32>
        %add3A_497 = arith.addi %iota3A, %add3A_496 : vector<16xi32>
        %gather3A_498 = tpu.vector_load_idx %arg7[%add3A_497] : memref<272xf32, #tpu.memory_space<vmem>>[vector<16xi32>], vector<16xf32>,
        %gather3A_499 = tpu.vector_load_idx %arg8[%add3A_497] : memref<272xi32, #tpu.memory_space<vmem>>[vector<16xi32>], vector<16xi32>,
        %add3A_500 = arith.constant 51 : i32
        %add3A_501 = vector.broadcast %add3A_500 : i32 to vector<16xi32>
        %add3A_502 = arith.addi %iota3A, %add3A_501 : vector<16xi32>
        %gather3A_503 = tpu.vector_load_idx %arg7[%add3A_502] : memref<272xf32, #tpu.memory_space<vmem>>[vector<16xi32>], vector<16xf32>,
        %gather3A_504 = tpu.vector_load_idx %arg8[%add3A_502] : memref<272xi32, #tpu.memory_space<vmem>>[vector<16xi32>], vector<16xi32>,
        %add3A_505 = arith.constant 68 : i32
        %add3A_506 = vector.broadcast %add3A_505 : i32 to vector<16xi32>
        %add3A_507 = arith.addi %iota3A, %add3A_506 : vector<16xi32>
        %gather3A_508 = tpu.vector_load_idx %arg7[%add3A_507] : memref<272xf32, #tpu.memory_space<vmem>>[vector<16xi32>], vector<16xf32>,
        %gather3A_509 = tpu.vector_load_idx %arg8[%add3A_507] : memref<272xi32, #tpu.memory_space<vmem>>[vector<16xi32>], vector<16xi32>,
        %add3A_510 = arith.constant 85 : i32
        %add3A_511 = vector.broadcast %add3A_510 : i32 to vector<16xi32>
        %add3A_512 = arith.addi %iota3A, %add3A_511 : vector<16xi32>
        %gather3A_513 = tpu.vector_load_idx %arg7[%add3A_512] : memref<272xf32, #tpu.memory_space<vmem>>[vector<16xi32>], vector<16xf32>,
        %gather3A_514 = tpu.vector_load_idx %arg8[%add3A_512] : memref<272xi32, #tpu.memory_space<vmem>>[vector<16xi32>], vector<16xi32>,
        %add3A_515 = arith.constant 102 : i32
        %add3A_516 = vector.broadcast %add3A_515 : i32 to vector<16xi32>
        %add3A_517 = arith.addi %iota3A, %add3A_516 : vector<16xi32>
        %gather3A_518 = tpu.vector_load_idx %arg7[%add3A_517] : memref<272xf32, #tpu.memory_space<vmem>>[vector<16xi32>], vector<16xf32>,
        %gather3A_519 = tpu.vector_load_idx %arg8[%add3A_517] : memref<272xi32, #tpu.memory_space<vmem>>[vector<16xi32>], vector<16xi32>,
        %add3A_520 = arith.constant 119 : i32
        %add3A_521 = vector.broadcast %add3A_520 : i32 to vector<16xi32>
        %add3A_522 = arith.addi %iota3A, %add3A_521 : vector<16xi32>
        %gather3A_523 = tpu.vector_load_idx %arg7[%add3A_522] : memref<272xf32, #tpu.memory_space<vmem>>[vector<16xi32>], vector<16xf32>,
        %gather3A_524 = tpu.vector_load_idx %arg8[%add3A_522] : memref<272xi32, #tpu.memory_space<vmem>>[vector<16xi32>], vector<16xi32>,
        %add3A_525 = arith.constant 136 : i32
        %add3A_526 = vector.broadcast %add3A_525 : i32 to vector<16xi32>
        %add3A_527 = arith.addi %iota3A, %add3A_526 : vector<16xi32>
        %gather3A_528 = tpu.vector_load_idx %arg7[%add3A_527] : memref<272xf32, #tpu.memory_space<vmem>>[vector<16xi32>], vector<16xf32>,
        %gather3A_529 = tpu.vector_load_idx %arg8[%add3A_527] : memref<272xi32, #tpu.memory_space<vmem>>[vector<16xi32>], vector<16xi32>,
        %add3A_530 = arith.constant 153 : i32
        %add3A_531 = vector.broadcast %add3A_530 : i32 to vector<16xi32>
        %add3A_532 = arith.addi %iota3A, %add3A_531 : vector<16xi32>
        %gather3A_533 = tpu.vector_load_idx %arg7[%add3A_532] : memref<272xf32, #tpu.memory_space<vmem>>[vector<16xi32>], vector<16xf32>,
        %gather3A_534 = tpu.vector_load_idx %arg8[%add3A_532] : memref<272xi32, #tpu.memory_space<vmem>>[vector<16xi32>], vector<16xi32>,
        %add3A_535 = arith.constant 170 : i32
        %add3A_536 = vector.broadcast %add3A_535 : i32 to vector<16xi32>
        %add3A_537 = arith.addi %iota3A, %add3A_536 : vector<16xi32>
        %gather3A_538 = tpu.vector_load_idx %arg7[%add3A_537] : memref<272xf32, #tpu.memory_space<vmem>>[vector<16xi32>], vector<16xf32>,
        %gather3A_539 = tpu.vector_load_idx %arg8[%add3A_537] : memref<272xi32, #tpu.memory_space<vmem>>[vector<16xi32>], vector<16xi32>,
        %add3A_540 = arith.constant 187 : i32
        %add3A_541 = vector.broadcast %add3A_540 : i32 to vector<16xi32>
        %add3A_542 = arith.addi %iota3A, %add3A_541 : vector<16xi32>
        %gather3A_543 = tpu.vector_load_idx %arg7[%add3A_542] : memref<272xf32, #tpu.memory_space<vmem>>[vector<16xi32>], vector<16xf32>,
        %gather3A_544 = tpu.vector_load_idx %arg8[%add3A_542] : memref<272xi32, #tpu.memory_space<vmem>>[vector<16xi32>], vector<16xi32>,
        %add3A_545 = arith.constant 204 : i32
        %add3A_546 = vector.broadcast %add3A_545 : i32 to vector<16xi32>
        %add3A_547 = arith.addi %iota3A, %add3A_546 : vector<16xi32>
        %gather3A_548 = tpu.vector_load_idx %arg7[%add3A_547] : memref<272xf32, #tpu.memory_space<vmem>>[vector<16xi32>], vector<16xf32>,
        %gather3A_549 = tpu.vector_load_idx %arg8[%add3A_547] : memref<272xi32, #tpu.memory_space<vmem>>[vector<16xi32>], vector<16xi32>,
        %add3A_550 = arith.constant 221 : i32
        %add3A_551 = vector.broadcast %add3A_550 : i32 to vector<16xi32>
        %add3A_552 = arith.addi %iota3A, %add3A_551 : vector<16xi32>
        %gather3A_553 = tpu.vector_load_idx %arg7[%add3A_552] : memref<272xf32, #tpu.memory_space<vmem>>[vector<16xi32>], vector<16xf32>,
        %gather3A_554 = tpu.vector_load_idx %arg8[%add3A_552] : memref<272xi32, #tpu.memory_space<vmem>>[vector<16xi32>], vector<16xi32>,
        %add3A_555 = arith.constant 238 : i32
        %add3A_556 = vector.broadcast %add3A_555 : i32 to vector<16xi32>
        %add3A_557 = arith.addi %iota3A, %add3A_556 : vector<16xi32>
        %gather3A_558 = tpu.vector_load_idx %arg7[%add3A_557] : memref<272xf32, #tpu.memory_space<vmem>>[vector<16xi32>], vector<16xf32>,
        %gather3A_559 = tpu.vector_load_idx %arg8[%add3A_557] : memref<272xi32, #tpu.memory_space<vmem>>[vector<16xi32>], vector<16xi32>,
        %add3A_560 = arith.constant 255 : i32
        %add3A_561 = vector.broadcast %add3A_560 : i32 to vector<16xi32>
        %add3A_562 = arith.addi %iota3A, %add3A_561 : vector<16xi32>
        %gather3A_563 = tpu.vector_load_idx %arg7[%add3A_562] : memref<272xf32, #tpu.memory_space<vmem>>[vector<16xi32>], vector<16xf32>,
        %gather3A_564 = tpu.vector_load_idx %arg8[%add3A_562] : memref<272xi32, #tpu.memory_space<vmem>>[vector<16xi32>], vector<16xi32>,
        %gt3A = arith.cmpf ogt, %gather3A_493, %gather3A : vector<16xf32>
        %eq3A = arith.cmpf oeq, %gather3A_493, %gather3A : vector<16xf32>
        %lt3A_565 = arith.cmpi slt, %gather3A_494, %gather3A_489 : vector<16xi32>
        %and3A = arith.andi %eq3A, %lt3A_565 : vector<16xi1>
        %or3A = arith.ori %gt3A, %and3A : vector<16xi1>
        %select_n3A = arith.select %or3A, %gather3A_493, %gather3A : vector<16xi1>, vector<16xf32>
        %select_n3A_566 = arith.select %or3A, %gather3A_494, %gather3A_489 : vector<16xi1>, vector<16xi32>
        %gt3A_567 = arith.cmpf ogt, %gather3A_503, %gather3A_498 : vector<16xf32>
        %eq3A_568 = arith.cmpf oeq, %gather3A_503, %gather3A_498 : vector<16xf32>
        %lt3A_569 = arith.cmpi slt, %gather3A_504, %gather3A_499 : vector<16xi32>
        %and3A_570 = arith.andi %eq3A_568, %lt3A_569 : vector<16xi1>
        %or3A_571 = arith.ori %gt3A_567, %and3A_570 : vector<16xi1>
        %select_n3A_572 = arith.select %or3A_571, %gather3A_503, %gather3A_498 : vector<16xi1>, vector<16xf32>
        %select_n3A_573 = arith.select %or3A_571, %gather3A_504, %gather3A_499 : vector<16xi1>, vector<16xi32>
        %gt3A_574 = arith.cmpf ogt, %gather3A_513, %gather3A_508 : vector<16xf32>
        %eq3A_575 = arith.cmpf oeq, %gather3A_513, %gather3A_508 : vector<16xf32>
        %lt3A_576 = arith.cmpi slt, %gather3A_514, %gather3A_509 : vector<16xi32>
        %and3A_577 = arith.andi %eq3A_575, %lt3A_576 : vector<16xi1>
        %or3A_578 = arith.ori %gt3A_574, %and3A_577 : vector<16xi1>
        %select_n3A_579 = arith.select %or3A_578, %gather3A_513, %gather3A_508 : vector<16xi1>, vector<16xf32>
        %select_n3A_580 = arith.select %or3A_578, %gather3A_514, %gather3A_509 : vector<16xi1>, vector<16xi32>
        %gt3A_581 = arith.cmpf ogt, %gather3A_523, %gather3A_518 : vector<16xf32>
        %eq3A_582 = arith.cmpf oeq, %gather3A_523, %gather3A_518 : vector<16xf32>
        %lt3A_583 = arith.cmpi slt, %gather3A_524, %gather3A_519 : vector<16xi32>
        %and3A_584 = arith.andi %eq3A_582, %lt3A_583 : vector<16xi1>
        %or3A_585 = arith.ori %gt3A_581, %and3A_584 : vector<16xi1>
        %select_n3A_586 = arith.select %or3A_585, %gather3A_523, %gather3A_518 : vector<16xi1>, vector<16xf32>
        %select_n3A_587 = arith.select %or3A_585, %gather3A_524, %gather3A_519 : vector<16xi1>, vector<16xi32>
        %gt3A_588 = arith.cmpf ogt, %gather3A_533, %gather3A_528 : vector<16xf32>
        %eq3A_589 = arith.cmpf oeq, %gather3A_533, %gather3A_528 : vector<16xf32>
        %lt3A_590 = arith.cmpi slt, %gather3A_534, %gather3A_529 : vector<16xi32>
        %and3A_591 = arith.andi %eq3A_589, %lt3A_590 : vector<16xi1>
        %or3A_592 = arith.ori %gt3A_588, %and3A_591 : vector<16xi1>
        %select_n3A_593 = arith.select %or3A_592, %gather3A_533, %gather3A_528 : vector<16xi1>, vector<16xf32>
        %select_n3A_594 = arith.select %or3A_592, %gather3A_534, %gather3A_529 : vector<16xi1>, vector<16xi32>
        %gt3A_595 = arith.cmpf ogt, %gather3A_543, %gather3A_538 : vector<16xf32>
        %eq3A_596 = arith.cmpf oeq, %gather3A_543, %gather3A_538 : vector<16xf32>
        %lt3A_597 = arith.cmpi slt, %gather3A_544, %gather3A_539 : vector<16xi32>
        %and3A_598 = arith.andi %eq3A_596, %lt3A_597 : vector<16xi1>
        %or3A_599 = arith.ori %gt3A_595, %and3A_598 : vector<16xi1>
        %select_n3A_600 = arith.select %or3A_599, %gather3A_543, %gather3A_538 : vector<16xi1>, vector<16xf32>
        %select_n3A_601 = arith.select %or3A_599, %gather3A_544, %gather3A_539 : vector<16xi1>, vector<16xi32>
        %gt3A_602 = arith.cmpf ogt, %gather3A_553, %gather3A_548 : vector<16xf32>
        %eq3A_603 = arith.cmpf oeq, %gather3A_553, %gather3A_548 : vector<16xf32>
        %lt3A_604 = arith.cmpi slt, %gather3A_554, %gather3A_549 : vector<16xi32>
        %and3A_605 = arith.andi %eq3A_603, %lt3A_604 : vector<16xi1>
        %or3A_606 = arith.ori %gt3A_602, %and3A_605 : vector<16xi1>
        %select_n3A_607 = arith.select %or3A_606, %gather3A_553, %gather3A_548 : vector<16xi1>, vector<16xf32>
        %select_n3A_608 = arith.select %or3A_606, %gather3A_554, %gather3A_549 : vector<16xi1>, vector<16xi32>
        %gt3A_609 = arith.cmpf ogt, %gather3A_563, %gather3A_558 : vector<16xf32>
        %eq3A_610 = arith.cmpf oeq, %gather3A_563, %gather3A_558 : vector<16xf32>
        %lt3A_611 = arith.cmpi slt, %gather3A_564, %gather3A_559 : vector<16xi32>
        %and3A_612 = arith.andi %eq3A_610, %lt3A_611 : vector<16xi1>
        %or3A_613 = arith.ori %gt3A_609, %and3A_612 : vector<16xi1>
        %select_n3A_614 = arith.select %or3A_613, %gather3A_563, %gather3A_558 : vector<16xi1>, vector<16xf32>
        %select_n3A_615 = arith.select %or3A_613, %gather3A_564, %gather3A_559 : vector<16xi1>, vector<16xi32>
        %gt3A_616 = arith.cmpf ogt, %select_n3A_572, %select_n3A : vector<16xf32>
        %eq3A_617 = arith.cmpf oeq, %select_n3A_572, %select_n3A : vector<16xf32>
        %lt3A_618 = arith.cmpi slt, %select_n3A_573, %select_n3A_566 : vector<16xi32>
        %and3A_619 = arith.andi %eq3A_617, %lt3A_618 : vector<16xi1>
        %or3A_620 = arith.ori %gt3A_616, %and3A_619 : vector<16xi1>
        %select_n3A_621 = arith.select %or3A_620, %select_n3A_572, %select_n3A : vector<16xi1>, vector<16xf32>
        %select_n3A_622 = arith.select %or3A_620, %select_n3A_573, %select_n3A_566 : vector<16xi1>, vector<16xi32>
        %gt3A_623 = arith.cmpf ogt, %select_n3A_586, %select_n3A_579 : vector<16xf32>
        %eq3A_624 = arith.cmpf oeq, %select_n3A_586, %select_n3A_579 : vector<16xf32>
        %lt3A_625 = arith.cmpi slt, %select_n3A_587, %select_n3A_580 : vector<16xi32>
        %and3A_626 = arith.andi %eq3A_624, %lt3A_625 : vector<16xi1>
        %or3A_627 = arith.ori %gt3A_623, %and3A_626 : vector<16xi1>
        %select_n3A_628 = arith.select %or3A_627, %select_n3A_586, %select_n3A_579 : vector<16xi1>, vector<16xf32>
        %select_n3A_629 = arith.select %or3A_627, %select_n3A_587, %select_n3A_580 : vector<16xi1>, vector<16xi32>
        %gt3A_630 = arith.cmpf ogt, %select_n3A_600, %select_n3A_593 : vector<16xf32>
        %eq3A_631 = arith.cmpf oeq, %select_n3A_600, %select_n3A_593 : vector<16xf32>
        %lt3A_632 = arith.cmpi slt, %select_n3A_601, %select_n3A_594 : vector<16xi32>
        %and3A_633 = arith.andi %eq3A_631, %lt3A_632 : vector<16xi1>
        %or3A_634 = arith.ori %gt3A_630, %and3A_633 : vector<16xi1>
        %select_n3A_635 = arith.select %or3A_634, %select_n3A_600, %select_n3A_593 : vector<16xi1>, vector<16xf32>
        %select_n3A_636 = arith.select %or3A_634, %select_n3A_601, %select_n3A_594 : vector<16xi1>, vector<16xi32>
        %gt3A_637 = arith.cmpf ogt, %select_n3A_614, %select_n3A_607 : vector<16xf32>
        %eq3A_638 = arith.cmpf oeq, %select_n3A_614, %select_n3A_607 : vector<16xf32>
        %lt3A_639 = arith.cmpi slt, %select_n3A_615, %select_n3A_608 : vector<16xi32>
        %and3A_640 = arith.andi %eq3A_638, %lt3A_639 : vector<16xi1>
        %or3A_641 = arith.ori %gt3A_637, %and3A_640 : vector<16xi1>
        %select_n3A_642 = arith.select %or3A_641, %select_n3A_614, %select_n3A_607 : vector<16xi1>, vector<16xf32>
        %select_n3A_643 = arith.select %or3A_641, %select_n3A_615, %select_n3A_608 : vector<16xi1>, vector<16xi32>
        %gt3A_644 = arith.cmpf ogt, %select_n3A_628, %select_n3A_621 : vector<16xf32>
        %eq3A_645 = arith.cmpf oeq, %select_n3A_628, %select_n3A_621 : vector<16xf32>
        %lt3A_646 = arith.cmpi slt, %select_n3A_629, %select_n3A_622 : vector<16xi32>
        %and3A_647 = arith.andi %eq3A_645, %lt3A_646 : vector<16xi1>
        %or3A_648 = arith.ori %gt3A_644, %and3A_647 : vector<16xi1>
        %select_n3A_649 = arith.select %or3A_648, %select_n3A_628, %select_n3A_621 : vector<16xi1>, vector<16xf32>
        %select_n3A_650 = arith.select %or3A_648, %select_n3A_629, %select_n3A_622 : vector<16xi1>, vector<16xi32>
        %gt3A_651 = arith.cmpf ogt, %select_n3A_642, %select_n3A_635 : vector<16xf32>
        %eq3A_652 = arith.cmpf oeq, %select_n3A_642, %select_n3A_635 : vector<16xf32>
        %lt3A_653 = arith.cmpi slt, %select_n3A_643, %select_n3A_636 : vector<16xi32>
        %and3A_654 = arith.andi %eq3A_652, %lt3A_653 : vector<16xi1>
        %or3A_655 = arith.ori %gt3A_651, %and3A_654 : vector<16xi1>
        %select_n3A_656 = arith.select %or3A_655, %select_n3A_642, %select_n3A_635 : vector<16xi1>, vector<16xf32>
        %select_n3A_657 = arith.select %or3A_655, %select_n3A_643, %select_n3A_636 : vector<16xi1>, vector<16xi32>
        %gt3A_658 = arith.cmpf ogt, %select_n3A_656, %select_n3A_649 : vector<16xf32>
        %eq3A_659 = arith.cmpf oeq, %select_n3A_656, %select_n3A_649 : vector<16xf32>
        %lt3A_660 = arith.cmpi slt, %select_n3A_657, %select_n3A_650 : vector<16xi32>
        %and3A_661 = arith.andi %eq3A_659, %lt3A_660 : vector<16xi1>
        %or3A_662 = arith.ori %gt3A_658, %and3A_661 : vector<16xi1>
        %select_n3A_663 = arith.select %or3A_662, %select_n3A_656, %select_n3A_649 : vector<16xi1>, vector<16xf32>
        %select_n3A_664 = arith.select %or3A_662, %select_n3A_657, %select_n3A_650 : vector<16xi1>, vector<16xi32>
        tpu.vector_store_idx %arg5[%select_n3A_664], %broadcast_in_dim3A_3 : memref<256xf32, #tpu.memory_space<vmem>>[vector<16xi32>], vector<16xf32>,
        %scan3A_665 = arith.constant 0 : i32
        scf.yield %scan3A_665 : i32
      }
      %scan3A_441 = arith.constant 4 : i32
      %add3A_442 = arith.constant 2 : i32
      %add3A_443 = arith.addi %mul3A_418, %add3A_442 : i32
      %lt3A = arith.constant 32 : i32
      %lt3A_444 = arith.cmpi slt, %add3A_443, %lt3A : i32
      %convert_element_type3A = arith.extui %lt3A_444 : i1 to i32
      %cond3A = arith.constant 0 : i32
      %cond3A_445 = arith.cmpi ne, %convert_element_type3A, %cond3A : i32
      scf.if %cond3A_445 {
        %add3A_480 = arith.constant 2 : i32
        %add3A_481 = arith.addi %mul3A_418, %add3A_480 : i32
        %mul3A_482 = arith.constant 64 : i32
        %mul3A_483 = arith.muli %add3A_481, %mul3A_482 : i32
        %dma_start3A_484 = arith.constant 0 : i32
        %dma_start3A_485 = arith.constant 0 : i32
        %dma_start3A_486 = arith.constant 0 : i32
        %dma_start3A_487 = tpu.memref_slice %arg4[%dma_start3A_484, %dma_start3A_485, %dma_start3A_486] : memref<2x64x256xf32, #tpu.memory_space<vmem>> -> memref<1x64x256xf32, #tpu.memory_space<vmem>>
        %dma_start3A_488 = tpu.memref_squeeze %dma_start3A_487 : memref<1x64x256xf32, #tpu.memory_space<vmem>> -> memref<64x256xf32, #tpu.memory_space<vmem>>
        %dma_start3A_489 = arith.constant 0 : i32
        %dma_start3A_490 = tpu.memref_slice %arg2[%add3A_227, %mul3A_483, %dma_start3A_489] : memref<64x2048x256xf32, #tpu.memory_space<hbm>> -> memref<1x64x256xf32, #tpu.memory_space<hbm>>
        %dma_start3A_491 = tpu.memref_squeeze %dma_start3A_490 : memref<1x64x256xf32, #tpu.memory_space<hbm>> -> memref<64x256xf32, #tpu.memory_space<hbm>>
        %dma_start3A_492 = arith.constant 0 : i32
        %dma_start3A_493 = arith.constant 0 : i32
        %dma_start3A_494 = tpu.memref_slice %arg4[%dma_start3A_484, %dma_start3A_492, %dma_start3A_493] : memref<2x64x256xf32, #tpu.memory_space<vmem>> -> memref<1x64x256xf32, #tpu.memory_space<vmem>>
        %dma_start3A_495 = tpu.memref_squeeze %dma_start3A_494 : memref<1x64x256xf32, #tpu.memory_space<vmem>> -> memref<64x256xf32, #tpu.memory_space<vmem>>
        %dma_start3A_496 = arith.constant 0 : i32
        %dma_start3A_497 = tpu.memref_slice %arg2[%add3A_227, %mul3A_483, %dma_start3A_496] : memref<64x2048x256xf32, #tpu.memory_space<hbm>> -> memref<1x64x256xf32, #tpu.memory_space<hbm>>
        %dma_start3A_498 = tpu.memref_squeeze %dma_start3A_497 : memref<1x64x256xf32, #tpu.memory_space<hbm>> -> memref<64x256xf32, #tpu.memory_space<hbm>>
        tpu.enqueue_dma source(%dma_start3A_498 : memref<64x256xf32, #tpu.memory_space<hbm>>) target(%dma_start3A_495 : memref<64x256xf32, #tpu.memory_space<vmem>>) target_semaphore(%arg9 : memref<!tpu.dma_semaphore, #tpu.memory_space<semaphore_mem>>)
      } else {
      }
      %add3A_446 = arith.constant 1 : i32
      %add3A_447 = arith.addi %mul3A_418, %add3A_446 : i32
      %mul3A_448 = arith.constant 64 : i32
      %mul3A_449 = arith.muli %add3A_447, %mul3A_448 : i32
      %dma_wait3A_450 = arith.constant 1 : i32
      %dma_wait3A_451 = arith.constant 0 : i32
      %dma_wait3A_452 = arith.constant 0 : i32
      %dma_wait3A_453 = tpu.memref_slice %arg4[%dma_wait3A_450, %dma_wait3A_451, %dma_wait3A_452] : memref<2x64x256xf32, #tpu.memory_space<vmem>> -> memref<1x64x256xf32, #tpu.memory_space<vmem>>
      %dma_wait3A_454 = tpu.memref_squeeze %dma_wait3A_453 : memref<1x64x256xf32, #tpu.memory_space<vmem>> -> memref<64x256xf32, #tpu.memory_space<vmem>>
      %dma_wait3A_455 = arith.constant 0 : i32
      %dma_wait3A_456 = tpu.memref_slice %arg2[%add3A_227, %mul3A_449, %dma_wait3A_455] : memref<64x2048x256xf32, #tpu.memory_space<hbm>> -> memref<1x64x256xf32, #tpu.memory_space<hbm>>
      %dma_wait3A_457 = tpu.memref_squeeze %dma_wait3A_456 : memref<1x64x256xf32, #tpu.memory_space<hbm>> -> memref<64x256xf32, #tpu.memory_space<hbm>>
      %dma_wait3A_458 = arith.constant 0 : i32
      %dma_wait3A_459 = arith.constant 0 : i32
      %dma_wait3A_460 = tpu.memref_slice %arg4[%dma_wait3A_450, %dma_wait3A_458, %dma_wait3A_459] : memref<2x64x256xf32, #tpu.memory_space<vmem>> -> memref<1x64x256xf32, #tpu.memory_space<vmem>>
      %dma_wait3A_461 = tpu.memref_squeeze %dma_wait3A_460 : memref<1x64x256xf32, #tpu.memory_space<vmem>> -> memref<64x256xf32, #tpu.memory_space<vmem>>
      %dma_wait3A_462 = arith.constant 0 : i32
      %dma_wait3A_463 = tpu.memref_slice %arg2[%add3A_227, %mul3A_449, %dma_wait3A_462] : memref<64x2048x256xf32, #tpu.memory_space<hbm>> -> memref<1x64x256xf32, #tpu.memory_space<hbm>>
      %dma_wait3A_464 = tpu.memref_squeeze %dma_wait3A_463 : memref<1x64x256xf32, #tpu.memory_space<hbm>> -> memref<64x256xf32, #tpu.memory_space<hbm>>
      tpu.wait_dma2 semaphore(%arg10 : memref<!tpu.dma_semaphore, #tpu.memory_space<semaphore_mem>>) src(%dma_wait3A_464 : memref<64x256xf32, #tpu.memory_space<hbm>>) dst(%dma_wait3A_461 : memref<64x256xf32, #tpu.memory_space<vmem>>)
      %scan3A_465 = arith.constant 0 : i32
      %scan3A_466 = arith.constant 0 : i32
      %scan3A_467 = arith.constant 4 : i32
      %scan3A_468 = arith.addi %scan3A_466, %scan3A_467 : i32
      %scan3A_469 = arith.constant 1 : i32
      %scan3A_470 = scf.for %scan3A_480 = %scan3A_466 to %scan3A_468 step %scan3A_469 iter_args(%scan3A_481 = %scan3A_465) -> (i32)  : i32 {
        %mul3A_482 = arith.constant 16 : i32
        %mul3A_483 = arith.muli %scan3A_480, %mul3A_482 : i32
        %parallel_loop3A = arith.constant 0 : i32
        %parallel_loop3A_484 = arith.constant 16 : i32
        %parallel_loop3A_485 = arith.constant 1 : i32
        scf.for %parallel_loop3A_666 = %parallel_loop3A to %parallel_loop3A_484 step %parallel_loop3A_485  : i32 {
          %parallel_loop3A_667 = arith.addi %mul3A_483, %parallel_loop3A_666 : i32
          %parallel_loop3A_668 = arith.constant 0xFF800000 : f32
          %parallel_loop3A_669 = vector.broadcast %parallel_loop3A_668 : f32 to vector<16xf32>
          %parallel_loop3A_670 = arith.constant 0xFF800000 : f32
          %parallel_loop3A_671 = vector.broadcast %parallel_loop3A_670 : f32 to vector<16xf32>
          %parallel_loop3A_672 = arith.constant 0 : i32
          %parallel_loop3A_673 = vector.broadcast %parallel_loop3A_672 : i32 to vector<16xi32>
          %parallel_loop3A_674 = arith.constant 0 : i32
          %parallel_loop3A_675 = vector.broadcast %parallel_loop3A_674 : i32 to vector<16xi32>
          %parallel_loop3A_676 = arith.constant 1 : i32
          %parallel_loop3A_677 = arith.index_cast %parallel_loop3A_676 : i32 to index
          %parallel_loop3A_678 = arith.index_cast %parallel_loop3A_667 : i32 to index
          %parallel_loop3A_679 = arith.constant 0 : index
          %parallel_loop3A_680 = tpu.vector_load %arg4[%parallel_loop3A_677, %parallel_loop3A_678, %parallel_loop3A_679] {strides = array<i32>} : memref<2x64x256xf32, #tpu.memory_space<vmem>>, vector<16xf32>,
          %parallel_loop3A_681 = arith.cmpf ogt, %parallel_loop3A_680, %parallel_loop3A_669 : vector<16xf32>
          %parallel_loop3A_682 = arith.select %parallel_loop3A_681, %parallel_loop3A_680, %parallel_loop3A_669 : vector<16xi1>, vector<16xf32>
          %parallel_loop3A_683 = arith.constant 0 : i32
          %parallel_loop3A_684 = vector.broadcast %parallel_loop3A_683 : i32 to vector<16xi32>
          %parallel_loop3A_685 = arith.select %parallel_loop3A_681, %parallel_loop3A_684, %parallel_loop3A_673 : vector<16xi1>, vector<16xi32>
          %parallel_loop3A_686 = arith.constant 1 : i32
          %parallel_loop3A_687 = arith.index_cast %parallel_loop3A_686 : i32 to index
          %parallel_loop3A_688 = arith.index_cast %parallel_loop3A_667 : i32 to index
          %parallel_loop3A_689 = arith.constant 16 : index
          %parallel_loop3A_690 = tpu.vector_load %arg4[%parallel_loop3A_687, %parallel_loop3A_688, %parallel_loop3A_689] {strides = array<i32>} : memref<2x64x256xf32, #tpu.memory_space<vmem>>, vector<16xf32>,
          %parallel_loop3A_691 = arith.cmpf ogt, %parallel_loop3A_690, %parallel_loop3A_682 : vector<16xf32>
          %parallel_loop3A_692 = arith.select %parallel_loop3A_691, %parallel_loop3A_690, %parallel_loop3A_682 : vector<16xi1>, vector<16xf32>
          %parallel_loop3A_693 = arith.constant 1 : i32
          %parallel_loop3A_694 = vector.broadcast %parallel_loop3A_693 : i32 to vector<16xi32>
          %parallel_loop3A_695 = arith.select %parallel_loop3A_691, %parallel_loop3A_694, %parallel_loop3A_685 : vector<16xi1>, vector<16xi32>
          %parallel_loop3A_696 = arith.constant 1 : i32
          %parallel_loop3A_697 = arith.index_cast %parallel_loop3A_696 : i32 to index
          %parallel_loop3A_698 = arith.index_cast %parallel_loop3A_667 : i32 to index
          %parallel_loop3A_699 = arith.constant 32 : index
          %parallel_loop3A_700 = tpu.vector_load %arg4[%parallel_loop3A_697, %parallel_loop3A_698, %parallel_loop3A_699] {strides = array<i32>} : memref<2x64x256xf32, #tpu.memory_space<vmem>>, vector<16xf32>,
          %parallel_loop3A_701 = arith.cmpf ogt, %parallel_loop3A_700, %parallel_loop3A_692 : vector<16xf32>
          %parallel_loop3A_702 = arith.select %parallel_loop3A_701, %parallel_loop3A_700, %parallel_loop3A_692 : vector<16xi1>, vector<16xf32>
          %parallel_loop3A_703 = arith.constant 2 : i32
          %parallel_loop3A_704 = vector.broadcast %parallel_loop3A_703 : i32 to vector<16xi32>
          %parallel_loop3A_705 = arith.select %parallel_loop3A_701, %parallel_loop3A_704, %parallel_loop3A_695 : vector<16xi1>, vector<16xi32>
          %parallel_loop3A_706 = arith.constant 1 : i32
          %parallel_loop3A_707 = arith.index_cast %parallel_loop3A_706 : i32 to index
          %parallel_loop3A_708 = arith.index_cast %parallel_loop3A_667 : i32 to index
          %parallel_loop3A_709 = arith.constant 48 : index
          %parallel_loop3A_710 = tpu.vector_load %arg4[%parallel_loop3A_707, %parallel_loop3A_708, %parallel_loop3A_709] {strides = array<i32>} : memref<2x64x256xf32, #tpu.memory_space<vmem>>, vector<16xf32>,
          %parallel_loop3A_711 = arith.cmpf ogt, %parallel_loop3A_710, %parallel_loop3A_702 : vector<16xf32>
          %parallel_loop3A_712 = arith.select %parallel_loop3A_711, %parallel_loop3A_710, %parallel_loop3A_702 : vector<16xi1>, vector<16xf32>
          %parallel_loop3A_713 = arith.constant 3 : i32
          %parallel_loop3A_714 = vector.broadcast %parallel_loop3A_713 : i32 to vector<16xi32>
          %parallel_loop3A_715 = arith.select %parallel_loop3A_711, %parallel_loop3A_714, %parallel_loop3A_705 : vector<16xi1>, vector<16xi32>
          %parallel_loop3A_716 = arith.constant 1 : i32
          %parallel_loop3A_717 = arith.index_cast %parallel_loop3A_716 : i32 to index
          %parallel_loop3A_718 = arith.index_cast %parallel_loop3A_667 : i32 to index
          %parallel_loop3A_719 = arith.constant 64 : index
          %parallel_loop3A_720 = tpu.vector_load %arg4[%parallel_loop3A_717, %parallel_loop3A_718, %parallel_loop3A_719] {strides = array<i32>} : memref<2x64x256xf32, #tpu.memory_space<vmem>>, vector<16xf32>,
          %parallel_loop3A_721 = arith.cmpf ogt, %parallel_loop3A_720, %parallel_loop3A_712 : vector<16xf32>
          %parallel_loop3A_722 = arith.select %parallel_loop3A_721, %parallel_loop3A_720, %parallel_loop3A_712 : vector<16xi1>, vector<16xf32>
          %parallel_loop3A_723 = arith.constant 4 : i32
          %parallel_loop3A_724 = vector.broadcast %parallel_loop3A_723 : i32 to vector<16xi32>
          %parallel_loop3A_725 = arith.select %parallel_loop3A_721, %parallel_loop3A_724, %parallel_loop3A_715 : vector<16xi1>, vector<16xi32>
          %parallel_loop3A_726 = arith.constant 1 : i32
          %parallel_loop3A_727 = arith.index_cast %parallel_loop3A_726 : i32 to index
          %parallel_loop3A_728 = arith.index_cast %parallel_loop3A_667 : i32 to index
          %parallel_loop3A_729 = arith.constant 80 : index
          %parallel_loop3A_730 = tpu.vector_load %arg4[%parallel_loop3A_727, %parallel_loop3A_728, %parallel_loop3A_729] {strides = array<i32>} : memref<2x64x256xf32, #tpu.memory_space<vmem>>, vector<16xf32>,
          %parallel_loop3A_731 = arith.cmpf ogt, %parallel_loop3A_730, %parallel_loop3A_722 : vector<16xf32>
          %parallel_loop3A_732 = arith.select %parallel_loop3A_731, %parallel_loop3A_730, %parallel_loop3A_722 : vector<16xi1>, vector<16xf32>
          %parallel_loop3A_733 = arith.constant 5 : i32
          %parallel_loop3A_734 = vector.broadcast %parallel_loop3A_733 : i32 to vector<16xi32>
          %parallel_loop3A_735 = arith.select %parallel_loop3A_731, %parallel_loop3A_734, %parallel_loop3A_725 : vector<16xi1>, vector<16xi32>
          %parallel_loop3A_736 = arith.constant 1 : i32
          %parallel_loop3A_737 = arith.index_cast %parallel_loop3A_736 : i32 to index
          %parallel_loop3A_738 = arith.index_cast %parallel_loop3A_667 : i32 to index
          %parallel_loop3A_739 = arith.constant 96 : index
          %parallel_loop3A_740 = tpu.vector_load %arg4[%parallel_loop3A_737, %parallel_loop3A_738, %parallel_loop3A_739] {strides = array<i32>} : memref<2x64x256xf32, #tpu.memory_space<vmem>>, vector<16xf32>,
          %parallel_loop3A_741 = arith.cmpf ogt, %parallel_loop3A_740, %parallel_loop3A_732 : vector<16xf32>
          %parallel_loop3A_742 = arith.select %parallel_loop3A_741, %parallel_loop3A_740, %parallel_loop3A_732 : vector<16xi1>, vector<16xf32>
          %parallel_loop3A_743 = arith.constant 6 : i32
          %parallel_loop3A_744 = vector.broadcast %parallel_loop3A_743 : i32 to vector<16xi32>
          %parallel_loop3A_745 = arith.select %parallel_loop3A_741, %parallel_loop3A_744, %parallel_loop3A_735 : vector<16xi1>, vector<16xi32>
          %parallel_loop3A_746 = arith.constant 1 : i32
          %parallel_loop3A_747 = arith.index_cast %parallel_loop3A_746 : i32 to index
          %parallel_loop3A_748 = arith.index_cast %parallel_loop3A_667 : i32 to index
          %parallel_loop3A_749 = arith.constant 112 : index
          %parallel_loop3A_750 = tpu.vector_load %arg4[%parallel_loop3A_747, %parallel_loop3A_748, %parallel_loop3A_749] {strides = array<i32>} : memref<2x64x256xf32, #tpu.memory_space<vmem>>, vector<16xf32>,
          %parallel_loop3A_751 = arith.cmpf ogt, %parallel_loop3A_750, %parallel_loop3A_742 : vector<16xf32>
          %parallel_loop3A_752 = arith.select %parallel_loop3A_751, %parallel_loop3A_750, %parallel_loop3A_742 : vector<16xi1>, vector<16xf32>
          %parallel_loop3A_753 = arith.constant 7 : i32
          %parallel_loop3A_754 = vector.broadcast %parallel_loop3A_753 : i32 to vector<16xi32>
          %parallel_loop3A_755 = arith.select %parallel_loop3A_751, %parallel_loop3A_754, %parallel_loop3A_745 : vector<16xi1>, vector<16xi32>
          %parallel_loop3A_756 = arith.constant 1 : i32
          %parallel_loop3A_757 = arith.index_cast %parallel_loop3A_756 : i32 to index
          %parallel_loop3A_758 = arith.index_cast %parallel_loop3A_667 : i32 to index
          %parallel_loop3A_759 = arith.constant 128 : index
          %parallel_loop3A_760 = tpu.vector_load %arg4[%parallel_loop3A_757, %parallel_loop3A_758, %parallel_loop3A_759] {strides = array<i32>} : memref<2x64x256xf32, #tpu.memory_space<vmem>>, vector<16xf32>,
          %parallel_loop3A_761 = arith.cmpf ogt, %parallel_loop3A_760, %parallel_loop3A_671 : vector<16xf32>
          %parallel_loop3A_762 = arith.select %parallel_loop3A_761, %parallel_loop3A_760, %parallel_loop3A_671 : vector<16xi1>, vector<16xf32>
          %parallel_loop3A_763 = arith.constant 8 : i32
          %parallel_loop3A_764 = vector.broadcast %parallel_loop3A_763 : i32 to vector<16xi32>
          %parallel_loop3A_765 = arith.select %parallel_loop3A_761, %parallel_loop3A_764, %parallel_loop3A_675 : vector<16xi1>, vector<16xi32>
          %parallel_loop3A_766 = arith.constant 1 : i32
          %parallel_loop3A_767 = arith.index_cast %parallel_loop3A_766 : i32 to index
          %parallel_loop3A_768 = arith.index_cast %parallel_loop3A_667 : i32 to index
          %parallel_loop3A_769 = arith.constant 144 : index
          %parallel_loop3A_770 = tpu.vector_load %arg4[%parallel_loop3A_767, %parallel_loop3A_768, %parallel_loop3A_769] {strides = array<i32>} : memref<2x64x256xf32, #tpu.memory_space<vmem>>, vector<16xf32>,
          %parallel_loop3A_771 = arith.cmpf ogt, %parallel_loop3A_770, %parallel_loop3A_762 : vector<16xf32>
          %parallel_loop3A_772 = arith.select %parallel_loop3A_771, %parallel_loop3A_770, %parallel_loop3A_762 : vector<16xi1>, vector<16xf32>
          %parallel_loop3A_773 = arith.constant 9 : i32
          %parallel_loop3A_774 = vector.broadcast %parallel_loop3A_773 : i32 to vector<16xi32>
          %parallel_loop3A_775 = arith.select %parallel_loop3A_771, %parallel_loop3A_774, %parallel_loop3A_765 : vector<16xi1>, vector<16xi32>
          %parallel_loop3A_776 = arith.constant 1 : i32
          %parallel_loop3A_777 = arith.index_cast %parallel_loop3A_776 : i32 to index
          %parallel_loop3A_778 = arith.index_cast %parallel_loop3A_667 : i32 to index
          %parallel_loop3A_779 = arith.constant 160 : index
          %parallel_loop3A_780 = tpu.vector_load %arg4[%parallel_loop3A_777, %parallel_loop3A_778, %parallel_loop3A_779] {strides = array<i32>} : memref<2x64x256xf32, #tpu.memory_space<vmem>>, vector<16xf32>,
          %parallel_loop3A_781 = arith.cmpf ogt, %parallel_loop3A_780, %parallel_loop3A_772 : vector<16xf32>
          %parallel_loop3A_782 = arith.select %parallel_loop3A_781, %parallel_loop3A_780, %parallel_loop3A_772 : vector<16xi1>, vector<16xf32>
          %parallel_loop3A_783 = arith.constant 10 : i32
          %parallel_loop3A_784 = vector.broadcast %parallel_loop3A_783 : i32 to vector<16xi32>
          %parallel_loop3A_785 = arith.select %parallel_loop3A_781, %parallel_loop3A_784, %parallel_loop3A_775 : vector<16xi1>, vector<16xi32>
          %parallel_loop3A_786 = arith.constant 1 : i32
          %parallel_loop3A_787 = arith.index_cast %parallel_loop3A_786 : i32 to index
          %parallel_loop3A_788 = arith.index_cast %parallel_loop3A_667 : i32 to index
          %parallel_loop3A_789 = arith.constant 176 : index
          %parallel_loop3A_790 = tpu.vector_load %arg4[%parallel_loop3A_787, %parallel_loop3A_788, %parallel_loop3A_789] {strides = array<i32>} : memref<2x64x256xf32, #tpu.memory_space<vmem>>, vector<16xf32>,
          %parallel_loop3A_791 = arith.cmpf ogt, %parallel_loop3A_790, %parallel_loop3A_782 : vector<16xf32>
          %parallel_loop3A_792 = arith.select %parallel_loop3A_791, %parallel_loop3A_790, %parallel_loop3A_782 : vector<16xi1>, vector<16xf32>
          %parallel_loop3A_793 = arith.constant 11 : i32
          %parallel_loop3A_794 = vector.broadcast %parallel_loop3A_793 : i32 to vector<16xi32>
          %parallel_loop3A_795 = arith.select %parallel_loop3A_791, %parallel_loop3A_794, %parallel_loop3A_785 : vector<16xi1>, vector<16xi32>
          %parallel_loop3A_796 = arith.constant 1 : i32
          %parallel_loop3A_797 = arith.index_cast %parallel_loop3A_796 : i32 to index
          %parallel_loop3A_798 = arith.index_cast %parallel_loop3A_667 : i32 to index
          %parallel_loop3A_799 = arith.constant 192 : index
          %parallel_loop3A_800 = tpu.vector_load %arg4[%parallel_loop3A_797, %parallel_loop3A_798, %parallel_loop3A_799] {strides = array<i32>} : memref<2x64x256xf32, #tpu.memory_space<vmem>>, vector<16xf32>,
          %parallel_loop3A_801 = arith.cmpf ogt, %parallel_loop3A_800, %parallel_loop3A_792 : vector<16xf32>
          %parallel_loop3A_802 = arith.select %parallel_loop3A_801, %parallel_loop3A_800, %parallel_loop3A_792 : vector<16xi1>, vector<16xf32>
          %parallel_loop3A_803 = arith.constant 12 : i32
          %parallel_loop3A_804 = vector.broadcast %parallel_loop3A_803 : i32 to vector<16xi32>
          %parallel_loop3A_805 = arith.select %parallel_loop3A_801, %parallel_loop3A_804, %parallel_loop3A_795 : vector<16xi1>, vector<16xi32>
          %parallel_loop3A_806 = arith.constant 1 : i32
          %parallel_loop3A_807 = arith.index_cast %parallel_loop3A_806 : i32 to index
          %parallel_loop3A_808 = arith.index_cast %parallel_loop3A_667 : i32 to index
          %parallel_loop3A_809 = arith.constant 208 : index
          %parallel_loop3A_810 = tpu.vector_load %arg4[%parallel_loop3A_807, %parallel_loop3A_808, %parallel_loop3A_809] {strides = array<i32>} : memref<2x64x256xf32, #tpu.memory_space<vmem>>, vector<16xf32>,
          %parallel_loop3A_811 = arith.cmpf ogt, %parallel_loop3A_810, %parallel_loop3A_802 : vector<16xf32>
          %parallel_loop3A_812 = arith.select %parallel_loop3A_811, %parallel_loop3A_810, %parallel_loop3A_802 : vector<16xi1>, vector<16xf32>
          %parallel_loop3A_813 = arith.constant 13 : i32
          %parallel_loop3A_814 = vector.broadcast %parallel_loop3A_813 : i32 to vector<16xi32>
          %parallel_loop3A_815 = arith.select %parallel_loop3A_811, %parallel_loop3A_814, %parallel_loop3A_805 : vector<16xi1>, vector<16xi32>
          %parallel_loop3A_816 = arith.constant 1 : i32
          %parallel_loop3A_817 = arith.index_cast %parallel_loop3A_816 : i32 to index
          %parallel_loop3A_818 = arith.index_cast %parallel_loop3A_667 : i32 to index
          %parallel_loop3A_819 = arith.constant 224 : index
          %parallel_loop3A_820 = tpu.vector_load %arg4[%parallel_loop3A_817, %parallel_loop3A_818, %parallel_loop3A_819] {strides = array<i32>} : memref<2x64x256xf32, #tpu.memory_space<vmem>>, vector<16xf32>,
          %parallel_loop3A_821 = arith.cmpf ogt, %parallel_loop3A_820, %parallel_loop3A_812 : vector<16xf32>
          %parallel_loop3A_822 = arith.select %parallel_loop3A_821, %parallel_loop3A_820, %parallel_loop3A_812 : vector<16xi1>, vector<16xf32>
          %parallel_loop3A_823 = arith.constant 14 : i32
          %parallel_loop3A_824 = vector.broadcast %parallel_loop3A_823 : i32 to vector<16xi32>
          %parallel_loop3A_825 = arith.select %parallel_loop3A_821, %parallel_loop3A_824, %parallel_loop3A_815 : vector<16xi1>, vector<16xi32>
          %parallel_loop3A_826 = arith.constant 1 : i32
          %parallel_loop3A_827 = arith.index_cast %parallel_loop3A_826 : i32 to index
          %parallel_loop3A_828 = arith.index_cast %parallel_loop3A_667 : i32 to index
          %parallel_loop3A_829 = arith.constant 240 : index
          %parallel_loop3A_830 = tpu.vector_load %arg4[%parallel_loop3A_827, %parallel_loop3A_828, %parallel_loop3A_829] {strides = array<i32>} : memref<2x64x256xf32, #tpu.memory_space<vmem>>, vector<16xf32>,
          %parallel_loop3A_831 = arith.cmpf ogt, %parallel_loop3A_830, %parallel_loop3A_822 : vector<16xf32>
          %parallel_loop3A_832 = arith.select %parallel_loop3A_831, %parallel_loop3A_830, %parallel_loop3A_822 : vector<16xi1>, vector<16xf32>
          %parallel_loop3A_833 = arith.constant 15 : i32
          %parallel_loop3A_834 = vector.broadcast %parallel_loop3A_833 : i32 to vector<16xi32>
          %parallel_loop3A_835 = arith.select %parallel_loop3A_831, %parallel_loop3A_834, %parallel_loop3A_825 : vector<16xi1>, vector<16xi32>
          %parallel_loop3A_836 = arith.constant 16 : i32
          %parallel_loop3A_837 = vector.broadcast %parallel_loop3A_836 : i32 to vector<16xi32>
          %parallel_loop3A_838 = arith.muli %parallel_loop3A_755, %parallel_loop3A_837 : vector<16xi32>
          %parallel_loop3A_839 = arith.addi %parallel_loop3A_838, %iota3A : vector<16xi32>
          %parallel_loop3A_840 = arith.constant 16 : i32
          %parallel_loop3A_841 = vector.broadcast %parallel_loop3A_840 : i32 to vector<16xi32>
          %parallel_loop3A_842 = arith.muli %parallel_loop3A_835, %parallel_loop3A_841 : vector<16xi32>
          %parallel_loop3A_843 = arith.addi %parallel_loop3A_842, %iota3A : vector<16xi32>
          %parallel_loop3A_844 = arith.cmpf ogt, %parallel_loop3A_832, %parallel_loop3A_752 : vector<16xf32>
          %parallel_loop3A_845 = arith.cmpf oeq, %parallel_loop3A_832, %parallel_loop3A_752 : vector<16xf32>
          %parallel_loop3A_846 = arith.cmpi slt, %parallel_loop3A_843, %parallel_loop3A_839 : vector<16xi32>
          %parallel_loop3A_847 = arith.andi %parallel_loop3A_845, %parallel_loop3A_846 : vector<16xi1>
          %parallel_loop3A_848 = arith.ori %parallel_loop3A_844, %parallel_loop3A_847 : vector<16xi1>
          %parallel_loop3A_849 = arith.select %parallel_loop3A_848, %parallel_loop3A_832, %parallel_loop3A_752 : vector<16xi1>, vector<16xf32>
          %parallel_loop3A_850 = arith.select %parallel_loop3A_848, %parallel_loop3A_843, %parallel_loop3A_839 : vector<16xi1>, vector<16xi32>
          %parallel_loop3A_851 = vector.broadcast %parallel_loop3A_666 : i32 to vector<16xi32>
          %parallel_loop3A_852 = arith.addi %mul3A_6, %parallel_loop3A_851 : vector<16xi32>
          tpu.vector_store_idx %arg7[%parallel_loop3A_852], %parallel_loop3A_849 : memref<272xf32, #tpu.memory_space<vmem>>[vector<16xi32>], vector<16xf32>,
          tpu.vector_store_idx %arg8[%parallel_loop3A_852], %parallel_loop3A_850 : memref<272xi32, #tpu.memory_space<vmem>>[vector<16xi32>], vector<16xi32>,
        } {sc.loop_unroll_factor = 4 : i64, sc.parallel_access}
        %add3A_486 = arith.constant 0 : i32
        %add3A_487 = vector.broadcast %add3A_486 : i32 to vector<16xi32>
        %add3A_488 = arith.addi %iota3A, %add3A_487 : vector<16xi32>
        %gather3A = tpu.vector_load_idx %arg7[%add3A_488] : memref<272xf32, #tpu.memory_space<vmem>>[vector<16xi32>], vector<16xf32>,
        %gather3A_489 = tpu.vector_load_idx %arg8[%add3A_488] : memref<272xi32, #tpu.memory_space<vmem>>[vector<16xi32>], vector<16xi32>,
        %add3A_490 = arith.constant 17 : i32
        %add3A_491 = vector.broadcast %add3A_490 : i32 to vector<16xi32>
        %add3A_492 = arith.addi %iota3A, %add3A_491 : vector<16xi32>
        %gather3A_493 = tpu.vector_load_idx %arg7[%add3A_492] : memref<272xf32, #tpu.memory_space<vmem>>[vector<16xi32>], vector<16xf32>,
        %gather3A_494 = tpu.vector_load_idx %arg8[%add3A_492] : memref<272xi32, #tpu.memory_space<vmem>>[vector<16xi32>], vector<16xi32>,
        %add3A_495 = arith.constant 34 : i32
        %add3A_496 = vector.broadcast %add3A_495 : i32 to vector<16xi32>
        %add3A_497 = arith.addi %iota3A, %add3A_496 : vector<16xi32>
        %gather3A_498 = tpu.vector_load_idx %arg7[%add3A_497] : memref<272xf32, #tpu.memory_space<vmem>>[vector<16xi32>], vector<16xf32>,
        %gather3A_499 = tpu.vector_load_idx %arg8[%add3A_497] : memref<272xi32, #tpu.memory_space<vmem>>[vector<16xi32>], vector<16xi32>,
        %add3A_500 = arith.constant 51 : i32
        %add3A_501 = vector.broadcast %add3A_500 : i32 to vector<16xi32>
        %add3A_502 = arith.addi %iota3A, %add3A_501 : vector<16xi32>
        %gather3A_503 = tpu.vector_load_idx %arg7[%add3A_502] : memref<272xf32, #tpu.memory_space<vmem>>[vector<16xi32>], vector<16xf32>,
        %gather3A_504 = tpu.vector_load_idx %arg8[%add3A_502] : memref<272xi32, #tpu.memory_space<vmem>>[vector<16xi32>], vector<16xi32>,
        %add3A_505 = arith.constant 68 : i32
        %add3A_506 = vector.broadcast %add3A_505 : i32 to vector<16xi32>
        %add3A_507 = arith.addi %iota3A, %add3A_506 : vector<16xi32>
        %gather3A_508 = tpu.vector_load_idx %arg7[%add3A_507] : memref<272xf32, #tpu.memory_space<vmem>>[vector<16xi32>], vector<16xf32>,
        %gather3A_509 = tpu.vector_load_idx %arg8[%add3A_507] : memref<272xi32, #tpu.memory_space<vmem>>[vector<16xi32>], vector<16xi32>,
        %add3A_510 = arith.constant 85 : i32
        %add3A_511 = vector.broadcast %add3A_510 : i32 to vector<16xi32>
        %add3A_512 = arith.addi %iota3A, %add3A_511 : vector<16xi32>
        %gather3A_513 = tpu.vector_load_idx %arg7[%add3A_512] : memref<272xf32, #tpu.memory_space<vmem>>[vector<16xi32>], vector<16xf32>,
        %gather3A_514 = tpu.vector_load_idx %arg8[%add3A_512] : memref<272xi32, #tpu.memory_space<vmem>>[vector<16xi32>], vector<16xi32>,
        %add3A_515 = arith.constant 102 : i32
        %add3A_516 = vector.broadcast %add3A_515 : i32 to vector<16xi32>
        %add3A_517 = arith.addi %iota3A, %add3A_516 : vector<16xi32>
        %gather3A_518 = tpu.vector_load_idx %arg7[%add3A_517] : memref<272xf32, #tpu.memory_space<vmem>>[vector<16xi32>], vector<16xf32>,
        %gather3A_519 = tpu.vector_load_idx %arg8[%add3A_517] : memref<272xi32, #tpu.memory_space<vmem>>[vector<16xi32>], vector<16xi32>,
        %add3A_520 = arith.constant 119 : i32
        %add3A_521 = vector.broadcast %add3A_520 : i32 to vector<16xi32>
        %add3A_522 = arith.addi %iota3A, %add3A_521 : vector<16xi32>
        %gather3A_523 = tpu.vector_load_idx %arg7[%add3A_522] : memref<272xf32, #tpu.memory_space<vmem>>[vector<16xi32>], vector<16xf32>,
        %gather3A_524 = tpu.vector_load_idx %arg8[%add3A_522] : memref<272xi32, #tpu.memory_space<vmem>>[vector<16xi32>], vector<16xi32>,
        %add3A_525 = arith.constant 136 : i32
        %add3A_526 = vector.broadcast %add3A_525 : i32 to vector<16xi32>
        %add3A_527 = arith.addi %iota3A, %add3A_526 : vector<16xi32>
        %gather3A_528 = tpu.vector_load_idx %arg7[%add3A_527] : memref<272xf32, #tpu.memory_space<vmem>>[vector<16xi32>], vector<16xf32>,
        %gather3A_529 = tpu.vector_load_idx %arg8[%add3A_527] : memref<272xi32, #tpu.memory_space<vmem>>[vector<16xi32>], vector<16xi32>,
        %add3A_530 = arith.constant 153 : i32
        %add3A_531 = vector.broadcast %add3A_530 : i32 to vector<16xi32>
        %add3A_532 = arith.addi %iota3A, %add3A_531 : vector<16xi32>
        %gather3A_533 = tpu.vector_load_idx %arg7[%add3A_532] : memref<272xf32, #tpu.memory_space<vmem>>[vector<16xi32>], vector<16xf32>,
        %gather3A_534 = tpu.vector_load_idx %arg8[%add3A_532] : memref<272xi32, #tpu.memory_space<vmem>>[vector<16xi32>], vector<16xi32>,
        %add3A_535 = arith.constant 170 : i32
        %add3A_536 = vector.broadcast %add3A_535 : i32 to vector<16xi32>
        %add3A_537 = arith.addi %iota3A, %add3A_536 : vector<16xi32>
        %gather3A_538 = tpu.vector_load_idx %arg7[%add3A_537] : memref<272xf32, #tpu.memory_space<vmem>>[vector<16xi32>], vector<16xf32>,
        %gather3A_539 = tpu.vector_load_idx %arg8[%add3A_537] : memref<272xi32, #tpu.memory_space<vmem>>[vector<16xi32>], vector<16xi32>,
        %add3A_540 = arith.constant 187 : i32
        %add3A_541 = vector.broadcast %add3A_540 : i32 to vector<16xi32>
        %add3A_542 = arith.addi %iota3A, %add3A_541 : vector<16xi32>
        %gather3A_543 = tpu.vector_load_idx %arg7[%add3A_542] : memref<272xf32, #tpu.memory_space<vmem>>[vector<16xi32>], vector<16xf32>,
        %gather3A_544 = tpu.vector_load_idx %arg8[%add3A_542] : memref<272xi32, #tpu.memory_space<vmem>>[vector<16xi32>], vector<16xi32>,
        %add3A_545 = arith.constant 204 : i32
        %add3A_546 = vector.broadcast %add3A_545 : i32 to vector<16xi32>
        %add3A_547 = arith.addi %iota3A, %add3A_546 : vector<16xi32>
        %gather3A_548 = tpu.vector_load_idx %arg7[%add3A_547] : memref<272xf32, #tpu.memory_space<vmem>>[vector<16xi32>], vector<16xf32>,
        %gather3A_549 = tpu.vector_load_idx %arg8[%add3A_547] : memref<272xi32, #tpu.memory_space<vmem>>[vector<16xi32>], vector<16xi32>,
        %add3A_550 = arith.constant 221 : i32
        %add3A_551 = vector.broadcast %add3A_550 : i32 to vector<16xi32>
        %add3A_552 = arith.addi %iota3A, %add3A_551 : vector<16xi32>
        %gather3A_553 = tpu.vector_load_idx %arg7[%add3A_552] : memref<272xf32, #tpu.memory_space<vmem>>[vector<16xi32>], vector<16xf32>,
        %gather3A_554 = tpu.vector_load_idx %arg8[%add3A_552] : memref<272xi32, #tpu.memory_space<vmem>>[vector<16xi32>], vector<16xi32>,
        %add3A_555 = arith.constant 238 : i32
        %add3A_556 = vector.broadcast %add3A_555 : i32 to vector<16xi32>
        %add3A_557 = arith.addi %iota3A, %add3A_556 : vector<16xi32>
        %gather3A_558 = tpu.vector_load_idx %arg7[%add3A_557] : memref<272xf32, #tpu.memory_space<vmem>>[vector<16xi32>], vector<16xf32>,
        %gather3A_559 = tpu.vector_load_idx %arg8[%add3A_557] : memref<272xi32, #tpu.memory_space<vmem>>[vector<16xi32>], vector<16xi32>,
        %add3A_560 = arith.constant 255 : i32
        %add3A_561 = vector.broadcast %add3A_560 : i32 to vector<16xi32>
        %add3A_562 = arith.addi %iota3A, %add3A_561 : vector<16xi32>
        %gather3A_563 = tpu.vector_load_idx %arg7[%add3A_562] : memref<272xf32, #tpu.memory_space<vmem>>[vector<16xi32>], vector<16xf32>,
        %gather3A_564 = tpu.vector_load_idx %arg8[%add3A_562] : memref<272xi32, #tpu.memory_space<vmem>>[vector<16xi32>], vector<16xi32>,
        %gt3A = arith.cmpf ogt, %gather3A_493, %gather3A : vector<16xf32>
        %eq3A = arith.cmpf oeq, %gather3A_493, %gather3A : vector<16xf32>
        %lt3A_565 = arith.cmpi slt, %gather3A_494, %gather3A_489 : vector<16xi32>
        %and3A = arith.andi %eq3A, %lt3A_565 : vector<16xi1>
        %or3A = arith.ori %gt3A, %and3A : vector<16xi1>
        %select_n3A = arith.select %or3A, %gather3A_493, %gather3A : vector<16xi1>, vector<16xf32>
        %select_n3A_566 = arith.select %or3A, %gather3A_494, %gather3A_489 : vector<16xi1>, vector<16xi32>
        %gt3A_567 = arith.cmpf ogt, %gather3A_503, %gather3A_498 : vector<16xf32>
        %eq3A_568 = arith.cmpf oeq, %gather3A_503, %gather3A_498 : vector<16xf32>
        %lt3A_569 = arith.cmpi slt, %gather3A_504, %gather3A_499 : vector<16xi32>
        %and3A_570 = arith.andi %eq3A_568, %lt3A_569 : vector<16xi1>
        %or3A_571 = arith.ori %gt3A_567, %and3A_570 : vector<16xi1>
        %select_n3A_572 = arith.select %or3A_571, %gather3A_503, %gather3A_498 : vector<16xi1>, vector<16xf32>
        %select_n3A_573 = arith.select %or3A_571, %gather3A_504, %gather3A_499 : vector<16xi1>, vector<16xi32>
        %gt3A_574 = arith.cmpf ogt, %gather3A_513, %gather3A_508 : vector<16xf32>
        %eq3A_575 = arith.cmpf oeq, %gather3A_513, %gather3A_508 : vector<16xf32>
        %lt3A_576 = arith.cmpi slt, %gather3A_514, %gather3A_509 : vector<16xi32>
        %and3A_577 = arith.andi %eq3A_575, %lt3A_576 : vector<16xi1>
        %or3A_578 = arith.ori %gt3A_574, %and3A_577 : vector<16xi1>
        %select_n3A_579 = arith.select %or3A_578, %gather3A_513, %gather3A_508 : vector<16xi1>, vector<16xf32>
        %select_n3A_580 = arith.select %or3A_578, %gather3A_514, %gather3A_509 : vector<16xi1>, vector<16xi32>
        %gt3A_581 = arith.cmpf ogt, %gather3A_523, %gather3A_518 : vector<16xf32>
        %eq3A_582 = arith.cmpf oeq, %gather3A_523, %gather3A_518 : vector<16xf32>
        %lt3A_583 = arith.cmpi slt, %gather3A_524, %gather3A_519 : vector<16xi32>
        %and3A_584 = arith.andi %eq3A_582, %lt3A_583 : vector<16xi1>
        %or3A_585 = arith.ori %gt3A_581, %and3A_584 : vector<16xi1>
        %select_n3A_586 = arith.select %or3A_585, %gather3A_523, %gather3A_518 : vector<16xi1>, vector<16xf32>
        %select_n3A_587 = arith.select %or3A_585, %gather3A_524, %gather3A_519 : vector<16xi1>, vector<16xi32>
        %gt3A_588 = arith.cmpf ogt, %gather3A_533, %gather3A_528 : vector<16xf32>
        %eq3A_589 = arith.cmpf oeq, %gather3A_533, %gather3A_528 : vector<16xf32>
        %lt3A_590 = arith.cmpi slt, %gather3A_534, %gather3A_529 : vector<16xi32>
        %and3A_591 = arith.andi %eq3A_589, %lt3A_590 : vector<16xi1>
        %or3A_592 = arith.ori %gt3A_588, %and3A_591 : vector<16xi1>
        %select_n3A_593 = arith.select %or3A_592, %gather3A_533, %gather3A_528 : vector<16xi1>, vector<16xf32>
        %select_n3A_594 = arith.select %or3A_592, %gather3A_534, %gather3A_529 : vector<16xi1>, vector<16xi32>
        %gt3A_595 = arith.cmpf ogt, %gather3A_543, %gather3A_538 : vector<16xf32>
        %eq3A_596 = arith.cmpf oeq, %gather3A_543, %gather3A_538 : vector<16xf32>
        %lt3A_597 = arith.cmpi slt, %gather3A_544, %gather3A_539 : vector<16xi32>
        %and3A_598 = arith.andi %eq3A_596, %lt3A_597 : vector<16xi1>
        %or3A_599 = arith.ori %gt3A_595, %and3A_598 : vector<16xi1>
        %select_n3A_600 = arith.select %or3A_599, %gather3A_543, %gather3A_538 : vector<16xi1>, vector<16xf32>
        %select_n3A_601 = arith.select %or3A_599, %gather3A_544, %gather3A_539 : vector<16xi1>, vector<16xi32>
        %gt3A_602 = arith.cmpf ogt, %gather3A_553, %gather3A_548 : vector<16xf32>
        %eq3A_603 = arith.cmpf oeq, %gather3A_553, %gather3A_548 : vector<16xf32>
        %lt3A_604 = arith.cmpi slt, %gather3A_554, %gather3A_549 : vector<16xi32>
        %and3A_605 = arith.andi %eq3A_603, %lt3A_604 : vector<16xi1>
        %or3A_606 = arith.ori %gt3A_602, %and3A_605 : vector<16xi1>
        %select_n3A_607 = arith.select %or3A_606, %gather3A_553, %gather3A_548 : vector<16xi1>, vector<16xf32>
        %select_n3A_608 = arith.select %or3A_606, %gather3A_554, %gather3A_549 : vector<16xi1>, vector<16xi32>
        %gt3A_609 = arith.cmpf ogt, %gather3A_563, %gather3A_558 : vector<16xf32>
        %eq3A_610 = arith.cmpf oeq, %gather3A_563, %gather3A_558 : vector<16xf32>
        %lt3A_611 = arith.cmpi slt, %gather3A_564, %gather3A_559 : vector<16xi32>
        %and3A_612 = arith.andi %eq3A_610, %lt3A_611 : vector<16xi1>
        %or3A_613 = arith.ori %gt3A_609, %and3A_612 : vector<16xi1>
        %select_n3A_614 = arith.select %or3A_613, %gather3A_563, %gather3A_558 : vector<16xi1>, vector<16xf32>
        %select_n3A_615 = arith.select %or3A_613, %gather3A_564, %gather3A_559 : vector<16xi1>, vector<16xi32>
        %gt3A_616 = arith.cmpf ogt, %select_n3A_572, %select_n3A : vector<16xf32>
        %eq3A_617 = arith.cmpf oeq, %select_n3A_572, %select_n3A : vector<16xf32>
        %lt3A_618 = arith.cmpi slt, %select_n3A_573, %select_n3A_566 : vector<16xi32>
        %and3A_619 = arith.andi %eq3A_617, %lt3A_618 : vector<16xi1>
        %or3A_620 = arith.ori %gt3A_616, %and3A_619 : vector<16xi1>
        %select_n3A_621 = arith.select %or3A_620, %select_n3A_572, %select_n3A : vector<16xi1>, vector<16xf32>
        %select_n3A_622 = arith.select %or3A_620, %select_n3A_573, %select_n3A_566 : vector<16xi1>, vector<16xi32>
        %gt3A_623 = arith.cmpf ogt, %select_n3A_586, %select_n3A_579 : vector<16xf32>
        %eq3A_624 = arith.cmpf oeq, %select_n3A_586, %select_n3A_579 : vector<16xf32>
        %lt3A_625 = arith.cmpi slt, %select_n3A_587, %select_n3A_580 : vector<16xi32>
        %and3A_626 = arith.andi %eq3A_624, %lt3A_625 : vector<16xi1>
        %or3A_627 = arith.ori %gt3A_623, %and3A_626 : vector<16xi1>
        %select_n3A_628 = arith.select %or3A_627, %select_n3A_586, %select_n3A_579 : vector<16xi1>, vector<16xf32>
        %select_n3A_629 = arith.select %or3A_627, %select_n3A_587, %select_n3A_580 : vector<16xi1>, vector<16xi32>
        %gt3A_630 = arith.cmpf ogt, %select_n3A_600, %select_n3A_593 : vector<16xf32>
        %eq3A_631 = arith.cmpf oeq, %select_n3A_600, %select_n3A_593 : vector<16xf32>
        %lt3A_632 = arith.cmpi slt, %select_n3A_601, %select_n3A_594 : vector<16xi32>
        %and3A_633 = arith.andi %eq3A_631, %lt3A_632 : vector<16xi1>
        %or3A_634 = arith.ori %gt3A_630, %and3A_633 : vector<16xi1>
        %select_n3A_635 = arith.select %or3A_634, %select_n3A_600, %select_n3A_593 : vector<16xi1>, vector<16xf32>
        %select_n3A_636 = arith.select %or3A_634, %select_n3A_601, %select_n3A_594 : vector<16xi1>, vector<16xi32>
        %gt3A_637 = arith.cmpf ogt, %select_n3A_614, %select_n3A_607 : vector<16xf32>
        %eq3A_638 = arith.cmpf oeq, %select_n3A_614, %select_n3A_607 : vector<16xf32>
        %lt3A_639 = arith.cmpi slt, %select_n3A_615, %select_n3A_608 : vector<16xi32>
        %and3A_640 = arith.andi %eq3A_638, %lt3A_639 : vector<16xi1>
        %or3A_641 = arith.ori %gt3A_637, %and3A_640 : vector<16xi1>
        %select_n3A_642 = arith.select %or3A_641, %select_n3A_614, %select_n3A_607 : vector<16xi1>, vector<16xf32>
        %select_n3A_643 = arith.select %or3A_641, %select_n3A_615, %select_n3A_608 : vector<16xi1>, vector<16xi32>
        %gt3A_644 = arith.cmpf ogt, %select_n3A_628, %select_n3A_621 : vector<16xf32>
        %eq3A_645 = arith.cmpf oeq, %select_n3A_628, %select_n3A_621 : vector<16xf32>
        %lt3A_646 = arith.cmpi slt, %select_n3A_629, %select_n3A_622 : vector<16xi32>
        %and3A_647 = arith.andi %eq3A_645, %lt3A_646 : vector<16xi1>
        %or3A_648 = arith.ori %gt3A_644, %and3A_647 : vector<16xi1>
        %select_n3A_649 = arith.select %or3A_648, %select_n3A_628, %select_n3A_621 : vector<16xi1>, vector<16xf32>
        %select_n3A_650 = arith.select %or3A_648, %select_n3A_629, %select_n3A_622 : vector<16xi1>, vector<16xi32>
        %gt3A_651 = arith.cmpf ogt, %select_n3A_642, %select_n3A_635 : vector<16xf32>
        %eq3A_652 = arith.cmpf oeq, %select_n3A_642, %select_n3A_635 : vector<16xf32>
        %lt3A_653 = arith.cmpi slt, %select_n3A_643, %select_n3A_636 : vector<16xi32>
        %and3A_654 = arith.andi %eq3A_652, %lt3A_653 : vector<16xi1>
        %or3A_655 = arith.ori %gt3A_651, %and3A_654 : vector<16xi1>
        %select_n3A_656 = arith.select %or3A_655, %select_n3A_642, %select_n3A_635 : vector<16xi1>, vector<16xf32>
        %select_n3A_657 = arith.select %or3A_655, %select_n3A_643, %select_n3A_636 : vector<16xi1>, vector<16xi32>
        %gt3A_658 = arith.cmpf ogt, %select_n3A_656, %select_n3A_649 : vector<16xf32>
        %eq3A_659 = arith.cmpf oeq, %select_n3A_656, %select_n3A_649 : vector<16xf32>
        %lt3A_660 = arith.cmpi slt, %select_n3A_657, %select_n3A_650 : vector<16xi32>
        %and3A_661 = arith.andi %eq3A_659, %lt3A_660 : vector<16xi1>
        %or3A_662 = arith.ori %gt3A_658, %and3A_661 : vector<16xi1>
        %select_n3A_663 = arith.select %or3A_662, %select_n3A_656, %select_n3A_649 : vector<16xi1>, vector<16xf32>
        %select_n3A_664 = arith.select %or3A_662, %select_n3A_657, %select_n3A_650 : vector<16xi1>, vector<16xi32>
        tpu.vector_store_idx %arg5[%select_n3A_664], %broadcast_in_dim3A_3 : memref<256xf32, #tpu.memory_space<vmem>>[vector<16xi32>], vector<16xf32>,
        %scan3A_665 = arith.constant 0 : i32
        scf.yield %scan3A_665 : i32
      }
      %scan3A_471 = arith.constant 4 : i32
      %add3A_472 = arith.constant 3 : i32
      %add3A_473 = arith.addi %mul3A_418, %add3A_472 : i32
      %lt3A_474 = arith.constant 32 : i32
      %lt3A_475 = arith.cmpi slt, %add3A_473, %lt3A_474 : i32
      %convert_element_type3A_476 = arith.extui %lt3A_475 : i1 to i32
      %cond3A_477 = arith.constant 0 : i32
      %cond3A_478 = arith.cmpi ne, %convert_element_type3A_476, %cond3A_477 : i32
      scf.if %cond3A_478 {
        %add3A_480 = arith.constant 3 : i32
        %add3A_481 = arith.addi %mul3A_418, %add3A_480 : i32
        %mul3A_482 = arith.constant 64 : i32
        %mul3A_483 = arith.muli %add3A_481, %mul3A_482 : i32
        %dma_start3A_484 = arith.constant 1 : i32
        %dma_start3A_485 = arith.constant 0 : i32
        %dma_start3A_486 = arith.constant 0 : i32
        %dma_start3A_487 = tpu.memref_slice %arg4[%dma_start3A_484, %dma_start3A_485, %dma_start3A_486] : memref<2x64x256xf32, #tpu.memory_space<vmem>> -> memref<1x64x256xf32, #tpu.memory_space<vmem>>
        %dma_start3A_488 = tpu.memref_squeeze %dma_start3A_487 : memref<1x64x256xf32, #tpu.memory_space<vmem>> -> memref<64x256xf32, #tpu.memory_space<vmem>>
        %dma_start3A_489 = arith.constant 0 : i32
        %dma_start3A_490 = tpu.memref_slice %arg2[%add3A_227, %mul3A_483, %dma_start3A_489] : memref<64x2048x256xf32, #tpu.memory_space<hbm>> -> memref<1x64x256xf32, #tpu.memory_space<hbm>>
        %dma_start3A_491 = tpu.memref_squeeze %dma_start3A_490 : memref<1x64x256xf32, #tpu.memory_space<hbm>> -> memref<64x256xf32, #tpu.memory_space<hbm>>
        %dma_start3A_492 = arith.constant 0 : i32
        %dma_start3A_493 = arith.constant 0 : i32
        %dma_start3A_494 = tpu.memref_slice %arg4[%dma_start3A_484, %dma_start3A_492, %dma_start3A_493] : memref<2x64x256xf32, #tpu.memory_space<vmem>> -> memref<1x64x256xf32, #tpu.memory_space<vmem>>
        %dma_start3A_495 = tpu.memref_squeeze %dma_start3A_494 : memref<1x64x256xf32, #tpu.memory_space<vmem>> -> memref<64x256xf32, #tpu.memory_space<vmem>>
        %dma_start3A_496 = arith.constant 0 : i32
        %dma_start3A_497 = tpu.memref_slice %arg2[%add3A_227, %mul3A_483, %dma_start3A_496] : memref<64x2048x256xf32, #tpu.memory_space<hbm>> -> memref<1x64x256xf32, #tpu.memory_space<hbm>>
        %dma_start3A_498 = tpu.memref_squeeze %dma_start3A_497 : memref<1x64x256xf32, #tpu.memory_space<hbm>> -> memref<64x256xf32, #tpu.memory_space<hbm>>
        tpu.enqueue_dma source(%dma_start3A_498 : memref<64x256xf32, #tpu.memory_space<hbm>>) target(%dma_start3A_495 : memref<64x256xf32, #tpu.memory_space<vmem>>) target_semaphore(%arg10 : memref<!tpu.dma_semaphore, #tpu.memory_space<semaphore_mem>>)
      } else {
      }
      %scan3A_479 = arith.constant 0 : i32
      scf.yield %scan3A_479 : i32
    }
    %scan3A_300 = arith.constant 16 : i32
    %get3A_301 = arith.constant 0 : index
    %get3A_302 = tpu.vector_load %arg6[%get3A_301] {strides = array<i32>} : memref<256xf32, #tpu.memory_space<vmem>>, vector<16xf32>,
    %get3A_303 = arith.constant 0 : index
    %get3A_304 = tpu.vector_load %arg5[%get3A_303] {strides = array<i32>} : memref<256xf32, #tpu.memory_space<vmem>>, vector<16xf32>,
    %add3A_305 = arith.addf %get3A_302, %get3A_304 : vector<16xf32>
    %swap3A_306 = arith.constant 0 : index
    %swap3A_307 = tpu.vector_load %arg6[%swap3A_306] {strides = array<i32>} : memref<256xf32, #tpu.memory_space<vmem>>, vector<16xf32>,
    tpu.vector_store %arg6[%swap3A_306], %add3A_305 {strides = array<i32>} : memref<256xf32, #tpu.memory_space<vmem>>, vector<16xf32>,
    %get3A_308 = arith.constant 16 : index
    %get3A_309 = tpu.vector_load %arg6[%get3A_308] {strides = array<i32>} : memref<256xf32, #tpu.memory_space<vmem>>, vector<16xf32>,
    %get3A_310 = arith.constant 16 : index
    %get3A_311 = tpu.vector_load %arg5[%get3A_310] {strides = array<i32>} : memref<256xf32, #tpu.memory_space<vmem>>, vector<16xf32>,
    %add3A_312 = arith.addf %get3A_309, %get3A_311 : vector<16xf32>
    %swap3A_313 = arith.constant 16 : index
    %swap3A_314 = tpu.vector_load %arg6[%swap3A_313] {strides = array<i32>} : memref<256xf32, #tpu.memory_space<vmem>>, vector<16xf32>,
    tpu.vector_store %arg6[%swap3A_313], %add3A_312 {strides = array<i32>} : memref<256xf32, #tpu.memory_space<vmem>>, vector<16xf32>,
    %get3A_315 = arith.constant 32 : index
    %get3A_316 = tpu.vector_load %arg6[%get3A_315] {strides = array<i32>} : memref<256xf32, #tpu.memory_space<vmem>>, vector<16xf32>,
    %get3A_317 = arith.constant 32 : index
    %get3A_318 = tpu.vector_load %arg5[%get3A_317] {strides = array<i32>} : memref<256xf32, #tpu.memory_space<vmem>>, vector<16xf32>,
    %add3A_319 = arith.addf %get3A_316, %get3A_318 : vector<16xf32>
    %swap3A_320 = arith.constant 32 : index
    %swap3A_321 = tpu.vector_load %arg6[%swap3A_320] {strides = array<i32>} : memref<256xf32, #tpu.memory_space<vmem>>, vector<16xf32>,
    tpu.vector_store %arg6[%swap3A_320], %add3A_319 {strides = array<i32>} : memref<256xf32, #tpu.memory_space<vmem>>, vector<16xf32>,
    %get3A_322 = arith.constant 48 : index
    %get3A_323 = tpu.vector_load %arg6[%get3A_322] {strides = array<i32>} : memref<256xf32, #tpu.memory_space<vmem>>, vector<16xf32>,
    %get3A_324 = arith.constant 48 : index
    %get3A_325 = tpu.vector_load %arg5[%get3A_324] {strides = array<i32>} : memref<256xf32, #tpu.memory_space<vmem>>, vector<16xf32>,
    %add3A_326 = arith.addf %get3A_323, %get3A_325 : vector<16xf32>
    %swap3A_327 = arith.constant 48 : index
    %swap3A_328 = tpu.vector_load %arg6[%swap3A_327] {strides = array<i32>} : memref<256xf32, #tpu.memory_space<vmem>>, vector<16xf32>,
    tpu.vector_store %arg6[%swap3A_327], %add3A_326 {strides = array<i32>} : memref<256xf32, #tpu.memory_space<vmem>>, vector<16xf32>,
    %get3A_329 = arith.constant 64 : index
    %get3A_330 = tpu.vector_load %arg6[%get3A_329] {strides = array<i32>} : memref<256xf32, #tpu.memory_space<vmem>>, vector<16xf32>,
    %get3A_331 = arith.constant 64 : index
    %get3A_332 = tpu.vector_load %arg5[%get3A_331] {strides = array<i32>} : memref<256xf32, #tpu.memory_space<vmem>>, vector<16xf32>,
    %add3A_333 = arith.addf %get3A_330, %get3A_332 : vector<16xf32>
    %swap3A_334 = arith.constant 64 : index
    %swap3A_335 = tpu.vector_load %arg6[%swap3A_334] {strides = array<i32>} : memref<256xf32, #tpu.memory_space<vmem>>, vector<16xf32>,
    tpu.vector_store %arg6[%swap3A_334], %add3A_333 {strides = array<i32>} : memref<256xf32, #tpu.memory_space<vmem>>, vector<16xf32>,
    %get3A_336 = arith.constant 80 : index
    %get3A_337 = tpu.vector_load %arg6[%get3A_336] {strides = array<i32>} : memref<256xf32, #tpu.memory_space<vmem>>, vector<16xf32>,
    %get3A_338 = arith.constant 80 : index
    %get3A_339 = tpu.vector_load %arg5[%get3A_338] {strides = array<i32>} : memref<256xf32, #tpu.memory_space<vmem>>, vector<16xf32>,
    %add3A_340 = arith.addf %get3A_337, %get3A_339 : vector<16xf32>
    %swap3A_341 = arith.constant 80 : index
    %swap3A_342 = tpu.vector_load %arg6[%swap3A_341] {strides = array<i32>} : memref<256xf32, #tpu.memory_space<vmem>>, vector<16xf32>,
    tpu.vector_store %arg6[%swap3A_341], %add3A_340 {strides = array<i32>} : memref<256xf32, #tpu.memory_space<vmem>>, vector<16xf32>,
    %get3A_343 = arith.constant 96 : index
    %get3A_344 = tpu.vector_load %arg6[%get3A_343] {strides = array<i32>} : memref<256xf32, #tpu.memory_space<vmem>>, vector<16xf32>,
    %get3A_345 = arith.constant 96 : index
    %get3A_346 = tpu.vector_load %arg5[%get3A_345] {strides = array<i32>} : memref<256xf32, #tpu.memory_space<vmem>>, vector<16xf32>,
    %add3A_347 = arith.addf %get3A_344, %get3A_346 : vector<16xf32>
    %swap3A_348 = arith.constant 96 : index
    %swap3A_349 = tpu.vector_load %arg6[%swap3A_348] {strides = array<i32>} : memref<256xf32, #tpu.memory_space<vmem>>, vector<16xf32>,
    tpu.vector_store %arg6[%swap3A_348], %add3A_347 {strides = array<i32>} : memref<256xf32, #tpu.memory_space<vmem>>, vector<16xf32>,
    %get3A_350 = arith.constant 112 : index
    %get3A_351 = tpu.vector_load %arg6[%get3A_350] {strides = array<i32>} : memref<256xf32, #tpu.memory_space<vmem>>, vector<16xf32>,
    %get3A_352 = arith.constant 112 : index
    %get3A_353 = tpu.vector_load %arg5[%get3A_352] {strides = array<i32>} : memref<256xf32, #tpu.memory_space<vmem>>, vector<16xf32>,
    %add3A_354 = arith.addf %get3A_351, %get3A_353 : vector<16xf32>
    %swap3A_355 = arith.constant 112 : index
    %swap3A_356 = tpu.vector_load %arg6[%swap3A_355] {strides = array<i32>} : memref<256xf32, #tpu.memory_space<vmem>>, vector<16xf32>,
    tpu.vector_store %arg6[%swap3A_355], %add3A_354 {strides = array<i32>} : memref<256xf32, #tpu.memory_space<vmem>>, vector<16xf32>,
    %get3A_357 = arith.constant 128 : index
    %get3A_358 = tpu.vector_load %arg6[%get3A_357] {strides = array<i32>} : memref<256xf32, #tpu.memory_space<vmem>>, vector<16xf32>,
    %get3A_359 = arith.constant 128 : index
    %get3A_360 = tpu.vector_load %arg5[%get3A_359] {strides = array<i32>} : memref<256xf32, #tpu.memory_space<vmem>>, vector<16xf32>,
    %add3A_361 = arith.addf %get3A_358, %get3A_360 : vector<16xf32>
    %swap3A_362 = arith.constant 128 : index
    %swap3A_363 = tpu.vector_load %arg6[%swap3A_362] {strides = array<i32>} : memref<256xf32, #tpu.memory_space<vmem>>, vector<16xf32>,
    tpu.vector_store %arg6[%swap3A_362], %add3A_361 {strides = array<i32>} : memref<256xf32, #tpu.memory_space<vmem>>, vector<16xf32>,
    %get3A_364 = arith.constant 144 : index
    %get3A_365 = tpu.vector_load %arg6[%get3A_364] {strides = array<i32>} : memref<256xf32, #tpu.memory_space<vmem>>, vector<16xf32>,
    %get3A_366 = arith.constant 144 : index
    %get3A_367 = tpu.vector_load %arg5[%get3A_366] {strides = array<i32>} : memref<256xf32, #tpu.memory_space<vmem>>, vector<16xf32>,
    %add3A_368 = arith.addf %get3A_365, %get3A_367 : vector<16xf32>
    %swap3A_369 = arith.constant 144 : index
    %swap3A_370 = tpu.vector_load %arg6[%swap3A_369] {strides = array<i32>} : memref<256xf32, #tpu.memory_space<vmem>>, vector<16xf32>,
    tpu.vector_store %arg6[%swap3A_369], %add3A_368 {strides = array<i32>} : memref<256xf32, #tpu.memory_space<vmem>>, vector<16xf32>,
    %get3A_371 = arith.constant 160 : index
    %get3A_372 = tpu.vector_load %arg6[%get3A_371] {strides = array<i32>} : memref<256xf32, #tpu.memory_space<vmem>>, vector<16xf32>,
    %get3A_373 = arith.constant 160 : index
    %get3A_374 = tpu.vector_load %arg5[%get3A_373] {strides = array<i32>} : memref<256xf32, #tpu.memory_space<vmem>>, vector<16xf32>,
    %add3A_375 = arith.addf %get3A_372, %get3A_374 : vector<16xf32>
    %swap3A_376 = arith.constant 160 : index
    %swap3A_377 = tpu.vector_load %arg6[%swap3A_376] {strides = array<i32>} : memref<256xf32, #tpu.memory_space<vmem>>, vector<16xf32>,
    tpu.vector_store %arg6[%swap3A_376], %add3A_375 {strides = array<i32>} : memref<256xf32, #tpu.memory_space<vmem>>, vector<16xf32>,
    %get3A_378 = arith.constant 176 : index
    %get3A_379 = tpu.vector_load %arg6[%get3A_378] {strides = array<i32>} : memref<256xf32, #tpu.memory_space<vmem>>, vector<16xf32>,
    %get3A_380 = arith.constant 176 : index
    %get3A_381 = tpu.vector_load %arg5[%get3A_380] {strides = array<i32>} : memref<256xf32, #tpu.memory_space<vmem>>, vector<16xf32>,
    %add3A_382 = arith.addf %get3A_379, %get3A_381 : vector<16xf32>
    %swap3A_383 = arith.constant 176 : index
    %swap3A_384 = tpu.vector_load %arg6[%swap3A_383] {strides = array<i32>} : memref<256xf32, #tpu.memory_space<vmem>>, vector<16xf32>,
    tpu.vector_store %arg6[%swap3A_383], %add3A_382 {strides = array<i32>} : memref<256xf32, #tpu.memory_space<vmem>>, vector<16xf32>,
    %get3A_385 = arith.constant 192 : index
    %get3A_386 = tpu.vector_load %arg6[%get3A_385] {strides = array<i32>} : memref<256xf32, #tpu.memory_space<vmem>>, vector<16xf32>,
    %get3A_387 = arith.constant 192 : index
    %get3A_388 = tpu.vector_load %arg5[%get3A_387] {strides = array<i32>} : memref<256xf32, #tpu.memory_space<vmem>>, vector<16xf32>,
    %add3A_389 = arith.addf %get3A_386, %get3A_388 : vector<16xf32>
    %swap3A_390 = arith.constant 192 : index
    %swap3A_391 = tpu.vector_load %arg6[%swap3A_390] {strides = array<i32>} : memref<256xf32, #tpu.memory_space<vmem>>, vector<16xf32>,
    tpu.vector_store %arg6[%swap3A_390], %add3A_389 {strides = array<i32>} : memref<256xf32, #tpu.memory_space<vmem>>, vector<16xf32>,
    %get3A_392 = arith.constant 208 : index
    %get3A_393 = tpu.vector_load %arg6[%get3A_392] {strides = array<i32>} : memref<256xf32, #tpu.memory_space<vmem>>, vector<16xf32>,
    %get3A_394 = arith.constant 208 : index
    %get3A_395 = tpu.vector_load %arg5[%get3A_394] {strides = array<i32>} : memref<256xf32, #tpu.memory_space<vmem>>, vector<16xf32>,
    %add3A_396 = arith.addf %get3A_393, %get3A_395 : vector<16xf32>
    %swap3A_397 = arith.constant 208 : index
    %swap3A_398 = tpu.vector_load %arg6[%swap3A_397] {strides = array<i32>} : memref<256xf32, #tpu.memory_space<vmem>>, vector<16xf32>,
    tpu.vector_store %arg6[%swap3A_397], %add3A_396 {strides = array<i32>} : memref<256xf32, #tpu.memory_space<vmem>>, vector<16xf32>,
    %get3A_399 = arith.constant 224 : index
    %get3A_400 = tpu.vector_load %arg6[%get3A_399] {strides = array<i32>} : memref<256xf32, #tpu.memory_space<vmem>>, vector<16xf32>,
    %get3A_401 = arith.constant 224 : index
    %get3A_402 = tpu.vector_load %arg5[%get3A_401] {strides = array<i32>} : memref<256xf32, #tpu.memory_space<vmem>>, vector<16xf32>,
    %add3A_403 = arith.addf %get3A_400, %get3A_402 : vector<16xf32>
    %swap3A_404 = arith.constant 224 : index
    %swap3A_405 = tpu.vector_load %arg6[%swap3A_404] {strides = array<i32>} : memref<256xf32, #tpu.memory_space<vmem>>, vector<16xf32>,
    tpu.vector_store %arg6[%swap3A_404], %add3A_403 {strides = array<i32>} : memref<256xf32, #tpu.memory_space<vmem>>, vector<16xf32>,
    %get3A_406 = arith.constant 240 : index
    %get3A_407 = tpu.vector_load %arg6[%get3A_406] {strides = array<i32>} : memref<256xf32, #tpu.memory_space<vmem>>, vector<16xf32>,
    %get3A_408 = arith.constant 240 : index
    %get3A_409 = tpu.vector_load %arg5[%get3A_408] {strides = array<i32>} : memref<256xf32, #tpu.memory_space<vmem>>, vector<16xf32>,
    %add3A_410 = arith.addf %get3A_407, %get3A_409 : vector<16xf32>
    %swap3A_411 = arith.constant 240 : index
    %swap3A_412 = tpu.vector_load %arg6[%swap3A_411] {strides = array<i32>} : memref<256xf32, #tpu.memory_space<vmem>>, vector<16xf32>,
    tpu.vector_store %arg6[%swap3A_411], %add3A_410 {strides = array<i32>} : memref<256xf32, #tpu.memory_space<vmem>>, vector<16xf32>,
    %mul3A_413 = arith.constant 256 : i32
    %mul3A_414 = arith.muli %add3A, %mul3A_413 : i32
    "tpu.region"() ({
      %run_scoped3A = tpu.sem_alloc : memref<!tpu.dma_semaphore, #tpu.memory_space<semaphore_mem>>
      %dma_start3A_415 = tpu.memref_slice %arg3[%mul3A_414] : memref<8192xf32, #tpu.memory_space<hbm>> -> memref<256xf32, #tpu.memory_space<hbm>>
      %dma_start3A_416 = tpu.memref_slice %arg3[%mul3A_414] : memref<8192xf32, #tpu.memory_space<hbm>> -> memref<256xf32, #tpu.memory_space<hbm>>
      tpu.enqueue_dma source(%arg6 : memref<256xf32, #tpu.memory_space<vmem>>) target(%dma_start3A_416 : memref<256xf32, #tpu.memory_space<hbm>>) target_semaphore(%run_scoped3A : memref<!tpu.dma_semaphore, #tpu.memory_space<semaphore_mem>>)
      %dma_wait3A = tpu.memref_slice %arg3[%mul3A_414] : memref<8192xf32, #tpu.memory_space<hbm>> -> memref<256xf32, #tpu.memory_space<hbm>>
      %dma_wait3A_417 = tpu.memref_slice %arg3[%mul3A_414] : memref<8192xf32, #tpu.memory_space<hbm>> -> memref<256xf32, #tpu.memory_space<hbm>>
      tpu.wait_dma2 semaphore(%run_scoped3A : memref<!tpu.dma_semaphore, #tpu.memory_space<semaphore_mem>>) src(%arg6 : memref<256xf32, #tpu.memory_space<vmem>>) dst(%dma_wait3A_417 : memref<256xf32, #tpu.memory_space<hbm>>)
      tpu.yield
    }) : () -> ()
    return
  }
}

module attributes {stable_mosaic.version = 14 : i64} {
  func.func @tc_kernel(%arg0: memref<8192xf32, #tpu.memory_space<vmem>>, %arg1: memref<1x1xf32, #tpu.memory_space<smem>>) attributes {dimension_semantics = [], scalar_prefetch = 0 : i64, scratch_operands = 0 : i64, tpu.core_type = #tpu.core_type<tc>} {
    %get3A = arith.constant 0 : index
    %get3A_0 = vector.load %arg0[%get3A] : memref<8192xf32, #tpu.memory_space<vmem>>, vector<8192xf32>
    %reshape3A = vector.shape_cast %get3A_0 : vector<8192xf32> to vector<32x256xf32>
    %reduce_sum3A = arith.constant dense<0.000000e+00> : vector<256xf32>
    %reduce_sum3A_1 = vector.multi_reduction <add>, %reshape3A, %reduce_sum3A [0] : vector<32x256xf32> to vector<256xf32>
    %reduce_sum3A_2 = vector.shape_cast %reduce_sum3A_1 : vector<256xf32> to vector<1x256xf32>
    %reduce_sum3A_3 = arith.constant dense<0.000000e+00> : vector<1xf32>
    %reduce_sum3A_4 = vector.multi_reduction <add>, %reduce_sum3A_2, %reduce_sum3A_3 [1] : vector<1x256xf32> to vector<1xf32>
    %reduce_sum3A_5 = vector.shape_cast %reduce_sum3A_4 : vector<1xf32> to vector<1x1xf32>
    %reduce_sum3A_6 = vector.extract %reduce_sum3A_5[0, 0] : f32 from vector<1x1xf32>
    %div3A = arith.constant 2.560000e+02 : f32
    %div3A_7 = arith.divf %reduce_sum3A_6, %div3A : f32
    %sub3A = vector.broadcast %div3A_7 : f32 to vector<256xf32>
    %sub3A_8 = arith.subf %reduce_sum3A_1, %sub3A : vector<256xf32>
    %mul3A = arith.mulf %sub3A_8, %sub3A_8 : vector<256xf32>
    %reduce_sum3A_9 = vector.shape_cast %mul3A : vector<256xf32> to vector<1x256xf32>
    %reduce_sum3A_10 = arith.constant dense<0.000000e+00> : vector<1xf32>
    %reduce_sum3A_11 = vector.multi_reduction <add>, %reduce_sum3A_9, %reduce_sum3A_10 [1] : vector<1x256xf32> to vector<1xf32>
    %reduce_sum3A_12 = vector.shape_cast %reduce_sum3A_11 : vector<1xf32> to vector<1x1xf32>
    %reduce_sum3A_13 = vector.extract %reduce_sum3A_12[0, 0] : f32 from vector<1x1xf32>
    %div3A_14 = arith.constant 2.560000e+02 : f32
    %div3A_15 = arith.divf %reduce_sum3A_13, %div3A_14 : f32
    %swap3A = arith.constant 0 : index
    %swap3A_16 = arith.constant 0 : index
    %swap3A_17 = memref.load %arg1[%swap3A, %swap3A_16] : memref<1x1xf32, #tpu.memory_space<smem>>
    memref.store %div3A_15, %arg1[%swap3A, %swap3A_16] : memref<1x1xf32, #tpu.memory_space<smem>>
    return
  }
}

</mosaic_0001>

<sc_bundles>
// kernel: kernel.4.cloned.1.call-start
scs
__scs_entry_jumppad:
0x0: {  	(pc) =	sbr.rel $0x88, $3  }
0x1: {  	(tag) =	ssettag $0x0;
	lr =	simm.s32 $0x1  }
0x2: {  	[smem:$0x3FA0] =	sst lr;
	_ =	strace $0xD0000000  }
0x3: {  	_ = 	snop  }
0x4: {  	_ = 	snop  }
0x5: {  	_ = 	snop  }
0x6: {  	_ = 	snop  }
0x7: {  	_ = 	snop  }
__scs_overlays_trampoline_lowered:
0x8: {  	[smem:$0x3FAF] =	sst s0  }
0x9: {  	[smem:$0x3FB0] =	sst s1  }
0xa: {  	[smem:$0x3FB1] =	sst s2  }
0xb: {  	[smem:$0x3FB2] =	sst s3  }
0xc: {  	[smem:$0x3FB3] =	sst s4  }
0xd: {  	[smem:$0x3FB4] =	sst s5  }
0xe: {  	[smem:$0x3FB5] =	sst s6  }
0xf: {  	[smem:$0x3FB6] =	sst s7  }
0x10: {  	[smem:$0x3FB7] =	sst s8  }
0x11: {  	[smem:$0x3FB8] =	sst s9;
	s0 =	simm.s32 @!p0 $0x0  }
0x12: {  	s1 =	sld [smem:$0x3F9E];
	s0 =	simm.s32 @p0 $0x1  }
0x13: {  	[smem:$0x3FB9] =	sst s0;
	s0 =	simm.s32 @!p1 $0x0  }
0x14: {  	s2 =	sld [smem:$0x3F9D];
	s0 =	simm.s32 @p1 $0x1  }
0x15: {  	[smem:$0x3FBA] =	sst s0;
	s0 =	simm.s32 @!p2 $0x0  }
0x16: {  	s3 =	sld [smem:$0x3FDB];
	s0 =	simm.s32 @p2 $0x1  }
0x17: {  	s4 =	simm.s32 $0x1BF5;
	[smem:$0x3FBC] =	sst s0  }
0x18: {  	s0 =	sld [smem:$0x3F9F];
	_ =	swait.ge [sflag:s4], $0x0  }
0x19: {  	s7 =	sld [smem:$0x3FA0]  }
0x1a: {  	s8 =	sadd.s32 $0xFFFFE003, lr  }
0x1b: {  	s9 =	sadd.s32 $0xFFFFFEF7, lr;
	s5 =	simm.s32 $0xFFFFFFFF;
	p2 =	slt.u32 s8, $0xFFFFF086  }
0x1c: {  	p1 =	slt.u32 s9, $0xF7A;
	s5 =	simm.s32 @!p2 $0x0  }
0x1d: {  	s5 =	simm.s32 @p1 $0x1;
	p0 =	seq.s32 s7, s2  }
0x1e: {  	s7 =	smul.u32 @!p0 $0xF7A, s2;
	p2 =	seq.s32 @!p0 s5, $0x0  }
0x1f: {  	s9 =	smul.u32 $0xF7A, s1;
	s8 =	simm.s32 @!p0 $0x1BF5;
	p2 =	por !p2, p0  }
0x20: {  	[sflag:s8] =	ssyncset.s32 @!p0 $0xFFFFF086;
	s6 =	sadd.s32 @!p0 s3, s7;
	s7 =	simm.s32 @!p0 $0x108  }
0x21: {  	s3 =	sadd.s32 s3, s9;
	s6 =	sadd.s32 @!p0 $0x88, s6;
	s7 =	simm.s32 @p2 $0x1082  }
0x22: {  	[simem:s7], [sflag:s8] =	dma.local @!p0 [hbm:s6], $0xF7A  }
0x23: {  	s9 =	sor.u32 $0xD0000000, s2;
	s6 =	simm.s32 $0x108;
	_ =	swait.ge @!p0 [sflag:s8], $0x0  }
0x24: {  	s3 =	sadd.s32 $0x88, s3;
	s6 =	simm.s32 @!p1 $0x1082;
	[sflag:s4] =	ssyncset.s32 $0xFFFFF086  }
0x25: {  	[simem:s6], [sflag:s4] =	dma.local [hbm:s3], $0xF7A  }
0x26: {  	[smem:$0x3FA0] =	sst s1;
	(tag) =	ssettag s2;
	_ =	strace s9  }
0x27: {  	s1 =	sld [smem:$0x3FB0]  }
0x28: {  	s2 =	sld [smem:$0x3FB1]  }
0x29: {  	s4 =	sld [smem:$0x3FB3]  }
0x2a: {  	p0 =	seq.s32 s5, $0x0;
	s5 =	sld [smem:$0x3FB4]  }
0x2b: {  	s6 =	sld [smem:$0x3FB5]  }
0x2c: {  	s7 =	sld [smem:$0x3FB6]  }
0x2d: {  	s3 =	simm.s32 $0x108;
	s8 =	sld [smem:$0x3FB7]  }
0x2e: {  	s3 =	simm.s32 @!p0 $0x1082;
	s9 =	sld [smem:$0x3FB8]  }
0x2f: {  	lr =	sadd.s32 s0, s3;
	s0 =	sld [smem:$0x3FAF]  }
0x30: {  	s3 =	sld [smem:$0x3FB2]  }
0x31: {  	[smem:$0x3FBB] =	sst s10  }
0x32: {  	s10 =	sld [smem:$0x3FB9];
	_ =	sdelay $0x3  }
0x33: {  	p0 =	seq.s32 s10, $0x1;
	s10 =	sld [smem:$0x3FBB];
	_ =	sdelay $0x3  }
0x34: {  	[smem:$0x3FBB] =	sst s10  }
0x35: {  	s10 =	sld [smem:$0x3FBA];
	_ =	sdelay $0x3  }
0x36: {  	p1 =	seq.s32 s10, $0x1;
	s10 =	sld [smem:$0x3FBB];
	_ =	sdelay $0x3  }
0x37: {  	[smem:$0x3FBB] =	sst s10  }
0x38: {  	s10 =	sld [smem:$0x3FBC]  }
0x39: {  	_ = 	snop;
	(pc) =	sbr.ind lr, $3  }
0x3a: {  	_ = 	snop  }
0x3b: {  	_ = 	snop  }
0x3c: {  	p2 =	seq.s32 s10, $0x1;
	s10 =	sld [smem:$0x3FBB]  }
0x3d: {  	_ =	shalt  }
0x3e: {  	_ =	shalt  }
0x3f: {  	_ =	shalt  }
0x40: {  	_ =	shalt  }
0x41: {  	_ =	shalt  }
0x42: {  	_ =	shalt  }
0x43: {  	_ =	shalt  }
0x44: {  	_ =	shalt  }
0x45: {  	_ =	shalt  }
0x46: {  	_ =	shalt  }
0x47: {  	_ =	shalt  }
0x48: {  	_ =	shalt  }
0x49: {  	_ =	shalt  }
0x4a: {  	_ =	shalt  }
0x4b: {  	_ =	shalt  }
0x4c: {  	_ =	shalt  }
0x4d: {  	_ =	shalt  }
0x4e: {  	_ =	shalt  }
0x4f: {  	_ =	shalt  }
0x50: {  	_ =	shalt  }
0x51: {  	_ =	shalt  }
0x52: {  	_ =	shalt  }
0x53: {  	_ =	shalt  }
0x54: {  	_ =	shalt  }
0x55: {  	_ =	shalt  }
0x56: {  	_ =	shalt  }
0x57: {  	_ =	shalt  }
0x58: {  	_ =	shalt  }
0x59: {  	_ =	shalt  }
0x5a: {  	_ =	shalt  }
0x5b: {  	_ =	shalt  }
0x5c: {  	_ =	shalt  }
0x5d: {  	_ =	shalt  }
0x5e: {  	_ =	shalt  }
0x5f: {  	_ =	shalt  }
0x60: {  	_ =	shalt  }
0x61: {  	_ =	shalt  }
0x62: {  	_ =	shalt  }
0x63: {  	_ =	shalt  }
0x64: {  	_ =	shalt  }
0x65: {  	_ =	shalt  }
0x66: {  	_ =	shalt  }
0x67: {  	_ =	shalt  }
0x68: {  	_ =	shalt  }
0x69: {  	_ =	shalt  }
0x6a: {  	_ =	shalt  }
0x6b: {  	_ =	shalt  }
0x6c: {  	_ =	shalt  }
0x6d: {  	_ =	shalt  }
0x6e: {  	_ =	shalt  }
0x6f: {  	_ =	shalt  }
0x70: {  	_ =	shalt  }
0x71: {  	_ =	shalt  }
0x72: {  	_ =	shalt  }
0x73: {  	_ =	shalt  }
0x74: {  	_ =	shalt  }
0x75: {  	_ =	shalt  }
0x76: {  	_ =	shalt  }
0x77: {  	_ =	shalt  }
0x78: {  	_ =	shalt  }
0x79: {  	_ =	shalt  }
0x7a: {  	_ =	shalt  }
0x7b: {  	_ =	shalt  }
0x7c: {  	_ =	shalt  }
0x7d: {  	_ =	shalt  }
0x7e: {  	_ =	shalt  }
0x7f: {  	_ =	shalt  }
0x80: {  	_ =	shalt  }
0x81: {  	_ =	shalt  }
0x82: {  	_ =	shalt  }
0x83: {  	_ =	shalt  }
0x84: {  	_ =	shalt  }
0x85: {  	_ =	shalt  }
0x86: {  	_ =	shalt  }
0x87: {  	_ =	shalt  }
.Lfunc_end0:
.L_simem_size_0:
called_computation_lowered:
.L_overlay_start_0:
0x88: {  	s2 =	sld [smem:$0x3FD9]  }
0x89: {  	s3 =	sld [smem:$0x3FFE];
	_ =	sdelay $0x1  }
0x8a: {  	s1 =	srdreg.scid  }
0x8b: {  	s0 =	sand.u32 $0x1, s1  }
0x8c: {  	s17 =	sshll.u32 s0, $0xA;
	s2 =	sadd.s32 s3, s2  }
0x8d: {  	s2 =	sadd.s32 s2, s17  }
0x8e: {  	[smem:$0x3FC7] =	sst s2  }
0x8f: {  	_ = 	snop  }
0x90: {  	s2 =	sld [smem:$0x3FC9];
	(tm) =	ssettm $0x1  }
0x91: {  	s18 =	sld [smem:$0x3FFB];
	_ =	sdelay $0x3  }
0x92: {  	_ =	strace s18  }
0x93: {  	s3 =	sld [smem:$0x3FFC];
	_ =	sdelay $0x3  }
0x94: {  	_ =	strace s3  }
0x95: {  	s3 =	sld [smem:$0x3FFD];
	_ =	sdelay $0x3  }
0x96: {  	_ =	strace s3  }
0x97: {  	_ =	strace $0x8FFFFFFF  }
0x98: {  	s19 =	sld [smem:$0x3FDB];
	_ =	sdelay $0x1  }
0x99: {  	s4 =	simm.s32 $_scs_section_size  }
0x9a: {  	s5 =	simm.s32 $_size__tile_overlayer_lowered;
	s6 =	simm.s32 $_tile_overlayer_lowered  }
0x9b: {  	s22 =	simm.s32 $0x1BFF;
	s21 =	sshll.u32 s6, $0x1;
	s3 =	sadd.s32 s4, s19  }
0x9c: {  	s7 =	simm.s32 $0x0;
	s20 =	sshll.u32 s5, $0x1;
	s5 =	sadd.s32 s21, s3  }
0x9d: {  	[timem:s7], [sflag:s22] =	dma.local [hbm:s5], s20  }
0x9e: {  	_ =	swait.ge [sflag:s22], s20  }
0x9f: {  	s4 =	ssub.s32 $0x0, s20;
	[sflag:s22] =	ssyncset.done $0x0  }
0xa0: {  	[sflag:s22] =	ssyncadd.s32 s4;
	_ =	sdelay $0x1  }
0xa1: {  	s23 =	simm.s32 $0x1B8B  }
0xa2: {  	_ =	swait.ge [sflag:s23], $0x1  }
0xa3: {  	[sflag:s23] =	ssyncset.done $0x0  }
0xa4: {  	s25 =	simm.s32 $0x1B8E;
	s24 =	sld [smem:$0x3FFE];
	[sflag:s23] =	ssyncadd.s32 $0xFFFFFFFF  }
0xa5: {  	s26 =	simm.s32 $execute0_lowered;
	[smem:$0x3FD2] =	sst s25  }
0xa6: {  	s5 =	sshll.u32 s26, $0x1;
	_ =	strace $0x80000046;
	[dreg:$0x1] =	wrdreg $0xFFFFFFFF  }
0xa7: {  	s28 =	simm.s32 $_size_execute0_lowered;
	s3 =	sadd.s32 s3, s5;
	[dreg:$0x0] =	wrdreg $0x0  }
0xa8: {  	s5 =	sshll.u32 s28, $0x1;
	[dreg:$0x2] =	wrdreg s3  }
0xa9: {  	[dreg:$0x3] =	wrdreg s5  }
0xaa: {  	[dreg:$0x4] =	wrdreg $0xC0  }
0xab: {  	_ =	task [dreg:s7], $0x5FFFF  }
0xac: {  	[dreg:$0x1] =	wrdreg $0xFFFFFFFF  }
0xad: {  	[dreg:$0x0] =	wrdreg $0x60  }
0xae: {  	[dreg:$0x2] =	wrdreg s2  }
0xaf: {  	[dreg:$0x3] =	wrdreg s24  }
0xb0: {  	[dreg:$0x4] =	wrdreg $0x9  }
0xb1: {  	_ =	task.clear_ibuf [dreg:s7], $0x5FFFF;
	_ =	strace $0x90000046  }
0xb2: {  	s29 =	simm.s32 $0x9;
	_ =	strace $0x80000048  }
0xb3: {  	_ =	swait.ge [sflag:s29], $0x1  }
0xb4: {  	[sflag:s29] =	ssyncadd.s32 $0xFFFFFFFF  }
0xb5: {  	_ =	strace $0x90000048  }
0xb6: {  	_ =	sfence  }
0xb7: {  	s30 =	sld [smem:$0x0];
	_ =	sdelay $0x2  }
0xb8: {  	s31 =	sshll.u32 s1, $0xD;
	s1 =	sshrl.u32 s1, $0x2  }
0xb9: {  	s3 =	sand.u32 $0x4000, s31;
	s1 =	sadd.s32 s1, s30  }
0xba: {  	s0 =	sor.u32 s3, s0;
	s1 =	sshll.u32 s1, $0x11  }
0xbb: {  	s0 =	sor.u32 s1, s0  }
0xbc: {  	s0 =	sadd.s32 $0x8F2B, s0  }
0xbd: {  	[sflag:s0] =	ssyncadd.remote.s32 $0x1  }
0xbe: {  	_ =	sfence.sel $0xFFFF  }
0xbf: {  	[dreg:$0x0] =	wrdreg $0xFFFFFFFF;
	(pc) =	sbr.abs _section_cstart, $3  }
0xc0: {  	[dreg:$0x1] =	wrdreg $0xFFFFFFFF  }
0xc1: {  	_ =	task.clear_ibuf [dreg:s7], $0x2FFFF;
	_ =	strace $0x9FFFFFFF  }
0xc2: {  	(tm) =	ssettm $0x7FFFFFFF  }
0xc3: {  	_ =	shalt  }
tec
execute0_lowered:
.L_overlay_start_1:
0x0: {  	(tag) =	ssettag $0x1  }
0x1: {  	s2 =	rddreg [dreg:$0x0]  }
0x2: {  	s0 =	rddreg [dreg:$0x1]  }
0x3: {  	s1 =	srdreg.scid;
	s4 =	stileid.u32;
	s3 =	simm.s32 $0x0  }
0x4: {  	s14 =	simm.s32 $0x4000;
	s15 =	simm.s32 $0x1;
	s16 =	simm.s32 $0x8200  }
0x5: {  	s17 =	simm.s32 $0x8380;
	s18 =	simm.s32 $0x8000;
	s19 =	simm.s32 $0x2  }
0x6: {  	s1 =	sand.u32 $0x1, s1;
	s4 =	sshll.u32 s4, $0x1;
	[smem:$0x7FF] =	sst s3  }
0x7: {  	s4 =	sor.u32 s1, s4;
	_ =	strace $0x80000047;
	s1 =	ssub.s32 $0x2, s1  }
0x8: {  	s5 =	sshll.u32 s4, $0x5;
	s29 =	sshrl.u32 s1, $0x1;
	s6 =	sshll.u32 s4, $0x11  }
0x9: {  	v0 =	vlaneseq.u32;
	s4 =	sshll.u32 s4, $0x14;
	s0 =	sadd.s32 s5, s0;
	s30 =	sadd.s32 s2, s6  }
0xa: {  	v1 =	vimm.f32 $0.0e+00;
	v18 =	vimm.f32 $1.000000000e+00;
	v2 =	vor.u32 $0x10, v0;
	s1 =	ssub.s32 s1, s29;
	s6 =	sadd.s32 $0x800, s30;
	[dreg:$0x3] =	wrdreg s30  }
.Ltmp0:
0xb: {  	v3 =	vor.u32 $0x20, v0;
	v4 =	vor.u32 $0x30, v0;
	v5 =	vor.u32 $0x40, v0;
	s8 =	sadd.s32 $0x10000, s30;
	[dreg:$0x4] =	wrdreg s6;
	(pc) =	sbr.rel .LBB2_1-.Ltmp0, $4  }
0xc: {  	v6 =	vor.u32 $0x50, v0;
	v7 =	vor.u32 $0x60, v0;
	v8 =	vor.u32 $0x70, v0;
	s7 =	sor.u32 $0xC000, s4;
	s5 =	sadd.s32 $0x10800, s30;
	[dreg:$0x5] =	wrdreg s8  }
0xd: {  	v9 =	vor.u32 $0x80, v0;
	v10 =	vor.u32 $0x90, v0;
	v11 =	vor.u32 $0xA0, v0;
	s10 =	sor.u32 $0x88000, s4;
	s0 =	sadd.s32 $0x600, s0;
	[dreg:$0x6] =	wrdreg s5  }
0xe: {  	v12 =	vor.u32 $0xB0, v0;
	v13 =	vor.u32 $0xC0, v0;
	v14 =	vor.u32 $0xD0, v0;
	s11 =	sor.u32 $0x8C000, s4;
	s31 =	smax.u32 s1, $0x1;
	[dreg:$0x7] =	wrdreg s0  }
0xf: {  	v15 =	vor.u32 $0xE0, v0;
	v16 =	vor.u32 $0xF0, v0;
	v17 =	vmul.u32 $0x11, v0;
	s6 =	sor.u32 $0x8000, s4;
	[dreg:$0x8] =	wrdreg s31;
	s4 =	simm.s32 $0x0  }
.LBB2_23:
0x10: {  	v19 =	vld [tilespmem:$0x8100]  }
0x11: {  	v20 =	vld [tilespmem:$0x8000]  }
0x12: {  	v21 =	vld [tilespmem:$0x8110]  }
0x13: {  	v22 =	vld [tilespmem:$0x8010]  }
0x14: {  	v23 =	vld [tilespmem:$0x8120]  }
0x15: {  	v24 =	vld [tilespmem:$0x8020]  }
0x16: {  	v25 =	vld [tilespmem:$0x8130]  }
0x17: {  	v26 =	vld [tilespmem:$0x8030]  }
0x18: {  	v27 =	vld [tilespmem:$0x8140]  }
0x19: {  	v28 =	vld [tilespmem:$0x8040]  }
0x1a: {  	v29 =	vld [tilespmem:$0x8150]  }
0x1b: {  	v30 =	vld [tilespmem:$0x8050]  }
0x1c: {  	v31 =	vld [tilespmem:$0x8160]  }
0x1d: {  	v32 =	vld [tilespmem:$0x8060]  }
0x1e: {  	v33 =	vld [tilespmem:$0x8170]  }
0x1f: {  	v34 =	vld [tilespmem:$0x8070]  }
0x20: {  	v35 =	vld [tilespmem:$0x8180]  }
0x21: {  	v36 =	vld [tilespmem:$0x8080]  }
0x22: {  	v37 =	vld [tilespmem:$0x8190]  }
0x23: {  	v38 =	vld [tilespmem:$0x8090]  }
0x24: {  	v39 =	vld [tilespmem:$0x81A0]  }
0x25: {  	v49 =	vld [tilespmem:$0x81B0];
	v19 =	vadd.f32 v20, v19  }
0x26: {  	v50 =	vld [tilespmem:$0x80B0];
	v21 =	vadd.f32 v22, v21  }
0x27: {  	v52 =	vld [tilespmem:$0x81C0];
	[tilespmem:$0x8100] =	vst v19;
	v19 =	vadd.f32 v24, v23  }
0x28: {  	v53 =	vld [tilespmem:$0x80C0];
	v51 =	vadd.f32 v26, v25;
	[tilespmem:$0x8110] =	vst v21  }
0x29: {  	v55 =	vld [tilespmem:$0x81D0];
	[tilespmem:$0x8120] =	vst v19;
	v19 =	vadd.f32 v28, v27  }
0x2a: {  	v20 =	vld [tilespmem:$0x80A0];
	v54 =	vadd.f32 v30, v29;
	[tilespmem:$0x8130] =	vst v51  }
0x2b: {  	v56 =	vld [tilespmem:$0x80D0];
	[tilespmem:$0x8140] =	vst v19;
	v19 =	vadd.f32 v32, v31  }
0x2c: {  	v58 =	vld [tilespmem:$0x81E0];
	v57 =	vadd.f32 v34, v33;
	[tilespmem:$0x8150] =	vst v54  }
0x2d: {  	v59 =	vld [tilespmem:$0x80E0];
	[tilespmem:$0x8160] =	vst v19;
	v19 =	vadd.f32 v36, v35  }
0x2e: {  	v61 =	vld [tilespmem:$0x81F0];
	v60 =	vadd.f32 v38, v37;
	[tilespmem:$0x8170] =	vst v57  }
0x2f: {  	[tilespmem:$0x8180] =	vst v19;
	v19 =	vadd.f32 v20, v39;
	v20 =	vld [tilespmem:$0x80F0]  }
0x30: {  	v62 =	vadd.f32 v50, v49;
	[tilespmem:$0x8190] =	vst v60  }
0x31: {  	[tilespmem:$0x81A0] =	vst v19;
	v19 =	vadd.f32 v53, v52  }
0x32: {  	v63 =	vadd.f32 v56, v55;
	[tilespmem:$0x81B0] =	vst v62  }
0x33: {  	[tilespmem:$0x81C0] =	vst v19;
	v19 =	vadd.f32 v59, v58  }
0x34: {  	[tilespmem:$0x81D0] =	vst v63;
	v20 =	vadd.f32 v20, v61  }
0x35: {  	[tilespmem:$0x81E0] =	vst v19  }
0x36: {  	s0 =	rddreg [dreg:$0x7];
	s1 =	simm.s32 $0x8100;
	s30 =	simm.s32 $0x3;
	[tilespmem:$0x81F0] =	vst v20  }
0x37: {  	[hbm4b:s0+s3] =	stream.linear.scatter [tilespmem:s1], [sflag:$0x3], $0x100, $0x38;
	[tilespmem:$0x8500] =	vst v63  }
0x38: {  	_ =	swait.ge [sflag:s30], $0x100  }
0x39: {  	s4 =	rddreg [dreg:$0x9]  }
0x3a: {  	s31 =	rddreg [dreg:$0x8];
	s4 =	sadd.s32 $0x1, s4  }
0x3b: {  	p0 =	sne.s32 s4, s31  }
.Ltmp1:
0x3c: {  	_ = 	snop;
	(pc) =	sbr.rel @!p0 .LBB2_24-.Ltmp1, $3  }
0x3d: {  	_ =	sdelay $0x1  }
0x3e: {  	[sflag:s30] =	ssyncset.done $0x0  }
0x3f: {  	[sflag:s30] =	ssyncadd.s32 $0xFFFFFF00  }
.LBB2_1:
0x40: {  	[tilespmem:$0x8100] =	vst v1  }
0x41: {  	[tilespmem:$0x8110] =	vst v1  }
0x42: {  	[tilespmem:$0x8120] =	vst v1  }
0x43: {  	[tilespmem:$0x8130] =	vst v1  }
0x44: {  	[tilespmem:$0x8140] =	vst v1  }
0x45: {  	[tilespmem:$0x8150] =	vst v1  }
0x46: {  	[tilespmem:$0x8160] =	vst v1  }
0x47: {  	[tilespmem:$0x8170] =	vst v1  }
0x48: {  	[tilespmem:$0x8180] =	vst v1  }
0x49: {  	[tilespmem:$0x8190] =	vst v1  }
0x4a: {  	[tilespmem:$0x81A0] =	vst v1  }
0x4b: {  	[tilespmem:$0x81B0] =	vst v1  }
0x4c: {  	[tilespmem:$0x81C0] =	vst v1  }
0x4d: {  	[tilespmem:$0x81D0] =	vst v1  }
0x4e: {  	[tilespmem:$0x81E0] =	vst v1  }
0x4f: {  	[tilespmem:$0x81F0] =	vst v1  }
0x50: {  	[tilespmem:$0x8000] =	vst v1  }
0x51: {  	[tilespmem:$0x8010] =	vst v1  }
0x52: {  	[tilespmem:$0x8020] =	vst v1  }
0x53: {  	[tilespmem:$0x8030] =	vst v1  }
0x54: {  	[tilespmem:$0x8040] =	vst v1  }
0x55: {  	[tilespmem:$0x8050] =	vst v1  }
0x56: {  	[tilespmem:$0x8060] =	vst v1  }
0x57: {  	[tilespmem:$0x8070] =	vst v1  }
0x58: {  	[tilespmem:$0x8080] =	vst v1  }
0x59: {  	[tilespmem:$0x8090] =	vst v1  }
0x5a: {  	[tilespmem:$0x80A0] =	vst v1  }
0x5b: {  	[tilespmem:$0x80B0] =	vst v1  }
0x5c: {  	[tilespmem:$0x80C0] =	vst v1  }
0x5d: {  	[tilespmem:$0x80D0] =	vst v1  }
0x5e: {  	[dreg:$0x9] =	wrdreg s4;
	[tilespmem:$0x80E0] =	vst v1  }
0x5f: {  	[tilespmem:$0x80F0] =	vst v1;
	s0 =	rddreg [dreg:$0x3]  }
0x60: {  	[tilespmem:s3], [sflag:$0x1] =	stream.linear.gather [hbm4b:s0+s3], $0x4000, $0x38;
	[tilespmem:$0x8500] =	vst v63  }
0x61: {  	s31 =	rddreg [dreg:$0x4];
	s23 =	simm.s32 $0x0  }
0x62: {  	[tilespmem:s14], [sflag:$0x2] =	stream.linear.gather [hbm4b:s31+s3], $0x4000, $0x38;
	[tilespmem:$0x8500] =	vst v63  }
.LBB2_2:
0x63: {  	_ =	swait.ge [sflag:s15], $0x4000  }
0x64: {  	s24 =	simm.s32 $0x0;
	[sflag:s15] =	ssyncset.done $0x0  }
0x65: {  	s25 =	simm.s32 $0x0;
	s26 =	simm.s32 $0x0;
	[sflag:s15] =	ssyncadd.s32 $0xFFFFC000  }
.LBB2_3:
0x66: {  	p0 =	por $0x0, $0x0;
	s1 =	simm.s32 $0x1  }
0x67: {  	s4 =	simm.s32 $0x0;
	s1 =	simm.s32 @!p0 $0x0  }
0x68: {  	s0 =	sand.u32 $0x3800, s25;
	s4 =	sand.u32 $0x200, s4;
	s1 =	sshll.u32 s1, $0x9  }
0x69: {  	s4 =	sor.u32 s4, s0;
	s1 =	sadd.s32 s1, s25  }
0x6a: {  	v21 =	vld [tilespmem:s4+$0x0];
	s5 =	sor.u32 $0x400, s1  }
0x6b: {  	v22 =	vld [tilespmem:s5+$0x0];
	_ =	sdelay $0x1  }
0x6c: {  	v23 =	vld [tilespmem:s4+$0x10];
	s9 =	sor.u32 $0x410, s1  }
0x6d: {  	v24 =	vld [tilespmem:s9+$0x0]  }
0x6e: {  	v29 =	vadd.s32 s24, v17;
	v25 =	vld [tilespmem:s4+$0x20];
	s8 =	sor.u32 $0x420, s1  }
0x6f: {  	s12 =	simm.s32 $0x1;
	v26 =	vld [tilespmem:s8+$0x0];
	vm0 =	vgt.f32 v21, $-Inf;
	vm1 =	vlt.f32 v22, $-Inf;
	vm2 =	vgt.f32 v22, $-Inf  }
0x70: {  	s13 =	simm.s32 $0x2;
	v20 =	vadd.s32 s12, v17;
	v27 =	vld [tilespmem:s4+$0x30];
	s20 =	sor.u32 $0x430, s1;
	v21 =	vnsel vm0, $0xFF800000, v21;
	vm0 =	vmor vm2, vm1  }
0x71: {  	v19 =	vadd.s32 s13, v17;
	v28 =	vld [tilespmem:s20+$0x0];
	vm1 =	vgt.f32 v23, v21;
	v22 =	vnsel vm0, $0xFF800000, v22  }
0x72: {  	s21 =	sor.u32 $0x440, s1;
	v21 =	vsel vm1, v23, v21;
	v23 =	vld [tilespmem:s4+$0x40];
	v30 =	vsel vm1, v2, v0;
	vm2 =	vgt.f32 v24, v22  }
0x73: {  	v31 =	vsel vm0, v9, v0;
	vm1 =	vgt.f32 v25, v21;
	v22 =	vsel vm2, v24, v22;
	v24 =	vld [tilespmem:s21+$0x0]  }
0x74: {  	s22 =	sor.u32 $0x450, s1;
	v21 =	vsel vm1, v25, v21;
	v25 =	vld [tilespmem:s4+$0x50];
	v30 =	vsel vm1, v3, v30;
	vm0 =	vgt.f32 v26, v22  }
0x75: {  	v31 =	vsel vm2, v10, v31;
	vm1 =	vgt.f32 v27, v21;
	v22 =	vsel vm0, v26, v22;
	v26 =	vld [tilespmem:s22+$0x0]  }
0x76: {  	s8 =	sor.u32 $0x460, s1;
	v21 =	vsel vm1, v27, v21;
	v27 =	vld [tilespmem:s4+$0x60];
	v30 =	vsel vm1, v4, v30;
	vm2 =	vgt.f32 v28, v22  }
0x77: {  	s9 =	simm.s32 $0x80;
	v31 =	vsel vm0, v11, v31;
	vm1 =	vgt.f32 v23, v21;
	v22 =	vsel vm2, v28, v22;
	v28 =	vld [tilespmem:s8+$0x0]  }
0x78: {  	s12 =	simm.s32 $0x100;
	s1 =	sor.u32 $0x470, s1;
	s8 =	sand.u32 $0x280, s9;
	v21 =	vsel vm1, v23, v21;
	v23 =	vld [tilespmem:s4+$0x70];
	v30 =	vsel vm1, v5, v30;
	vm0 =	vgt.f32 v24, v22  }
0x79: {  	s13 =	simm.s32 $0x180;
	s9 =	sand.u32 $0x300, s12;
	v31 =	vsel vm2, v12, v31;
	s20 =	sor.u32 s8, s0;
	vm1 =	vgt.f32 v25, v21;
	v22 =	vsel vm0, v24, v22;
	v24 =	vld [tilespmem:s1+$0x0]  }
0x7a: {  	s4 =	sand.u32 $0x380, s13;
	s21 =	sor.u32 s9, s0;
	v21 =	vsel vm1, v25, v21;
	v25 =	vsel vm1, v6, v30;
	v30 =	vld [tilespmem:s20+$0x400];
	vm2 =	vgt.f32 v26, v22  }
0x7b: {  	s0 =	sor.u32 s4, s0;
	vm1 =	vgt.f32 v27, v21;
	v22 =	vsel vm2, v26, v22;
	v26 =	vsel vm0, v13, v31;
	v31 =	vld [tilespmem:s21+$0x400]  }
0x7c: {  	v21 =	vsel vm1, v27, v21;
	v25 =	vsel vm1, v7, v25;
	v27 =	vld [tilespmem:s0+$0x400];
	vm0 =	vgt.f32 v28, v22  }
0x7d: {  	v32 =	vld [tilespmem:s20+$0x10];
	vm1 =	vgt.f32 v23, v21;
	v26 =	vsel vm2, v14, v26;
	v22 =	vsel vm0, v28, v22  }
0x7e: {  	v28 =	vld [tilespmem:s20+$0x0];
	v21 =	vsel vm1, v23, v21;
	v23 =	vsel vm0, v15, v26;
	vm2 =	vgt.f32 v24, v22  }
0x7f: {  	v26 =	vld [tilespmem:s21+$0x0];
	v22 =	vsel vm2, v24, v22;
	v24 =	vsel vm1, v8, v25;
	v23 =	vsel vm2, v16, v23  }
0x80: {  	v33 =	vld [tilespmem:s20+$0x410];
	vm2 =	vlt.f32 v30, $-Inf;
	vm0 =	veq.f32 v22, v21;
	vm1 =	vlt.u32 v23, v24  }
0x81: {  	v34 =	vld [tilespmem:s21+$0x10];
	vm3 =	vgt.f32 v22, v21;
	vm4 =	vgt.f32 v31, $-Inf;
	vm6 =	vlt.f32 v27, $-Inf  }
0x82: {  	v25 =	vld [tilespmem:s0+$0x0];
	vm7 =	vgt.f32 v27, $-Inf;
	vm0 =	vmand vm0, vm1;
	vm1 =	vgt.f32 v30, $-Inf  }
0x83: {  	v35 =	vld [tilespmem:s0+$0x410];
	vm0 =	vmor vm3, vm0;
	vm3 =	vlt.f32 v31, $-Inf;
	vm5 =	vmor vm1, vm2  }
0x84: {  	v36 =	vld [tilespmem:s20+$0x20];
	vm1 =	vgt.f32 v28, $-Inf;
	vm2 =	vgt.f32 v26, $-Inf;
	v21 =	vsel vm0, v22, v21  }
0x85: {  	v49 =	vld [tilespmem:s0+$0x420];
	v23 =	vsel vm0, v23, v24;
	vm3 =	vmor vm4, vm3;
	vm0 =	vmor vm7, vm6  }
0x86: {  	v50 =	vld [tilespmem:s20+$0x30];
	v30 =	vnsel vm5, $0xFF800000, v30;
	v26 =	vnsel vm2, $0xFF800000, v26;
	v31 =	vnsel vm3, $0xFF800000, v31  }
0x87: {  	v22 =	vld [tilespmem:s21+$0x410];
	vm4 =	vgt.f32 v25, $-Inf;
	[tilespmem:v29+s16+$0x0] =	vst.idx.msk $0xffff, v21;
	v21 =	vnsel vm1, $0xFF800000, v28;
	v27 =	vnsel vm0, $0xFF800000, v27  }
0x88: {  	v24 =	vld [tilespmem:s0+$0x10];
	vm11 =	vgt.f32 v33, v30;
	vm7 =	vgt.f32 v34, v26;
	v51 =	vsel vm3, v9, v0  }
0x89: {  	v28 =	vld [tilespmem:s20+$0x420];
	v52 =	vsel vm0, v9, v0;
	[tilespmem:v29+s17+$0x0] =	vst.idx.msk $0xffff, v23;
	v25 =	vnsel vm4, $0xFF800000, v25;
	vm6 =	vgt.f32 v32, v21  }
0x8a: {  	v23 =	vld [tilespmem:s21+$0x20];
	v30 =	vsel vm11, v33, v30;
	vm9 =	vgt.f32 v35, v27;
	v26 =	vsel vm7, v34, v26  }
0x8b: {  	v29 =	vld [tilespmem:s21+$0x420];
	v37 =	vsel vm7, v2, v0;
	v21 =	vsel vm6, v32, v21;
	v27 =	vsel vm9, v35, v27  }
0x8c: {  	v53 =	vld [tilespmem:s0+$0x430];
	v55 =	vsel vm6, v2, v0;
	v35 =	vsel vm9, v10, v52;
	vm1 =	vgt.f32 v36, v21  }
0x8d: {  	v54 =	vld [tilespmem:s20+$0x40];
	vm8 =	vgt.f32 v49, v27;
	vm12 =	vgt.f32 v22, v31;
	vm2 =	vgt.f32 v24, v25  }
0x8e: {  	v21 =	vsel vm1, v36, v21;
	v22 =	vsel vm12, v22, v31;
	v31 =	vld [tilespmem:s0+$0x20];
	vm10 =	vgt.f32 v28, v30  }
0x8f: {  	v24 =	vsel vm2, v24, v25;
	v25 =	vsel vm10, v28, v30;
	v28 =	vld [tilespmem:s20+$0x430];
	vm4 =	vgt.f32 v23, v26  }
0x90: {  	v27 =	vsel vm8, v49, v27;
	vm13 =	vgt.f32 v29, v22;
	v23 =	vsel vm4, v23, v26;
	v26 =	vld [tilespmem:s21+$0x30]  }
0x91: {  	v36 =	vsel vm1, v3, v55;
	v35 =	vsel vm8, v11, v35;
	v22 =	vsel vm13, v29, v22;
	v29 =	vld [tilespmem:s21+$0x430]  }
0x92: {  	v56 =	vld [tilespmem:s0+$0x440];
	vm0 =	vgt.f32 v50, v21;
	v34 =	vsel vm12, v10, v51;
	vm9 =	vgt.f32 v53, v27  }
0x93: {  	v57 =	vld [tilespmem:s20+$0x50];
	v38 =	vsel vm2, v2, v0;
	v30 =	vsel vm5, v9, v0;
	vm5 =	vgt.f32 v31, v24  }
0x94: {  	v30 =	vsel vm11, v10, v30;
	v24 =	vsel vm5, v31, v24;
	v31 =	vld [tilespmem:s0+$0x30];
	vm11 =	vgt.f32 v28, v25  }
0x95: {  	v21 =	vsel vm0, v50, v21;
	v25 =	vsel vm11, v28, v25;
	v28 =	vld [tilespmem:s20+$0x440];
	vm6 =	vgt.f32 v26, v23  }
0x96: {  	v27 =	vsel vm9, v53, v27;
	vm12 =	vgt.f32 v29, v22;
	v23 =	vsel vm6, v26, v23;
	v26 =	vld [tilespmem:s21+$0x40]  }
0x97: {  	v36 =	vsel vm0, v4, v36;
	v35 =	vsel vm9, v12, v35;
	v22 =	vsel vm12, v29, v22;
	v29 =	vld [tilespmem:s21+$0x440]  }
0x98: {  	v58 =	vld [tilespmem:s0+$0x450];
	vm2 =	vgt.f32 v54, v21;
	v34 =	vsel vm13, v11, v34;
	v37 =	vsel vm4, v3, v37  }
0x99: {  	v59 =	vld [tilespmem:s20+$0x60];
	vm14 =	vgt.f32 v56, v27;
	v30 =	vsel vm10, v11, v30;
	vm3 =	vgt.f32 v31, v24  }
0x9a: {  	v21 =	vsel vm2, v54, v21;
	v24 =	vsel vm3, v31, v24;
	v31 =	vld [tilespmem:s0+$0x40];
	vm10 =	vgt.f32 v28, v25  }
0x9b: {  	v27 =	vsel vm14, v56, v27;
	v25 =	vsel vm10, v28, v25;
	v28 =	vld [tilespmem:s20+$0x450];
	vm7 =	vgt.f32 v26, v23  }
0x9c: {  	v36 =	vsel vm2, v5, v36;
	vm13 =	vgt.f32 v29, v22;
	v23 =	vsel vm7, v26, v23;
	v26 =	vld [tilespmem:s21+$0x50]  }
0x9d: {  	v35 =	vsel vm14, v13, v35;
	vm1 =	vgt.f32 v57, v21;
	v22 =	vsel vm13, v29, v22;
	v29 =	vld [tilespmem:s21+$0x450]  }
0x9e: {  	v60 =	vld [tilespmem:s0+$0x460];
	v21 =	vsel vm1, v57, v21;
	v38 =	vsel vm5, v3, v38;
	v30 =	vsel vm11, v12, v30  }
0x9f: {  	v39 =	vld [tilespmem:s20+$0x70];
	v34 =	vsel vm12, v12, v34;
	v37 =	vsel vm6, v4, v37;
	vm4 =	vgt.f32 v31, v24  }
0xa0: {  	vm6 =	vgt.f32 v58, v27;
	v24 =	vsel vm4, v31, v24;
	v31 =	vld [tilespmem:s0+$0x50];
	vm8 =	vgt.f32 v28, v25  }
0xa1: {  	v27 =	vsel vm6, v58, v27;
	v25 =	vsel vm8, v28, v25;
	v28 =	vld [tilespmem:s20+$0x460];
	vm0 =	vgt.f32 v26, v23  }
0xa2: {  	v35 =	vsel vm6, v14, v35;
	vm11 =	vgt.f32 v29, v22;
	v23 =	vsel vm0, v26, v23;
	v26 =	vld [tilespmem:s21+$0x60]  }
0xa3: {  	v38 =	vsel vm3, v4, v38;
	vm3 =	vgt.f32 v59, v21;
	v22 =	vsel vm11, v29, v22;
	v29 =	vld [tilespmem:s21+$0x460]  }
0xa4: {  	v30 =	vsel vm10, v13, v30;
	v34 =	vsel vm13, v13, v34;
	vm13 =	vgt.f32 v60, v27  }
0xa5: {  	v40 =	vld [tilespmem:s20+$0x470];
	v21 =	vsel vm3, v59, v21;
	v37 =	vsel vm7, v5, v37;
	v32 =	vsel vm13, v60, v27  }
0xa6: {  	v41 =	vld [tilespmem:s21+$0x70];
	v35 =	vsel vm13, v15, v35;
	v30 =	vsel vm8, v14, v30;
	vm5 =	vgt.f32 v31, v24  }
0xa7: {  	v27 =	vsel vm0, v6, v37;
	vm0 =	vgt.f32 v39, v21;
	v24 =	vsel vm5, v31, v24;
	v31 =	vld [tilespmem:s0+$0x60]  }
0xa8: {  	v61 =	vld [tilespmem:s0+$0x70];
	vm15 =	vgt.f32 v28, v25;
	vm2 =	vgt.f32 v26, v23;
	vm7 =	vgt.f32 v29, v22  }
0xa9: {  	v25 =	vsel vm15, v28, v25;
	v28 =	vsel vm4, v5, v38;
	v22 =	vsel vm7, v29, v22;
	v29 =	vld [tilespmem:s21+$0x470]  }
0xaa: {  	v62 =	vld [tilespmem:s0+$0x470];
	v30 =	vsel vm15, v15, v30;
	v26 =	vsel vm2, v26, v23;
	v23 =	vsel vm11, v14, v34  }
0xab: {  	v28 =	vsel vm5, v6, v28;
	v27 =	vsel vm2, v7, v27;
	vm14 =	vgt.f32 v41, v26  }
0xac: {  	v63 =	vsel vm7, v15, v23;
	v26 =	vsel vm14, v41, v26;
	vm12 =	vgt.f32 v31, v24  }
0xad: {  	v27 =	vsel vm14, v8, v27;
	v31 =	vsel vm12, v31, v24;
	v24 =	vsel vm1, v6, v36  }
0xae: {  	vm1 =	vgt.f32 v40, v25;
	vm15 =	vgt.f32 v29, v22;
	v36 =	vsel vm3, v7, v24  }
0xaf: {  	vm2 =	vgt.f32 v61, v31;
	vm3 =	vgt.f32 v62, v32;
	v23 =	vsel vm1, v40, v25  }
0xb0: {  	s28 =	simm.s32 $0x4;
	s30 =	simm.s32 $0x380;
	s31 =	sadd.s32 $0x400, s25;
	v24 =	vsel vm1, v16, v30;
	v30 =	vsel vm12, v7, v28;
	v28 =	vsel vm0, v39, v21  }
0xb1: {  	p0 =	por !p0, !p0;
	s22 =	simm.s32 $0x200;
	s0 =	simm.s32 $0x1;
	v21 =	vsel vm15, v29, v22;
	v22 =	vsel vm15, v16, v63;
	v29 =	vsel vm0, v8, v36  }
0xb2: {  	s29 =	simm.s32 $0x0;
	s5 =	sand.u32 $0x200, s22;
	s0 =	simm.s32 @!p0 $0x0;
	v31 =	vsel vm2, v61, v31;
	v32 =	vsel vm3, v62, v32;
	v25 =	vsel vm3, v16, v35  }
0xb3: {  	s4 =	sand.u32 $0x3800, s31;
	s1 =	sshll.u32 s0, $0x9;
	s0 =	simm.s32 $0x8;
	vm0 =	veq.f32 v23, v28;
	v30 =	vsel vm2, v8, v30;
	vm1 =	vlt.u32 v24, v29  }
.LBB2_4:
0xb4: {  	p1 =	slt.u32 s0, $0xC;
	s8 =	sadd.s32 s1, s31;
	s9 =	sor.u32 s5, s4;
	vm2 =	veq.f32 v21, v26;
	vm3 =	vlt.u32 v22, v27;
	vm4 =	veq.f32 v32, v31  }
0xb5: {  	s5 =	sadd.s32 $0xFFFFFF00, s30;
	s12 =	sadd.s32 $0xFFFFFF80, s30;
	vm0 =	vmand vm0, vm1;
	v33 =	vld [tilespmem:s9+$0x0];
	s1 =	sor.u32 $0x400, s8;
	vm1 =	vmand vm2, vm3;
	vm2 =	vlt.u32 v25, v30  }
0xb6: {  	s13 =	sand.u32 $0x380, s30;
	vm5 =	vgt.f32 v21, v26;
	s12 =	sand.u32 $0x300, s12;
	vm3 =	vgt.f32 v23, v28;
	v34 =	vld [tilespmem:s1+$0x0];
	s1 =	sand.u32 $0x280, s5;
	vm2 =	vmand vm4, vm2  }
0xb7: {  	s20 =	sor.u32 s12, s4;
	vm0 =	vmor vm3, vm0;
	vm1 =	vmor vm5, vm1;
	vm3 =	vgt.f32 v32, v31;
	s5 =	sor.u32 s1, s4;
	s1 =	sor.u32 s13, s4  }
0xb8: {  	s4 =	sor.u32 $0x410, s8;
	v23 =	vsel vm0, v23, v28;
	v24 =	vsel vm0, v24, v29;
	vm0 =	vmor vm3, vm2;
	v35 =	vld [tilespmem:s9+$0x10]  }
0xb9: {  	s12 =	sadd.s32 $0x2, s28;
	v21 =	vsel vm1, v21, v26;
	v22 =	vsel vm1, v22, v27;
	v26 =	vsel vm0, v32, v31;
	v28 =	vld [tilespmem:s4+$0x0];
	s4 =	sadd.s32 $0x1, s28  }
0xba: {  	s13 =	sor.u32 $0x420, s8;
	v31 =	vadd.s32 s12, v17;
	v27 =	vld [tilespmem:s9+$0x20];
	v29 =	vadd.s32 s4, v17;
	[tilespmem:v20+s16+$0x0] =	vst.idx.msk $0xffff, v23;
	v23 =	vsel vm0, v25, v30  }
0xbb: {  	vm0 =	vgt.f32 v33, $-Inf;
	s4 =	sadd.s32 $0x3, s29;
	s29 =	smov.u32 s28;
	s28 =	smov.u32 s0;
	vm1 =	vlt.f32 v34, $-Inf;
	vm2 =	vgt.f32 v34, $-Inf;
	v25 =	vld [tilespmem:s13+$0x0];
	[tilespmem:v20+s17+$0x0] =	vst.idx.msk $0xffff, v24;
	v20 =	vmovc v29  }
0xbc: {  	s12 =	sor.u32 $0x430, s8;
	v24 =	vnsel vm0, $0xFF800000, v33;
	v29 =	vld [tilespmem:s9+$0x30];
	vm0 =	vmor vm2, vm1;
	[tilespmem:v19+s16+$0x0] =	vst.idx.msk $0xffff, v21;
	v21 =	vadd.s32 s4, v17  }
0xbd: {  	v33 =	vadd.s32 s29, v17;
	vm1 =	vgt.f32 v35, v24;
	v30 =	vnsel vm0, $0xFF800000, v34;
	v32 =	vld [tilespmem:s12+$0x0];
	[tilespmem:v19+s17+$0x0] =	vst.idx.msk $0xffff, v22;
	v19 =	vmovc v31  }
0xbe: {  	s4 =	sor.u32 $0x440, s8;
	v22 =	vsel vm1, v35, v24;
	v24 =	vld [tilespmem:s9+$0x40];
	vm2 =	vgt.f32 v28, v30;
	v31 =	vsel vm1, v2, v0  }
0xbf: {  	v34 =	vsel vm0, v9, v0;
	vm1 =	vgt.f32 v27, v22;
	v28 =	vsel vm2, v28, v30;
	v30 =	vld [tilespmem:s4+$0x0]  }
0xc0: {  	s4 =	sor.u32 $0x450, s8;
	v22 =	vsel vm1, v27, v22;
	v27 =	vld [tilespmem:s9+$0x50];
	vm0 =	vgt.f32 v25, v28;
	v31 =	vsel vm1, v3, v31  }
0xc1: {  	v34 =	vsel vm2, v10, v34;
	vm1 =	vgt.f32 v29, v22;
	v25 =	vsel vm0, v25, v28;
	v28 =	vld [tilespmem:s4+$0x0]  }
0xc2: {  	s4 =	sor.u32 $0x460, s8;
	v22 =	vsel vm1, v29, v22;
	v29 =	vld [tilespmem:s9+$0x60];
	vm2 =	vgt.f32 v32, v25;
	v31 =	vsel vm1, v4, v31  }
0xc3: {  	v34 =	vsel vm0, v11, v34;
	vm1 =	vgt.f32 v24, v22;
	v25 =	vsel vm2, v32, v25;
	v32 =	vld [tilespmem:s4+$0x0]  }
0xc4: {  	s4 =	sor.u32 $0x470, s8;
	v22 =	vsel vm1, v24, v22;
	v24 =	vld [tilespmem:s9+$0x70];
	vm0 =	vgt.f32 v30, v25;
	v31 =	vsel vm1, v5, v31  }
0xc5: {  	v34 =	vsel vm2, v12, v34;
	vm1 =	vgt.f32 v27, v22;
	v25 =	vsel vm0, v30, v25;
	v30 =	vld [tilespmem:s4+$0x0]  }
0xc6: {  	v22 =	vsel vm1, v27, v22;
	vm2 =	vgt.f32 v28, v25;
	v27 =	vsel vm1, v6, v31;
	v31 =	vld [tilespmem:s5+$0x400]  }
0xc7: {  	vm1 =	vgt.f32 v29, v22;
	v25 =	vsel vm2, v28, v25;
	v28 =	vsel vm0, v13, v34;
	v34 =	vld [tilespmem:s20+$0x400]  }
0xc8: {  	v22 =	vsel vm1, v29, v22;
	vm0 =	vgt.f32 v32, v25;
	v27 =	vsel vm1, v7, v27;
	v29 =	vld [tilespmem:s1+$0x400]  }
0xc9: {  	v28 =	vsel vm2, v14, v28;
	vm1 =	vgt.f32 v24, v22;
	v25 =	vsel vm0, v32, v25;
	v32 =	vld [tilespmem:s5+$0x0]  }
0xca: {  	v22 =	vsel vm1, v24, v22;
	vm2 =	vgt.f32 v30, v25;
	v24 =	vsel vm0, v15, v28;
	v28 =	vld [tilespmem:s20+$0x0]  }
0xcb: {  	v27 =	vsel vm1, v8, v27;
	v25 =	vsel vm2, v30, v25;
	v24 =	vsel vm2, v16, v24;
	v30 =	vld [tilespmem:s1+$0x0]  }
0xcc: {  	vm2 =	vlt.f32 v31, $-Inf;
	vm0 =	veq.f32 v25, v22;
	vm1 =	vlt.u32 v24, v27;
	v35 =	vld [tilespmem:s5+$0x10];
	[tilespmem:v21+s16+$0x0] =	vst.idx.msk $0xffff, v26  }
0xcd: {  	vm3 =	vgt.f32 v25, v22;
	vm0 =	vmand vm0, vm1;
	vm1 =	vgt.f32 v31, $-Inf;
	v26 =	vld [tilespmem:s5+$0x410];
	[tilespmem:v21+s17+$0x0] =	vst.idx.msk $0xffff, v23  }
0xce: {  	vm4 =	vgt.f32 v34, $-Inf;
	vm0 =	vmor vm3, vm0;
	v21 =	vld [tilespmem:s20+$0x10];
	vm3 =	vlt.f32 v34, $-Inf  }
0xcf: {  	vm5 =	vlt.f32 v29, $-Inf;
	vm7 =	vgt.f32 v29, $-Inf;
	v22 =	vsel vm0, v25, v22;
	v23 =	vld [tilespmem:s20+$0x410]  }
0xd0: {  	vm6 =	vmor vm1, vm2;
	v24 =	vsel vm0, v24, v27;
	vm0 =	vmor vm4, vm3;
	[tilespmem:v33+s16+$0x0] =	vst.idx.msk $0xffff, v22;
	v22 =	vld [tilespmem:s1+$0x10]  }
0xd1: {  	vm1 =	vgt.f32 v32, $-Inf;
	vm5 =	vmor vm7, vm5;
	vm2 =	vgt.f32 v28, $-Inf;
	[tilespmem:v33+s17+$0x0] =	vst.idx.msk $0xffff, v24;
	v24 =	vld [tilespmem:s1+$0x410]  }
0xd2: {  	v27 =	vnsel vm6, $0xFF800000, v31;
	v31 =	vnsel vm0, $0xFF800000, v34;
	vm3 =	vgt.f32 v30, $-Inf;
	v25 =	vld [tilespmem:s5+$0x20]  }
0xd3: {  	v32 =	vnsel vm1, $0xFF800000, v32;
	v29 =	vnsel vm5, $0xFF800000, v29;
	v28 =	vnsel vm2, $0xFF800000, v28;
	v33 =	vld [tilespmem:s5+$0x420]  }
0xd4: {  	v30 =	vnsel vm3, $0xFF800000, v30;
	vm11 =	vgt.f32 v26, v27;
	v34 =	vld [tilespmem:s20+$0x20];
	vm12 =	vgt.f32 v23, v31  }
0xd5: {  	vm9 =	vgt.f32 v35, v32;
	vm3 =	vgt.f32 v21, v28;
	v36 =	vld [tilespmem:s20+$0x420];
	vm2 =	vgt.f32 v22, v30  }
0xd6: {  	v26 =	vsel vm11, v26, v27;
	v23 =	vsel vm12, v23, v31;
	v27 =	vld [tilespmem:s1+$0x20];
	vm7 =	vgt.f32 v24, v29  }
0xd7: {  	v21 =	vsel vm3, v21, v28;
	v31 =	vsel vm9, v35, v32;
	v24 =	vsel vm7, v24, v29;
	v28 =	vld [tilespmem:s1+$0x420]  }
0xd8: {  	v22 =	vsel vm2, v22, v30;
	vm1 =	vgt.f32 v25, v31;
	v29 =	vld [tilespmem:s5+$0x30];
	vm10 =	vgt.f32 v33, v26  }
0xd9: {  	v25 =	vsel vm1, v25, v31;
	v26 =	vsel vm10, v33, v26;
	v30 =	vld [tilespmem:s5+$0x430];
	vm4 =	vgt.f32 v34, v21  }
0xda: {  	v31 =	vsel vm6, v9, v0;
	v21 =	vsel vm4, v34, v21;
	v32 =	vld [tilespmem:s20+$0x30];
	vm13 =	vgt.f32 v36, v23  }
0xdb: {  	v34 =	vsel vm0, v9, v0;
	v23 =	vsel vm13, v36, v23;
	v33 =	vld [tilespmem:s20+$0x430];
	vm6 =	vgt.f32 v27, v22  }
0xdc: {  	v35 =	vsel vm5, v9, v0;
	v22 =	vsel vm6, v27, v22;
	v27 =	vld [tilespmem:s1+$0x30];
	vm8 =	vgt.f32 v28, v24  }
0xdd: {  	v31 =	vsel vm11, v10, v31;
	vm0 =	vgt.f32 v29, v25;
	v24 =	vsel vm8, v28, v24;
	v28 =	vld [tilespmem:s1+$0x430]  }
0xde: {  	v34 =	vsel vm12, v10, v34;
	v25 =	vsel vm0, v29, v25;
	v29 =	vld [tilespmem:s5+$0x40];
	vm11 =	vgt.f32 v30, v26  }
0xdf: {  	v36 =	vsel vm9, v2, v0;
	v26 =	vsel vm11, v30, v26;
	v30 =	vld [tilespmem:s5+$0x440];
	vm5 =	vgt.f32 v32, v21  }
0xe0: {  	v37 =	vsel vm3, v2, v0;
	v21 =	vsel vm5, v32, v21;
	v32 =	vld [tilespmem:s20+$0x40];
	vm12 =	vgt.f32 v33, v23  }
0xe1: {  	v35 =	vsel vm7, v10, v35;
	v23 =	vsel vm12, v33, v23;
	v33 =	vld [tilespmem:s20+$0x440];
	vm3 =	vgt.f32 v27, v22  }
0xe2: {  	v38 =	vsel vm2, v2, v0;
	v22 =	vsel vm3, v27, v22;
	v27 =	vld [tilespmem:s1+$0x40];
	vm9 =	vgt.f32 v28, v24  }
0xe3: {  	v31 =	vsel vm10, v11, v31;
	vm2 =	vgt.f32 v29, v25;
	v24 =	vsel vm9, v28, v24;
	v28 =	vld [tilespmem:s1+$0x440]  }
0xe4: {  	v34 =	vsel vm13, v11, v34;
	v25 =	vsel vm2, v29, v25;
	v29 =	vld [tilespmem:s5+$0x50];
	vm10 =	vgt.f32 v30, v26  }
0xe5: {  	v36 =	vsel vm1, v3, v36;
	v26 =	vsel vm10, v30, v26;
	v30 =	vld [tilespmem:s5+$0x450];
	vm7 =	vgt.f32 v32, v21  }
0xe6: {  	v37 =	vsel vm4, v3, v37;
	v21 =	vsel vm7, v32, v21;
	v32 =	vld [tilespmem:s20+$0x50];
	vm13 =	vgt.f32 v33, v23  }
0xe7: {  	v35 =	vsel vm8, v11, v35;
	v23 =	vsel vm13, v33, v23;
	v33 =	vld [tilespmem:s20+$0x450];
	vm4 =	vgt.f32 v27, v22  }
0xe8: {  	v38 =	vsel vm6, v3, v38;
	v22 =	vsel vm4, v27, v22;
	v27 =	vld [tilespmem:s1+$0x50];
	vm8 =	vgt.f32 v28, v24  }
0xe9: {  	v31 =	vsel vm11, v12, v31;
	vm1 =	vgt.f32 v29, v25;
	v24 =	vsel vm8, v28, v24;
	v28 =	vld [tilespmem:s1+$0x450]  }
0xea: {  	v34 =	vsel vm12, v12, v34;
	v25 =	vsel vm1, v29, v25;
	v29 =	vld [tilespmem:s5+$0x60];
	vm6 =	vgt.f32 v30, v26  }
0xeb: {  	v36 =	vsel vm0, v4, v36;
	v26 =	vsel vm6, v30, v26;
	v30 =	vld [tilespmem:s5+$0x460];
	vm0 =	vgt.f32 v32, v21  }
0xec: {  	v37 =	vsel vm5, v4, v37;
	v21 =	vsel vm0, v32, v21;
	v32 =	vld [tilespmem:s20+$0x60];
	vm11 =	vgt.f32 v33, v23  }
0xed: {  	v35 =	vsel vm9, v12, v35;
	v23 =	vsel vm11, v33, v23;
	v33 =	vld [tilespmem:s20+$0x460];
	vm5 =	vgt.f32 v27, v22  }
0xee: {  	v38 =	vsel vm3, v4, v38;
	v22 =	vsel vm5, v27, v22;
	v27 =	vld [tilespmem:s1+$0x60];
	vm9 =	vgt.f32 v28, v24  }
0xef: {  	v31 =	vsel vm10, v13, v31;
	vm3 =	vgt.f32 v29, v25;
	v24 =	vsel vm9, v28, v24;
	v28 =	vld [tilespmem:s1+$0x460]  }
0xf0: {  	v36 =	vsel vm2, v5, v36;
	v34 =	vsel vm13, v13, v34;
	v39 =	vld [tilespmem:s5+$0x70];
	vm10 =	vgt.f32 v30, v26  }
0xf1: {  	v37 =	vsel vm7, v5, v37;
	v35 =	vsel vm8, v13, v35;
	v40 =	vld [tilespmem:s5+$0x470];
	vm2 =	vgt.f32 v32, v21  }
0xf2: {  	v38 =	vsel vm4, v5, v38;
	v26 =	vsel vm10, v30, v26;
	v30 =	vld [tilespmem:s20+$0x70];
	vm7 =	vgt.f32 v33, v23  }
0xf3: {  	v25 =	vsel vm3, v29, v25;
	v29 =	vsel vm7, v33, v23;
	v33 =	vld [tilespmem:s20+$0x470];
	vm4 =	vgt.f32 v27, v22  }
0xf4: {  	v23 =	vsel vm6, v14, v31;
	v31 =	vsel vm2, v32, v21;
	v32 =	vld [tilespmem:s1+$0x70];
	vm6 =	vgt.f32 v28, v24  }
0xf5: {  	v21 =	vsel vm11, v14, v34;
	v34 =	vsel vm4, v27, v22;
	v41 =	vsel vm6, v28, v24;
	v42 =	vld [tilespmem:s1+$0x470]  }
0xf6: {  	v22 =	vsel vm1, v6, v36;
	v27 =	vsel vm9, v14, v35;
	v24 =	vsel vm0, v6, v37  }
0xf7: {  	vm0 =	vgt.f32 v39, v25;
	v28 =	vsel vm5, v6, v38;
	vm1 =	vgt.f32 v40, v26  }
0xf8: {  	v35 =	vsel vm10, v15, v23;
	vm5 =	vgt.f32 v30, v31;
	vm8 =	vgt.f32 v33, v29  }
0xf9: {  	v36 =	vsel vm3, v7, v22;
	v22 =	vsel vm7, v15, v21;
	v37 =	vsel vm2, v7, v24  }
0xfa: {  	v38 =	vsel vm6, v15, v27;
	vm2 =	vgt.f32 v32, v34;
	vm3 =	vgt.f32 v42, v41  }
.Ltmp2:
0xfb: {  	v23 =	vsel vm1, v40, v26;
	v24 =	vsel vm1, v16, v35;
	v35 =	vsel vm4, v7, v28;
	(pc) =	sbr.rel @p1 .LBB2_4-.Ltmp2, $4  }
0xfc: {  	s30 =	sadd.s32 $0x200, s30;
	v28 =	vsel vm0, v39, v25;
	v21 =	vsel vm8, v33, v29;
	v22 =	vsel vm8, v16, v22  }
0xfd: {  	s31 =	sadd.s32 $0x400, s31;
	p0 =	por !p0, !p0;
	s1 =	simm.s32 $0x1;
	v26 =	vsel vm5, v30, v31;
	v27 =	vsel vm5, v8, v37;
	v29 =	vsel vm0, v8, v36  }
0xfe: {  	s4 =	sand.u32 $0x3800, s31;
	s5 =	sadd.s32 $0xFFFFFE80, s30;
	s1 =	simm.s32 @!p0 $0x0;
	v31 =	vsel vm2, v32, v34;
	v32 =	vsel vm3, v42, v41;
	v25 =	vsel vm3, v16, v38  }
0xff: {  	s0 =	sadd.s32 $0x4, s0;
	s5 =	sand.u32 $0x200, s5;
	s1 =	sshll.u32 s1, $0x9;
	vm0 =	veq.f32 v23, v28;
	vm1 =	vlt.u32 v24, v29;
	v30 =	vsel vm2, v8, v35  }
0x100: {  	s0 =	sadd.s32 s1, s31;
	s1 =	sor.u32 s5, s4  }
0x101: {  	vm2 =	veq.f32 v21, v26;
	vm3 =	vlt.u32 v22, v27;
	v33 =	vld [tilespmem:s1+$0x0]  }
0x102: {  	vm4 =	veq.f32 v32, v31;
	vm0 =	vmand vm0, vm1;
	vm10 =	vlt.u32 v25, v30;
	s12 =	sor.u32 $0x400, s0;
	v35 =	vld [tilespmem:s1+$0x10]  }
0x103: {  	vm11 =	vgt.f32 v23, v28;
	vm5 =	vgt.f32 v21, v26;
	vm12 =	vgt.f32 v32, v31;
	v34 =	vld [tilespmem:s12+$0x0]  }
0x104: {  	vm9 =	vmand vm2, vm3;
	vm2 =	vmand vm4, vm10;
	vm0 =	vmor vm11, vm0;
	s13 =	sor.u32 $0x410, s0;
	v53 =	vld [tilespmem:s1+$0x30]  }
0x105: {  	vm1 =	vmor vm5, vm9;
	v28 =	vsel vm0, v23, v28;
	v29 =	vsel vm0, v24, v29;
	v24 =	vld [tilespmem:s13+$0x0]  }
0x106: {  	s20 =	sadd.s32 $0x1, s28;
	vm13 =	vmor vm12, vm2;
	v36 =	vsel vm1, v21, v26;
	v37 =	vsel vm1, v22, v27;
	v26 =	vld [tilespmem:s1+$0x20]  }
0x107: {  	s8 =	sor.u32 $0x420, s0;
	v54 =	vld [tilespmem:s1+$0x40];
	v31 =	vsel vm13, v32, v31;
	v21 =	vadd.s32 s20, v17;
	vm14 =	vgt.f32 v33, $-Inf  }
0x108: {  	s21 =	sadd.s32 $0x2, s28;
	v27 =	vld [tilespmem:s8+$0x0];
	vm15 =	vlt.f32 v34, $-Inf;
	vm6 =	vgt.f32 v34, $-Inf;
	v52 =	vnsel vm14, $0xFF800000, v33  }
0x109: {  	s22 =	sor.u32 $0x430, s0;
	v56 =	vld [tilespmem:s1+$0x50];
	v22 =	vadd.s32 s21, v17;
	vm7 =	vmor vm6, vm15;
	vm8 =	vgt.f32 v35, v52  }
0x10a: {  	v23 =	vsel vm13, v25, v30;
	v30 =	vld [tilespmem:s22+$0x0];
	v25 =	vnsel vm7, $0xFF800000, v34;
	v32 =	vsel vm8, v35, v52  }
0x10b: {  	s31 =	sor.u32 $0x440, s0;
	v57 =	vld [tilespmem:s1+$0x60];
	v55 =	vsel vm8, v2, v0;
	vm9 =	vgt.f32 v24, v25;
	vm10 =	vgt.f32 v26, v32  }
0x10c: {  	s13 =	sadd.s32 $0xFFFFFF80, s30;
	v38 =	vsel vm7, v9, v0;
	v24 =	vsel vm9, v24, v25;
	v25 =	vld [tilespmem:s31+$0x0];
	v26 =	vsel vm10, v26, v32  }
0x10d: {  	v58 =	vld [tilespmem:s1+$0x70];
	s8 =	sor.u32 $0x450, s0;
	s20 =	sand.u32 $0x300, s13;
	v35 =	vsel vm10, v3, v55;
	vm11 =	vgt.f32 v27, v24;
	vm12 =	vgt.f32 v53, v26  }
0x10e: {  	s12 =	sadd.s32 $0xFFFFFF00, s30;
	s1 =	sor.u32 s20, s4;
	v38 =	vsel vm9, v10, v38;
	v24 =	vsel vm11, v27, v24;
	v27 =	vld [tilespmem:s8+$0x0];
	v26 =	vsel vm12, v53, v26  }
0x10f: {  	s9 =	sor.u32 $0x460, s0;
	v61 =	vld [tilespmem:s1+$0x400];
	v35 =	vsel vm12, v4, v35;
	s8 =	sand.u32 $0x280, s12;
	vm13 =	vgt.f32 v30, v24;
	vm14 =	vgt.f32 v54, v26  }
0x110: {  	v38 =	vsel vm11, v11, v38;
	s21 =	sor.u32 s8, s4;
	v24 =	vsel vm13, v30, v24;
	v30 =	vld [tilespmem:s9+$0x0];
	v26 =	vsel vm14, v54, v26  }
0x111: {  	v35 =	vsel vm14, v5, v35;
	v60 =	vld [tilespmem:s21+$0x400];
	vm15 =	vgt.f32 v25, v24;
	vm4 =	vgt.f32 v56, v26  }
0x112: {  	v38 =	vsel vm13, v12, v38;
	v24 =	vsel vm15, v25, v24;
	v26 =	vsel vm4, v56, v26  }
0x113: {  	s0 =	sor.u32 $0x470, s0;
	v59 =	vsel vm4, v6, v35;
	vm5 =	vgt.f32 v27, v24;
	vm6 =	vgt.f32 v57, v26  }
0x114: {  	s22 =	sand.u32 $0x380, s30;
	v25 =	vld [tilespmem:s0+$0x0];
	v24 =	vsel vm5, v27, v24;
	v27 =	vsel vm15, v13, v38;
	v26 =	vsel vm6, v57, v26  }
0x115: {  	s0 =	sor.u32 s22, s4;
	v32 =	vsel vm6, v7, v59;
	vm15 =	vlt.f32 v61, $-Inf;
	vm7 =	vgt.f32 v30, v24  }
0x116: {  	v62 =	vld [tilespmem:s0+$0x400];
	vm8 =	vgt.f32 v58, v26;
	v27 =	vsel vm5, v14, v27;
	vm13 =	vlt.f32 v60, $-Inf  }
0x117: {  	v41 =	vld [tilespmem:s0+$0x0];
	vm14 =	vgt.f32 v60, $-Inf;
	v24 =	vsel vm7, v30, v24;
	v26 =	vsel vm8, v58, v26  }
0x118: {  	[tilespmem:v20+s16+$0x0] =	vst.idx.msk $0xffff, v28;
	v63 =	vld [tilespmem:s1+$0x0];
	v27 =	vsel vm7, v15, v27;
	v32 =	vsel vm8, v8, v32;
	vm2 =	vmor vm14, vm13  }
0x119: {  	s30 =	sadd.s32 $0x3, s29;
	[tilespmem:v20+s17+$0x0] =	vst.idx.msk $0xffff, v29;
	v43 =	vld [tilespmem:s21+$0x410];
	vm9 =	vgt.f32 v25, v24;
	v29 =	vnsel vm2, $0xFF800000, v60;
	v54 =	vsel vm2, v9, v0  }
0x11a: {  	v30 =	vld [tilespmem:s21+$0x0];
	v39 =	vsel vm9, v25, v24;
	v40 =	vsel vm9, v16, v27;
	v25 =	vadd.s32 s30, v17  }
0x11b: {  	v28 =	vld [tilespmem:s0+$0x410];
	v24 =	vadd.s32 s28, v17;
	vm9 =	vgt.f32 v61, $-Inf;
	vm6 =	vlt.f32 v62, $-Inf  }
0x11c: {  	v44 =	vld [tilespmem:s1+$0x10];
	vm7 =	vgt.f32 v62, $-Inf;
	vm5 =	vgt.f32 v41, $-Inf;
	vm10 =	veq.f32 v39, v26  }
0x11d: {  	v45 =	vld [tilespmem:s1+$0x410];
	vm11 =	vlt.u32 v40, v32;
	vm12 =	vgt.f32 v39, v26;
	vm3 =	vmor vm7, vm6  }
0x11e: {  	v42 =	vld [tilespmem:s21+$0x10];
	vm0 =	vmand vm10, vm11;
	vm11 =	vgt.f32 v63, $-Inf;
	v33 =	vnsel vm3, $0xFF800000, v62  }
0x11f: {  	[tilespmem:v19+s16+$0x0] =	vst.idx.msk $0xffff, v36;
	v48 =	vld [tilespmem:s21+$0x420];
	v59 =	vsel vm3, v9, v0;
	vm0 =	vmor vm12, vm0;
	vm10 =	vgt.f32 v30, $-Inf  }
0x120: {  	[tilespmem:v19+s17+$0x0] =	vst.idx.msk $0xffff, v37;
	v52 =	vld [tilespmem:s0+$0x420];
	v19 =	vnsel vm11, $0xFF800000, v63;
	vm11 =	vgt.f32 v43, v29;
	vm7 =	vgt.f32 v28, v33  }
0x121: {  	v46 =	vld [tilespmem:s0+$0x10];
	v27 =	vsel vm0, v39, v26;
	v26 =	vsel vm0, v40, v32;
	vm0 =	vmor vm9, vm15  }
0x122: {  	v49 =	vld [tilespmem:s1+$0x20];
	v30 =	vnsel vm10, $0xFF800000, v30;
	vm4 =	vgt.f32 v44, v19;
	v29 =	vsel vm11, v43, v29  }
0x123: {  	v28 =	vsel vm7, v28, v33;
	v32 =	vsel vm11, v10, v54;
	v47 =	vnsel vm0, $0xFF800000, v61  }
0x124: {  	v20 =	vld [tilespmem:s21+$0x20];
	[tilespmem:v25+s16+$0x0] =	vst.idx.msk $0xffff, v31;
	v31 =	vnsel vm5, $0xFF800000, v41;
	vm9 =	vgt.f32 v42, v30;
	v19 =	vsel vm4, v44, v19  }
0x125: {  	v50 =	vld [tilespmem:s1+$0x420];
	vm10 =	vgt.f32 v48, v29;
	v57 =	vsel vm0, v9, v0;
	vm8 =	vgt.f32 v52, v28  }
0x126: {  	v55 =	vld [tilespmem:s1+$0x30];
	vm12 =	vgt.f32 v45, v47;
	vm5 =	vgt.f32 v46, v31;
	v30 =	vsel vm9, v42, v30  }
0x127: {  	s31 =	sadd.s32 $0x3, s28;
	v51 =	vld [tilespmem:s0+$0x20];
	v29 =	vsel vm10, v48, v29;
	vm6 =	vgt.f32 v49, v19;
	v28 =	vsel vm8, v52, v28  }
0x128: {  	v53 =	vld [tilespmem:s21+$0x30];
	v48 =	vsel vm4, v2, v0;
	v32 =	vsel vm10, v11, v32;
	[tilespmem:v25+s17+$0x0] =	vst.idx.msk $0xffff, v23;
	v23 =	vadd.s32 s31, v17  }
0x129: {  	v56 =	vld [tilespmem:s1+$0x430];
	v35 =	vsel vm12, v45, v47;
	vm1 =	vgt.f32 v20, v30;
	v31 =	vsel vm5, v46, v31  }
0x12a: {  	v58 =	vld [tilespmem:s0+$0x30];
	v19 =	vsel vm6, v49, v19;
	v37 =	vsel vm12, v10, v57;
	v52 =	vsel vm5, v2, v0  }
0x12b: {  	v63 =	vld [tilespmem:s1+$0x40];
	v57 =	vsel vm6, v3, v48;
	v20 =	vsel vm1, v20, v30;
	vm13 =	vgt.f32 v50, v35  }
0x12c: {  	v61 =	vld [tilespmem:s21+$0x40];
	vm2 =	vgt.f32 v51, v31;
	vm3 =	vgt.f32 v55, v19;
	v35 =	vsel vm13, v50, v35  }
0x12d: {  	v60 =	vld [tilespmem:s0+$0x430];
	v31 =	vsel vm2, v51, v31;
	vm0 =	vgt.f32 v53, v20;
	v19 =	vsel vm3, v55, v19  }
0x12e: {  	v49 =	vld [tilespmem:s1+$0x440];
	v50 =	vsel vm7, v10, v59;
	v37 =	vsel vm13, v11, v37;
	v40 =	vsel vm2, v3, v52  }
0x12f: {  	v30 =	vld [tilespmem:s21+$0x430];
	v39 =	vsel vm3, v4, v57;
	v20 =	vsel vm0, v53, v20;
	vm12 =	vgt.f32 v56, v35  }
0x130: {  	v62 =	vld [tilespmem:s21+$0x440];
	vm4 =	vgt.f32 v58, v31;
	vm7 =	vgt.f32 v63, v19;
	v34 =	vsel vm12, v56, v35  }
0x131: {  	v51 =	vld [tilespmem:s0+$0x40];
	v31 =	vsel vm4, v58, v31;
	vm5 =	vgt.f32 v61, v20;
	v19 =	vsel vm7, v63, v19  }
0x132: {  	v54 =	vld [tilespmem:s21+$0x50];
	v35 =	vsel vm8, v11, v50;
	v37 =	vsel vm12, v12, v37;
	v40 =	vsel vm4, v4, v40  }
0x133: {  	v53 =	vld [tilespmem:s0+$0x440];
	v39 =	vsel vm7, v5, v39;
	v20 =	vsel vm5, v61, v20;
	vm13 =	vgt.f32 v49, v34  }
0x134: {  	v56 =	vld [tilespmem:s1+$0x50];
	vm11 =	vgt.f32 v30, v29;
	v34 =	vsel vm13, v49, v34;
	v37 =	vsel vm13, v13, v37  }
0x135: {  	v58 =	vld [tilespmem:s1+$0x450];
	v29 =	vsel vm11, v30, v29;
	v30 =	vsel vm9, v2, v0;
	vm9 =	vgt.f32 v60, v28  }
0x136: {  	v59 =	vld [tilespmem:s0+$0x50];
	vm6 =	vgt.f32 v51, v31;
	v32 =	vsel vm11, v12, v32;
	v28 =	vsel vm9, v60, v28  }
0x137: {  	v55 =	vld [tilespmem:s21+$0x450];
	vm10 =	vgt.f32 v62, v29;
	v30 =	vsel vm1, v3, v30;
	v31 =	vsel vm6, v51, v31  }
0x138: {  	v61 =	vld [tilespmem:s21+$0x60];
	vm1 =	vgt.f32 v54, v20;
	v35 =	vsel vm9, v12, v35;
	v40 =	vsel vm6, v5, v40  }
0x139: {  	v48 =	vld [tilespmem:s1+$0x460];
	v29 =	vsel vm10, v62, v29;
	vm14 =	vgt.f32 v53, v28;
	v20 =	vsel vm1, v54, v20  }
0x13a: {  	v63 =	vld [tilespmem:s1+$0x60];
	vm2 =	vgt.f32 v56, v19;
	v30 =	vsel vm0, v4, v30;
	vm11 =	vgt.f32 v58, v34  }
0x13b: {  	v49 =	vld [tilespmem:s0+$0x60];
	vm0 =	vgt.f32 v59, v31;
	v32 =	vsel vm10, v13, v32;
	v28 =	vsel vm14, v53, v28  }
0x13c: {  	vm8 =	vgt.f32 v55, v29;
	v19 =	vsel vm2, v56, v19;
	v34 =	vsel vm11, v58, v34  }
0x13d: {  	v52 =	vld [tilespmem:s1+$0x70];
	v31 =	vsel vm0, v59, v31;
	vm3 =	vgt.f32 v61, v20;
	v30 =	vsel vm5, v5, v30  }
0x13e: {  	v60 =	vld [tilespmem:s0+$0x450];
	v35 =	vsel vm14, v13, v35;
	v37 =	vsel vm11, v14, v37;
	v39 =	vsel vm2, v6, v39  }
0x13f: {  	v51 =	vld [tilespmem:s21+$0x70];
	v40 =	vsel vm0, v6, v40;
	v29 =	vsel vm8, v55, v29;
	vm5 =	vgt.f32 v63, v19  }
0x140: {  	v62 =	vld [tilespmem:s21+$0x460];
	vm15 =	vgt.f32 v48, v34;
	v20 =	vsel vm3, v61, v20;
	vm6 =	vgt.f32 v49, v31  }
0x141: {  	v54 =	vld [tilespmem:s1+$0x470];
	v32 =	vsel vm8, v14, v32;
	v30 =	vsel vm1, v6, v30;
	v53 =	vsel vm15, v48, v34  }
0x142: {  	v19 =	vsel vm5, v63, v19;
	v31 =	vsel vm6, v49, v31;
	v30 =	vsel vm3, v7, v30  }
0x143: {  	v50 =	vld [tilespmem:s0+$0x460];
	v39 =	vsel vm5, v7, v39;
	v37 =	vsel vm15, v15, v37;
	v40 =	vsel vm6, v7, v40  }
0x144: {  	v45 =	vld [tilespmem:s21+$0x470];
	vm12 =	vgt.f32 v60, v28;
	vm11 =	vgt.f32 v51, v20;
	vm13 =	vgt.f32 v52, v19  }
0x145: {  	v55 =	vld [tilespmem:s0+$0x70];
	v28 =	vsel vm12, v60, v28;
	vm4 =	vgt.f32 v62, v29;
	v35 =	vsel vm12, v14, v35  }
0x146: {  	v56 =	vld [tilespmem:s0+$0x470];
	vm14 =	vgt.f32 v54, v53;
	v20 =	vsel vm11, v51, v20;
	v30 =	vsel vm11, v8, v30  }
0x147: {  	v19 =	vsel vm13, v52, v19;
	v58 =	vsel vm13, v8, v39;
	v29 =	vsel vm4, v62, v29  }
0x148: {  	vm8 =	vgt.f32 v50, v28;
	v32 =	vsel vm4, v15, v32;
	v33 =	vsel vm14, v54, v53  }
0x149: {  	v57 =	vsel vm14, v16, v37;
	v28 =	vsel vm8, v50, v28;
	vm12 =	vgt.f32 v45, v29  }
0x14a: {  	vm15 =	vgt.f32 v55, v31;
	v35 =	vsel vm8, v15, v35;
	vm11 =	veq.f32 v33, v19  }
0x14b: {  	vm9 =	vgt.f32 v56, v28;
	v29 =	vsel vm12, v45, v29;
	v32 =	vsel vm12, v16, v32  }
0x14c: {  	v31 =	vsel vm15, v55, v31;
	v59 =	vsel vm15, v8, v40;
	vm12 =	vlt.u32 v57, v58  }
0x14d: {  	vm15 =	vgt.f32 v33, v19;
	v28 =	vsel vm9, v56, v28;
	v35 =	vsel vm9, v16, v35  }
0x14e: {  	vm10 =	veq.f32 v29, v20;
	vm1 =	vlt.u32 v32, v30;
	vm2 =	vmand vm11, vm12  }
0x14f: {  	[tilespmem:v24+s16+$0x0] =	vst.idx.msk $0xffff, v27;
	vm13 =	vgt.f32 v29, v20;
	vm0 =	vmand vm10, vm1;
	vm1 =	vmor vm15, vm2  }
0x150: {  	[tilespmem:v24+s17+$0x0] =	vst.idx.msk $0xffff, v26;
	vm14 =	veq.f32 v28, v31;
	vm0 =	vmor vm13, vm0;
	v19 =	vsel vm1, v33, v19  }
0x151: {  	vm6 =	vlt.u32 v35, v59;
	v20 =	vsel vm0, v29, v20;
	[tilespmem:v22+s16+$0x0] =	vst.idx.msk $0xffff, v19  }
0x152: {  	vm8 =	vgt.f32 v28, v31;
	vm7 =	vmand vm14, vm6;
	v24 =	vsel vm0, v32, v30;
	[tilespmem:v21+s16+$0x0] =	vst.idx.msk $0xffff, v20  }
0x153: {  	vm0 =	vmor vm8, vm7;
	v20 =	vsel vm1, v57, v58;
	[tilespmem:v21+s17+$0x0] =	vst.idx.msk $0xffff, v24  }
0x154: {  	v19 =	vadd.s32 $0x11, v0;
	v21 =	vsel vm0, v28, v31;
	[tilespmem:v22+s17+$0x0] =	vst.idx.msk $0xffff, v20  }
0x155: {  	v20 =	vsel vm0, v35, v59;
	[tilespmem:v23+s16+$0x0] =	vst.idx.msk $0xffff, v21  }
0x156: {  	v25 =	vadd.s32 $0x77, v0;
	[tilespmem:v23+s17+$0x0] =	vst.idx.msk $0xffff, v20  }
0x157: {  	v34 =	vld.idx.msk [tilespmem:v0+s16+$0x0], $0xffff  }
0x158: {  	v26 =	vadd.s32 $0x88, v0;
	v35 =	vld.idx.msk [tilespmem:v0+s17+$0x0], $0xffff  }
0x159: {  	v36 =	vld.idx.msk [tilespmem:v19+s16+$0x0], $0xffff  }
0x15a: {  	v27 =	vadd.s32 $0x99, v0;
	v37 =	vld.idx.msk [tilespmem:v19+s17+$0x0], $0xffff  }
0x15b: {  	v48 =	vld.idx.msk [tilespmem:v25+s16+$0x0], $0xffff  }
0x15c: {  	v29 =	vadd.s32 $0xBB, v0;
	v49 =	vld.idx.msk [tilespmem:v25+s17+$0x0], $0xffff  }
0x15d: {  	v50 =	vld.idx.msk [tilespmem:v26+s16+$0x0], $0xffff  }
0x15e: {  	v22 =	vadd.s32 $0x44, v0;
	v51 =	vld.idx.msk [tilespmem:v26+s17+$0x0], $0xffff  }
0x15f: {  	v52 =	vld.idx.msk [tilespmem:v27+s16+$0x0], $0xffff  }
0x160: {  	v24 =	vadd.s32 $0x66, v0;
	v53 =	vld.idx.msk [tilespmem:v27+s17+$0x0], $0xffff  }
0x161: {  	v21 =	vadd.s32 $0x33, v0;
	v56 =	vld.idx.msk [tilespmem:v29+s16+$0x0], $0xffff  }
0x162: {  	v57 =	vld.idx.msk [tilespmem:v29+s17+$0x0], $0xffff  }
0x163: {  	v20 =	vadd.s32 $0x22, v0;
	v60 =	vld.idx.msk [tilespmem:v22+s16+$0x0], $0xffff  }
0x164: {  	v61 =	vld.idx.msk [tilespmem:v22+s17+$0x0], $0xffff  }
0x165: {  	v23 =	vadd.s32 $0x55, v0;
	v46 =	vld.idx.msk [tilespmem:v24+s16+$0x0], $0xffff  }
0x166: {  	v40 =	vld.idx.msk [tilespmem:v21+s16+$0x0], $0xffff  }
0x167: {  	v41 =	vld.idx.msk [tilespmem:v21+s17+$0x0], $0xffff  }
0x168: {  	v28 =	vadd.s32 $0xAA, v0;
	v38 =	vld.idx.msk [tilespmem:v20+s16+$0x0], $0xffff  }
0x169: {  	v39 =	vld.idx.msk [tilespmem:v20+s17+$0x0], $0xffff  }
0x16a: {  	v33 =	vadd.s32 $0xFF, v0;
	v62 =	vld.idx.msk [tilespmem:v23+s16+$0x0], $0xffff  }
0x16b: {  	v30 =	vadd.s32 $0xCC, v0;
	v63 =	vld.idx.msk [tilespmem:v23+s17+$0x0], $0xffff;
	vm10 =	veq.f32 v36, v34;
	vm11 =	vlt.s32 v37, v35  }
0x16c: {  	v32 =	vadd.s32 $0xEE, v0;
	v47 =	vld.idx.msk [tilespmem:v24+s17+$0x0], $0xffff;
	vm9 =	vgt.f32 v36, v34;
	vm1 =	vmand vm10, vm11  }
0x16d: {  	v31 =	vadd.s32 $0xDD, v0;
	v54 =	vld.idx.msk [tilespmem:v28+s16+$0x0], $0xffff;
	vm0 =	vmor vm9, vm1;
	vm11 =	veq.f32 v48, v46  }
0x16e: {  	v55 =	vld.idx.msk [tilespmem:v28+s17+$0x0], $0xffff;
	v34 =	vsel vm0, v36, v34;
	v35 =	vsel vm0, v37, v35;
	vm12 =	veq.f32 v40, v38  }
0x16f: {  	vm13 =	vlt.s32 v41, v39;
	vm14 =	vgt.f32 v40, v38;
	vm8 =	vgt.f32 v62, v60  }
0x170: {  	vm9 =	veq.f32 v62, v60;
	vm10 =	vlt.s32 v63, v61;
	vm2 =	vmand vm12, vm13  }
0x171: {  	v58 =	vld.idx.msk [tilespmem:v30+s16+$0x0], $0xffff;
	vm12 =	vlt.s32 v49, v47;
	vm13 =	vgt.f32 v48, v46;
	vm15 =	vmor vm14, vm2  }
0x172: {  	v44 =	vld.idx.msk [tilespmem:v32+s17+$0x0], $0xffff;
	vm2 =	vmand vm9, vm10;
	vm4 =	vmand vm11, vm12;
	vm9 =	veq.f32 v52, v50  }
0x173: {  	v59 =	vld.idx.msk [tilespmem:v33+s17+$0x0], $0xffff;
	vm10 =	vlt.s32 v53, v51;
	vm11 =	veq.f32 v56, v54;
	vm12 =	vlt.s32 v57, v55  }
0x174: {  	v36 =	vld.idx.msk [tilespmem:v30+s17+$0x0], $0xffff;
	v37 =	vsel vm15, v40, v38;
	v39 =	vsel vm15, v41, v39;
	vm14 =	vmor vm8, vm2  }
0x175: {  	v38 =	vld.idx.msk [tilespmem:v31+s16+$0x0], $0xffff;
	vm15 =	vmor vm13, vm4;
	vm8 =	vgt.f32 v52, v50;
	vm2 =	vmand vm9, vm10  }
0x176: {  	v40 =	vld.idx.msk [tilespmem:v31+s17+$0x0], $0xffff;
	vm13 =	vgt.f32 v56, v54;
	vm3 =	vmand vm11, vm12;
	v42 =	vsel vm14, v62, v60  }
0x177: {  	v41 =	vld.idx.msk [tilespmem:v32+s16+$0x0], $0xffff;
	v43 =	vsel vm14, v63, v61;
	v45 =	vsel vm15, v48, v46;
	vm0 =	vmor vm8, vm2  }
0x178: {  	v46 =	vld.idx.msk [tilespmem:v33+s16+$0x0], $0xffff;
	v47 =	vsel vm15, v49, v47;
	vm14 =	vmor vm13, vm3;
	vm8 =	vlt.s32 v59, v44  }
0x179: {  	vm11 =	vgt.f32 v37, v34;
	vm12 =	veq.f32 v37, v34;
	vm13 =	vlt.s32 v39, v35  }
0x17a: {  	v60 =	vsel vm0, v52, v50;
	v61 =	vsel vm0, v53, v51;
	v62 =	vsel vm14, v56, v54  }
0x17b: {  	v63 =	vsel vm14, v57, v55;
	vm5 =	veq.f32 v38, v58;
	vm6 =	vlt.s32 v40, v36  }
0x17c: {  	vm14 =	veq.f32 v45, v42;
	vm15 =	vgt.f32 v38, v58;
	vm1 =	vmand vm5, vm6  }
0x17d: {  	vm7 =	veq.f32 v46, v41;
	vm9 =	vgt.f32 v46, v41;
	vm0 =	vmor vm15, vm1  }
0x17e: {  	vm2 =	vmand vm7, vm8;
	vm15 =	vlt.s32 v47, v43;
	vm8 =	vgt.f32 v45, v42  }
0x17f: {  	v38 =	vsel vm0, v38, v58;
	v36 =	vsel vm0, v40, v36;
	vm10 =	vmor vm9, vm2  }
0x180: {  	vm2 =	vmand vm12, vm13;
	vm4 =	vmand vm14, vm15;
	vm12 =	veq.f32 v62, v60  }
0x181: {  	vm13 =	vlt.s32 v63, v61;
	v56 =	vsel vm10, v46, v41;
	v57 =	vsel vm10, v59, v44  }
0x182: {  	vm9 =	vmor vm11, vm2;
	vm10 =	vmor vm8, vm4;
	vm11 =	vgt.f32 v62, v60  }
0x183: {  	vm2 =	vmand vm12, vm13;
	v34 =	vsel vm9, v37, v34;
	v35 =	vsel vm9, v39, v35  }
0x184: {  	v58 =	vsel vm10, v45, v42;
	vm14 =	veq.f32 v56, v38;
	vm15 =	vlt.s32 v57, v36  }
0x185: {  	vm0 =	vmor vm11, vm2;
	vm6 =	vgt.f32 v56, v38;
	v59 =	vsel vm10, v47, v43  }
0x186: {  	vm3 =	vmand vm14, vm15;
	v60 =	vsel vm0, v62, v60;
	v61 =	vsel vm0, v63, v61  }
0x187: {  	vm8 =	vgt.f32 v58, v34;
	vm9 =	veq.f32 v58, v34;
	vm7 =	vmor vm6, vm3  }
0x188: {  	vm10 =	vlt.s32 v59, v35;
	v38 =	vsel vm7, v56, v38;
	v36 =	vsel vm7, v57, v36  }
0x189: {  	vm1 =	vmand vm9, vm10;
	vm11 =	veq.f32 v38, v60;
	vm12 =	vlt.s32 v36, v61  }
0x18a: {  	vm0 =	vmor vm8, vm1;
	vm13 =	vgt.f32 v38, v60;
	vm2 =	vmand vm11, vm12  }
0x18b: {  	v34 =	vsel vm0, v58, v34;
	vm1 =	vmor vm13, vm2  }
0x18c: {  	v35 =	vsel vm0, v59, v35;
	v62 =	vsel vm1, v38, v60;
	v36 =	vsel vm1, v36, v61  }
0x18d: {  	vm14 =	veq.f32 v62, v34;
	vm1 =	vlt.s32 v36, v35  }
0x18e: {  	vm15 =	vgt.f32 v62, v34;
	vm0 =	vmand vm14, vm1  }
0x18f: {  	s26 =	sadd.s32 $0x1, s26;
	vm0 =	vmor vm15, vm0  }
0x190: {  	p0 =	sne.s32 s26, $0x4;
	v63 =	vsel vm0, v36, v35  }
.Ltmp3:
0x191: {  	_ = 	snop;
	(pc) =	sbr.rel @p0 .LBB2_3-.Ltmp3, $2  }
0x192: {  	_ =	sdelay $0x2  }
0x193: {  	s25 =	sadd.s32 $0x1000, s25;
	[tilespmem:v63+s18+$0x0] =	vst.idx.msk $0xffff, v18  }
0x194: {  	s24 =	sshll.u32 s23, $0xF;
	p0 =	seq.s32 s23, $0xF  }
0x195: {  	s0 =	sadd.s32 @!p0 s6, s24  }
0x196: {  	s0 =	sshrl.u32 @!p0 s0, $0x3  }
0x197: {  	s1 =	simm.s32 @!p0 $0x0;
	s0 =	sadd.s32 @!p0 s2, s0  }
0x198: {  	[tilespmem:s1], [sflag:$0x1] =	stream.linear.gather @!p0 [hbm4b:s0+s1], $0x4000, $0x38;
	[tilespmem:$0x8500] =	vst v63  }
0x199: {  	_ =	swait.ge [sflag:s19], $0x4000  }
0x19a: {  	s25 =	simm.s32 $0x0;
	[sflag:s19] =	ssyncset.done $0x0  }
0x19b: {  	s26 =	simm.s32 $0x0;
	s28 =	simm.s32 $0x0;
	[sflag:s19] =	ssyncadd.s32 $0xFFFFC000  }
.LBB2_7:
0x19c: {  	s0 =	simm.s32 $0x100  }
0x19d: {  	s8 =	sand.u32 $0x3800, s26;
	s4 =	sand.u32 $0x300, s0  }
0x19e: {  	s1 =	simm.s32 $0x0;
	s0 =	sor.u32 s26, s0;
	s4 =	sor.u32 s4, s8  }
0x19f: {  	s5 =	sor.u32 s26, s1;
	s9 =	sor.u32 $0x4400, s0;
	v37 =	vld [tilespmem:s4+$0x4000]  }
0x1a0: {  	s0 =	sor.u32 $0x4400, s5;
	v38 =	vld [tilespmem:s9+$0x0]  }
0x1a1: {  	v39 =	vld [tilespmem:s0+$0x0]  }
0x1a2: {  	v40 =	vld [tilespmem:s4+$0x4010]  }
0x1a3: {  	s12 =	simm.s32 $0x3;
	v41 =	vld [tilespmem:s9+$0x10]  }
0x1a4: {  	v34 =	vadd.s32 s12, v17;
	s12 =	simm.s32 $0x80;
	v42 =	vld [tilespmem:s4+$0x4020]  }
0x1a5: {  	s22 =	sor.u32 s26, s12;
	v43 =	vld [tilespmem:s9+$0x20]  }
0x1a6: {  	v45 =	vld [tilespmem:s4+$0x4030];
	s5 =	sor.u32 $0x4400, s22  }
0x1a7: {  	v49 =	vld [tilespmem:s5+$0x0]  }
0x1a8: {  	s20 =	simm.s32 $0x1;
	v46 =	vld [tilespmem:s9+$0x30]  }
0x1a9: {  	v36 =	vadd.s32 s25, v17;
	v35 =	vadd.s32 s20, v17;
	v63 =	vld [tilespmem:s4+$0x4040]  }
0x1aa: {  	v52 =	vld [tilespmem:s9+$0x40];
	vm1 =	vgt.f32 v37, $-Inf;
	vm2 =	vlt.f32 v38, $-Inf;
	vm3 =	vgt.f32 v38, $-Inf  }
0x1ab: {  	s21 =	simm.s32 $0x2;
	v54 =	vld [tilespmem:s9+$0x50];
	vm0 =	vlt.f32 v39, $-Inf;
	v44 =	vnsel vm1, $0xFF800000, v37;
	vm1 =	vmor vm3, vm2  }
0x1ac: {  	v56 =	vld [tilespmem:s9+$0x60];
	v37 =	vadd.s32 s21, v17;
	s21 =	sand.u32 $0x200, s1;
	vm4 =	vlt.f32 v49, $-Inf;
	vm2 =	vgt.f32 v40, v44  }
0x1ad: {  	v58 =	vld [tilespmem:s9+$0x70];
	v38 =	vnsel vm1, $0xFF800000, v38;
	v47 =	vsel vm1, v9, v0;
	s9 =	sor.u32 s21, s8;
	v40 =	vsel vm2, v40, v44  }
0x1ae: {  	vm3 =	vgt.f32 v41, v38;
	v48 =	vsel vm2, v2, v0;
	v61 =	vld [tilespmem:s9+$0x4000];
	vm1 =	vgt.f32 v42, v40  }
0x1af: {  	v38 =	vsel vm3, v41, v38;
	v47 =	vsel vm3, v10, v47;
	v40 =	vsel vm1, v42, v40  }
0x1b0: {  	v53 =	vld [tilespmem:s4+$0x4050];
	vm2 =	vgt.f32 v43, v38;
	v48 =	vsel vm1, v3, v48;
	vm3 =	vgt.f32 v45, v40  }
0x1b1: {  	v38 =	vsel vm2, v43, v38;
	v47 =	vsel vm2, v11, v47;
	v40 =	vsel vm3, v45, v40  }
0x1b2: {  	v55 =	vld [tilespmem:s4+$0x4060];
	vm1 =	vgt.f32 v46, v38;
	v48 =	vsel vm3, v4, v48;
	vm2 =	vgt.f32 v63, v40  }
0x1b3: {  	s13 =	simm.s32 $0x180;
	v38 =	vsel vm1, v46, v38;
	v47 =	vsel vm1, v12, v47;
	vm7 =	vgt.f32 v61, $-Inf  }
0x1b4: {  	s20 =	sor.u32 s26, s13;
	v57 =	vld [tilespmem:s4+$0x4070];
	v40 =	vsel vm2, v63, v40;
	vm3 =	vgt.f32 v52, v38;
	v48 =	vsel vm2, v5, v48  }
0x1b5: {  	s22 =	sor.u32 $0x4400, s20;
	vm1 =	vgt.f32 v53, v40;
	v38 =	vsel vm3, v52, v38;
	v59 =	vsel vm3, v13, v47  }
0x1b6: {  	v47 =	vld [tilespmem:s22+$0x0];
	v40 =	vsel vm1, v53, v40;
	vm2 =	vgt.f32 v54, v38;
	v60 =	vsel vm1, v6, v48  }
0x1b7: {  	v48 =	vnsel vm7, $0xFF800000, v61;
	vm3 =	vgt.f32 v55, v40;
	v38 =	vsel vm2, v54, v38  }
0x1b8: {  	s12 =	sand.u32 $0x280, s12;
	v42 =	vsel vm2, v14, v59;
	v40 =	vsel vm3, v55, v40;
	vm1 =	vgt.f32 v56, v38  }
0x1b9: {  	s13 =	sand.u32 $0x380, s13;
	s20 =	sor.u32 s12, s8;
	v59 =	vld [tilespmem:s0+$0x10];
	v43 =	vsel vm3, v7, v60;
	vm2 =	vgt.f32 v57, v40;
	v38 =	vsel vm1, v56, v38  }
0x1ba: {  	v62 =	vld [tilespmem:s20+$0x4000];
	s8 =	sor.u32 s13, s8;
	v42 =	vsel vm1, v15, v42;
	vm1 =	vgt.f32 v39, $-Inf;
	v40 =	vsel vm2, v57, v40  }
0x1bb: {  	v56 =	vld [tilespmem:s8+$0x4000];
	vm3 =	vgt.f32 v58, v38;
	vm0 =	vmor vm1, vm0;
	vm1 =	vgt.f32 v47, $-Inf  }
0x1bc: {  	v53 =	vld [tilespmem:s0+$0x20];
	v38 =	vsel vm3, v58, v38;
	v58 =	vsel vm2, v8, v43;
	v42 =	vsel vm3, v16, v42  }
0x1bd: {  	v50 =	vld [tilespmem:s20+$0x4010];
	v39 =	vnsel vm0, $0xFF800000, v39;
	vm2 =	veq.f32 v38, v40;
	vm3 =	vlt.u32 v42, v58  }
0x1be: {  	v57 =	vld [tilespmem:s9+$0x4010];
	vm5 =	vgt.f32 v38, v40;
	vm13 =	vgt.f32 v59, v39;
	vm2 =	vmand vm2, vm3  }
0x1bf: {  	v51 =	vld [tilespmem:s5+$0x10];
	vm3 =	vgt.f32 v49, $-Inf;
	v39 =	vsel vm13, v59, v39;
	vm2 =	vmor vm5, vm2  }
0x1c0: {  	v52 =	vld [tilespmem:s8+$0x4010];
	vm5 =	vlt.f32 v47, $-Inf;
	vm4 =	vmor vm3, vm4;
	vm3 =	vgt.f32 v56, $-Inf  }
0x1c1: {  	v63 =	vld [tilespmem:s22+$0x10];
	vm12 =	vgt.f32 v53, v39;
	v40 =	vsel vm2, v38, v40;
	v38 =	vsel vm2, v42, v58  }
0x1c2: {  	v60 =	vld [tilespmem:s9+$0x4020];
	vm2 =	vgt.f32 v62, $-Inf;
	vm6 =	vmor vm1, vm5;
	v49 =	vnsel vm4, $0xFF800000, v49  }
0x1c3: {  	v54 =	vld [tilespmem:s5+$0x20];
	v44 =	vnsel vm3, $0xFF800000, v56;
	vm7 =	vgt.f32 v57, v48;
	v39 =	vsel vm12, v53, v39  }
0x1c4: {  	v55 =	vld [tilespmem:s8+$0x4020];
	v56 =	vsel vm4, v9, v0;
	[tilespmem:v37+s16+$0x0] =	vst.idx.msk $0xffff, v40;
	v61 =	vnsel vm2, $0xFF800000, v62;
	v47 =	vnsel vm6, $0xFF800000, v47  }
0x1c5: {  	vm15 =	vgt.f32 v51, v49;
	vm2 =	vgt.f32 v52, v44;
	v46 =	vsel vm7, v57, v48  }
0x1c6: {  	v59 =	vld [tilespmem:s9+$0x4030];
	vm10 =	vgt.f32 v50, v61;
	vm8 =	vgt.f32 v63, v47;
	v57 =	vsel vm15, v51, v49  }
0x1c7: {  	v45 =	vld [tilespmem:s5+$0x30];
	v44 =	vsel vm2, v52, v44;
	vm5 =	vgt.f32 v60, v46;
	v52 =	vsel vm15, v10, v56  }
0x1c8: {  	v58 =	vld [tilespmem:s22+$0x20];
	v56 =	vsel vm2, v2, v0;
	v40 =	vsel vm10, v50, v61;
	v41 =	vsel vm8, v63, v47  }
0x1c9: {  	v62 =	vld [tilespmem:s20+$0x4020];
	v42 =	vsel vm5, v60, v46;
	vm14 =	vgt.f32 v54, v57;
	vm1 =	vgt.f32 v55, v44  }
0x1ca: {  	v63 =	vld [tilespmem:s0+$0x30];
	v61 =	vsel vm0, v9, v0;
	v43 =	vsel vm14, v54, v57;
	v44 =	vsel vm1, v55, v44  }
0x1cb: {  	v60 =	vld [tilespmem:s20+$0x4030];
	vm0 =	vgt.f32 v59, v42;
	v50 =	vsel vm13, v10, v61;
	v54 =	vsel vm7, v2, v0  }
0x1cc: {  	v57 =	vld [tilespmem:s22+$0x30];
	v55 =	vsel vm10, v2, v0;
	v52 =	vsel vm14, v11, v52;
	v56 =	vsel vm1, v3, v56  }
0x1cd: {  	v61 =	vld [tilespmem:s5+$0x40];
	vm11 =	vgt.f32 v58, v41;
	v42 =	vsel vm0, v59, v42;
	v59 =	vsel vm6, v9, v0  }
0x1ce: {  	vm13 =	vgt.f32 v45, v43;
	vm3 =	vgt.f32 v62, v40;
	v41 =	vsel vm11, v58, v41;
	v58 =	vld [tilespmem:s9+$0x4040]  }
0x1cf: {  	v50 =	vsel vm12, v11, v50;
	v40 =	vsel vm3, v62, v40;
	v62 =	vld [tilespmem:s8+$0x4030];
	vm9 =	vgt.f32 v63, v39  }
0x1d0: {  	v54 =	vsel vm5, v3, v54;
	vm4 =	vgt.f32 v60, v40;
	v39 =	vsel vm9, v63, v39;
	v63 =	vld [tilespmem:s0+$0x40]  }
0x1d1: {  	v43 =	vsel vm13, v45, v43;
	v53 =	vsel vm8, v10, v59;
	v40 =	vsel vm4, v60, v40;
	v60 =	vld [tilespmem:s20+$0x4040]  }
0x1d2: {  	v51 =	vld [tilespmem:s8+$0x4040];
	v52 =	vsel vm13, v12, v52;
	v54 =	vsel vm0, v4, v54;
	v55 =	vsel vm3, v3, v55  }
0x1d3: {  	v49 =	vld [tilespmem:s9+$0x4050];
	v48 =	vsel vm11, v11, v53;
	vm10 =	vgt.f32 v57, v41;
	vm12 =	vgt.f32 v61, v43  }
0x1d4: {  	v50 =	vsel vm9, v12, v50;
	v43 =	vsel vm12, v61, v43;
	v61 =	vld [tilespmem:s5+$0x50];
	vm7 =	vgt.f32 v62, v44  }
0x1d5: {  	v55 =	vsel vm4, v4, v55;
	v44 =	vsel vm7, v62, v44;
	v62 =	vld [tilespmem:s22+$0x40];
	vm8 =	vgt.f32 v63, v39  }
0x1d6: {  	vm6 =	vgt.f32 v58, v42;
	vm2 =	vgt.f32 v60, v40;
	v39 =	vsel vm8, v63, v39;
	v63 =	vld [tilespmem:s0+$0x50]  }
0x1d7: {  	v42 =	vsel vm6, v58, v42;
	vm5 =	vgt.f32 v51, v44;
	v40 =	vsel vm2, v60, v40;
	v60 =	vld [tilespmem:s20+$0x4050]  }
0x1d8: {  	v41 =	vsel vm10, v57, v41;
	vm3 =	vgt.f32 v49, v42;
	v44 =	vsel vm5, v51, v44;
	v51 =	vld [tilespmem:s8+$0x4050]  }
0x1d9: {  	v48 =	vsel vm10, v12, v48;
	v42 =	vsel vm3, v49, v42;
	v49 =	vld [tilespmem:s9+$0x4060];
	vm9 =	vgt.f32 v61, v43  }
0x1da: {  	v52 =	vsel vm12, v13, v52;
	v43 =	vsel vm9, v61, v43;
	v61 =	vld [tilespmem:s5+$0x60];
	vm14 =	vgt.f32 v62, v41  }
0x1db: {  	v54 =	vsel vm6, v5, v54;
	v41 =	vsel vm14, v62, v41;
	v62 =	vld [tilespmem:s22+$0x50];
	vm11 =	vgt.f32 v63, v39  }
0x1dc: {  	v56 =	vsel vm7, v4, v56;
	vm1 =	vgt.f32 v60, v40;
	v39 =	vsel vm11, v63, v39;
	v63 =	vld [tilespmem:s0+$0x60]  }
0x1dd: {  	v50 =	vsel vm8, v13, v50;
	vm0 =	vgt.f32 v51, v44;
	v40 =	vsel vm1, v60, v40;
	v60 =	vld [tilespmem:s20+$0x4060]  }
0x1de: {  	v55 =	vsel vm2, v5, v55;
	vm4 =	vgt.f32 v49, v42;
	v44 =	vsel vm0, v51, v44;
	v51 =	vld [tilespmem:s8+$0x4060]  }
0x1df: {  	v47 =	vld [tilespmem:s0+$0x70];
	v56 =	vsel vm5, v5, v56;
	v48 =	vsel vm14, v13, v48;
	v42 =	vsel vm4, v49, v42  }
0x1e0: {  	v49 =	vld [tilespmem:s5+$0x70];
	vm15 =	vgt.f32 v61, v43;
	v50 =	vsel vm11, v14, v50;
	vm13 =	vgt.f32 v62, v41  }
0x1e1: {  	v45 =	vld [tilespmem:s20+$0x4070];
	v43 =	vsel vm15, v61, v43;
	v61 =	vsel vm1, v6, v55;
	v41 =	vsel vm13, v62, v41  }
0x1e2: {  	v48 =	vsel vm13, v14, v48;
	vm7 =	vgt.f32 v63, v39;
	vm6 =	vgt.f32 v60, v40  }
0x1e3: {  	v62 =	vld [tilespmem:s22+$0x60];
	vm2 =	vgt.f32 v51, v44;
	v39 =	vsel vm7, v63, v39;
	v58 =	vsel vm6, v60, v40  }
0x1e4: {  	v57 =	vld [tilespmem:s9+$0x4070];
	v63 =	vsel vm3, v6, v54;
	v54 =	vsel vm9, v14, v52;
	v51 =	vsel vm2, v51, v44  }
0x1e5: {  	v59 =	vld [tilespmem:s22+$0x70];
	vm3 =	vgt.f32 v49, v43;
	v50 =	vsel vm7, v15, v50;
	v44 =	vsel vm6, v7, v61  }
0x1e6: {  	v60 =	vld [tilespmem:s8+$0x4070];
	vm1 =	vgt.f32 v47, v39;
	vm7 =	vgt.f32 v45, v58;
	v52 =	vsel vm15, v15, v54  }
0x1e7: {  	v54 =	vsel vm4, v7, v63;
	v40 =	vsel vm1, v47, v39;
	v39 =	vsel vm3, v49, v43  }
0x1e8: {  	v49 =	vsel vm7, v45, v58;
	v44 =	vsel vm7, v8, v44;
	vm5 =	vgt.f32 v62, v41  }
0x1e9: {  	v53 =	vsel vm5, v62, v41;
	v62 =	vsel vm0, v6, v56;
	vm0 =	vgt.f32 v57, v42  }
0x1ea: {  	v48 =	vsel vm5, v15, v48;
	v41 =	vsel vm1, v16, v50;
	vm5 =	veq.f32 v39, v49  }
0x1eb: {  	vm4 =	vgt.f32 v59, v53;
	vm6 =	vgt.f32 v60, v51;
	v63 =	vsel vm2, v7, v62  }
0x1ec: {  	v46 =	vsel vm0, v57, v42;
	v47 =	vsel vm0, v8, v54;
	v42 =	vsel vm3, v16, v52  }
0x1ed: {  	s29 =	simm.s32 $0x4;
	s30 =	simm.s32 $0x380;
	s31 =	sadd.s32 $0x400, s26;
	v43 =	vsel vm4, v59, v53;
	v50 =	vsel vm6, v60, v51;
	v45 =	vsel vm6, v8, v63  }
0x1ee: {  	s12 =	simm.s32 $0x200;
	s1 =	simm.s32 $0x5;
	s21 =	simm.s32 $0x300;
	v48 =	vsel vm4, v16, v48;
	vm3 =	veq.f32 v40, v46;
	vm4 =	vlt.u32 v41, v47  }
0x1ef: {  	s13 =	simm.s32 $0x280;
	s9 =	sand.u32 $0x3800, s31;
	s22 =	sand.u32 $0x300, s21;
	vm6 =	vlt.u32 v42, v44;
	vm2 =	vgt.f32 v40, v46;
	vm0 =	veq.f32 v43, v50  }
0x1f0: {  	[tilespmem:v37+s17+$0x0] =	vst.idx.msk $0xffff, v38;
	s5 =	sor.u32 s31, s21;
	s0 =	simm.s32 $0x8;
	s4 =	sor.u32 s22, s9;
	vm1 =	vlt.u32 v48, v45;
	vm3 =	vmand vm3, vm4;
	vm4 =	vmand vm5, vm6  }
.LBB2_8:
0x1f1: {  	p1 =	slt.u32 s0, $0xC;
	s8 =	sor.u32 s31, s12;
	v38 =	vld [tilespmem:s4+$0x4000];
	s21 =	sor.u32 $0x4400, s5;
	vm5 =	vgt.f32 v39, v49;
	vm6 =	vgt.f32 v43, v50;
	vm0 =	vmand vm0, vm1  }
0x1f2: {  	s20 =	sor.u32 s31, s30;
	vm1 =	vmor vm2, vm3;
	s5 =	sor.u32 $0x4400, s8;
	s8 =	sor.u32 s31, s13;
	v51 =	vld [tilespmem:s21+$0x0];
	vm2 =	vmor vm5, vm4;
	vm0 =	vmor vm6, vm0  }
0x1f3: {  	s12 =	sand.u32 $0x200, s12;
	s13 =	sand.u32 $0x280, s13;
	v40 =	vsel vm1, v40, v46;
	v41 =	vsel vm1, v41, v47;
	v37 =	vld [tilespmem:s5+$0x0];
	s8 =	sor.u32 $0x4400, s8;
	v39 =	vsel vm2, v39, v49  }
0x1f4: {  	s22 =	sand.u32 $0x380, s30;
	s12 =	sor.u32 s12, s9;
	s20 =	sor.u32 $0x4400, s20;
	v42 =	vsel vm2, v42, v44;
	v43 =	vsel vm0, v43, v50;
	v44 =	vsel vm0, v48, v45;
	v46 =	vld [tilespmem:s4+$0x4010]  }
0x1f5: {  	v45 =	vadd.s32 s29, v17;
	s13 =	sor.u32 s13, s9;
	s9 =	sor.u32 s22, s9;
	s22 =	sadd.s32 $0x3, s29;
	v47 =	vld [tilespmem:s21+$0x10];
	[tilespmem:v36+s16+$0x0] =	vst.idx.msk $0xffff, v40  }
0x1f6: {  	v49 =	vadd.s32 s22, v17;
	v40 =	vadd.s32 s1, v17;
	v48 =	vld [tilespmem:s4+$0x4020];
	[tilespmem:v36+s17+$0x0] =	vst.idx.msk $0xffff, v41;
	v36 =	vmov v45  }
0x1f7: {  	vm1 =	vgt.f32 v38, $-Inf;
	vm2 =	vlt.f32 v51, $-Inf;
	vm3 =	vgt.f32 v51, $-Inf;
	v41 =	vld [tilespmem:s21+$0x20];
	[tilespmem:v35+s16+$0x0] =	vst.idx.msk $0xffff, v39  }
0x1f8: {  	s1 =	sadd.s32 $0x2, s29;
	s29 =	smov.u32 s0;
	v38 =	vnsel vm1, $0xFF800000, v38;
	vm0 =	vlt.f32 v37, $-Inf;
	v39 =	vld [tilespmem:s4+$0x4030];
	vm1 =	vmor vm3, vm2;
	[tilespmem:v35+s17+$0x0] =	vst.idx.msk $0xffff, v42;
	v35 =	vmovc v40  }
0x1f9: {  	v45 =	vadd.s32 s1, v17;
	vm2 =	vgt.f32 v46, v38;
	v40 =	vnsel vm1, $0xFF800000, v51;
	v42 =	vld [tilespmem:s21+$0x30];
	[tilespmem:v34+s16+$0x0] =	vst.idx.msk $0xffff, v43  }
0x1fa: {  	v38 =	vsel vm2, v46, v38;
	v43 =	vld [tilespmem:s4+$0x4040];
	vm3 =	vgt.f32 v47, v40;
	v46 =	vsel vm1, v9, v0  }
0x1fb: {  	v50 =	vsel vm2, v2, v0;
	vm1 =	vgt.f32 v48, v38;
	v40 =	vsel vm3, v47, v40;
	v47 =	vld [tilespmem:s21+$0x40]  }
0x1fc: {  	v46 =	vsel vm3, v10, v46;
	v38 =	vsel vm1, v48, v38;
	v48 =	vld [tilespmem:s4+$0x4050];
	vm2 =	vgt.f32 v41, v40  }
0x1fd: {  	v50 =	vsel vm1, v3, v50;
	vm3 =	vgt.f32 v39, v38;
	v40 =	vsel vm2, v41, v40;
	v41 =	vld [tilespmem:s21+$0x50]  }
0x1fe: {  	v46 =	vsel vm2, v11, v46;
	v38 =	vsel vm3, v39, v38;
	v39 =	vld [tilespmem:s4+$0x4060];
	vm1 =	vgt.f32 v42, v40  }
0x1ff: {  	v50 =	vsel vm3, v4, v50;
	vm2 =	vgt.f32 v43, v38;
	v40 =	vsel vm1, v42, v40;
	v42 =	vld [tilespmem:s21+$0x60]  }
0x200: {  	v46 =	vsel vm1, v12, v46;
	v38 =	vsel vm2, v43, v38;
	v43 =	vld [tilespmem:s4+$0x4070];
	vm3 =	vgt.f32 v47, v40  }
0x201: {  	v50 =	vsel vm2, v5, v50;
	vm1 =	vgt.f32 v48, v38;
	v40 =	vsel vm3, v47, v40;
	v47 =	vld [tilespmem:s21+$0x70]  }
0x202: {  	v46 =	vsel vm3, v13, v46;
	v51 =	vld [tilespmem:s8+$0x0];
	v38 =	vsel vm1, v48, v38;
	vm2 =	vgt.f32 v41, v40  }
0x203: {  	vm3 =	vgt.f32 v39, v38;
	v40 =	vsel vm2, v41, v40;
	v41 =	vsel vm1, v6, v50;
	v48 =	vld [tilespmem:s20+$0x0]  }
0x204: {  	v50 =	vld [tilespmem:s12+$0x4000];
	v38 =	vsel vm3, v39, v38;
	vm1 =	vgt.f32 v42, v40;
	v39 =	vsel vm2, v14, v46  }
0x205: {  	v41 =	vsel vm3, v7, v41;
	v46 =	vld [tilespmem:s13+$0x4000];
	vm2 =	vgt.f32 v43, v38;
	v40 =	vsel vm1, v42, v40  }
0x206: {  	v39 =	vsel vm1, v15, v39;
	v38 =	vsel vm2, v43, v38;
	vm3 =	vgt.f32 v47, v40;
	v42 =	vld [tilespmem:s9+$0x4000]  }
0x207: {  	v41 =	vsel vm2, v8, v41;
	v43 =	vld [tilespmem:s12+$0x4010];
	v40 =	vsel vm3, v47, v40;
	v39 =	vsel vm3, v16, v39  }
0x208: {  	vm1 =	vgt.f32 v37, $-Inf;
	v47 =	vld [tilespmem:s5+$0x10];
	vm2 =	veq.f32 v40, v38;
	vm3 =	vlt.u32 v39, v41;
	[tilespmem:v34+s17+$0x0] =	vst.idx.msk $0xffff, v44  }
0x209: {  	vm4 =	vlt.f32 v51, $-Inf;
	vm5 =	vgt.f32 v40, v38;
	v34 =	vmovc v49;
	v44 =	vld [tilespmem:s13+$0x4010];
	vm2 =	vmand vm2, vm3  }
0x20a: {  	vm3 =	vgt.f32 v51, $-Inf;
	v49 =	vld [tilespmem:s8+$0x10];
	vm2 =	vmor vm5, vm2;
	vm5 =	vlt.f32 v48, $-Inf  }
0x20b: {  	vm0 =	vmor vm1, vm0;
	vm1 =	vgt.f32 v48, $-Inf;
	v38 =	vsel vm2, v40, v38;
	v40 =	vld [tilespmem:s9+$0x4010]  }
0x20c: {  	vm6 =	vgt.f32 v50, $-Inf;
	vm3 =	vmor vm3, vm4;
	v39 =	vsel vm2, v39, v41;
	[tilespmem:v45+s16+$0x0] =	vst.idx.msk $0xffff, v38;
	v38 =	vld [tilespmem:s20+$0x10]  }
0x20d: {  	vm2 =	vgt.f32 v46, $-Inf;
	vm4 =	vgt.f32 v42, $-Inf;
	vm7 =	vmor vm1, vm5;
	v41 =	vld [tilespmem:s12+$0x4020];
	[tilespmem:v45+s17+$0x0] =	vst.idx.msk $0xffff, v39  }
0x20e: {  	v37 =	vnsel vm0, $0xFF800000, v37;
	v39 =	vnsel vm6, $0xFF800000, v50;
	v50 =	vnsel vm3, $0xFF800000, v51;
	v45 =	vld [tilespmem:s5+$0x20]  }
0x20f: {  	v46 =	vnsel vm2, $0xFF800000, v46;
	v42 =	vnsel vm4, $0xFF800000, v42;
	v48 =	vnsel vm7, $0xFF800000, v48;
	v51 =	vld [tilespmem:s13+$0x4020]  }
0x210: {  	vm13 =	vgt.f32 v47, v37;
	vm5 =	vgt.f32 v43, v39;
	vm15 =	vgt.f32 v49, v50;
	v52 =	vld [tilespmem:s8+$0x20]  }
0x211: {  	vm11 =	vgt.f32 v44, v46;
	vm4 =	vgt.f32 v40, v42;
	v53 =	vld [tilespmem:s9+$0x4020];
	vm9 =	vgt.f32 v38, v48  }
0x212: {  	v37 =	vsel vm13, v47, v37;
	v39 =	vsel vm5, v43, v39;
	v43 =	vsel vm15, v49, v50;
	v47 =	vld [tilespmem:s20+$0x20]  }
0x213: {  	v44 =	vsel vm11, v44, v46;
	v40 =	vsel vm4, v40, v42;
	v38 =	vsel vm9, v38, v48;
	v49 =	vld [tilespmem:s12+$0x4030]  }
0x214: {  	vm6 =	vgt.f32 v41, v39;
	vm12 =	vgt.f32 v45, v37;
	v42 =	vld [tilespmem:s5+$0x30];
	vm2 =	vgt.f32 v51, v44  }
0x215: {  	v39 =	vsel vm6, v41, v39;
	v37 =	vsel vm12, v45, v37;
	v41 =	vld [tilespmem:s13+$0x4030];
	vm14 =	vgt.f32 v52, v43  }
0x216: {  	v44 =	vsel vm2, v51, v44;
	v43 =	vsel vm14, v52, v43;
	v45 =	vld [tilespmem:s8+$0x30];
	vm1 =	vgt.f32 v53, v40  }
0x217: {  	v46 =	vsel vm0, v9, v0;
	v40 =	vsel vm1, v53, v40;
	v48 =	vld [tilespmem:s9+$0x4030];
	vm10 =	vgt.f32 v47, v38  }
0x218: {  	v50 =	vsel vm3, v9, v0;
	vm0 =	vgt.f32 v49, v39;
	v38 =	vsel vm10, v47, v38;
	v47 =	vld [tilespmem:s20+$0x30]  }
0x219: {  	v51 =	vsel vm7, v9, v0;
	v39 =	vsel vm0, v49, v39;
	v49 =	vld [tilespmem:s12+$0x4040];
	vm8 =	vgt.f32 v42, v37  }
0x21a: {  	v46 =	vsel vm13, v10, v46;
	v37 =	vsel vm8, v42, v37;
	v42 =	vld [tilespmem:s5+$0x40];
	vm3 =	vgt.f32 v41, v44  }
0x21b: {  	v50 =	vsel vm15, v10, v50;
	v41 =	vsel vm3, v41, v44;
	v44 =	vld [tilespmem:s13+$0x4040];
	vm13 =	vgt.f32 v45, v43  }
0x21c: {  	v52 =	vsel vm5, v2, v0;
	v43 =	vsel vm13, v45, v43;
	v45 =	vld [tilespmem:s8+$0x40];
	vm7 =	vgt.f32 v48, v40  }
0x21d: {  	v53 =	vsel vm11, v2, v0;
	v40 =	vsel vm7, v48, v40;
	v48 =	vld [tilespmem:s9+$0x4040];
	vm11 =	vgt.f32 v47, v38  }
0x21e: {  	v51 =	vsel vm9, v10, v51;
	vm5 =	vgt.f32 v49, v39;
	v38 =	vsel vm11, v47, v38;
	v47 =	vld [tilespmem:s20+$0x40]  }
0x21f: {  	v54 =	vsel vm4, v2, v0;
	v39 =	vsel vm5, v49, v39;
	v49 =	vld [tilespmem:s12+$0x4050];
	vm9 =	vgt.f32 v42, v37  }
0x220: {  	v46 =	vsel vm12, v11, v46;
	v37 =	vsel vm9, v42, v37;
	v42 =	vld [tilespmem:s5+$0x50];
	vm4 =	vgt.f32 v44, v41  }
0x221: {  	v50 =	vsel vm14, v11, v50;
	v41 =	vsel vm4, v44, v41;
	v44 =	vld [tilespmem:s13+$0x4050];
	vm12 =	vgt.f32 v45, v43  }
0x222: {  	v52 =	vsel vm6, v3, v52;
	v43 =	vsel vm12, v45, v43;
	v45 =	vld [tilespmem:s8+$0x50];
	vm6 =	vgt.f32 v48, v40  }
0x223: {  	v53 =	vsel vm2, v3, v53;
	v40 =	vsel vm6, v48, v40;
	v48 =	vld [tilespmem:s9+$0x4050];
	vm14 =	vgt.f32 v47, v38  }
0x224: {  	v51 =	vsel vm10, v11, v51;
	vm2 =	vgt.f32 v49, v39;
	v38 =	vsel vm14, v47, v38;
	v47 =	vld [tilespmem:s20+$0x50]  }
0x225: {  	v54 =	vsel vm1, v3, v54;
	v39 =	vsel vm2, v49, v39;
	v49 =	vld [tilespmem:s12+$0x4060];
	vm10 =	vgt.f32 v42, v37  }
0x226: {  	v46 =	vsel vm8, v12, v46;
	v37 =	vsel vm10, v42, v37;
	v42 =	vld [tilespmem:s5+$0x60];
	vm1 =	vgt.f32 v44, v41  }
0x227: {  	v50 =	vsel vm13, v12, v50;
	v41 =	vsel vm1, v44, v41;
	v44 =	vld [tilespmem:s13+$0x4060];
	vm8 =	vgt.f32 v45, v43  }
0x228: {  	v52 =	vsel vm0, v4, v52;
	v43 =	vsel vm8, v45, v43;
	v45 =	vld [tilespmem:s8+$0x60];
	vm0 =	vgt.f32 v48, v40  }
0x229: {  	v53 =	vsel vm3, v4, v53;
	v40 =	vsel vm0, v48, v40;
	v48 =	vld [tilespmem:s9+$0x4060];
	vm13 =	vgt.f32 v47, v38  }
0x22a: {  	v54 =	vsel vm7, v4, v54;
	v51 =	vsel vm11, v12, v51;
	v38 =	vsel vm13, v47, v38;
	v47 =	vld [tilespmem:s20+$0x60]  }
0x22b: {  	v46 =	vsel vm9, v13, v46;
	vm3 =	vgt.f32 v49, v39;
	v55 =	vld [tilespmem:s12+$0x4070];
	vm7 =	vgt.f32 v42, v37  }
0x22c: {  	v52 =	vsel vm5, v5, v52;
	v50 =	vsel vm12, v13, v50;
	v56 =	vld [tilespmem:s5+$0x70];
	vm5 =	vgt.f32 v44, v41  }
0x22d: {  	v53 =	vsel vm4, v5, v53;
	v51 =	vsel vm14, v13, v51;
	v57 =	vld [tilespmem:s13+$0x4070];
	vm9 =	vgt.f32 v45, v43  }
0x22e: {  	v54 =	vsel vm6, v5, v54;
	v37 =	vsel vm7, v42, v37;
	v42 =	vld [tilespmem:s8+$0x70];
	vm4 =	vgt.f32 v48, v40  }
0x22f: {  	v49 =	vsel vm3, v49, v39;
	v39 =	vsel vm9, v45, v43;
	v45 =	vld [tilespmem:s9+$0x4070];
	vm6 =	vgt.f32 v47, v38  }
0x230: {  	v44 =	vsel vm5, v44, v41;
	v43 =	vsel vm10, v14, v46;
	v38 =	vsel vm6, v47, v38;
	v58 =	vld [tilespmem:s20+$0x70]  }
0x231: {  	v41 =	vsel vm2, v6, v52;
	v46 =	vsel vm8, v14, v50;
	v48 =	vsel vm4, v48, v40  }
0x232: {  	v50 =	vsel vm13, v14, v51;
	v40 =	vsel vm1, v6, v53;
	v47 =	vsel vm0, v6, v54  }
0x233: {  	vm0 =	vgt.f32 v55, v49;
	vm1 =	vgt.f32 v56, v37;
	vm2 =	vgt.f32 v42, v39  }
0x234: {  	v43 =	vsel vm7, v15, v43;
	v51 =	vsel vm9, v15, v46;
	vm7 =	vgt.f32 v57, v44  }
0x235: {  	v52 =	vsel vm3, v7, v41;
	v53 =	vsel vm5, v7, v40;
	vm3 =	vgt.f32 v58, v38  }
0x236: {  	v59 =	vsel vm6, v15, v50;
	v54 =	vsel vm4, v7, v47;
	vm5 =	vgt.f32 v45, v48  }
0x237: {  	v40 =	vsel vm1, v56, v37;
	v41 =	vsel vm1, v16, v43;
	v39 =	vsel vm2, v42, v39  }
0x238: {  	v46 =	vsel vm0, v55, v49;
	v47 =	vsel vm0, v8, v52;
	v42 =	vsel vm2, v16, v51  }
.Ltmp4:
0x239: {  	v49 =	vsel vm7, v57, v44;
	v44 =	vsel vm7, v8, v53;
	v43 =	vsel vm3, v58, v38;
	(pc) =	sbr.rel @p1 .LBB2_8-.Ltmp4, $4  }
0x23a: {  	s30 =	sadd.s32 $0x200, s30;
	s1 =	sadd.s32 $0x1, s0;
	v50 =	vsel vm5, v45, v48;
	v45 =	vsel vm5, v8, v54;
	v48 =	vsel vm3, v16, v59  }
0x23b: {  	s31 =	sadd.s32 $0x400, s31;
	s12 =	sadd.s32 $0xFFFFFE80, s30;
	s5 =	sadd.s32 $0xFFFFFF80, s30;
	vm4 =	vlt.u32 v41, v47;
	vm5 =	veq.f32 v39, v49;
	vm3 =	veq.f32 v40, v46  }
0x23c: {  	s13 =	sadd.s32 $0xFFFFFF00, s30;
	s4 =	sand.u32 $0x300, s5;
	s9 =	sand.u32 $0x3800, s31;
	vm6 =	vlt.u32 v42, v44;
	vm0 =	veq.f32 v43, v50;
	vm1 =	vlt.u32 v48, v45  }
0x23d: {  	s0 =	sadd.s32 $0x4, s0;
	s5 =	sor.u32 s31, s5;
	s4 =	sor.u32 s4, s9;
	vm2 =	vgt.f32 v40, v46;
	vm3 =	vmand vm3, vm4;
	vm4 =	vmand vm5, vm6  }
0x23e: {  	v51 =	vld [tilespmem:s4+$0x4000]  }
0x23f: {  	v54 =	vld [tilespmem:s4+$0x4010]  }
0x240: {  	s0 =	sor.u32 s31, s12;
	s5 =	sor.u32 $0x4400, s5;
	vm13 =	vmor vm2, vm3;
	v59 =	vld [tilespmem:s4+$0x4020]  }
0x241: {  	vm5 =	vgt.f32 v39, v49;
	vm6 =	vgt.f32 v43, v50;
	s0 =	sor.u32 $0x4400, s0;
	v52 =	vld [tilespmem:s5+$0x0];
	v46 =	vsel vm13, v40, v46  }
0x242: {  	vm0 =	vmand vm0, vm1;
	vm14 =	vmor vm5, vm4;
	v41 =	vsel vm13, v41, v47;
	v53 =	vld [tilespmem:s0+$0x0];
	[tilespmem:v36+s16+$0x0] =	vst.idx.msk $0xffff, v46  }
0x243: {  	v63 =	vld [tilespmem:s4+$0x4050];
	s8 =	sor.u32 s31, s13;
	s31 =	sor.u32 s31, s30;
	s20 =	sand.u32 $0x200, s12;
	vm0 =	vmor vm6, vm0;
	v40 =	vsel vm14, v39, v49;
	v39 =	vsel vm14, v42, v44;
	[tilespmem:v36+s17+$0x0] =	vst.idx.msk $0xffff, v41  }
0x244: {  	v55 =	vld [tilespmem:s5+$0x10];
	s12 =	sor.u32 s20, s9;
	s20 =	sand.u32 $0x380, s30;
	s30 =	sadd.s32 $0x3, s29;
	v38 =	vsel vm0, v43, v50;
	v37 =	vsel vm0, v48, v45;
	v41 =	vadd.s32 s29, v17;
	[tilespmem:v35+s16+$0x0] =	vst.idx.msk $0xffff, v40  }
0x245: {  	v42 =	vld [tilespmem:s5+$0x20];
	v40 =	vadd.s32 s1, v17;
	[tilespmem:v35+s17+$0x0] =	vst.idx.msk $0xffff, v39;
	v39 =	vadd.s32 s30, v17;
	vm15 =	vgt.f32 v51, $-Inf  }
0x246: {  	v43 =	vld [tilespmem:s4+$0x4030];
	vm6 =	vlt.f32 v52, $-Inf;
	vm7 =	vgt.f32 v52, $-Inf;
	v57 =	vnsel vm15, $0xFF800000, v51  }
0x247: {  	v58 =	vld [tilespmem:s5+$0x30];
	vm8 =	vmor vm7, vm6;
	vm0 =	vlt.f32 v53, $-Inf;
	vm9 =	vgt.f32 v54, v57  }
0x248: {  	v49 =	vld [tilespmem:s4+$0x4040];
	v60 =	vnsel vm8, $0xFF800000, v52;
	v44 =	vsel vm9, v54, v57;
	v61 =	vsel vm8, v9, v0  }
0x249: {  	v50 =	vld [tilespmem:s5+$0x50];
	v62 =	vsel vm9, v2, v0;
	vm10 =	vgt.f32 v55, v60;
	vm11 =	vgt.f32 v59, v44  }
0x24a: {  	v51 =	vld [tilespmem:s5+$0x40];
	v48 =	vsel vm10, v55, v60;
	v44 =	vsel vm11, v59, v44;
	v59 =	vsel vm10, v10, v61  }
0x24b: {  	v52 =	vld [tilespmem:s4+$0x4060];
	v60 =	vsel vm11, v3, v62;
	vm12 =	vgt.f32 v42, v48;
	vm13 =	vgt.f32 v43, v44  }
0x24c: {  	v62 =	vld [tilespmem:s5+$0x60];
	v42 =	vsel vm12, v42, v48;
	v43 =	vsel vm13, v43, v44;
	v61 =	vsel vm12, v11, v59  }
0x24d: {  	v57 =	vsel vm13, v4, v60;
	v59 =	vld [tilespmem:s5+$0x70];
	s5 =	sor.u32 $0x4400, s31;
	vm13 =	vgt.f32 v53, $-Inf;
	s31 =	sadd.s32 $0x2, s29;
	vm14 =	vgt.f32 v58, v42  }
0x24e: {  	s8 =	sor.u32 $0x4400, s8;
	[tilespmem:v34+s16+$0x0] =	vst.idx.msk $0xffff, v38;
	v60 =	vld [tilespmem:s12+$0x4000];
	vm15 =	vgt.f32 v49, v43;
	vm1 =	vmor vm13, vm0;
	v38 =	vadd.s32 s31, v17  }
0x24f: {  	v56 =	vld [tilespmem:s8+$0x10];
	v42 =	vsel vm14, v58, v42;
	v43 =	vsel vm15, v49, v43;
	v44 =	vsel vm14, v12, v61  }
0x250: {  	v58 =	vld [tilespmem:s4+$0x4070];
	v45 =	vsel vm15, v5, v57;
	vm6 =	vgt.f32 v51, v42;
	vm7 =	vgt.f32 v63, v43  }
0x251: {  	v48 =	vld [tilespmem:s12+$0x4010];
	v53 =	vnsel vm1, $0xFF800000, v53;
	v42 =	vsel vm6, v51, v42;
	v43 =	vsel vm7, v63, v43  }
0x252: {  	v54 =	vld [tilespmem:s8+$0x20];
	v44 =	vsel vm6, v13, v44;
	v45 =	vsel vm7, v6, v45;
	vm8 =	vgt.f32 v50, v42  }
0x253: {  	s21 =	sand.u32 $0x280, s13;
	v51 =	vld [tilespmem:s8+$0x0];
	vm9 =	vgt.f32 v52, v43;
	vm7 =	vgt.f32 v60, $-Inf;
	v42 =	vsel vm8, v50, v42  }
0x254: {  	s13 =	sor.u32 s21, s9;
	v63 =	vld [tilespmem:s5+$0x0];
	v43 =	vsel vm9, v52, v43;
	v44 =	vsel vm8, v14, v44;
	v45 =	vsel vm9, v7, v45  }
0x255: {  	v61 =	vld [tilespmem:s13+$0x4000];
	v50 =	vnsel vm7, $0xFF800000, v60;
	vm10 =	vgt.f32 v62, v42;
	vm11 =	vgt.f32 v58, v43  }
0x256: {  	v49 =	vld [tilespmem:s0+$0x10];
	vm7 =	vgt.f32 v48, v50;
	v42 =	vsel vm10, v62, v42;
	v43 =	vsel vm11, v58, v43  }
0x257: {  	s22 =	sor.u32 s20, s9;
	v55 =	vld [tilespmem:s13+$0x4010];
	v44 =	vsel vm10, v15, v44;
	v45 =	vsel vm11, v8, v45;
	v48 =	vsel vm7, v48, v50  }
0x258: {  	v57 =	vld [tilespmem:s22+$0x4010];
	vm12 =	vgt.f32 v59, v42;
	vm15 =	vlt.f32 v51, $-Inf;
	vm9 =	vgt.f32 v51, $-Inf  }
0x259: {  	v60 =	vld [tilespmem:s22+$0x4020];
	vm10 =	vlt.f32 v63, $-Inf;
	vm11 =	vgt.f32 v63, $-Inf;
	v42 =	vsel vm12, v59, v42  }
0x25a: {  	v62 =	vld [tilespmem:s22+$0x4000];
	v44 =	vsel vm12, v16, v44;
	vm4 =	vmor vm9, vm15;
	vm12 =	vgt.f32 v61, $-Inf  }
0x25b: {  	v58 =	vld [tilespmem:s5+$0x10];
	vm6 =	vmor vm11, vm10;
	vm15 =	vgt.f32 v49, v53;
	vm14 =	veq.f32 v42, v43  }
0x25c: {  	v59 =	vld [tilespmem:s13+$0x4020];
	vm3 =	vlt.u32 v44, v45;
	vm8 =	vgt.f32 v42, v43;
	v51 =	vnsel vm4, $0xFF800000, v51  }
0x25d: {  	v46 =	vnsel vm12, $0xFF800000, v61;
	v61 =	vld [tilespmem:s5+$0x20];
	vm2 =	vmand vm14, vm3;
	vm14 =	vgt.f32 v56, v51  }
0x25e: {  	v52 =	vnsel vm6, $0xFF800000, v63;
	vm2 =	vmor vm8, vm2;
	v63 =	vsel vm14, v56, v51;
	v56 =	vld [tilespmem:s5+$0x30]  }
0x25f: {  	v49 =	vsel vm15, v49, v53;
	v42 =	vsel vm2, v42, v43;
	v43 =	vsel vm2, v44, v45;
	v44 =	vld [tilespmem:s12+$0x4020]  }
0x260: {  	vm10 =	vgt.f32 v55, v46;
	vm13 =	vgt.f32 v62, $-Inf;
	vm8 =	vgt.f32 v58, v52;
	v45 =	vld [tilespmem:s0+$0x20]  }
0x261: {  	v46 =	vsel vm10, v55, v46;
	v47 =	vnsel vm13, $0xFF800000, v62;
	v52 =	vsel vm8, v58, v52;
	v62 =	vld [tilespmem:s13+$0x4030]  }
0x262: {  	vm13 =	vgt.f32 v54, v63;
	vm0 =	vgt.f32 v57, v47;
	vm2 =	vgt.f32 v59, v46  }
0x263: {  	v47 =	vsel vm0, v57, v47;
	v46 =	vsel vm2, v59, v46;
	vm9 =	vgt.f32 v61, v52  }
0x264: {  	v53 =	vld [tilespmem:s0+$0x30];
	vm3 =	vgt.f32 v60, v47;
	v52 =	vsel vm9, v61, v52;
	v61 =	vsel vm10, v2, v0  }
0x265: {  	v51 =	vld [tilespmem:s12+$0x4030];
	v47 =	vsel vm3, v60, v47;
	v60 =	vsel vm4, v9, v0;
	vm10 =	vgt.f32 v56, v52  }
0x266: {  	vm5 =	vgt.f32 v44, v48;
	vm12 =	vgt.f32 v45, v49;
	vm4 =	vgt.f32 v62, v46  }
0x267: {  	v50 =	vld [tilespmem:s22+$0x4030];
	v55 =	vsel vm14, v10, v60;
	v60 =	vsel vm7, v2, v0;
	v52 =	vsel vm10, v56, v52  }
0x268: {  	v58 =	vld [tilespmem:s12+$0x4040];
	v44 =	vsel vm5, v44, v48;
	v45 =	vsel vm12, v45, v49;
	v49 =	vsel vm13, v54, v63  }
0x269: {  	v59 =	vld [tilespmem:s0+$0x40];
	v63 =	vsel vm1, v9, v0;
	v46 =	vsel vm4, v62, v46;
	v55 =	vsel vm13, v11, v55  }
0x26a: {  	v56 =	vld [tilespmem:s12+$0x4050];
	v60 =	vsel vm5, v3, v60;
	vm1 =	vgt.f32 v51, v44;
	vm11 =	vgt.f32 v53, v45  }
0x26b: {  	v48 =	vld [tilespmem:s8+$0x30];
	v44 =	vsel vm1, v51, v44;
	v51 =	vsel vm6, v9, v0;
	v45 =	vsel vm11, v53, v45  }
0x26c: {  	v54 =	vld [tilespmem:s13+$0x4040];
	v53 =	vsel vm15, v10, v63;
	vm6 =	vgt.f32 v50, v47;
	v60 =	vsel vm1, v4, v60  }
0x26d: {  	v57 =	vld [tilespmem:s8+$0x40];
	v47 =	vsel vm6, v50, v47;
	vm7 =	vgt.f32 v58, v44;
	v51 =	vsel vm8, v10, v51  }
0x26e: {  	v62 =	vld [tilespmem:s8+$0x50];
	vm14 =	vgt.f32 v59, v45;
	v53 =	vsel vm12, v11, v53;
	v44 =	vsel vm7, v58, v44  }
0x26f: {  	v50 =	vld [tilespmem:s5+$0x40];
	v58 =	vsel vm0, v2, v0;
	v45 =	vsel vm14, v59, v45;
	v51 =	vsel vm9, v11, v51  }
0x270: {  	v59 =	vld [tilespmem:s0+$0x50];
	v53 =	vsel vm11, v12, v53;
	v60 =	vsel vm7, v5, v60;
	vm15 =	vgt.f32 v48, v49  }
0x271: {  	vm8 =	vgt.f32 v54, v46;
	vm0 =	vgt.f32 v56, v44;
	v48 =	vsel vm15, v48, v49;
	v49 =	vld [tilespmem:s22+$0x4040]  }
0x272: {  	v58 =	vsel vm3, v3, v58;
	v51 =	vsel vm10, v12, v51;
	v46 =	vsel vm8, v54, v46;
	v54 =	vld [tilespmem:s13+$0x4050]  }
0x273: {  	v53 =	vsel vm14, v13, v53;
	v44 =	vsel vm0, v56, v44;
	v56 =	vld [tilespmem:s5+$0x50];
	vm12 =	vgt.f32 v57, v48  }
0x274: {  	v55 =	vsel vm15, v12, v55;
	v48 =	vsel vm12, v57, v48;
	vm13 =	vgt.f32 v50, v52  }
0x275: {  	v57 =	vld [tilespmem:s13+$0x4060];
	v55 =	vsel vm12, v13, v55;
	v50 =	vsel vm13, v50, v52;
	vm9 =	vgt.f32 v59, v45  }
0x276: {  	v52 =	vsel vm2, v3, v61;
	v45 =	vsel vm9, v59, v45;
	v59 =	vld [tilespmem:s0+$0x60];
	vm5 =	vgt.f32 v49, v47  }
0x277: {  	vm3 =	vgt.f32 v62, v48;
	vm2 =	vgt.f32 v54, v46;
	v47 =	vsel vm5, v49, v47;
	v49 =	vld [tilespmem:s22+$0x4050]  }
0x278: {  	v52 =	vsel vm4, v4, v52;
	vm4 =	vgt.f32 v56, v50;
	v46 =	vsel vm2, v54, v46;
	v54 =	vld [tilespmem:s12+$0x4060]  }
0x279: {  	v51 =	vsel vm13, v13, v51;
	v36 =	vsel vm4, v56, v50;
	v50 =	vsel vm6, v4, v58;
	v58 =	vld [tilespmem:s5+$0x60]  }
0x27a: {  	v63 =	vld [tilespmem:s0+$0x70];
	v48 =	vsel vm3, v62, v48;
	v53 =	vsel vm9, v14, v53;
	v52 =	vsel vm8, v5, v52  }
0x27b: {  	v55 =	vsel vm3, v14, v55;
	v52 =	vsel vm2, v6, v52;
	v51 =	vsel vm4, v14, v51  }
0x27c: {  	v56 =	vld [tilespmem:s22+$0x4060];
	vm7 =	vgt.f32 v57, v46;
	v50 =	vsel vm5, v5, v50;
	vm1 =	vgt.f32 v49, v47  }
0x27d: {  	vm14 =	vgt.f32 v59, v45;
	vm6 =	vgt.f32 v54, v44;
	v47 =	vsel vm1, v49, v47;
	v49 =	vld [tilespmem:s8+$0x60]  }
0x27e: {  	v45 =	vsel vm14, v59, v45;
	vm5 =	vgt.f32 v58, v36;
	v44 =	vsel vm6, v54, v44;
	v54 =	vld [tilespmem:s12+$0x4070]  }
0x27f: {  	v46 =	vsel vm7, v57, v46;
	vm9 =	vgt.f32 v63, v45;
	v36 =	vsel vm5, v58, v36;
	v58 =	vld [tilespmem:s22+$0x4070]  }
0x280: {  	v62 =	vld [tilespmem:s5+$0x70];
	v52 =	vsel vm7, v7, v52;
	v53 =	vsel vm14, v15, v53;
	v45 =	vsel vm9, v63, v45  }
0x281: {  	v61 =	vld [tilespmem:s8+$0x70];
	v63 =	vsel vm0, v6, v60;
	v50 =	vsel vm1, v6, v50;
	vm11 =	vgt.f32 v56, v47  }
0x282: {  	v51 =	vsel vm5, v15, v51;
	v53 =	vsel vm9, v16, v53;
	v35 =	vsel vm11, v56, v47  }
0x283: {  	v56 =	vsel vm6, v7, v63;
	v50 =	vsel vm11, v7, v50;
	vm15 =	vgt.f32 v49, v48  }
0x284: {  	vm12 =	vgt.f32 v54, v44;
	vm8 =	vgt.f32 v58, v35;
	v48 =	vsel vm15, v49, v48  }
0x285: {  	v49 =	vld [tilespmem:s13+$0x4070];
	v55 =	vsel vm15, v15, v55;
	vm15 =	vgt.f32 v62, v36;
	v44 =	vsel vm12, v54, v44  }
0x286: {  	v60 =	vsel vm12, v8, v56;
	v35 =	vsel vm8, v58, v35;
	vm13 =	vgt.f32 v61, v48  }
0x287: {  	v36 =	vsel vm15, v62, v36;
	v62 =	vsel vm8, v8, v50;
	v63 =	vsel vm15, v16, v51  }
0x288: {  	vm9 =	veq.f32 v45, v44;
	vm10 =	vlt.u32 v53, v60;
	vm12 =	vgt.f32 v45, v44  }
0x289: {  	[tilespmem:v34+s17+$0x0] =	vst.idx.msk $0xffff, v37;
	v48 =	vsel vm13, v61, v48;
	v55 =	vsel vm13, v16, v55;
	vm0 =	vmand vm9, vm10  }
0x28a: {  	[tilespmem:v38+s16+$0x0] =	vst.idx.msk $0xffff, v42;
	vm6 =	vlt.u32 v63, v62;
	vm0 =	vmor vm12, vm0;
	vm14 =	vgt.f32 v49, v46  }
0x28b: {  	vm7 =	vgt.f32 v36, v35;
	v54 =	vsel vm0, v53, v60;
	v46 =	vsel vm14, v49, v46  }
0x28c: {  	v61 =	vsel vm14, v8, v52;
	vm14 =	veq.f32 v36, v35;
	v52 =	vsel vm0, v45, v44  }
0x28d: {  	[tilespmem:v38+s17+$0x0] =	vst.idx.msk $0xffff, v43;
	vm11 =	veq.f32 v48, v46;
	vm13 =	vlt.u32 v55, v61;
	vm8 =	vmand vm14, vm6  }
0x28e: {  	vm15 =	vgt.f32 v48, v46;
	[tilespmem:v41+s16+$0x0] =	vst.idx.msk $0xffff, v52;
	vm1 =	vmand vm11, vm13;
	vm0 =	vmor vm7, vm8  }
0x28f: {  	[tilespmem:v41+s17+$0x0] =	vst.idx.msk $0xffff, v54;
	vm1 =	vmor vm15, vm1;
	v58 =	vsel vm0, v36, v35  }
0x290: {  	v56 =	vsel vm1, v48, v46;
	[tilespmem:v39+s16+$0x0] =	vst.idx.msk $0xffff, v58  }
0x291: {  	v59 =	vsel vm0, v63, v62;
	[tilespmem:v40+s16+$0x0] =	vst.idx.msk $0xffff, v56  }
0x292: {  	v57 =	vsel vm1, v55, v61;
	[tilespmem:v39+s17+$0x0] =	vst.idx.msk $0xffff, v59  }
0x293: {  	[tilespmem:v40+s17+$0x0] =	vst.idx.msk $0xffff, v57  }
0x294: {  	v34 =	vld.idx.msk [tilespmem:v0+s16+$0x0], $0xffff  }
0x295: {  	v35 =	vld.idx.msk [tilespmem:v0+s17+$0x0], $0xffff  }
0x296: {  	v36 =	vld.idx.msk [tilespmem:v19+s16+$0x0], $0xffff  }
0x297: {  	v37 =	vld.idx.msk [tilespmem:v19+s17+$0x0], $0xffff  }
0x298: {  	v38 =	vld.idx.msk [tilespmem:v20+s16+$0x0], $0xffff  }
0x299: {  	v39 =	vld.idx.msk [tilespmem:v20+s17+$0x0], $0xffff  }
0x29a: {  	v40 =	vld.idx.msk [tilespmem:v21+s16+$0x0], $0xffff  }
0x29b: {  	v41 =	vld.idx.msk [tilespmem:v21+s17+$0x0], $0xffff  }
0x29c: {  	v42 =	vld.idx.msk [tilespmem:v22+s16+$0x0], $0xffff  }
0x29d: {  	v43 =	vld.idx.msk [tilespmem:v22+s17+$0x0], $0xffff  }
0x29e: {  	v44 =	vld.idx.msk [tilespmem:v23+s16+$0x0], $0xffff  }
0x29f: {  	v45 =	vld.idx.msk [tilespmem:v23+s17+$0x0], $0xffff  }
0x2a0: {  	v46 =	vld.idx.msk [tilespmem:v24+s16+$0x0], $0xffff  }
0x2a1: {  	v47 =	vld.idx.msk [tilespmem:v24+s17+$0x0], $0xffff  }
0x2a2: {  	v48 =	vld.idx.msk [tilespmem:v25+s16+$0x0], $0xffff  }
0x2a3: {  	v49 =	vld.idx.msk [tilespmem:v25+s17+$0x0], $0xffff  }
0x2a4: {  	v50 =	vld.idx.msk [tilespmem:v26+s16+$0x0], $0xffff  }
0x2a5: {  	v51 =	vld.idx.msk [tilespmem:v26+s17+$0x0], $0xffff  }
0x2a6: {  	v54 =	vld.idx.msk [tilespmem:v28+s16+$0x0], $0xffff  }
0x2a7: {  	v55 =	vld.idx.msk [tilespmem:v28+s17+$0x0], $0xffff  }
0x2a8: {  	v62 =	vld.idx.msk [tilespmem:v29+s16+$0x0], $0xffff;
	vm9 =	vgt.f32 v36, v34;
	vm10 =	veq.f32 v36, v34;
	vm11 =	vlt.s32 v37, v35  }
0x2a9: {  	v63 =	vld.idx.msk [tilespmem:v29+s17+$0x0], $0xffff;
	vm12 =	veq.f32 v40, v38;
	vm13 =	vlt.s32 v41, v39;
	vm14 =	vgt.f32 v40, v38  }
0x2aa: {  	v60 =	vld.idx.msk [tilespmem:v27+s16+$0x0], $0xffff;
	vm8 =	vgt.f32 v44, v42;
	vm1 =	vmand vm10, vm11;
	vm2 =	vmand vm12, vm13  }
0x2ab: {  	v61 =	vld.idx.msk [tilespmem:v27+s17+$0x0], $0xffff;
	vm10 =	vlt.s32 v45, v43;
	vm11 =	veq.f32 v48, v46;
	vm12 =	vlt.s32 v49, v47  }
0x2ac: {  	vm13 =	vgt.f32 v48, v46;
	vm0 =	vmor vm9, vm1;
	vm15 =	vmor vm14, vm2  }
0x2ad: {  	v58 =	vld.idx.msk [tilespmem:v30+s16+$0x0], $0xffff;
	vm9 =	veq.f32 v44, v42;
	vm4 =	vmand vm11, vm12;
	vm11 =	veq.f32 v62, v54  }
0x2ae: {  	v59 =	vld.idx.msk [tilespmem:v33+s17+$0x0], $0xffff;
	vm12 =	vlt.s32 v63, v55;
	v34 =	vsel vm0, v36, v34;
	v35 =	vsel vm0, v37, v35  }
0x2af: {  	v36 =	vld.idx.msk [tilespmem:v30+s17+$0x0], $0xffff;
	v37 =	vsel vm15, v40, v38;
	vm2 =	vmand vm9, vm10;
	v39 =	vsel vm15, v41, v39  }
0x2b0: {  	v38 =	vld.idx.msk [tilespmem:v31+s16+$0x0], $0xffff;
	vm15 =	vmor vm13, vm4;
	vm9 =	veq.f32 v60, v50;
	vm10 =	vlt.s32 v61, v51  }
0x2b1: {  	v40 =	vld.idx.msk [tilespmem:v31+s17+$0x0], $0xffff;
	vm13 =	vgt.f32 v62, v54;
	vm3 =	vmand vm11, vm12;
	vm14 =	vmor vm8, vm2  }
0x2b2: {  	v41 =	vld.idx.msk [tilespmem:v32+s16+$0x0], $0xffff;
	vm8 =	vgt.f32 v60, v50;
	vm2 =	vmand vm9, vm10;
	v47 =	vsel vm15, v49, v47  }
0x2b3: {  	vm11 =	vgt.f32 v37, v34;
	v43 =	vsel vm14, v45, v43;
	v45 =	vsel vm15, v48, v46;
	v46 =	vld.idx.msk [tilespmem:v33+s16+$0x0], $0xffff  }
0x2b4: {  	vm12 =	veq.f32 v37, v34;
	v42 =	vsel vm14, v44, v42;
	v44 =	vld.idx.msk [tilespmem:v32+s17+$0x0], $0xffff;
	vm0 =	vmor vm8, vm2  }
0x2b5: {  	vm14 =	vmor vm13, vm3;
	vm13 =	vlt.s32 v39, v35;
	v60 =	vsel vm0, v60, v50  }
0x2b6: {  	v61 =	vsel vm0, v61, v51;
	v62 =	vsel vm14, v62, v54;
	v63 =	vsel vm14, v63, v55  }
0x2b7: {  	vm14 =	veq.f32 v45, v42;
	vm5 =	veq.f32 v38, v58;
	vm6 =	vlt.s32 v40, v36  }
0x2b8: {  	vm15 =	vgt.f32 v38, v58;
	vm1 =	vmand vm5, vm6;
	vm7 =	veq.f32 v46, v41  }
0x2b9: {  	vm8 =	vlt.s32 v59, v44;
	vm0 =	vmor vm15, vm1;
	vm9 =	vgt.f32 v46, v41  }
0x2ba: {  	vm15 =	vlt.s32 v47, v43;
	vm2 =	vmand vm7, vm8;
	v38 =	vsel vm0, v38, v58  }
0x2bb: {  	v36 =	vsel vm0, v40, v36;
	vm8 =	vgt.f32 v45, v42;
	vm4 =	vmand vm14, vm15  }
0x2bc: {  	vm10 =	vmor vm9, vm2;
	vm2 =	vmand vm12, vm13;
	vm12 =	veq.f32 v62, v60  }
0x2bd: {  	vm13 =	vlt.s32 v63, v61;
	v56 =	vsel vm10, v46, v41;
	v57 =	vsel vm10, v59, v44  }
0x2be: {  	vm9 =	vmor vm11, vm2;
	vm10 =	vmor vm8, vm4;
	vm11 =	vgt.f32 v62, v60  }
0x2bf: {  	vm2 =	vmand vm12, vm13;
	v34 =	vsel vm9, v37, v34;
	v35 =	vsel vm9, v39, v35  }
0x2c0: {  	v58 =	vsel vm10, v45, v42;
	vm14 =	veq.f32 v56, v38;
	vm15 =	vlt.s32 v57, v36  }
0x2c1: {  	vm0 =	vmor vm11, vm2;
	vm6 =	vgt.f32 v56, v38;
	v59 =	vsel vm10, v47, v43  }
0x2c2: {  	vm3 =	vmand vm14, vm15;
	v60 =	vsel vm0, v62, v60;
	v61 =	vsel vm0, v63, v61  }
0x2c3: {  	vm8 =	vgt.f32 v58, v34;
	vm9 =	veq.f32 v58, v34;
	vm7 =	vmor vm6, vm3  }
0x2c4: {  	vm10 =	vlt.s32 v59, v35;
	v38 =	vsel vm7, v56, v38;
	v36 =	vsel vm7, v57, v36  }
0x2c5: {  	vm1 =	vmand vm9, vm10;
	vm11 =	veq.f32 v38, v60;
	vm12 =	vlt.s32 v36, v61  }
0x2c6: {  	vm0 =	vmor vm8, vm1;
	vm13 =	vgt.f32 v38, v60;
	vm2 =	vmand vm11, vm12  }
0x2c7: {  	v34 =	vsel vm0, v58, v34;
	vm1 =	vmor vm13, vm2  }
0x2c8: {  	v35 =	vsel vm0, v59, v35;
	v62 =	vsel vm1, v38, v60;
	v36 =	vsel vm1, v36, v61  }
0x2c9: {  	vm14 =	veq.f32 v62, v34;
	vm1 =	vlt.s32 v36, v35  }
0x2ca: {  	vm15 =	vgt.f32 v62, v34;
	vm0 =	vmand vm14, vm1  }
0x2cb: {  	s28 =	sadd.s32 $0x1, s28;
	vm0 =	vmor vm15, vm0  }
0x2cc: {  	p1 =	sne.s32 s28, $0x4;
	v63 =	vsel vm0, v36, v35  }
.Ltmp5:
0x2cd: {  	_ = 	snop;
	(pc) =	sbr.rel @p1 .LBB2_7-.Ltmp5, $2  }
0x2ce: {  	_ =	sdelay $0x2  }
0x2cf: {  	s26 =	sadd.s32 $0x1000, s26;
	[tilespmem:v63+s18+$0x0] =	vst.idx.msk $0xffff, v18  }
.Ltmp6:
0x2d0: {  	(pc) =	sbr.rel @p0 .LBB2_12-.Ltmp6, $1  }
0x2d1: {  	_ =	sdelay $0x3  }
.Ltmp7:
0x2d2: {  	(pc) =	sbr.rel .LBB2_2-.Ltmp7, $4  }
0x2d3: {  	s0 =	sadd.s32 s7, s24  }
0x2d4: {  	s0 =	sshrl.u32 s0, $0x3  }
0x2d5: {  	s23 =	sadd.s32 $0x1, s23;
	s0 =	sadd.s32 s2, s0  }
0x2d6: {  	[tilespmem:s14], [sflag:$0x2] =	stream.linear.gather [hbm4b:s0+s3], $0x4000, $0x38;
	[tilespmem:$0x8500] =	vst v63  }
.LBB2_12:
0x2d7: {  	v34 =	vld [tilespmem:$0x8100]  }
0x2d8: {  	v35 =	vld [tilespmem:$0x8000]  }
0x2d9: {  	v36 =	vld [tilespmem:$0x8110]  }
0x2da: {  	v37 =	vld [tilespmem:$0x8010]  }
0x2db: {  	v38 =	vld [tilespmem:$0x8120]  }
0x2dc: {  	v39 =	vld [tilespmem:$0x8020]  }
0x2dd: {  	v40 =	vld [tilespmem:$0x8130]  }
0x2de: {  	v41 =	vld [tilespmem:$0x8030];
	[tilespmem:$0x8000] =	vst v1  }
0x2df: {  	v42 =	vld [tilespmem:$0x8140];
	[tilespmem:$0x8010] =	vst v1  }
0x2e0: {  	v43 =	vld [tilespmem:$0x8040];
	[tilespmem:$0x8020] =	vst v1  }
0x2e1: {  	v44 =	vld [tilespmem:$0x8150];
	[tilespmem:$0x8030] =	vst v1  }
0x2e2: {  	v45 =	vld [tilespmem:$0x8050];
	[tilespmem:$0x8040] =	vst v1  }
0x2e3: {  	v46 =	vld [tilespmem:$0x8160];
	[tilespmem:$0x8050] =	vst v1  }
0x2e4: {  	v47 =	vld [tilespmem:$0x8060];
	[tilespmem:$0x8060] =	vst v1  }
0x2e5: {  	v49 =	vld [tilespmem:$0x8070];
	[tilespmem:$0x8070] =	vst v1  }
0x2e6: {  	v51 =	vld [tilespmem:$0x8080];
	[tilespmem:$0x8080] =	vst v1  }
0x2e7: {  	v53 =	vld [tilespmem:$0x8090];
	[tilespmem:$0x8090] =	vst v1  }
0x2e8: {  	v63 =	vld [tilespmem:$0x80D0];
	[tilespmem:$0x80D0] =	vst v1  }
0x2e9: {  	v55 =	vld [tilespmem:$0x80E0];
	[tilespmem:$0x80E0] =	vst v1  }
0x2ea: {  	v34 =	vadd.f32 v35, v34;
	v35 =	vld [tilespmem:$0x80A0];
	[tilespmem:$0x80A0] =	vst v1  }
0x2eb: {  	v58 =	vadd.f32 v39, v38;
	v38 =	vld [tilespmem:$0x80B0];
	[tilespmem:$0x80B0] =	vst v1  }
0x2ec: {  	v36 =	vadd.f32 v37, v36;
	v59 =	vadd.f32 v41, v40;
	v40 =	vld [tilespmem:$0x80C0];
	[tilespmem:$0x80C0] =	vst v1  }
0x2ed: {  	v48 =	vld [tilespmem:$0x8170];
	[tilespmem:$0x8100] =	vst v34  }
0x2ee: {  	v50 =	vld [tilespmem:$0x8180];
	[tilespmem:$0x8110] =	vst v36  }
0x2ef: {  	v52 =	vld [tilespmem:$0x8190];
	v60 =	vadd.f32 v43, v42;
	[tilespmem:$0x8120] =	vst v58  }
0x2f0: {  	v54 =	vld [tilespmem:$0x81A0];
	v61 =	vadd.f32 v45, v44;
	[tilespmem:$0x8130] =	vst v59  }
0x2f1: {  	v57 =	vld [tilespmem:$0x81F0];
	v62 =	vadd.f32 v47, v46;
	[tilespmem:$0x8140] =	vst v60  }
0x2f2: {  	v37 =	vld [tilespmem:$0x81B0];
	v48 =	vadd.f32 v49, v48;
	[tilespmem:$0x8150] =	vst v61  }
0x2f3: {  	v39 =	vld [tilespmem:$0x81C0];
	v51 =	vadd.f32 v51, v50;
	[tilespmem:$0x8160] =	vst v62  }
0x2f4: {  	v41 =	vld [tilespmem:$0x81D0];
	v56 =	vadd.f32 v53, v52;
	[tilespmem:$0x8170] =	vst v48  }
0x2f5: {  	v49 =	vld [tilespmem:$0x81E0];
	[tilespmem:$0x8180] =	vst v51  }
0x2f6: {  	v59 =	vld [tilespmem:$0x80F0];
	[tilespmem:$0x8190] =	vst v56;
	v58 =	vadd.f32 v35, v54  }
0x2f7: {  	[tilespmem:$0x80F0] =	vst v1;
	v60 =	vadd.f32 v38, v37  }
0x2f8: {  	v61 =	vadd.f32 v40, v39;
	[tilespmem:$0x81A0] =	vst v58  }
0x2f9: {  	v62 =	vadd.f32 v63, v41;
	[tilespmem:$0x81B0] =	vst v60  }
0x2fa: {  	v63 =	vadd.f32 v55, v49;
	[tilespmem:$0x81C0] =	vst v61  }
0x2fb: {  	[tilespmem:$0x81D0] =	vst v62;
	v35 =	vadd.f32 v59, v57  }
0x2fc: {  	[tilespmem:$0x81E0] =	vst v63  }
0x2fd: {  	s23 =	simm.s32 $0x0;
	s0 =	rddreg [dreg:$0x5];
	[tilespmem:$0x81F0] =	vst v35  }
0x2fe: {  	[tilespmem:s23], [sflag:$0x1] =	stream.linear.gather [hbm4b:s0+s23], $0x4000, $0x38;
	[tilespmem:$0x8500] =	vst v63  }
0x2ff: {  	s31 =	rddreg [dreg:$0x6]  }
0x300: {  	[tilespmem:s14], [sflag:$0x2] =	stream.linear.gather [hbm4b:s31+s23], $0x4000, $0x38;
	[tilespmem:$0x8500] =	vst v63  }
.LBB2_13:
0x301: {  	_ =	swait.ge [sflag:s15], $0x4000  }
0x302: {  	[sflag:s15] =	ssyncset.done $0x0  }
0x303: {  	s24 =	simm.s32 $0x0;
	s25 =	simm.s32 $0x0;
	[sflag:s15] =	ssyncadd.s32 $0xFFFFC000  }
.LBB2_14:
0x304: {  	s4 =	simm.s32 $0x0  }
0x305: {  	s0 =	sand.u32 $0x3800, s24;
	s4 =	sand.u32 $0x200, s4  }
0x306: {  	s4 =	sor.u32 s4, s0  }
0x307: {  	v36 =	vld [tilespmem:s4+$0x0]  }
0x308: {  	v38 =	vld [tilespmem:s4+$0x10]  }
0x309: {  	v40 =	vld [tilespmem:s4+$0x20]  }
0x30a: {  	p0 =	por $0x0, $0x0;
	s1 =	simm.s32 $0x1;
	v42 =	vld [tilespmem:s4+$0x30]  }
0x30b: {  	s1 =	simm.s32 @!p0 $0x0;
	v48 =	vld [tilespmem:s4+$0x40]  }
0x30c: {  	s1 =	sshll.u32 s1, $0x9;
	v50 =	vld [tilespmem:s4+$0x50]  }
0x30d: {  	s1 =	sadd.s32 s1, s24;
	v52 =	vld [tilespmem:s4+$0x60]  }
0x30e: {  	v54 =	vld [tilespmem:s4+$0x70];
	s5 =	sor.u32 $0x400, s1  }
0x30f: {  	s13 =	sor.u32 $0x410, s1;
	v37 =	vld [tilespmem:s5+$0x0]  }
0x310: {  	s8 =	sor.u32 $0x420, s1;
	v39 =	vld [tilespmem:s13+$0x0]  }
0x311: {  	s20 =	simm.s32 $0x1;
	s21 =	simm.s32 $0x2;
	s22 =	sor.u32 $0x430, s1;
	v41 =	vld [tilespmem:s8+$0x0]  }
0x312: {  	s12 =	simm.s32 $0x80;
	s9 =	sor.u32 $0x460, s1;
	v43 =	vld [tilespmem:s22+$0x0];
	s13 =	simm.s32 $0x100  }
0x313: {  	v35 =	vadd.s32 s20, v17;
	s20 =	simm.s32 $0x180;
	s8 =	sor.u32 $0x450, s1;
	v53 =	vld [tilespmem:s9+$0x0];
	s9 =	sand.u32 $0x300, s13  }
0x314: {  	s4 =	sand.u32 $0x380, s20;
	v51 =	vld [tilespmem:s8+$0x0];
	s8 =	sand.u32 $0x280, s12;
	s22 =	sor.u32 s9, s0  }
0x315: {  	v34 =	vadd.s32 s21, v17;
	s21 =	sor.u32 s8, s0;
	s0 =	sor.u32 s4, s0;
	v59 =	vld [tilespmem:s22+$0x400]  }
0x316: {  	vm0 =	vgt.f32 v36, $-Inf;
	v60 =	vld [tilespmem:s0+$0x400];
	vm1 =	vlt.f32 v37, $-Inf;
	vm2 =	vgt.f32 v37, $-Inf  }
0x317: {  	s26 =	simm.s32 $0x0;
	v36 =	vnsel vm0, $0xFF800000, v36;
	vm0 =	vmor vm2, vm1  }
0x318: {  	v44 =	vadd.s32 s26, v17;
	vm1 =	vgt.f32 v38, v36;
	v37 =	vnsel vm0, $0xFF800000, v37  }
0x319: {  	v36 =	vsel vm1, v38, v36;
	v45 =	vsel vm1, v2, v0;
	v46 =	vsel vm0, v9, v0  }
0x31a: {  	s31 =	sor.u32 $0x440, s1;
	vm2 =	vgt.f32 v39, v37;
	vm1 =	vgt.f32 v40, v36;
	vm4 =	vgt.f32 v59, $-Inf  }
0x31b: {  	v49 =	vld [tilespmem:s31+$0x0];
	vm6 =	vlt.f32 v60, $-Inf;
	vm7 =	vgt.f32 v60, $-Inf;
	v37 =	vsel vm2, v39, v37  }
0x31c: {  	v36 =	vsel vm1, v40, v36;
	v45 =	vsel vm1, v3, v45;
	vm0 =	vgt.f32 v41, v37  }
0x31d: {  	v46 =	vsel vm2, v10, v46;
	vm1 =	vgt.f32 v42, v36;
	v37 =	vsel vm0, v41, v37  }
0x31e: {  	v36 =	vsel vm1, v42, v36;
	v45 =	vsel vm1, v4, v45;
	vm2 =	vgt.f32 v43, v37  }
0x31f: {  	v46 =	vsel vm0, v11, v46;
	vm1 =	vgt.f32 v48, v36;
	v37 =	vsel vm2, v43, v37  }
0x320: {  	s1 =	sor.u32 $0x470, s1;
	v36 =	vsel vm1, v48, v36;
	v45 =	vsel vm1, v5, v45;
	vm0 =	vgt.f32 v49, v37  }
0x321: {  	v55 =	vld [tilespmem:s1+$0x0];
	v46 =	vsel vm2, v12, v46;
	vm1 =	vgt.f32 v50, v36;
	v37 =	vsel vm0, v49, v37  }
0x322: {  	v36 =	vsel vm1, v50, v36;
	v56 =	vsel vm1, v6, v45;
	vm2 =	vgt.f32 v51, v37  }
0x323: {  	v57 =	vld [tilespmem:s21+$0x400];
	v58 =	vsel vm0, v13, v46;
	vm1 =	vgt.f32 v52, v36;
	v37 =	vsel vm2, v51, v37  }
0x324: {  	v61 =	vld [tilespmem:s21+$0x0];
	v36 =	vsel vm1, v52, v36;
	v40 =	vsel vm1, v7, v56;
	vm0 =	vgt.f32 v53, v37  }
0x325: {  	v63 =	vld [tilespmem:s22+$0x0];
	v41 =	vsel vm2, v14, v58;
	vm1 =	vgt.f32 v54, v36;
	v37 =	vsel vm0, v53, v37  }
0x326: {  	v47 =	vld [tilespmem:s21+$0x10];
	v36 =	vsel vm1, v54, v36;
	v62 =	vsel vm0, v15, v41;
	vm2 =	vgt.f32 v55, v37  }
0x327: {  	v48 =	vld [tilespmem:s21+$0x410];
	v53 =	vsel vm1, v8, v40;
	v37 =	vsel vm2, v55, v37;
	v38 =	vsel vm2, v16, v62  }
0x328: {  	v54 =	vld [tilespmem:s0+$0x0];
	vm2 =	vlt.f32 v57, $-Inf;
	vm0 =	veq.f32 v37, v36;
	vm1 =	vlt.u32 v38, v53  }
0x329: {  	v49 =	vld [tilespmem:s22+$0x10];
	vm3 =	vgt.f32 v37, v36;
	vm0 =	vmand vm0, vm1;
	vm1 =	vgt.f32 v57, $-Inf  }
0x32a: {  	v50 =	vld [tilespmem:s0+$0x410];
	vm0 =	vmor vm3, vm0;
	vm3 =	vlt.f32 v59, $-Inf;
	vm5 =	vmor vm1, vm2  }
0x32b: {  	v55 =	vld [tilespmem:s22+$0x410];
	vm1 =	vgt.f32 v61, $-Inf;
	vm2 =	vgt.f32 v63, $-Inf;
	v36 =	vsel vm0, v37, v36  }
0x32c: {  	v56 =	vld [tilespmem:s0+$0x10];
	v38 =	vsel vm0, v38, v53;
	vm3 =	vmor vm4, vm3;
	vm0 =	vmor vm7, vm6  }
0x32d: {  	v51 =	vld [tilespmem:s21+$0x20];
	v45 =	vnsel vm5, $0xFF800000, v57;
	vm4 =	vgt.f32 v54, $-Inf;
	v57 =	vnsel vm1, $0xFF800000, v61  }
0x32e: {  	v58 =	vld [tilespmem:s21+$0x420];
	v41 =	vnsel vm2, $0xFF800000, v63;
	v46 =	vnsel vm3, $0xFF800000, v59;
	[tilespmem:v44+s16+$0x0] =	vst.idx.msk $0xffff, v36;
	v42 =	vnsel vm0, $0xFF800000, v60  }
0x32f: {  	v62 =	vld [tilespmem:s0+$0x420];
	vm11 =	vgt.f32 v48, v45;
	vm6 =	vgt.f32 v47, v57;
	vm7 =	vgt.f32 v49, v41  }
0x330: {  	v61 =	vld [tilespmem:s0+$0x20];
	v40 =	vnsel vm4, $0xFF800000, v54;
	v54 =	vsel vm5, v9, v0;
	[tilespmem:v44+s17+$0x0] =	vst.idx.msk $0xffff, v38;
	vm12 =	vgt.f32 v55, v46  }
0x331: {  	v63 =	vld [tilespmem:s21+$0x30];
	vm2 =	vgt.f32 v56, v40;
	v45 =	vsel vm11, v48, v45;
	vm9 =	vgt.f32 v50, v42  }
0x332: {  	v53 =	vld [tilespmem:s21+$0x430];
	v36 =	vsel vm6, v47, v57;
	v41 =	vsel vm7, v49, v41;
	v37 =	vsel vm12, v55, v46  }
0x333: {  	v59 =	vld [tilespmem:s22+$0x20];
	v42 =	vsel vm9, v50, v42;
	vm1 =	vgt.f32 v51, v36;
	vm10 =	vgt.f32 v58, v45  }
0x334: {  	v60 =	vld [tilespmem:s22+$0x420];
	v39 =	vsel vm2, v56, v40;
	v56 =	vsel vm3, v9, v0;
	v36 =	vsel vm1, v51, v36  }
0x335: {  	v52 =	vsel vm10, v58, v45;
	vm8 =	vgt.f32 v62, v42;
	v58 =	vsel vm0, v9, v0  }
0x336: {  	v44 =	vld [tilespmem:s22+$0x430];
	v45 =	vsel vm11, v10, v54;
	v49 =	vsel vm12, v10, v56;
	vm5 =	vgt.f32 v61, v39  }
0x337: {  	v57 =	vld [tilespmem:s0+$0x30];
	vm0 =	vgt.f32 v63, v36;
	v42 =	vsel vm8, v62, v42;
	vm11 =	vgt.f32 v53, v52  }
0x338: {  	v55 =	vld [tilespmem:s22+$0x30];
	v62 =	vsel vm6, v2, v0;
	v50 =	vsel vm9, v10, v58;
	v45 =	vsel vm10, v11, v45  }
0x339: {  	v56 =	vld [tilespmem:s22+$0x440];
	vm4 =	vgt.f32 v59, v41;
	vm13 =	vgt.f32 v60, v37;
	v39 =	vsel vm5, v61, v39  }
0x33a: {  	v58 =	vld [tilespmem:s0+$0x440];
	v36 =	vsel vm0, v63, v36;
	v40 =	vsel vm11, v53, v52;
	v52 =	vsel vm7, v2, v0  }
0x33b: {  	v61 =	vld [tilespmem:s21+$0x440];
	v53 =	vsel vm2, v2, v0;
	v51 =	vsel vm1, v3, v62;
	v50 =	vsel vm8, v11, v50  }
0x33c: {  	v63 =	vld [tilespmem:s22+$0x40];
	v45 =	vsel vm11, v12, v45;
	v38 =	vsel vm4, v59, v41;
	v37 =	vsel vm13, v60, v37  }
0x33d: {  	v62 =	vld [tilespmem:s22+$0x450];
	vm3 =	vgt.f32 v57, v39;
	v49 =	vsel vm13, v11, v49;
	v52 =	vsel vm4, v3, v52  }
0x33e: {  	v59 =	vld [tilespmem:s0+$0x430];
	v53 =	vsel vm5, v3, v53;
	v51 =	vsel vm0, v4, v51;
	vm12 =	vgt.f32 v44, v37  }
0x33f: {  	v60 =	vld [tilespmem:s21+$0x40];
	vm6 =	vgt.f32 v55, v38;
	v39 =	vsel vm3, v57, v39;
	v37 =	vsel vm12, v44, v37  }
0x340: {  	v57 =	vld [tilespmem:s0+$0x40];
	v53 =	vsel vm3, v4, v53;
	v38 =	vsel vm6, v55, v38;
	vm13 =	vgt.f32 v56, v37  }
0x341: {  	v49 =	vsel vm12, v12, v49;
	vm10 =	vgt.f32 v61, v40;
	v37 =	vsel vm13, v56, v37;
	v56 =	vld [tilespmem:s0+$0x450]  }
0x342: {  	v52 =	vsel vm6, v4, v52;
	vm7 =	vgt.f32 v63, v38;
	v40 =	vsel vm10, v61, v40;
	v61 =	vld [tilespmem:s22+$0x50]  }
0x343: {  	v49 =	vsel vm13, v13, v49;
	vm9 =	vgt.f32 v59, v42;
	v38 =	vsel vm7, v63, v38;
	v63 =	vld [tilespmem:s0+$0x50]  }
0x344: {  	vm2 =	vgt.f32 v60, v36;
	vm11 =	vgt.f32 v62, v37;
	v42 =	vsel vm9, v59, v42;
	v59 =	vld [tilespmem:s21+$0x50]  }
0x345: {  	v45 =	vsel vm10, v13, v45;
	v52 =	vsel vm7, v5, v52;
	v36 =	vsel vm2, v60, v36;
	v60 =	vld [tilespmem:s21+$0x450]  }
0x346: {  	vm4 =	vgt.f32 v57, v39;
	v37 =	vsel vm11, v62, v37;
	v50 =	vsel vm9, v12, v50;
	v62 =	vld [tilespmem:s0+$0x460]  }
0x347: {  	v51 =	vsel vm2, v5, v51;
	v39 =	vsel vm4, v57, v39;
	vm14 =	vgt.f32 v58, v42;
	v57 =	vld [tilespmem:s21+$0x60]  }
0x348: {  	v53 =	vsel vm4, v5, v53;
	v42 =	vsel vm14, v58, v42;
	v58 =	vld [tilespmem:s21+$0x460];
	vm0 =	vgt.f32 v61, v38  }
0x349: {  	v50 =	vsel vm14, v13, v50;
	vm1 =	vgt.f32 v59, v36;
	v38 =	vsel vm0, v61, v38;
	v61 =	vld [tilespmem:s0+$0x60]  }
0x34a: {  	vm6 =	vgt.f32 v56, v42;
	vm8 =	vgt.f32 v60, v40;
	v36 =	vsel vm1, v59, v36;
	v59 =	vld [tilespmem:s22+$0x60]  }
0x34b: {  	vm5 =	vgt.f32 v63, v39;
	v42 =	vsel vm6, v56, v42;
	v40 =	vsel vm8, v60, v40;
	v60 =	vld [tilespmem:s22+$0x460]  }
0x34c: {  	v43 =	vld [tilespmem:s22+$0x70];
	v39 =	vsel vm5, v63, v39;
	vm13 =	vgt.f32 v62, v42;
	v63 =	vsel vm11, v14, v49  }
0x34d: {  	v54 =	vld [tilespmem:s21+$0x70];
	v44 =	vsel vm8, v14, v45;
	v49 =	vsel vm13, v62, v42;
	vm15 =	vgt.f32 v58, v40  }
0x34e: {  	v55 =	vld [tilespmem:s21+$0x470];
	v62 =	vsel vm5, v6, v53;
	vm3 =	vgt.f32 v57, v36;
	v40 =	vsel vm15, v58, v40  }
0x34f: {  	v48 =	vld [tilespmem:s22+$0x470];
	v36 =	vsel vm3, v57, v36;
	v44 =	vsel vm15, v15, v44;
	vm12 =	vgt.f32 v61, v39  }
0x350: {  	v41 =	vld [tilespmem:s0+$0x70];
	vm2 =	vgt.f32 v59, v38;
	vm7 =	vgt.f32 v60, v37;
	v46 =	vsel vm12, v61, v39  }
0x351: {  	v56 =	vld [tilespmem:s0+$0x470];
	v61 =	vsel vm6, v14, v50;
	v50 =	vsel vm12, v7, v62;
	v37 =	vsel vm7, v60, v37  }
0x352: {  	v38 =	vsel vm2, v59, v38;
	v59 =	vsel vm1, v6, v51;
	v60 =	vsel vm0, v6, v52  }
0x353: {  	vm0 =	vgt.f32 v54, v36;
	vm1 =	vgt.f32 v55, v40;
	v45 =	vsel vm7, v15, v63  }
0x354: {  	v63 =	vsel vm13, v15, v61;
	vm14 =	vgt.f32 v43, v38;
	vm15 =	vgt.f32 v48, v37  }
0x355: {  	v51 =	vsel vm3, v7, v59;
	v42 =	vsel vm2, v7, v60;
	vm2 =	vgt.f32 v41, v46  }
0x356: {  	vm3 =	vgt.f32 v56, v49;
	v40 =	vsel vm1, v55, v40;
	v39 =	vsel vm1, v16, v44  }
0x357: {  	s28 =	simm.s32 $0x4;
	s29 =	simm.s32 $0x380;
	v44 =	vsel vm0, v54, v36;
	v37 =	vsel vm15, v48, v37;
	v36 =	vsel vm15, v16, v45  }
0x358: {  	p0 =	por !p0, !p0;
	s31 =	simm.s32 $0x200;
	s0 =	simm.s32 $0x1;
	v47 =	vsel vm0, v8, v51;
	v43 =	vsel vm14, v43, v38;
	v42 =	vsel vm14, v8, v42  }
0x359: {  	s30 =	sadd.s32 $0x400, s24;
	s5 =	sand.u32 $0x200, s31;
	s0 =	simm.s32 @!p0 $0x0;
	v45 =	vsel vm2, v41, v46;
	v46 =	vsel vm3, v56, v49;
	v38 =	vsel vm3, v16, v63  }
0x35a: {  	s4 =	sand.u32 $0x3800, s30;
	s1 =	sshll.u32 s0, $0x9;
	s0 =	simm.s32 $0x8;
	vm0 =	veq.f32 v40, v44;
	v41 =	vsel vm2, v8, v50;
	vm1 =	vlt.u32 v39, v47  }
.LBB2_15:
0x35b: {  	p1 =	slt.u32 s0, $0xC;
	s8 =	sadd.s32 s1, s30;
	s9 =	sor.u32 s5, s4;
	vm2 =	veq.f32 v37, v43;
	vm3 =	vlt.u32 v36, v42;
	vm4 =	veq.f32 v46, v45  }
0x35c: {  	s5 =	sadd.s32 $0xFFFFFF00, s29;
	s12 =	sadd.s32 $0xFFFFFF80, s29;
	vm0 =	vmand vm0, vm1;
	v48 =	vld [tilespmem:s9+$0x0];
	s1 =	sor.u32 $0x400, s8;
	vm1 =	vmand vm2, vm3;
	vm2 =	vlt.u32 v38, v41  }
0x35d: {  	s13 =	sand.u32 $0x380, s29;
	vm5 =	vgt.f32 v37, v43;
	s12 =	sand.u32 $0x300, s12;
	vm3 =	vgt.f32 v40, v44;
	v49 =	vld [tilespmem:s1+$0x0];
	s1 =	sand.u32 $0x280, s5;
	vm2 =	vmand vm4, vm2  }
0x35e: {  	s20 =	sor.u32 s12, s4;
	vm0 =	vmor vm3, vm0;
	vm1 =	vmor vm5, vm1;
	vm3 =	vgt.f32 v46, v45;
	s5 =	sor.u32 s1, s4;
	s1 =	sor.u32 s13, s4  }
0x35f: {  	s4 =	sor.u32 $0x410, s8;
	v40 =	vsel vm0, v40, v44;
	v39 =	vsel vm0, v39, v47;
	vm0 =	vmor vm3, vm2;
	v50 =	vld [tilespmem:s9+$0x10]  }
0x360: {  	s12 =	sadd.s32 $0x2, s28;
	v37 =	vsel vm1, v37, v43;
	v36 =	vsel vm1, v36, v42;
	v42 =	vsel vm0, v46, v45;
	v44 =	vld [tilespmem:s4+$0x0];
	s4 =	sadd.s32 $0x1, s28  }
0x361: {  	s13 =	sor.u32 $0x420, s8;
	v46 =	vadd.s32 s12, v17;
	v38 =	vsel vm0, v38, v41;
	v43 =	vld [tilespmem:s9+$0x20];
	v45 =	vadd.s32 s4, v17;
	[tilespmem:v35+s16+$0x0] =	vst.idx.msk $0xffff, v40  }
0x362: {  	vm0 =	vgt.f32 v48, $-Inf;
	s4 =	sadd.s32 $0x3, s26;
	s26 =	smov.u32 s28;
	s28 =	smov.u32 s0;
	vm1 =	vlt.f32 v49, $-Inf;
	vm2 =	vgt.f32 v49, $-Inf;
	v40 =	vld [tilespmem:s13+$0x0];
	[tilespmem:v35+s17+$0x0] =	vst.idx.msk $0xffff, v39;
	v35 =	vmovc v45  }
0x363: {  	s12 =	sor.u32 $0x430, s8;
	v39 =	vnsel vm0, $0xFF800000, v48;
	v41 =	vld [tilespmem:s9+$0x30];
	vm0 =	vmor vm2, vm1;
	[tilespmem:v34+s16+$0x0] =	vst.idx.msk $0xffff, v37;
	v37 =	vadd.s32 s4, v17  }
0x364: {  	v48 =	vadd.s32 s26, v17;
	vm1 =	vgt.f32 v50, v39;
	v45 =	vnsel vm0, $0xFF800000, v49;
	v47 =	vld [tilespmem:s12+$0x0];
	[tilespmem:v34+s17+$0x0] =	vst.idx.msk $0xffff, v36;
	v34 =	vmovc v46  }
0x365: {  	s4 =	sor.u32 $0x440, s8;
	v36 =	vsel vm1, v50, v39;
	v39 =	vld [tilespmem:s9+$0x40];
	vm2 =	vgt.f32 v44, v45;
	v46 =	vsel vm1, v2, v0  }
0x366: {  	v49 =	vsel vm0, v9, v0;
	vm1 =	vgt.f32 v43, v36;
	v44 =	vsel vm2, v44, v45;
	v45 =	vld [tilespmem:s4+$0x0]  }
0x367: {  	s4 =	sor.u32 $0x450, s8;
	v36 =	vsel vm1, v43, v36;
	v43 =	vld [tilespmem:s9+$0x50];
	vm0 =	vgt.f32 v40, v44;
	v46 =	vsel vm1, v3, v46  }
0x368: {  	v49 =	vsel vm2, v10, v49;
	vm1 =	vgt.f32 v41, v36;
	v40 =	vsel vm0, v40, v44;
	v44 =	vld [tilespmem:s4+$0x0]  }
0x369: {  	s4 =	sor.u32 $0x460, s8;
	v36 =	vsel vm1, v41, v36;
	v41 =	vld [tilespmem:s9+$0x60];
	vm2 =	vgt.f32 v47, v40;
	v46 =	vsel vm1, v4, v46  }
0x36a: {  	v49 =	vsel vm0, v11, v49;
	vm1 =	vgt.f32 v39, v36;
	v40 =	vsel vm2, v47, v40;
	v47 =	vld [tilespmem:s4+$0x0]  }
0x36b: {  	s4 =	sor.u32 $0x470, s8;
	v36 =	vsel vm1, v39, v36;
	v39 =	vld [tilespmem:s9+$0x70];
	vm0 =	vgt.f32 v45, v40;
	v46 =	vsel vm1, v5, v46  }
0x36c: {  	v49 =	vsel vm2, v12, v49;
	vm1 =	vgt.f32 v43, v36;
	v40 =	vsel vm0, v45, v40;
	v45 =	vld [tilespmem:s4+$0x0]  }
0x36d: {  	v36 =	vsel vm1, v43, v36;
	vm2 =	vgt.f32 v44, v40;
	v43 =	vsel vm1, v6, v46;
	v46 =	vld [tilespmem:s5+$0x400]  }
0x36e: {  	vm1 =	vgt.f32 v41, v36;
	v40 =	vsel vm2, v44, v40;
	v44 =	vsel vm0, v13, v49;
	v49 =	vld [tilespmem:s20+$0x400]  }
0x36f: {  	v36 =	vsel vm1, v41, v36;
	vm0 =	vgt.f32 v47, v40;
	v41 =	vsel vm1, v7, v43;
	v43 =	vld [tilespmem:s1+$0x400]  }
0x370: {  	v44 =	vsel vm2, v14, v44;
	vm1 =	vgt.f32 v39, v36;
	v40 =	vsel vm0, v47, v40;
	v47 =	vld [tilespmem:s5+$0x0]  }
0x371: {  	v36 =	vsel vm1, v39, v36;
	vm2 =	vgt.f32 v45, v40;
	v39 =	vsel vm0, v15, v44;
	v44 =	vld [tilespmem:s20+$0x0]  }
0x372: {  	v41 =	vsel vm1, v8, v41;
	v40 =	vsel vm2, v45, v40;
	v39 =	vsel vm2, v16, v39;
	v45 =	vld [tilespmem:s1+$0x0]  }
0x373: {  	vm2 =	vlt.f32 v46, $-Inf;
	vm0 =	veq.f32 v40, v36;
	vm1 =	vlt.u32 v39, v41;
	v50 =	vld [tilespmem:s5+$0x10];
	[tilespmem:v37+s16+$0x0] =	vst.idx.msk $0xffff, v42  }
0x374: {  	vm3 =	vgt.f32 v40, v36;
	vm0 =	vmand vm0, vm1;
	vm1 =	vgt.f32 v46, $-Inf;
	v42 =	vld [tilespmem:s5+$0x410];
	[tilespmem:v37+s17+$0x0] =	vst.idx.msk $0xffff, v38  }
0x375: {  	vm4 =	vgt.f32 v49, $-Inf;
	vm0 =	vmor vm3, vm0;
	v37 =	vld [tilespmem:s20+$0x10];
	vm3 =	vlt.f32 v49, $-Inf  }
0x376: {  	vm5 =	vlt.f32 v43, $-Inf;
	vm7 =	vgt.f32 v43, $-Inf;
	v36 =	vsel vm0, v40, v36;
	v38 =	vld [tilespmem:s20+$0x410]  }
0x377: {  	vm6 =	vmor vm1, vm2;
	v39 =	vsel vm0, v39, v41;
	vm0 =	vmor vm4, vm3;
	[tilespmem:v48+s16+$0x0] =	vst.idx.msk $0xffff, v36;
	v36 =	vld [tilespmem:s1+$0x10]  }
0x378: {  	vm1 =	vgt.f32 v47, $-Inf;
	vm5 =	vmor vm7, vm5;
	vm2 =	vgt.f32 v44, $-Inf;
	[tilespmem:v48+s17+$0x0] =	vst.idx.msk $0xffff, v39;
	v39 =	vld [tilespmem:s1+$0x410]  }
0x379: {  	v41 =	vnsel vm6, $0xFF800000, v46;
	v46 =	vnsel vm0, $0xFF800000, v49;
	vm3 =	vgt.f32 v45, $-Inf;
	v40 =	vld [tilespmem:s5+$0x20]  }
0x37a: {  	v47 =	vnsel vm1, $0xFF800000, v47;
	v43 =	vnsel vm5, $0xFF800000, v43;
	v44 =	vnsel vm2, $0xFF800000, v44;
	v48 =	vld [tilespmem:s5+$0x420]  }
0x37b: {  	v45 =	vnsel vm3, $0xFF800000, v45;
	vm11 =	vgt.f32 v42, v41;
	v49 =	vld [tilespmem:s20+$0x20];
	vm12 =	vgt.f32 v38, v46  }
0x37c: {  	vm9 =	vgt.f32 v50, v47;
	vm3 =	vgt.f32 v37, v44;
	v51 =	vld [tilespmem:s20+$0x420];
	vm2 =	vgt.f32 v36, v45  }
0x37d: {  	v41 =	vsel vm11, v42, v41;
	v38 =	vsel vm12, v38, v46;
	v42 =	vld [tilespmem:s1+$0x20];
	vm7 =	vgt.f32 v39, v43  }
0x37e: {  	v37 =	vsel vm3, v37, v44;
	v46 =	vsel vm9, v50, v47;
	v39 =	vsel vm7, v39, v43;
	v43 =	vld [tilespmem:s1+$0x420]  }
0x37f: {  	v36 =	vsel vm2, v36, v45;
	vm1 =	vgt.f32 v40, v46;
	v44 =	vld [tilespmem:s5+$0x30];
	vm10 =	vgt.f32 v48, v41  }
0x380: {  	v40 =	vsel vm1, v40, v46;
	v41 =	vsel vm10, v48, v41;
	v45 =	vld [tilespmem:s5+$0x430];
	vm4 =	vgt.f32 v49, v37  }
0x381: {  	v46 =	vsel vm6, v9, v0;
	v37 =	vsel vm4, v49, v37;
	v47 =	vld [tilespmem:s20+$0x30];
	vm13 =	vgt.f32 v51, v38  }
0x382: {  	v49 =	vsel vm0, v9, v0;
	v38 =	vsel vm13, v51, v38;
	v48 =	vld [tilespmem:s20+$0x430];
	vm6 =	vgt.f32 v42, v36  }
0x383: {  	v50 =	vsel vm5, v9, v0;
	v36 =	vsel vm6, v42, v36;
	v42 =	vld [tilespmem:s1+$0x30];
	vm8 =	vgt.f32 v43, v39  }
0x384: {  	v46 =	vsel vm11, v10, v46;
	vm0 =	vgt.f32 v44, v40;
	v39 =	vsel vm8, v43, v39;
	v43 =	vld [tilespmem:s1+$0x430]  }
0x385: {  	v49 =	vsel vm12, v10, v49;
	v40 =	vsel vm0, v44, v40;
	v44 =	vld [tilespmem:s5+$0x40];
	vm11 =	vgt.f32 v45, v41  }
0x386: {  	v51 =	vsel vm9, v2, v0;
	v41 =	vsel vm11, v45, v41;
	v45 =	vld [tilespmem:s5+$0x440];
	vm5 =	vgt.f32 v47, v37  }
0x387: {  	v52 =	vsel vm3, v2, v0;
	v37 =	vsel vm5, v47, v37;
	v47 =	vld [tilespmem:s20+$0x40];
	vm12 =	vgt.f32 v48, v38  }
0x388: {  	v50 =	vsel vm7, v10, v50;
	v38 =	vsel vm12, v48, v38;
	v48 =	vld [tilespmem:s20+$0x440];
	vm3 =	vgt.f32 v42, v36  }
0x389: {  	v53 =	vsel vm2, v2, v0;
	v36 =	vsel vm3, v42, v36;
	v42 =	vld [tilespmem:s1+$0x40];
	vm9 =	vgt.f32 v43, v39  }
0x38a: {  	v46 =	vsel vm10, v11, v46;
	vm2 =	vgt.f32 v44, v40;
	v39 =	vsel vm9, v43, v39;
	v43 =	vld [tilespmem:s1+$0x440]  }
0x38b: {  	v49 =	vsel vm13, v11, v49;
	v40 =	vsel vm2, v44, v40;
	v44 =	vld [tilespmem:s5+$0x50];
	vm10 =	vgt.f32 v45, v41  }
0x38c: {  	v51 =	vsel vm1, v3, v51;
	v41 =	vsel vm10, v45, v41;
	v45 =	vld [tilespmem:s5+$0x450];
	vm7 =	vgt.f32 v47, v37  }
0x38d: {  	v52 =	vsel vm4, v3, v52;
	v37 =	vsel vm7, v47, v37;
	v47 =	vld [tilespmem:s20+$0x50];
	vm13 =	vgt.f32 v48, v38  }
0x38e: {  	v50 =	vsel vm8, v11, v50;
	v38 =	vsel vm13, v48, v38;
	v48 =	vld [tilespmem:s20+$0x450];
	vm4 =	vgt.f32 v42, v36  }
0x38f: {  	v53 =	vsel vm6, v3, v53;
	v36 =	vsel vm4, v42, v36;
	v42 =	vld [tilespmem:s1+$0x50];
	vm8 =	vgt.f32 v43, v39  }
0x390: {  	v46 =	vsel vm11, v12, v46;
	vm1 =	vgt.f32 v44, v40;
	v39 =	vsel vm8, v43, v39;
	v43 =	vld [tilespmem:s1+$0x450]  }
0x391: {  	v49 =	vsel vm12, v12, v49;
	v40 =	vsel vm1, v44, v40;
	v44 =	vld [tilespmem:s5+$0x60];
	vm6 =	vgt.f32 v45, v41  }
0x392: {  	v51 =	vsel vm0, v4, v51;
	v41 =	vsel vm6, v45, v41;
	v45 =	vld [tilespmem:s5+$0x460];
	vm0 =	vgt.f32 v47, v37  }
0x393: {  	v52 =	vsel vm5, v4, v52;
	v37 =	vsel vm0, v47, v37;
	v47 =	vld [tilespmem:s20+$0x60];
	vm11 =	vgt.f32 v48, v38  }
0x394: {  	v50 =	vsel vm9, v12, v50;
	v38 =	vsel vm11, v48, v38;
	v48 =	vld [tilespmem:s20+$0x460];
	vm5 =	vgt.f32 v42, v36  }
0x395: {  	v53 =	vsel vm3, v4, v53;
	v36 =	vsel vm5, v42, v36;
	v42 =	vld [tilespmem:s1+$0x60];
	vm9 =	vgt.f32 v43, v39  }
0x396: {  	v46 =	vsel vm10, v13, v46;
	vm3 =	vgt.f32 v44, v40;
	v39 =	vsel vm9, v43, v39;
	v43 =	vld [tilespmem:s1+$0x460]  }
0x397: {  	v51 =	vsel vm2, v5, v51;
	v49 =	vsel vm13, v13, v49;
	v54 =	vld [tilespmem:s5+$0x70];
	vm10 =	vgt.f32 v45, v41  }
0x398: {  	v52 =	vsel vm7, v5, v52;
	v50 =	vsel vm8, v13, v50;
	v55 =	vld [tilespmem:s5+$0x470];
	vm2 =	vgt.f32 v47, v37  }
0x399: {  	v53 =	vsel vm4, v5, v53;
	v41 =	vsel vm10, v45, v41;
	v45 =	vld [tilespmem:s20+$0x70];
	vm7 =	vgt.f32 v48, v38  }
0x39a: {  	v44 =	vsel vm3, v44, v40;
	v38 =	vsel vm7, v48, v38;
	v48 =	vld [tilespmem:s20+$0x470];
	vm4 =	vgt.f32 v42, v36  }
0x39b: {  	v40 =	vsel vm6, v14, v46;
	v46 =	vsel vm2, v47, v37;
	v56 =	vld [tilespmem:s1+$0x70];
	vm6 =	vgt.f32 v43, v39  }
0x39c: {  	v37 =	vsel vm11, v14, v49;
	v49 =	vsel vm4, v42, v36;
	v57 =	vsel vm6, v43, v39;
	v58 =	vld [tilespmem:s1+$0x470]  }
0x39d: {  	v36 =	vsel vm1, v6, v51;
	v42 =	vsel vm9, v14, v50;
	v39 =	vsel vm0, v6, v52  }
0x39e: {  	vm0 =	vgt.f32 v54, v44;
	v43 =	vsel vm5, v6, v53;
	vm1 =	vgt.f32 v55, v41  }
0x39f: {  	v47 =	vsel vm10, v15, v40;
	vm5 =	vgt.f32 v45, v46;
	vm8 =	vgt.f32 v48, v38  }
0x3a0: {  	v50 =	vsel vm3, v7, v36;
	v36 =	vsel vm7, v15, v37;
	v51 =	vsel vm2, v7, v39  }
0x3a1: {  	v52 =	vsel vm6, v15, v42;
	vm2 =	vgt.f32 v56, v49;
	vm3 =	vgt.f32 v58, v57  }
.Ltmp8:
0x3a2: {  	v40 =	vsel vm1, v55, v41;
	v39 =	vsel vm1, v16, v47;
	v41 =	vsel vm4, v7, v43;
	(pc) =	sbr.rel @p1 .LBB2_15-.Ltmp8, $4  }
0x3a3: {  	s29 =	sadd.s32 $0x200, s29;
	v44 =	vsel vm0, v54, v44;
	v37 =	vsel vm8, v48, v38;
	v36 =	vsel vm8, v16, v36  }
0x3a4: {  	s30 =	sadd.s32 $0x400, s30;
	p0 =	por !p0, !p0;
	s1 =	simm.s32 $0x1;
	v47 =	vsel vm0, v8, v50;
	v43 =	vsel vm5, v45, v46;
	v42 =	vsel vm5, v8, v51  }
0x3a5: {  	s4 =	sand.u32 $0x3800, s30;
	s5 =	sadd.s32 $0xFFFFFE80, s29;
	s1 =	simm.s32 @!p0 $0x0;
	v45 =	vsel vm2, v56, v49;
	v46 =	vsel vm3, v58, v57;
	v38 =	vsel vm3, v16, v52  }
0x3a6: {  	s0 =	sadd.s32 $0x4, s0;
	s5 =	sand.u32 $0x200, s5;
	s1 =	sshll.u32 s1, $0x9;
	vm0 =	veq.f32 v40, v44;
	vm1 =	vlt.u32 v39, v47;
	v41 =	vsel vm2, v8, v41  }
0x3a7: {  	s0 =	sadd.s32 s1, s30;
	s13 =	sor.u32 s5, s4;
	vm2 =	veq.f32 v37, v43;
	vm3 =	vlt.u32 v36, v42  }
0x3a8: {  	vm4 =	veq.f32 v46, v45;
	vm0 =	vmand vm0, vm1;
	vm8 =	vlt.u32 v38, v41;
	v48 =	vld [tilespmem:s13+$0x0];
	s20 =	sor.u32 $0x400, s0  }
0x3a9: {  	vm9 =	vgt.f32 v40, v44;
	vm5 =	vgt.f32 v37, v43;
	vm10 =	vgt.f32 v46, v45;
	v49 =	vld [tilespmem:s20+$0x0]  }
0x3aa: {  	vm15 =	vmand vm2, vm3;
	vm2 =	vmand vm4, vm8;
	vm0 =	vmor vm9, vm0;
	v50 =	vld [tilespmem:s13+$0x10]  }
0x3ab: {  	s21 =	sor.u32 $0x410, s0;
	v59 =	vld [tilespmem:s13+$0x20];
	vm1 =	vmor vm5, vm15;
	v44 =	vsel vm0, v40, v44;
	v40 =	vsel vm0, v39, v47  }
0x3ac: {  	v51 =	vld [tilespmem:s21+$0x0];
	vm0 =	vmor vm10, vm2;
	v39 =	vsel vm1, v37, v43;
	v37 =	vsel vm1, v36, v42  }
0x3ad: {  	s22 =	sor.u32 $0x420, s0;
	v61 =	vld [tilespmem:s13+$0x30];
	v36 =	vsel vm0, v46, v45;
	v38 =	vsel vm0, v38, v41;
	[tilespmem:v35+s16+$0x0] =	vst.idx.msk $0xffff, v44;
	vm11 =	vgt.f32 v48, $-Inf  }
0x3ae: {  	s30 =	sor.u32 $0x430, s0;
	v47 =	vld [tilespmem:s22+$0x0];
	s22 =	sadd.s32 $0x1, s28;
	[tilespmem:v35+s17+$0x0] =	vst.idx.msk $0xffff, v40;
	vm12 =	vlt.f32 v49, $-Inf;
	vm13 =	vgt.f32 v49, $-Inf;
	v60 =	vnsel vm11, $0xFF800000, v48  }
0x3af: {  	v63 =	vld [tilespmem:s30+$0x0];
	s30 =	sadd.s32 $0x3, s26;
	v40 =	vadd.s32 s22, v17;
	[tilespmem:v34+s16+$0x0] =	vst.idx.msk $0xffff, v39;
	vm14 =	vmor vm13, vm12;
	vm2 =	vgt.f32 v50, v60  }
0x3b0: {  	s12 =	sadd.s32 $0xFFFFFF80, s29;
	v56 =	vld [tilespmem:s13+$0x40];
	s31 =	sor.u32 $0x440, s0;
	s8 =	sor.u32 $0x450, s0;
	[tilespmem:v34+s17+$0x0] =	vst.idx.msk $0xffff, v37;
	v37 =	vadd.s32 s30, v17;
	v62 =	vnsel vm14, $0xFF800000, v49;
	v42 =	vsel vm2, v50, v60  }
0x3b1: {  	s21 =	sand.u32 $0x380, s29;
	v57 =	vsel vm2, v2, v0;
	v52 =	vsel vm14, v9, v0;
	v60 =	vld [tilespmem:s8+$0x0];
	s8 =	sadd.s32 $0xFFFFFF00, s29;
	s29 =	sadd.s32 $0x2, s28;
	vm15 =	vgt.f32 v51, v62  }
0x3b2: {  	v58 =	vld [tilespmem:s31+$0x0];
	vm6 =	vgt.f32 v59, v42;
	v39 =	vadd.s32 s29, v17;
	v45 =	vsel vm15, v51, v62  }
0x3b3: {  	s9 =	sor.u32 $0x460, s0;
	v42 =	vsel vm6, v59, v42;
	v59 =	vld [tilespmem:s13+$0x50];
	v50 =	vsel vm6, v3, v57;
	vm7 =	vgt.f32 v47, v45  }
0x3b4: {  	v52 =	vsel vm15, v10, v52;
	v62 =	vld [tilespmem:s9+$0x0];
	vm8 =	vgt.f32 v61, v42;
	v45 =	vsel vm7, v47, v45  }
0x3b5: {  	v42 =	vsel vm8, v61, v42;
	v61 =	vld [tilespmem:s13+$0x60];
	v50 =	vsel vm8, v4, v50;
	vm9 =	vgt.f32 v63, v45  }
0x3b6: {  	s0 =	sor.u32 $0x470, s0;
	v52 =	vsel vm7, v11, v52;
	vm10 =	vgt.f32 v56, v42;
	v45 =	vsel vm9, v63, v45;
	v63 =	vld [tilespmem:s13+$0x70]  }
0x3b7: {  	s8 =	sand.u32 $0x280, s8;
	v42 =	vsel vm10, v56, v42;
	v50 =	vsel vm10, v5, v50;
	v56 =	vld [tilespmem:s0+$0x0];
	s0 =	sor.u32 s21, s4;
	vm11 =	vgt.f32 v58, v45  }
0x3b8: {  	s20 =	sor.u32 s8, s4;
	s13 =	sand.u32 $0x300, s12;
	v52 =	vsel vm9, v12, v52;
	vm12 =	vgt.f32 v59, v42;
	v48 =	vld [tilespmem:s0+$0x400];
	v45 =	vsel vm11, v58, v45  }
0x3b9: {  	s1 =	sor.u32 s13, s4;
	v42 =	vsel vm12, v59, v42;
	v57 =	vsel vm12, v6, v50;
	v50 =	vld [tilespmem:s20+$0x400];
	vm13 =	vgt.f32 v60, v45  }
0x3ba: {  	v58 =	vsel vm11, v13, v52;
	v52 =	vld [tilespmem:s1+$0x400];
	vm14 =	vgt.f32 v61, v42;
	v45 =	vsel vm13, v60, v45  }
0x3bb: {  	v53 =	vld [tilespmem:s20+$0x10];
	v42 =	vsel vm14, v61, v42;
	v43 =	vsel vm14, v7, v57;
	vm15 =	vgt.f32 v62, v45  }
0x3bc: {  	v54 =	vld [tilespmem:s20+$0x410];
	v59 =	vsel vm13, v14, v58;
	vm6 =	vgt.f32 v63, v42;
	v45 =	vsel vm15, v62, v45  }
0x3bd: {  	v47 =	vld [tilespmem:s20+$0x0];
	v42 =	vsel vm6, v63, v42;
	v46 =	vsel vm15, v15, v59;
	v43 =	vsel vm6, v8, v43  }
0x3be: {  	v60 =	vld [tilespmem:s1+$0x0];
	vm15 =	vlt.f32 v48, $-Inf;
	vm6 =	vgt.f32 v48, $-Inf;
	vm7 =	vgt.f32 v56, v45  }
0x3bf: {  	v61 =	vld [tilespmem:s0+$0x0];
	vm10 =	vlt.f32 v50, $-Inf;
	vm12 =	vgt.f32 v50, $-Inf;
	vm13 =	vlt.f32 v52, $-Inf  }
0x3c0: {  	v63 =	vld [tilespmem:s0+$0x410];
	vm14 =	vgt.f32 v52, $-Inf;
	v45 =	vsel vm7, v56, v45;
	v46 =	vsel vm7, v16, v46  }
0x3c1: {  	v55 =	vld [tilespmem:s1+$0x10];
	vm3 =	vmor vm6, vm15;
	vm8 =	veq.f32 v45, v42;
	vm9 =	vlt.u32 v46, v43  }
0x3c2: {  	v51 =	vld [tilespmem:s1+$0x430];
	v48 =	vnsel vm3, $0xFF800000, v48;
	vm11 =	vgt.f32 v45, v42;
	vm0 =	vmand vm8, vm9  }
0x3c3: {  	v57 =	vld [tilespmem:s20+$0x420];
	vm8 =	vmor vm12, vm10;
	vm9 =	vgt.f32 v47, $-Inf;
	vm10 =	vgt.f32 v60, $-Inf  }
0x3c4: {  	v58 =	vld [tilespmem:s1+$0x20];
	vm0 =	vmor vm11, vm0;
	v50 =	vnsel vm8, $0xFF800000, v50;
	vm11 =	vgt.f32 v61, $-Inf  }
0x3c5: {  	v62 =	vld [tilespmem:s1+$0x410];
	v47 =	vnsel vm9, $0xFF800000, v47;
	v49 =	vnsel vm10, $0xFF800000, v60;
	vm6 =	vgt.f32 v63, v48  }
0x3c6: {  	v56 =	vld [tilespmem:s20+$0x20];
	v42 =	vsel vm0, v45, v42;
	v41 =	vsel vm0, v46, v43;
	vm0 =	vmor vm14, vm13  }
0x3c7: {  	v43 =	vld [tilespmem:s0+$0x10];
	vm12 =	vgt.f32 v54, v50;
	v60 =	vnsel vm11, $0xFF800000, v61;
	vm9 =	vgt.f32 v53, v47  }
0x3c8: {  	vm2 =	vgt.f32 v55, v49;
	v61 =	vld [tilespmem:s1+$0x420];
	v46 =	vsel vm6, v63, v48;
	v63 =	vsel vm8, v9, v0  }
0x3c9: {  	v48 =	vld [tilespmem:s20+$0x30];
	v52 =	vnsel vm0, $0xFF800000, v52;
	v50 =	vsel vm12, v54, v50;
	v47 =	vsel vm9, v53, v47  }
0x3ca: {  	v49 =	vsel vm2, v55, v49;
	v53 =	vld [tilespmem:s0+$0x420];
	v54 =	vsel vm12, v10, v63;
	v59 =	vsel vm2, v2, v0  }
0x3cb: {  	v55 =	vld [tilespmem:s1+$0x30];
	vm4 =	vgt.f32 v62, v52;
	vm5 =	vgt.f32 v56, v47;
	vm10 =	vgt.f32 v57, v50  }
0x3cc: {  	v63 =	vld [tilespmem:s20+$0x40];
	vm7 =	vgt.f32 v58, v49;
	v45 =	vsel vm4, v62, v52;
	v44 =	vsel vm5, v56, v47  }
0x3cd: {  	v62 =	vld [tilespmem:s0+$0x20];
	v47 =	vsel vm10, v57, v50;
	v49 =	vsel vm7, v58, v49;
	vm1 =	vgt.f32 v43, v60  }
0x3ce: {  	v50 =	vld [tilespmem:s20+$0x430];
	v56 =	vsel vm9, v2, v0;
	vm11 =	vgt.f32 v61, v45;
	v43 =	vsel vm1, v43, v60  }
0x3cf: {  	v52 =	vld [tilespmem:s0+$0x30];
	v45 =	vsel vm11, v61, v45;
	v60 =	vsel vm0, v9, v0;
	vm0 =	vgt.f32 v48, v44  }
0x3d0: {  	v44 =	vsel vm0, v48, v44;
	v60 =	vsel vm4, v10, v60;
	vm4 =	vgt.f32 v55, v49;
	v48 =	vld [tilespmem:s20+$0x50]  }
0x3d1: {  	v54 =	vsel vm10, v11, v54;
	vm12 =	vgt.f32 v51, v45;
	v49 =	vsel vm4, v55, v49;
	v55 =	vld [tilespmem:s1+$0x40]  }
0x3d2: {  	vm13 =	vgt.f32 v53, v46;
	vm8 =	vgt.f32 v62, v43;
	v45 =	vsel vm12, v51, v45;
	v51 =	vld [tilespmem:s1+$0x440]  }
0x3d3: {  	v61 =	vsel vm3, v9, v0;
	vm14 =	vgt.f32 v50, v47;
	v43 =	vsel vm8, v62, v43;
	v62 =	vld [tilespmem:s0+$0x430]  }
0x3d4: {  	v46 =	vsel vm13, v53, v46;
	v57 =	vsel vm6, v10, v61;
	v47 =	vsel vm14, v50, v47;
	v50 =	vld [tilespmem:s20+$0x440]  }
0x3d5: {  	vm2 =	vgt.f32 v63, v44;
	v53 =	vsel vm11, v11, v60;
	v60 =	vsel vm1, v2, v0  }
0x3d6: {  	v44 =	vsel vm2, v63, v44;
	v54 =	vsel vm14, v12, v54;
	vm3 =	vgt.f32 v52, v43  }
0x3d7: {  	v58 =	vld [tilespmem:s0+$0x440];
	v43 =	vsel vm3, v52, v43;
	vm1 =	vgt.f32 v48, v44;
	vm6 =	vgt.f32 v55, v49  }
0x3d8: {  	v52 =	vld [tilespmem:s0+$0x40];
	vm11 =	vgt.f32 v51, v45;
	v44 =	vsel vm1, v48, v44;
	v48 =	vsel vm12, v12, v53  }
0x3d9: {  	vm9 =	vgt.f32 v62, v46;
	vm10 =	vgt.f32 v50, v47;
	v49 =	vsel vm6, v55, v49  }
0x3da: {  	v61 =	vld [tilespmem:s0+$0x450];
	v55 =	vsel vm7, v3, v59;
	v45 =	vsel vm11, v51, v45;
	v51 =	vsel vm13, v11, v57  }
0x3db: {  	v59 =	vld [tilespmem:s1+$0x50];
	v48 =	vsel vm11, v13, v48;
	v46 =	vsel vm9, v62, v46;
	v47 =	vsel vm10, v50, v47  }
0x3dc: {  	v57 =	vld [tilespmem:s1+$0x450];
	v50 =	vsel vm5, v3, v56;
	v55 =	vsel vm4, v4, v55;
	v51 =	vsel vm9, v12, v51  }
0x3dd: {  	v56 =	vld [tilespmem:s20+$0x450];
	v34 =	vsel vm10, v13, v54;
	vm5 =	vgt.f32 v52, v43;
	vm7 =	vgt.f32 v58, v46  }
0x3de: {  	v62 =	vld [tilespmem:s1+$0x460];
	v50 =	vsel vm0, v4, v50;
	v55 =	vsel vm6, v5, v55;
	v43 =	vsel vm5, v52, v43  }
0x3df: {  	v63 =	vld [tilespmem:s1+$0x60];
	v52 =	vsel vm8, v3, v60;
	v35 =	vsel vm7, v58, v46;
	v50 =	vsel vm2, v5, v50  }
0x3e0: {  	v60 =	vld [tilespmem:s0+$0x50];
	v51 =	vsel vm7, v13, v51;
	v52 =	vsel vm3, v4, v52;
	vm13 =	vgt.f32 v61, v35  }
0x3e1: {  	v53 =	vld [tilespmem:s20+$0x460];
	v50 =	vsel vm1, v6, v50;
	vm0 =	vgt.f32 v59, v49;
	vm12 =	vgt.f32 v57, v45  }
0x3e2: {  	v35 =	vsel vm13, v61, v35;
	v61 =	vld [tilespmem:s0+$0x460];
	vm8 =	vgt.f32 v56, v47;
	v45 =	vsel vm12, v57, v45  }
0x3e3: {  	v49 =	vsel vm0, v59, v49;
	v47 =	vsel vm8, v56, v47;
	v56 =	vld [tilespmem:s20+$0x60];
	vm7 =	vgt.f32 v62, v45  }
0x3e4: {  	v52 =	vsel vm5, v5, v52;
	vm15 =	vgt.f32 v63, v49;
	v45 =	vsel vm7, v62, v45;
	v62 =	vld [tilespmem:s1+$0x70]  }
0x3e5: {  	v51 =	vsel vm13, v14, v51;
	vm4 =	vgt.f32 v60, v43;
	v49 =	vsel vm15, v63, v49;
	v63 =	vld [tilespmem:s1+$0x470]  }
0x3e6: {  	v48 =	vsel vm12, v14, v48;
	vm14 =	vgt.f32 v53, v47;
	v43 =	vsel vm4, v60, v43;
	v60 =	vld [tilespmem:s0+$0x60]  }
0x3e7: {  	v55 =	vsel vm0, v6, v55;
	v34 =	vsel vm8, v14, v34;
	v47 =	vsel vm14, v53, v47;
	v53 =	vld [tilespmem:s20+$0x70]  }
0x3e8: {  	v55 =	vsel vm15, v7, v55;
	v48 =	vsel vm7, v15, v48;
	v52 =	vsel vm4, v6, v52  }
0x3e9: {  	v34 =	vsel vm14, v15, v34;
	vm9 =	vgt.f32 v61, v35;
	vm6 =	vgt.f32 v56, v44  }
0x3ea: {  	v59 =	vld [tilespmem:s0+$0x70];
	v35 =	vsel vm9, v61, v35;
	v51 =	vsel vm9, v15, v51;
	v44 =	vsel vm6, v56, v44  }
0x3eb: {  	v61 =	vld [tilespmem:s0+$0x470];
	vm13 =	vgt.f32 v62, v49;
	vm14 =	vgt.f32 v63, v45;
	v50 =	vsel vm6, v7, v50  }
0x3ec: {  	vm8 =	vgt.f32 v60, v43;
	vm11 =	vgt.f32 v53, v44;
	v45 =	vsel vm14, v63, v45  }
0x3ed: {  	v56 =	vld [tilespmem:s20+$0x470];
	v48 =	vsel vm14, v16, v48;
	v49 =	vsel vm13, v62, v49;
	v62 =	vsel vm13, v8, v55  }
0x3ee: {  	[tilespmem:v37+s16+$0x0] =	vst.idx.msk $0xffff, v36;
	v43 =	vsel vm8, v60, v43;
	v60 =	vadd.s32 s28, v17;
	v52 =	vsel vm8, v7, v52  }
0x3ef: {  	v44 =	vsel vm11, v53, v44;
	v50 =	vsel vm11, v8, v50;
	vm15 =	vgt.f32 v59, v43  }
0x3f0: {  	vm3 =	vlt.u32 v48, v62;
	vm10 =	vgt.f32 v61, v35;
	v43 =	vsel vm15, v59, v43  }
0x3f1: {  	v35 =	vsel vm10, v61, v35;
	v63 =	vsel vm10, v16, v51;
	v54 =	vsel vm15, v8, v52  }
0x3f2: {  	vm15 =	vgt.f32 v45, v49;
	vm12 =	vgt.f32 v56, v47;
	vm14 =	veq.f32 v35, v43  }
0x3f3: {  	v47 =	vsel vm12, v56, v47;
	v34 =	vsel vm12, v16, v34;
	vm12 =	veq.f32 v45, v49  }
0x3f4: {  	[tilespmem:v37+s17+$0x0] =	vst.idx.msk $0xffff, v38;
	vm11 =	veq.f32 v47, v44;
	vm1 =	vlt.u32 v34, v50;
	vm2 =	vmand vm12, vm3  }
0x3f5: {  	s31 =	sadd.s32 $0x3, s28;
	vm13 =	vgt.f32 v47, v44;
	[tilespmem:v60+s16+$0x0] =	vst.idx.msk $0xffff, v42;
	vm0 =	vmand vm11, vm1;
	vm1 =	vmor vm15, vm2  }
0x3f6: {  	v56 =	vadd.s32 s31, v17;
	[tilespmem:v60+s17+$0x0] =	vst.idx.msk $0xffff, v41;
	vm0 =	vmor vm13, vm0;
	v57 =	vsel vm1, v45, v49  }
0x3f7: {  	vm6 =	vlt.u32 v63, v54;
	v55 =	vsel vm0, v47, v44;
	[tilespmem:v39+s16+$0x0] =	vst.idx.msk $0xffff, v57  }
0x3f8: {  	vm8 =	vgt.f32 v35, v43;
	vm7 =	vmand vm14, vm6;
	v58 =	vsel vm1, v48, v62;
	[tilespmem:v40+s16+$0x0] =	vst.idx.msk $0xffff, v55  }
0x3f9: {  	v34 =	vsel vm0, v34, v50;
	vm0 =	vmor vm8, vm7;
	[tilespmem:v39+s17+$0x0] =	vst.idx.msk $0xffff, v58  }
0x3fa: {  	v35 =	vsel vm0, v35, v43;
	[tilespmem:v40+s17+$0x0] =	vst.idx.msk $0xffff, v34  }
0x3fb: {  	v59 =	vsel vm0, v63, v54;
	[tilespmem:v56+s16+$0x0] =	vst.idx.msk $0xffff, v35  }
0x3fc: {  	[tilespmem:v56+s17+$0x0] =	vst.idx.msk $0xffff, v59  }
0x3fd: {  	v34 =	vld.idx.msk [tilespmem:v0+s16+$0x0], $0xffff  }
0x3fe: {  	v35 =	vld.idx.msk [tilespmem:v0+s17+$0x0], $0xffff  }
0x3ff: {  	v36 =	vld.idx.msk [tilespmem:v19+s16+$0x0], $0xffff  }
0x400: {  	v37 =	vld.idx.msk [tilespmem:v19+s17+$0x0], $0xffff  }
0x401: {  	v38 =	vld.idx.msk [tilespmem:v20+s16+$0x0], $0xffff  }
0x402: {  	v39 =	vld.idx.msk [tilespmem:v20+s17+$0x0], $0xffff  }
0x403: {  	v40 =	vld.idx.msk [tilespmem:v21+s16+$0x0], $0xffff  }
0x404: {  	v41 =	vld.idx.msk [tilespmem:v21+s17+$0x0], $0xffff  }
0x405: {  	v42 =	vld.idx.msk [tilespmem:v22+s16+$0x0], $0xffff  }
0x406: {  	v43 =	vld.idx.msk [tilespmem:v22+s17+$0x0], $0xffff  }
0x407: {  	v44 =	vld.idx.msk [tilespmem:v23+s16+$0x0], $0xffff  }
0x408: {  	v45 =	vld.idx.msk [tilespmem:v23+s17+$0x0], $0xffff  }
0x409: {  	v46 =	vld.idx.msk [tilespmem:v24+s16+$0x0], $0xffff  }
0x40a: {  	v47 =	vld.idx.msk [tilespmem:v24+s17+$0x0], $0xffff  }
0x40b: {  	v48 =	vld.idx.msk [tilespmem:v25+s16+$0x0], $0xffff  }
0x40c: {  	v49 =	vld.idx.msk [tilespmem:v25+s17+$0x0], $0xffff  }
0x40d: {  	v50 =	vld.idx.msk [tilespmem:v26+s16+$0x0], $0xffff  }
0x40e: {  	v51 =	vld.idx.msk [tilespmem:v26+s17+$0x0], $0xffff  }
0x40f: {  	v54 =	vld.idx.msk [tilespmem:v28+s16+$0x0], $0xffff  }
0x410: {  	v55 =	vld.idx.msk [tilespmem:v28+s17+$0x0], $0xffff  }
0x411: {  	v62 =	vld.idx.msk [tilespmem:v29+s16+$0x0], $0xffff;
	vm9 =	vgt.f32 v36, v34;
	vm10 =	veq.f32 v36, v34;
	vm11 =	vlt.s32 v37, v35  }
0x412: {  	v63 =	vld.idx.msk [tilespmem:v29+s17+$0x0], $0xffff;
	vm12 =	veq.f32 v40, v38;
	vm13 =	vlt.s32 v41, v39;
	vm14 =	vgt.f32 v40, v38  }
0x413: {  	v60 =	vld.idx.msk [tilespmem:v27+s16+$0x0], $0xffff;
	vm8 =	vgt.f32 v44, v42;
	vm1 =	vmand vm10, vm11;
	vm2 =	vmand vm12, vm13  }
0x414: {  	v61 =	vld.idx.msk [tilespmem:v27+s17+$0x0], $0xffff;
	vm10 =	vlt.s32 v45, v43;
	vm11 =	veq.f32 v48, v46;
	vm12 =	vlt.s32 v49, v47  }
0x415: {  	vm13 =	vgt.f32 v48, v46;
	vm0 =	vmor vm9, vm1;
	vm15 =	vmor vm14, vm2  }
0x416: {  	v58 =	vld.idx.msk [tilespmem:v30+s16+$0x0], $0xffff;
	vm9 =	veq.f32 v44, v42;
	vm4 =	vmand vm11, vm12;
	vm11 =	veq.f32 v62, v54  }
0x417: {  	v59 =	vld.idx.msk [tilespmem:v33+s17+$0x0], $0xffff;
	vm12 =	vlt.s32 v63, v55;
	v34 =	vsel vm0, v36, v34;
	v35 =	vsel vm0, v37, v35  }
0x418: {  	v36 =	vld.idx.msk [tilespmem:v30+s17+$0x0], $0xffff;
	v37 =	vsel vm15, v40, v38;
	vm2 =	vmand vm9, vm10;
	v39 =	vsel vm15, v41, v39  }
0x419: {  	v38 =	vld.idx.msk [tilespmem:v31+s16+$0x0], $0xffff;
	vm15 =	vmor vm13, vm4;
	vm9 =	veq.f32 v60, v50;
	vm10 =	vlt.s32 v61, v51  }
0x41a: {  	v40 =	vld.idx.msk [tilespmem:v31+s17+$0x0], $0xffff;
	vm13 =	vgt.f32 v62, v54;
	vm3 =	vmand vm11, vm12;
	vm14 =	vmor vm8, vm2  }
0x41b: {  	v41 =	vld.idx.msk [tilespmem:v32+s16+$0x0], $0xffff;
	vm8 =	vgt.f32 v60, v50;
	vm2 =	vmand vm9, vm10;
	v47 =	vsel vm15, v49, v47  }
0x41c: {  	vm11 =	vgt.f32 v37, v34;
	v43 =	vsel vm14, v45, v43;
	v45 =	vsel vm15, v48, v46;
	v46 =	vld.idx.msk [tilespmem:v33+s16+$0x0], $0xffff  }
0x41d: {  	vm12 =	veq.f32 v37, v34;
	v42 =	vsel vm14, v44, v42;
	v44 =	vld.idx.msk [tilespmem:v32+s17+$0x0], $0xffff;
	vm0 =	vmor vm8, vm2  }
0x41e: {  	vm14 =	vmor vm13, vm3;
	vm13 =	vlt.s32 v39, v35;
	v60 =	vsel vm0, v60, v50  }
0x41f: {  	v61 =	vsel vm0, v61, v51;
	v62 =	vsel vm14, v62, v54;
	v63 =	vsel vm14, v63, v55  }
0x420: {  	vm14 =	veq.f32 v45, v42;
	vm5 =	veq.f32 v38, v58;
	vm6 =	vlt.s32 v40, v36  }
0x421: {  	vm15 =	vgt.f32 v38, v58;
	vm1 =	vmand vm5, vm6;
	vm7 =	veq.f32 v46, v41  }
0x422: {  	vm8 =	vlt.s32 v59, v44;
	vm0 =	vmor vm15, vm1;
	vm9 =	vgt.f32 v46, v41  }
0x423: {  	vm15 =	vlt.s32 v47, v43;
	vm2 =	vmand vm7, vm8;
	v38 =	vsel vm0, v38, v58  }
0x424: {  	v36 =	vsel vm0, v40, v36;
	vm8 =	vgt.f32 v45, v42;
	vm4 =	vmand vm14, vm15  }
0x425: {  	vm10 =	vmor vm9, vm2;
	vm2 =	vmand vm12, vm13;
	vm12 =	veq.f32 v62, v60  }
0x426: {  	vm13 =	vlt.s32 v63, v61;
	v56 =	vsel vm10, v46, v41;
	v57 =	vsel vm10, v59, v44  }
0x427: {  	vm9 =	vmor vm11, vm2;
	vm10 =	vmor vm8, vm4;
	vm11 =	vgt.f32 v62, v60  }
0x428: {  	vm2 =	vmand vm12, vm13;
	v34 =	vsel vm9, v37, v34;
	v35 =	vsel vm9, v39, v35  }
0x429: {  	v58 =	vsel vm10, v45, v42;
	vm14 =	veq.f32 v56, v38;
	vm15 =	vlt.s32 v57, v36  }
0x42a: {  	vm0 =	vmor vm11, vm2;
	vm6 =	vgt.f32 v56, v38;
	v59 =	vsel vm10, v47, v43  }
0x42b: {  	vm3 =	vmand vm14, vm15;
	v60 =	vsel vm0, v62, v60;
	v61 =	vsel vm0, v63, v61  }
0x42c: {  	vm8 =	vgt.f32 v58, v34;
	vm9 =	veq.f32 v58, v34;
	vm7 =	vmor vm6, vm3  }
0x42d: {  	vm10 =	vlt.s32 v59, v35;
	v38 =	vsel vm7, v56, v38;
	v36 =	vsel vm7, v57, v36  }
0x42e: {  	vm1 =	vmand vm9, vm10;
	vm11 =	veq.f32 v38, v60;
	vm12 =	vlt.s32 v36, v61  }
0x42f: {  	vm0 =	vmor vm8, vm1;
	vm13 =	vgt.f32 v38, v60;
	vm2 =	vmand vm11, vm12  }
0x430: {  	v34 =	vsel vm0, v58, v34;
	vm1 =	vmor vm13, vm2  }
0x431: {  	v35 =	vsel vm0, v59, v35;
	v62 =	vsel vm1, v38, v60;
	v36 =	vsel vm1, v36, v61  }
0x432: {  	vm14 =	veq.f32 v62, v34;
	vm1 =	vlt.s32 v36, v35  }
0x433: {  	vm15 =	vgt.f32 v62, v34;
	vm0 =	vmand vm14, vm1  }
0x434: {  	s25 =	sadd.s32 $0x1, s25;
	vm0 =	vmor vm15, vm0  }
0x435: {  	p0 =	sne.s32 s25, $0x4;
	v63 =	vsel vm0, v36, v35  }
.Ltmp9:
0x436: {  	_ = 	snop;
	(pc) =	sbr.rel @p0 .LBB2_14-.Ltmp9, $2  }
0x437: {  	_ =	sdelay $0x2  }
0x438: {  	s24 =	sadd.s32 $0x1000, s24;
	[tilespmem:v63+s18+$0x0] =	vst.idx.msk $0xffff, v18  }
0x439: {  	s24 =	sshll.u32 s23, $0xF;
	p0 =	seq.s32 s23, $0xF  }
0x43a: {  	s0 =	sadd.s32 @!p0 s24, s10  }
0x43b: {  	s0 =	sshrl.u32 @!p0 s0, $0x3  }
0x43c: {  	s1 =	simm.s32 @!p0 $0x0;
	s0 =	sadd.s32 @!p0 s2, s0  }
0x43d: {  	[tilespmem:s1], [sflag:$0x1] =	stream.linear.gather @!p0 [hbm4b:s0+s1], $0x4000, $0x38;
	[tilespmem:$0x8500] =	vst v63  }
0x43e: {  	_ =	swait.ge [sflag:s19], $0x4000  }
0x43f: {  	s25 =	simm.s32 $0x0;
	[sflag:s19] =	ssyncset.done $0x0  }
0x440: {  	s26 =	simm.s32 $0x0;
	s28 =	simm.s32 $0x0;
	[sflag:s19] =	ssyncadd.s32 $0xFFFFC000  }
.LBB2_18:
0x441: {  	s0 =	simm.s32 $0x100  }
0x442: {  	s8 =	sand.u32 $0x3800, s26;
	s4 =	sand.u32 $0x300, s0  }
0x443: {  	s1 =	simm.s32 $0x0;
	s0 =	sor.u32 s26, s0;
	s4 =	sor.u32 s4, s8  }
0x444: {  	s5 =	sor.u32 s26, s1;
	s9 =	sor.u32 $0x4400, s0;
	v37 =	vld [tilespmem:s4+$0x4000]  }
0x445: {  	s0 =	sor.u32 $0x4400, s5;
	v38 =	vld [tilespmem:s9+$0x0]  }
0x446: {  	v39 =	vld [tilespmem:s0+$0x0]  }
0x447: {  	v40 =	vld [tilespmem:s4+$0x4010]  }
0x448: {  	s12 =	simm.s32 $0x3;
	v41 =	vld [tilespmem:s9+$0x10]  }
0x449: {  	v34 =	vadd.s32 s12, v17;
	s12 =	simm.s32 $0x80;
	v42 =	vld [tilespmem:s4+$0x4020]  }
0x44a: {  	s22 =	sor.u32 s26, s12;
	v43 =	vld [tilespmem:s9+$0x20]  }
0x44b: {  	v45 =	vld [tilespmem:s4+$0x4030];
	s5 =	sor.u32 $0x4400, s22  }
0x44c: {  	v49 =	vld [tilespmem:s5+$0x0]  }
0x44d: {  	s20 =	simm.s32 $0x1;
	v46 =	vld [tilespmem:s9+$0x30]  }
0x44e: {  	v36 =	vadd.s32 s25, v17;
	v35 =	vadd.s32 s20, v17;
	v63 =	vld [tilespmem:s4+$0x4040]  }
0x44f: {  	v52 =	vld [tilespmem:s9+$0x40];
	vm1 =	vgt.f32 v37, $-Inf;
	vm2 =	vlt.f32 v38, $-Inf;
	vm3 =	vgt.f32 v38, $-Inf  }
0x450: {  	s21 =	simm.s32 $0x2;
	v54 =	vld [tilespmem:s9+$0x50];
	vm0 =	vlt.f32 v39, $-Inf;
	v44 =	vnsel vm1, $0xFF800000, v37;
	vm1 =	vmor vm3, vm2  }
0x451: {  	v56 =	vld [tilespmem:s9+$0x60];
	v37 =	vadd.s32 s21, v17;
	s21 =	sand.u32 $0x200, s1;
	vm4 =	vlt.f32 v49, $-Inf;
	vm2 =	vgt.f32 v40, v44  }
0x452: {  	v58 =	vld [tilespmem:s9+$0x70];
	v38 =	vnsel vm1, $0xFF800000, v38;
	v47 =	vsel vm1, v9, v0;
	s9 =	sor.u32 s21, s8;
	v40 =	vsel vm2, v40, v44  }
0x453: {  	vm3 =	vgt.f32 v41, v38;
	v48 =	vsel vm2, v2, v0;
	v61 =	vld [tilespmem:s9+$0x4000];
	vm1 =	vgt.f32 v42, v40  }
0x454: {  	v38 =	vsel vm3, v41, v38;
	v47 =	vsel vm3, v10, v47;
	v40 =	vsel vm1, v42, v40  }
0x455: {  	v53 =	vld [tilespmem:s4+$0x4050];
	vm2 =	vgt.f32 v43, v38;
	v48 =	vsel vm1, v3, v48;
	vm3 =	vgt.f32 v45, v40  }
0x456: {  	v38 =	vsel vm2, v43, v38;
	v47 =	vsel vm2, v11, v47;
	v40 =	vsel vm3, v45, v40  }
0x457: {  	v55 =	vld [tilespmem:s4+$0x4060];
	vm1 =	vgt.f32 v46, v38;
	v48 =	vsel vm3, v4, v48;
	vm2 =	vgt.f32 v63, v40  }
0x458: {  	s13 =	simm.s32 $0x180;
	v38 =	vsel vm1, v46, v38;
	v47 =	vsel vm1, v12, v47;
	vm7 =	vgt.f32 v61, $-Inf  }
0x459: {  	s20 =	sor.u32 s26, s13;
	v57 =	vld [tilespmem:s4+$0x4070];
	v40 =	vsel vm2, v63, v40;
	vm3 =	vgt.f32 v52, v38;
	v48 =	vsel vm2, v5, v48  }
0x45a: {  	s22 =	sor.u32 $0x4400, s20;
	vm1 =	vgt.f32 v53, v40;
	v38 =	vsel vm3, v52, v38;
	v59 =	vsel vm3, v13, v47  }
0x45b: {  	v47 =	vld [tilespmem:s22+$0x0];
	v40 =	vsel vm1, v53, v40;
	vm2 =	vgt.f32 v54, v38;
	v60 =	vsel vm1, v6, v48  }
0x45c: {  	v48 =	vnsel vm7, $0xFF800000, v61;
	vm3 =	vgt.f32 v55, v40;
	v38 =	vsel vm2, v54, v38  }
0x45d: {  	s12 =	sand.u32 $0x280, s12;
	v42 =	vsel vm2, v14, v59;
	v40 =	vsel vm3, v55, v40;
	vm1 =	vgt.f32 v56, v38  }
0x45e: {  	s13 =	sand.u32 $0x380, s13;
	s20 =	sor.u32 s12, s8;
	v59 =	vld [tilespmem:s0+$0x10];
	v43 =	vsel vm3, v7, v60;
	vm2 =	vgt.f32 v57, v40;
	v38 =	vsel vm1, v56, v38  }
0x45f: {  	v62 =	vld [tilespmem:s20+$0x4000];
	s8 =	sor.u32 s13, s8;
	v42 =	vsel vm1, v15, v42;
	vm1 =	vgt.f32 v39, $-Inf;
	v40 =	vsel vm2, v57, v40  }
0x460: {  	v56 =	vld [tilespmem:s8+$0x4000];
	vm3 =	vgt.f32 v58, v38;
	vm0 =	vmor vm1, vm0;
	vm1 =	vgt.f32 v47, $-Inf  }
0x461: {  	v53 =	vld [tilespmem:s0+$0x20];
	v38 =	vsel vm3, v58, v38;
	v58 =	vsel vm2, v8, v43;
	v42 =	vsel vm3, v16, v42  }
0x462: {  	v50 =	vld [tilespmem:s20+$0x4010];
	v39 =	vnsel vm0, $0xFF800000, v39;
	vm2 =	veq.f32 v38, v40;
	vm3 =	vlt.u32 v42, v58  }
0x463: {  	v57 =	vld [tilespmem:s9+$0x4010];
	vm5 =	vgt.f32 v38, v40;
	vm13 =	vgt.f32 v59, v39;
	vm2 =	vmand vm2, vm3  }
0x464: {  	v51 =	vld [tilespmem:s5+$0x10];
	vm3 =	vgt.f32 v49, $-Inf;
	v39 =	vsel vm13, v59, v39;
	vm2 =	vmor vm5, vm2  }
0x465: {  	v52 =	vld [tilespmem:s8+$0x4010];
	vm5 =	vlt.f32 v47, $-Inf;
	vm4 =	vmor vm3, vm4;
	vm3 =	vgt.f32 v56, $-Inf  }
0x466: {  	v63 =	vld [tilespmem:s22+$0x10];
	vm12 =	vgt.f32 v53, v39;
	v40 =	vsel vm2, v38, v40;
	v38 =	vsel vm2, v42, v58  }
0x467: {  	v60 =	vld [tilespmem:s9+$0x4020];
	vm2 =	vgt.f32 v62, $-Inf;
	vm6 =	vmor vm1, vm5;
	v49 =	vnsel vm4, $0xFF800000, v49  }
0x468: {  	v54 =	vld [tilespmem:s5+$0x20];
	v44 =	vnsel vm3, $0xFF800000, v56;
	vm7 =	vgt.f32 v57, v48;
	v39 =	vsel vm12, v53, v39  }
0x469: {  	v55 =	vld [tilespmem:s8+$0x4020];
	v56 =	vsel vm4, v9, v0;
	[tilespmem:v37+s16+$0x0] =	vst.idx.msk $0xffff, v40;
	v61 =	vnsel vm2, $0xFF800000, v62;
	v47 =	vnsel vm6, $0xFF800000, v47  }
0x46a: {  	vm15 =	vgt.f32 v51, v49;
	vm2 =	vgt.f32 v52, v44;
	v46 =	vsel vm7, v57, v48  }
0x46b: {  	v59 =	vld [tilespmem:s9+$0x4030];
	vm10 =	vgt.f32 v50, v61;
	vm8 =	vgt.f32 v63, v47;
	v57 =	vsel vm15, v51, v49  }
0x46c: {  	v45 =	vld [tilespmem:s5+$0x30];
	v44 =	vsel vm2, v52, v44;
	vm5 =	vgt.f32 v60, v46;
	v52 =	vsel vm15, v10, v56  }
0x46d: {  	v58 =	vld [tilespmem:s22+$0x20];
	v56 =	vsel vm2, v2, v0;
	v40 =	vsel vm10, v50, v61;
	v41 =	vsel vm8, v63, v47  }
0x46e: {  	v62 =	vld [tilespmem:s20+$0x4020];
	v42 =	vsel vm5, v60, v46;
	vm14 =	vgt.f32 v54, v57;
	vm1 =	vgt.f32 v55, v44  }
0x46f: {  	v63 =	vld [tilespmem:s0+$0x30];
	v61 =	vsel vm0, v9, v0;
	v43 =	vsel vm14, v54, v57;
	v44 =	vsel vm1, v55, v44  }
0x470: {  	v60 =	vld [tilespmem:s20+$0x4030];
	vm0 =	vgt.f32 v59, v42;
	v50 =	vsel vm13, v10, v61;
	v54 =	vsel vm7, v2, v0  }
0x471: {  	v57 =	vld [tilespmem:s22+$0x30];
	v55 =	vsel vm10, v2, v0;
	v52 =	vsel vm14, v11, v52;
	v56 =	vsel vm1, v3, v56  }
0x472: {  	v61 =	vld [tilespmem:s5+$0x40];
	vm11 =	vgt.f32 v58, v41;
	v42 =	vsel vm0, v59, v42;
	v59 =	vsel vm6, v9, v0  }
0x473: {  	vm13 =	vgt.f32 v45, v43;
	vm3 =	vgt.f32 v62, v40;
	v41 =	vsel vm11, v58, v41;
	v58 =	vld [tilespmem:s9+$0x4040]  }
0x474: {  	v50 =	vsel vm12, v11, v50;
	v40 =	vsel vm3, v62, v40;
	v62 =	vld [tilespmem:s8+$0x4030];
	vm9 =	vgt.f32 v63, v39  }
0x475: {  	v54 =	vsel vm5, v3, v54;
	vm4 =	vgt.f32 v60, v40;
	v39 =	vsel vm9, v63, v39;
	v63 =	vld [tilespmem:s0+$0x40]  }
0x476: {  	v43 =	vsel vm13, v45, v43;
	v53 =	vsel vm8, v10, v59;
	v40 =	vsel vm4, v60, v40;
	v60 =	vld [tilespmem:s20+$0x4040]  }
0x477: {  	v51 =	vld [tilespmem:s8+$0x4040];
	v52 =	vsel vm13, v12, v52;
	v54 =	vsel vm0, v4, v54;
	v55 =	vsel vm3, v3, v55  }
0x478: {  	v49 =	vld [tilespmem:s9+$0x4050];
	v48 =	vsel vm11, v11, v53;
	vm10 =	vgt.f32 v57, v41;
	vm12 =	vgt.f32 v61, v43  }
0x479: {  	v50 =	vsel vm9, v12, v50;
	v43 =	vsel vm12, v61, v43;
	v61 =	vld [tilespmem:s5+$0x50];
	vm7 =	vgt.f32 v62, v44  }
0x47a: {  	v55 =	vsel vm4, v4, v55;
	v44 =	vsel vm7, v62, v44;
	v62 =	vld [tilespmem:s22+$0x40];
	vm8 =	vgt.f32 v63, v39  }
0x47b: {  	vm6 =	vgt.f32 v58, v42;
	vm2 =	vgt.f32 v60, v40;
	v39 =	vsel vm8, v63, v39;
	v63 =	vld [tilespmem:s0+$0x50]  }
0x47c: {  	v42 =	vsel vm6, v58, v42;
	vm5 =	vgt.f32 v51, v44;
	v40 =	vsel vm2, v60, v40;
	v60 =	vld [tilespmem:s20+$0x4050]  }
0x47d: {  	v41 =	vsel vm10, v57, v41;
	vm3 =	vgt.f32 v49, v42;
	v44 =	vsel vm5, v51, v44;
	v51 =	vld [tilespmem:s8+$0x4050]  }
0x47e: {  	v48 =	vsel vm10, v12, v48;
	v42 =	vsel vm3, v49, v42;
	v49 =	vld [tilespmem:s9+$0x4060];
	vm9 =	vgt.f32 v61, v43  }
0x47f: {  	v52 =	vsel vm12, v13, v52;
	v43 =	vsel vm9, v61, v43;
	v61 =	vld [tilespmem:s5+$0x60];
	vm14 =	vgt.f32 v62, v41  }
0x480: {  	v54 =	vsel vm6, v5, v54;
	v41 =	vsel vm14, v62, v41;
	v62 =	vld [tilespmem:s22+$0x50];
	vm11 =	vgt.f32 v63, v39  }
0x481: {  	v56 =	vsel vm7, v4, v56;
	vm1 =	vgt.f32 v60, v40;
	v39 =	vsel vm11, v63, v39;
	v63 =	vld [tilespmem:s0+$0x60]  }
0x482: {  	v50 =	vsel vm8, v13, v50;
	vm0 =	vgt.f32 v51, v44;
	v40 =	vsel vm1, v60, v40;
	v60 =	vld [tilespmem:s20+$0x4060]  }
0x483: {  	v55 =	vsel vm2, v5, v55;
	vm4 =	vgt.f32 v49, v42;
	v44 =	vsel vm0, v51, v44;
	v51 =	vld [tilespmem:s8+$0x4060]  }
0x484: {  	v47 =	vld [tilespmem:s0+$0x70];
	v56 =	vsel vm5, v5, v56;
	v48 =	vsel vm14, v13, v48;
	v42 =	vsel vm4, v49, v42  }
0x485: {  	v49 =	vld [tilespmem:s5+$0x70];
	vm15 =	vgt.f32 v61, v43;
	v50 =	vsel vm11, v14, v50;
	vm13 =	vgt.f32 v62, v41  }
0x486: {  	v45 =	vld [tilespmem:s20+$0x4070];
	v43 =	vsel vm15, v61, v43;
	v61 =	vsel vm1, v6, v55;
	v41 =	vsel vm13, v62, v41  }
0x487: {  	v48 =	vsel vm13, v14, v48;
	vm7 =	vgt.f32 v63, v39;
	vm6 =	vgt.f32 v60, v40  }
0x488: {  	v62 =	vld [tilespmem:s22+$0x60];
	vm2 =	vgt.f32 v51, v44;
	v39 =	vsel vm7, v63, v39;
	v58 =	vsel vm6, v60, v40  }
0x489: {  	v57 =	vld [tilespmem:s9+$0x4070];
	v63 =	vsel vm3, v6, v54;
	v54 =	vsel vm9, v14, v52;
	v51 =	vsel vm2, v51, v44  }
0x48a: {  	v59 =	vld [tilespmem:s22+$0x70];
	vm3 =	vgt.f32 v49, v43;
	v50 =	vsel vm7, v15, v50;
	v44 =	vsel vm6, v7, v61  }
0x48b: {  	v60 =	vld [tilespmem:s8+$0x4070];
	vm1 =	vgt.f32 v47, v39;
	vm7 =	vgt.f32 v45, v58;
	v52 =	vsel vm15, v15, v54  }
0x48c: {  	v54 =	vsel vm4, v7, v63;
	v40 =	vsel vm1, v47, v39;
	v39 =	vsel vm3, v49, v43  }
0x48d: {  	v49 =	vsel vm7, v45, v58;
	v44 =	vsel vm7, v8, v44;
	vm5 =	vgt.f32 v62, v41  }
0x48e: {  	v53 =	vsel vm5, v62, v41;
	v62 =	vsel vm0, v6, v56;
	vm0 =	vgt.f32 v57, v42  }
0x48f: {  	v48 =	vsel vm5, v15, v48;
	v41 =	vsel vm1, v16, v50;
	vm5 =	veq.f32 v39, v49  }
0x490: {  	vm4 =	vgt.f32 v59, v53;
	vm6 =	vgt.f32 v60, v51;
	v63 =	vsel vm2, v7, v62  }
0x491: {  	v46 =	vsel vm0, v57, v42;
	v47 =	vsel vm0, v8, v54;
	v42 =	vsel vm3, v16, v52  }
0x492: {  	s29 =	simm.s32 $0x4;
	s30 =	simm.s32 $0x380;
	s31 =	sadd.s32 $0x400, s26;
	v43 =	vsel vm4, v59, v53;
	v50 =	vsel vm6, v60, v51;
	v45 =	vsel vm6, v8, v63  }
0x493: {  	s12 =	simm.s32 $0x200;
	s1 =	simm.s32 $0x5;
	s21 =	simm.s32 $0x300;
	v48 =	vsel vm4, v16, v48;
	vm3 =	veq.f32 v40, v46;
	vm4 =	vlt.u32 v41, v47  }
0x494: {  	s13 =	simm.s32 $0x280;
	s9 =	sand.u32 $0x3800, s31;
	s22 =	sand.u32 $0x300, s21;
	vm6 =	vlt.u32 v42, v44;
	vm2 =	vgt.f32 v40, v46;
	vm0 =	veq.f32 v43, v50  }
0x495: {  	[tilespmem:v37+s17+$0x0] =	vst.idx.msk $0xffff, v38;
	s5 =	sor.u32 s31, s21;
	s0 =	simm.s32 $0x8;
	s4 =	sor.u32 s22, s9;
	vm1 =	vlt.u32 v48, v45;
	vm3 =	vmand vm3, vm4;
	vm4 =	vmand vm5, vm6  }
.LBB2_19:
0x496: {  	p1 =	slt.u32 s0, $0xC;
	s8 =	sor.u32 s31, s12;
	v38 =	vld [tilespmem:s4+$0x4000];
	s21 =	sor.u32 $0x4400, s5;
	vm5 =	vgt.f32 v39, v49;
	vm6 =	vgt.f32 v43, v50;
	vm0 =	vmand vm0, vm1  }
0x497: {  	s20 =	sor.u32 s31, s30;
	vm1 =	vmor vm2, vm3;
	s5 =	sor.u32 $0x4400, s8;
	s8 =	sor.u32 s31, s13;
	v51 =	vld [tilespmem:s21+$0x0];
	vm2 =	vmor vm5, vm4;
	vm0 =	vmor vm6, vm0  }
0x498: {  	s12 =	sand.u32 $0x200, s12;
	s13 =	sand.u32 $0x280, s13;
	v40 =	vsel vm1, v40, v46;
	v41 =	vsel vm1, v41, v47;
	v37 =	vld [tilespmem:s5+$0x0];
	s8 =	sor.u32 $0x4400, s8;
	v39 =	vsel vm2, v39, v49  }
0x499: {  	s22 =	sand.u32 $0x380, s30;
	s12 =	sor.u32 s12, s9;
	s20 =	sor.u32 $0x4400, s20;
	v42 =	vsel vm2, v42, v44;
	v43 =	vsel vm0, v43, v50;
	v44 =	vsel vm0, v48, v45;
	v46 =	vld [tilespmem:s4+$0x4010]  }
0x49a: {  	v45 =	vadd.s32 s29, v17;
	s13 =	sor.u32 s13, s9;
	s9 =	sor.u32 s22, s9;
	s22 =	sadd.s32 $0x3, s29;
	v47 =	vld [tilespmem:s21+$0x10];
	[tilespmem:v36+s16+$0x0] =	vst.idx.msk $0xffff, v40  }
0x49b: {  	v49 =	vadd.s32 s22, v17;
	v40 =	vadd.s32 s1, v17;
	v48 =	vld [tilespmem:s4+$0x4020];
	[tilespmem:v36+s17+$0x0] =	vst.idx.msk $0xffff, v41;
	v36 =	vmov v45  }
0x49c: {  	vm1 =	vgt.f32 v38, $-Inf;
	vm2 =	vlt.f32 v51, $-Inf;
	vm3 =	vgt.f32 v51, $-Inf;
	v41 =	vld [tilespmem:s21+$0x20];
	[tilespmem:v35+s16+$0x0] =	vst.idx.msk $0xffff, v39  }
0x49d: {  	s1 =	sadd.s32 $0x2, s29;
	s29 =	smov.u32 s0;
	v38 =	vnsel vm1, $0xFF800000, v38;
	vm0 =	vlt.f32 v37, $-Inf;
	v39 =	vld [tilespmem:s4+$0x4030];
	vm1 =	vmor vm3, vm2;
	[tilespmem:v35+s17+$0x0] =	vst.idx.msk $0xffff, v42;
	v35 =	vmovc v40  }
0x49e: {  	v45 =	vadd.s32 s1, v17;
	vm2 =	vgt.f32 v46, v38;
	v40 =	vnsel vm1, $0xFF800000, v51;
	v42 =	vld [tilespmem:s21+$0x30];
	[tilespmem:v34+s16+$0x0] =	vst.idx.msk $0xffff, v43  }
0x49f: {  	v38 =	vsel vm2, v46, v38;
	v43 =	vld [tilespmem:s4+$0x4040];
	vm3 =	vgt.f32 v47, v40;
	v46 =	vsel vm1, v9, v0  }
0x4a0: {  	v50 =	vsel vm2, v2, v0;
	vm1 =	vgt.f32 v48, v38;
	v40 =	vsel vm3, v47, v40;
	v47 =	vld [tilespmem:s21+$0x40]  }
0x4a1: {  	v46 =	vsel vm3, v10, v46;
	v38 =	vsel vm1, v48, v38;
	v48 =	vld [tilespmem:s4+$0x4050];
	vm2 =	vgt.f32 v41, v40  }
0x4a2: {  	v50 =	vsel vm1, v3, v50;
	vm3 =	vgt.f32 v39, v38;
	v40 =	vsel vm2, v41, v40;
	v41 =	vld [tilespmem:s21+$0x50]  }
0x4a3: {  	v46 =	vsel vm2, v11, v46;
	v38 =	vsel vm3, v39, v38;
	v39 =	vld [tilespmem:s4+$0x4060];
	vm1 =	vgt.f32 v42, v40  }
0x4a4: {  	v50 =	vsel vm3, v4, v50;
	vm2 =	vgt.f32 v43, v38;
	v40 =	vsel vm1, v42, v40;
	v42 =	vld [tilespmem:s21+$0x60]  }
0x4a5: {  	v46 =	vsel vm1, v12, v46;
	v38 =	vsel vm2, v43, v38;
	v43 =	vld [tilespmem:s4+$0x4070];
	vm3 =	vgt.f32 v47, v40  }
0x4a6: {  	v50 =	vsel vm2, v5, v50;
	vm1 =	vgt.f32 v48, v38;
	v40 =	vsel vm3, v47, v40;
	v47 =	vld [tilespmem:s21+$0x70]  }
0x4a7: {  	v46 =	vsel vm3, v13, v46;
	v51 =	vld [tilespmem:s8+$0x0];
	v38 =	vsel vm1, v48, v38;
	vm2 =	vgt.f32 v41, v40  }
0x4a8: {  	vm3 =	vgt.f32 v39, v38;
	v40 =	vsel vm2, v41, v40;
	v41 =	vsel vm1, v6, v50;
	v48 =	vld [tilespmem:s20+$0x0]  }
0x4a9: {  	v50 =	vld [tilespmem:s12+$0x4000];
	v38 =	vsel vm3, v39, v38;
	vm1 =	vgt.f32 v42, v40;
	v39 =	vsel vm2, v14, v46  }
0x4aa: {  	v41 =	vsel vm3, v7, v41;
	v46 =	vld [tilespmem:s13+$0x4000];
	vm2 =	vgt.f32 v43, v38;
	v40 =	vsel vm1, v42, v40  }
0x4ab: {  	v39 =	vsel vm1, v15, v39;
	v38 =	vsel vm2, v43, v38;
	vm3 =	vgt.f32 v47, v40;
	v42 =	vld [tilespmem:s9+$0x4000]  }
0x4ac: {  	v41 =	vsel vm2, v8, v41;
	v43 =	vld [tilespmem:s12+$0x4010];
	v40 =	vsel vm3, v47, v40;
	v39 =	vsel vm3, v16, v39  }
0x4ad: {  	vm1 =	vgt.f32 v37, $-Inf;
	v47 =	vld [tilespmem:s5+$0x10];
	vm2 =	veq.f32 v40, v38;
	vm3 =	vlt.u32 v39, v41;
	[tilespmem:v34+s17+$0x0] =	vst.idx.msk $0xffff, v44  }
0x4ae: {  	vm4 =	vlt.f32 v51, $-Inf;
	vm5 =	vgt.f32 v40, v38;
	v34 =	vmovc v49;
	v44 =	vld [tilespmem:s13+$0x4010];
	vm2 =	vmand vm2, vm3  }
0x4af: {  	vm3 =	vgt.f32 v51, $-Inf;
	v49 =	vld [tilespmem:s8+$0x10];
	vm2 =	vmor vm5, vm2;
	vm5 =	vlt.f32 v48, $-Inf  }
0x4b0: {  	vm0 =	vmor vm1, vm0;
	vm1 =	vgt.f32 v48, $-Inf;
	v38 =	vsel vm2, v40, v38;
	v40 =	vld [tilespmem:s9+$0x4010]  }
0x4b1: {  	vm6 =	vgt.f32 v50, $-Inf;
	vm3 =	vmor vm3, vm4;
	v39 =	vsel vm2, v39, v41;
	[tilespmem:v45+s16+$0x0] =	vst.idx.msk $0xffff, v38;
	v38 =	vld [tilespmem:s20+$0x10]  }
0x4b2: {  	vm2 =	vgt.f32 v46, $-Inf;
	vm4 =	vgt.f32 v42, $-Inf;
	vm7 =	vmor vm1, vm5;
	v41 =	vld [tilespmem:s12+$0x4020];
	[tilespmem:v45+s17+$0x0] =	vst.idx.msk $0xffff, v39  }
0x4b3: {  	v37 =	vnsel vm0, $0xFF800000, v37;
	v39 =	vnsel vm6, $0xFF800000, v50;
	v50 =	vnsel vm3, $0xFF800000, v51;
	v45 =	vld [tilespmem:s5+$0x20]  }
0x4b4: {  	v46 =	vnsel vm2, $0xFF800000, v46;
	v42 =	vnsel vm4, $0xFF800000, v42;
	v48 =	vnsel vm7, $0xFF800000, v48;
	v51 =	vld [tilespmem:s13+$0x4020]  }
0x4b5: {  	vm13 =	vgt.f32 v47, v37;
	vm5 =	vgt.f32 v43, v39;
	vm15 =	vgt.f32 v49, v50;
	v52 =	vld [tilespmem:s8+$0x20]  }
0x4b6: {  	vm11 =	vgt.f32 v44, v46;
	vm4 =	vgt.f32 v40, v42;
	v53 =	vld [tilespmem:s9+$0x4020];
	vm9 =	vgt.f32 v38, v48  }
0x4b7: {  	v37 =	vsel vm13, v47, v37;
	v39 =	vsel vm5, v43, v39;
	v43 =	vsel vm15, v49, v50;
	v47 =	vld [tilespmem:s20+$0x20]  }
0x4b8: {  	v44 =	vsel vm11, v44, v46;
	v40 =	vsel vm4, v40, v42;
	v38 =	vsel vm9, v38, v48;
	v49 =	vld [tilespmem:s12+$0x4030]  }
0x4b9: {  	vm6 =	vgt.f32 v41, v39;
	vm12 =	vgt.f32 v45, v37;
	v42 =	vld [tilespmem:s5+$0x30];
	vm2 =	vgt.f32 v51, v44  }
0x4ba: {  	v39 =	vsel vm6, v41, v39;
	v37 =	vsel vm12, v45, v37;
	v41 =	vld [tilespmem:s13+$0x4030];
	vm14 =	vgt.f32 v52, v43  }
0x4bb: {  	v44 =	vsel vm2, v51, v44;
	v43 =	vsel vm14, v52, v43;
	v45 =	vld [tilespmem:s8+$0x30];
	vm1 =	vgt.f32 v53, v40  }
0x4bc: {  	v46 =	vsel vm0, v9, v0;
	v40 =	vsel vm1, v53, v40;
	v48 =	vld [tilespmem:s9+$0x4030];
	vm10 =	vgt.f32 v47, v38  }
0x4bd: {  	v50 =	vsel vm3, v9, v0;
	vm0 =	vgt.f32 v49, v39;
	v38 =	vsel vm10, v47, v38;
	v47 =	vld [tilespmem:s20+$0x30]  }
0x4be: {  	v51 =	vsel vm7, v9, v0;
	v39 =	vsel vm0, v49, v39;
	v49 =	vld [tilespmem:s12+$0x4040];
	vm8 =	vgt.f32 v42, v37  }
0x4bf: {  	v46 =	vsel vm13, v10, v46;
	v37 =	vsel vm8, v42, v37;
	v42 =	vld [tilespmem:s5+$0x40];
	vm3 =	vgt.f32 v41, v44  }
0x4c0: {  	v50 =	vsel vm15, v10, v50;
	v41 =	vsel vm3, v41, v44;
	v44 =	vld [tilespmem:s13+$0x4040];
	vm13 =	vgt.f32 v45, v43  }
0x4c1: {  	v52 =	vsel vm5, v2, v0;
	v43 =	vsel vm13, v45, v43;
	v45 =	vld [tilespmem:s8+$0x40];
	vm7 =	vgt.f32 v48, v40  }
0x4c2: {  	v53 =	vsel vm11, v2, v0;
	v40 =	vsel vm7, v48, v40;
	v48 =	vld [tilespmem:s9+$0x4040];
	vm11 =	vgt.f32 v47, v38  }
0x4c3: {  	v51 =	vsel vm9, v10, v51;
	vm5 =	vgt.f32 v49, v39;
	v38 =	vsel vm11, v47, v38;
	v47 =	vld [tilespmem:s20+$0x40]  }
0x4c4: {  	v54 =	vsel vm4, v2, v0;
	v39 =	vsel vm5, v49, v39;
	v49 =	vld [tilespmem:s12+$0x4050];
	vm9 =	vgt.f32 v42, v37  }
0x4c5: {  	v46 =	vsel vm12, v11, v46;
	v37 =	vsel vm9, v42, v37;
	v42 =	vld [tilespmem:s5+$0x50];
	vm4 =	vgt.f32 v44, v41  }
0x4c6: {  	v50 =	vsel vm14, v11, v50;
	v41 =	vsel vm4, v44, v41;
	v44 =	vld [tilespmem:s13+$0x4050];
	vm12 =	vgt.f32 v45, v43  }
0x4c7: {  	v52 =	vsel vm6, v3, v52;
	v43 =	vsel vm12, v45, v43;
	v45 =	vld [tilespmem:s8+$0x50];
	vm6 =	vgt.f32 v48, v40  }
0x4c8: {  	v53 =	vsel vm2, v3, v53;
	v40 =	vsel vm6, v48, v40;
	v48 =	vld [tilespmem:s9+$0x4050];
	vm14 =	vgt.f32 v47, v38  }
0x4c9: {  	v51 =	vsel vm10, v11, v51;
	vm2 =	vgt.f32 v49, v39;
	v38 =	vsel vm14, v47, v38;
	v47 =	vld [tilespmem:s20+$0x50]  }
0x4ca: {  	v54 =	vsel vm1, v3, v54;
	v39 =	vsel vm2, v49, v39;
	v49 =	vld [tilespmem:s12+$0x4060];
	vm10 =	vgt.f32 v42, v37  }
0x4cb: {  	v46 =	vsel vm8, v12, v46;
	v37 =	vsel vm10, v42, v37;
	v42 =	vld [tilespmem:s5+$0x60];
	vm1 =	vgt.f32 v44, v41  }
0x4cc: {  	v50 =	vsel vm13, v12, v50;
	v41 =	vsel vm1, v44, v41;
	v44 =	vld [tilespmem:s13+$0x4060];
	vm8 =	vgt.f32 v45, v43  }
0x4cd: {  	v52 =	vsel vm0, v4, v52;
	v43 =	vsel vm8, v45, v43;
	v45 =	vld [tilespmem:s8+$0x60];
	vm0 =	vgt.f32 v48, v40  }
0x4ce: {  	v53 =	vsel vm3, v4, v53;
	v40 =	vsel vm0, v48, v40;
	v48 =	vld [tilespmem:s9+$0x4060];
	vm13 =	vgt.f32 v47, v38  }
0x4cf: {  	v54 =	vsel vm7, v4, v54;
	v51 =	vsel vm11, v12, v51;
	v38 =	vsel vm13, v47, v38;
	v47 =	vld [tilespmem:s20+$0x60]  }
0x4d0: {  	v46 =	vsel vm9, v13, v46;
	vm3 =	vgt.f32 v49, v39;
	v55 =	vld [tilespmem:s12+$0x4070];
	vm7 =	vgt.f32 v42, v37  }
0x4d1: {  	v52 =	vsel vm5, v5, v52;
	v50 =	vsel vm12, v13, v50;
	v56 =	vld [tilespmem:s5+$0x70];
	vm5 =	vgt.f32 v44, v41  }
0x4d2: {  	v53 =	vsel vm4, v5, v53;
	v51 =	vsel vm14, v13, v51;
	v57 =	vld [tilespmem:s13+$0x4070];
	vm9 =	vgt.f32 v45, v43  }
0x4d3: {  	v54 =	vsel vm6, v5, v54;
	v37 =	vsel vm7, v42, v37;
	v42 =	vld [tilespmem:s8+$0x70];
	vm4 =	vgt.f32 v48, v40  }
0x4d4: {  	v49 =	vsel vm3, v49, v39;
	v39 =	vsel vm9, v45, v43;
	v45 =	vld [tilespmem:s9+$0x4070];
	vm6 =	vgt.f32 v47, v38  }
0x4d5: {  	v44 =	vsel vm5, v44, v41;
	v43 =	vsel vm10, v14, v46;
	v38 =	vsel vm6, v47, v38;
	v58 =	vld [tilespmem:s20+$0x70]  }
0x4d6: {  	v41 =	vsel vm2, v6, v52;
	v46 =	vsel vm8, v14, v50;
	v48 =	vsel vm4, v48, v40  }
0x4d7: {  	v50 =	vsel vm13, v14, v51;
	v40 =	vsel vm1, v6, v53;
	v47 =	vsel vm0, v6, v54  }
0x4d8: {  	vm0 =	vgt.f32 v55, v49;
	vm1 =	vgt.f32 v56, v37;
	vm2 =	vgt.f32 v42, v39  }
0x4d9: {  	v43 =	vsel vm7, v15, v43;
	v51 =	vsel vm9, v15, v46;
	vm7 =	vgt.f32 v57, v44  }
0x4da: {  	v52 =	vsel vm3, v7, v41;
	v53 =	vsel vm5, v7, v40;
	vm3 =	vgt.f32 v58, v38  }
0x4db: {  	v59 =	vsel vm6, v15, v50;
	v54 =	vsel vm4, v7, v47;
	vm5 =	vgt.f32 v45, v48  }
0x4dc: {  	v40 =	vsel vm1, v56, v37;
	v41 =	vsel vm1, v16, v43;
	v39 =	vsel vm2, v42, v39  }
0x4dd: {  	v46 =	vsel vm0, v55, v49;
	v47 =	vsel vm0, v8, v52;
	v42 =	vsel vm2, v16, v51  }
.Ltmp10:
0x4de: {  	v49 =	vsel vm7, v57, v44;
	v44 =	vsel vm7, v8, v53;
	v43 =	vsel vm3, v58, v38;
	(pc) =	sbr.rel @p1 .LBB2_19-.Ltmp10, $4  }
0x4df: {  	s30 =	sadd.s32 $0x200, s30;
	s1 =	sadd.s32 $0x1, s0;
	v50 =	vsel vm5, v45, v48;
	v45 =	vsel vm5, v8, v54;
	v48 =	vsel vm3, v16, v59  }
0x4e0: {  	s31 =	sadd.s32 $0x400, s31;
	s12 =	sadd.s32 $0xFFFFFE80, s30;
	s5 =	sadd.s32 $0xFFFFFF80, s30;
	vm4 =	vlt.u32 v41, v47;
	vm5 =	veq.f32 v39, v49;
	vm3 =	veq.f32 v40, v46  }
0x4e1: {  	s13 =	sadd.s32 $0xFFFFFF00, s30;
	s4 =	sand.u32 $0x300, s5;
	s9 =	sand.u32 $0x3800, s31;
	vm6 =	vlt.u32 v42, v44;
	vm0 =	veq.f32 v43, v50;
	vm1 =	vlt.u32 v48, v45  }
0x4e2: {  	s0 =	sadd.s32 $0x4, s0;
	s5 =	sor.u32 s31, s5;
	s4 =	sor.u32 s4, s9;
	vm2 =	vgt.f32 v40, v46;
	vm3 =	vmand vm3, vm4;
	vm4 =	vmand vm5, vm6  }
0x4e3: {  	v51 =	vld [tilespmem:s4+$0x4000]  }
0x4e4: {  	v54 =	vld [tilespmem:s4+$0x4010]  }
0x4e5: {  	s0 =	sor.u32 s31, s12;
	s5 =	sor.u32 $0x4400, s5;
	vm13 =	vmor vm2, vm3;
	v59 =	vld [tilespmem:s4+$0x4020]  }
0x4e6: {  	vm5 =	vgt.f32 v39, v49;
	vm6 =	vgt.f32 v43, v50;
	s0 =	sor.u32 $0x4400, s0;
	v52 =	vld [tilespmem:s5+$0x0];
	v46 =	vsel vm13, v40, v46  }
0x4e7: {  	vm0 =	vmand vm0, vm1;
	vm14 =	vmor vm5, vm4;
	v41 =	vsel vm13, v41, v47;
	v53 =	vld [tilespmem:s0+$0x0];
	[tilespmem:v36+s16+$0x0] =	vst.idx.msk $0xffff, v46  }
0x4e8: {  	v63 =	vld [tilespmem:s4+$0x4050];
	s8 =	sor.u32 s31, s13;
	s31 =	sor.u32 s31, s30;
	s20 =	sand.u32 $0x200, s12;
	vm0 =	vmor vm6, vm0;
	v40 =	vsel vm14, v39, v49;
	v39 =	vsel vm14, v42, v44;
	[tilespmem:v36+s17+$0x0] =	vst.idx.msk $0xffff, v41  }
0x4e9: {  	v55 =	vld [tilespmem:s5+$0x10];
	s12 =	sor.u32 s20, s9;
	s20 =	sand.u32 $0x380, s30;
	s30 =	sadd.s32 $0x3, s29;
	v38 =	vsel vm0, v43, v50;
	v37 =	vsel vm0, v48, v45;
	v41 =	vadd.s32 s29, v17;
	[tilespmem:v35+s16+$0x0] =	vst.idx.msk $0xffff, v40  }
0x4ea: {  	v42 =	vld [tilespmem:s5+$0x20];
	v40 =	vadd.s32 s1, v17;
	[tilespmem:v35+s17+$0x0] =	vst.idx.msk $0xffff, v39;
	v39 =	vadd.s32 s30, v17;
	vm15 =	vgt.f32 v51, $-Inf  }
0x4eb: {  	v43 =	vld [tilespmem:s4+$0x4030];
	vm6 =	vlt.f32 v52, $-Inf;
	vm7 =	vgt.f32 v52, $-Inf;
	v57 =	vnsel vm15, $0xFF800000, v51  }
0x4ec: {  	v58 =	vld [tilespmem:s5+$0x30];
	vm8 =	vmor vm7, vm6;
	vm0 =	vlt.f32 v53, $-Inf;
	vm9 =	vgt.f32 v54, v57  }
0x4ed: {  	v49 =	vld [tilespmem:s4+$0x4040];
	v60 =	vnsel vm8, $0xFF800000, v52;
	v44 =	vsel vm9, v54, v57;
	v61 =	vsel vm8, v9, v0  }
0x4ee: {  	v50 =	vld [tilespmem:s5+$0x50];
	v62 =	vsel vm9, v2, v0;
	vm10 =	vgt.f32 v55, v60;
	vm11 =	vgt.f32 v59, v44  }
0x4ef: {  	v51 =	vld [tilespmem:s5+$0x40];
	v48 =	vsel vm10, v55, v60;
	v44 =	vsel vm11, v59, v44;
	v59 =	vsel vm10, v10, v61  }
0x4f0: {  	v52 =	vld [tilespmem:s4+$0x4060];
	v60 =	vsel vm11, v3, v62;
	vm12 =	vgt.f32 v42, v48;
	vm13 =	vgt.f32 v43, v44  }
0x4f1: {  	v62 =	vld [tilespmem:s5+$0x60];
	v42 =	vsel vm12, v42, v48;
	v43 =	vsel vm13, v43, v44;
	v61 =	vsel vm12, v11, v59  }
0x4f2: {  	v57 =	vsel vm13, v4, v60;
	v59 =	vld [tilespmem:s5+$0x70];
	s5 =	sor.u32 $0x4400, s31;
	vm13 =	vgt.f32 v53, $-Inf;
	s31 =	sadd.s32 $0x2, s29;
	vm14 =	vgt.f32 v58, v42  }
0x4f3: {  	s8 =	sor.u32 $0x4400, s8;
	[tilespmem:v34+s16+$0x0] =	vst.idx.msk $0xffff, v38;
	v60 =	vld [tilespmem:s12+$0x4000];
	vm15 =	vgt.f32 v49, v43;
	vm1 =	vmor vm13, vm0;
	v38 =	vadd.s32 s31, v17  }
0x4f4: {  	v56 =	vld [tilespmem:s8+$0x10];
	v42 =	vsel vm14, v58, v42;
	v43 =	vsel vm15, v49, v43;
	v44 =	vsel vm14, v12, v61  }
0x4f5: {  	v58 =	vld [tilespmem:s4+$0x4070];
	v45 =	vsel vm15, v5, v57;
	vm6 =	vgt.f32 v51, v42;
	vm7 =	vgt.f32 v63, v43  }
0x4f6: {  	v48 =	vld [tilespmem:s12+$0x4010];
	v53 =	vnsel vm1, $0xFF800000, v53;
	v42 =	vsel vm6, v51, v42;
	v43 =	vsel vm7, v63, v43  }
0x4f7: {  	v54 =	vld [tilespmem:s8+$0x20];
	v44 =	vsel vm6, v13, v44;
	v45 =	vsel vm7, v6, v45;
	vm8 =	vgt.f32 v50, v42  }
0x4f8: {  	s21 =	sand.u32 $0x280, s13;
	v51 =	vld [tilespmem:s8+$0x0];
	vm9 =	vgt.f32 v52, v43;
	vm7 =	vgt.f32 v60, $-Inf;
	v42 =	vsel vm8, v50, v42  }
0x4f9: {  	s13 =	sor.u32 s21, s9;
	v63 =	vld [tilespmem:s5+$0x0];
	v43 =	vsel vm9, v52, v43;
	v44 =	vsel vm8, v14, v44;
	v45 =	vsel vm9, v7, v45  }
0x4fa: {  	v61 =	vld [tilespmem:s13+$0x4000];
	v50 =	vnsel vm7, $0xFF800000, v60;
	vm10 =	vgt.f32 v62, v42;
	vm11 =	vgt.f32 v58, v43  }
0x4fb: {  	v49 =	vld [tilespmem:s0+$0x10];
	vm7 =	vgt.f32 v48, v50;
	v42 =	vsel vm10, v62, v42;
	v43 =	vsel vm11, v58, v43  }
0x4fc: {  	s22 =	sor.u32 s20, s9;
	v55 =	vld [tilespmem:s13+$0x4010];
	v44 =	vsel vm10, v15, v44;
	v45 =	vsel vm11, v8, v45;
	v48 =	vsel vm7, v48, v50  }
0x4fd: {  	v57 =	vld [tilespmem:s22+$0x4010];
	vm12 =	vgt.f32 v59, v42;
	vm15 =	vlt.f32 v51, $-Inf;
	vm9 =	vgt.f32 v51, $-Inf  }
0x4fe: {  	v60 =	vld [tilespmem:s22+$0x4020];
	vm10 =	vlt.f32 v63, $-Inf;
	vm11 =	vgt.f32 v63, $-Inf;
	v42 =	vsel vm12, v59, v42  }
0x4ff: {  	v62 =	vld [tilespmem:s22+$0x4000];
	v44 =	vsel vm12, v16, v44;
	vm4 =	vmor vm9, vm15;
	vm12 =	vgt.f32 v61, $-Inf  }
0x500: {  	v58 =	vld [tilespmem:s5+$0x10];
	vm6 =	vmor vm11, vm10;
	vm15 =	vgt.f32 v49, v53;
	vm14 =	veq.f32 v42, v43  }
0x501: {  	v59 =	vld [tilespmem:s13+$0x4020];
	vm3 =	vlt.u32 v44, v45;
	vm8 =	vgt.f32 v42, v43;
	v51 =	vnsel vm4, $0xFF800000, v51  }
0x502: {  	v46 =	vnsel vm12, $0xFF800000, v61;
	v61 =	vld [tilespmem:s5+$0x20];
	vm2 =	vmand vm14, vm3;
	vm14 =	vgt.f32 v56, v51  }
0x503: {  	v52 =	vnsel vm6, $0xFF800000, v63;
	vm2 =	vmor vm8, vm2;
	v63 =	vsel vm14, v56, v51;
	v56 =	vld [tilespmem:s5+$0x30]  }
0x504: {  	v49 =	vsel vm15, v49, v53;
	v42 =	vsel vm2, v42, v43;
	v43 =	vsel vm2, v44, v45;
	v44 =	vld [tilespmem:s12+$0x4020]  }
0x505: {  	vm10 =	vgt.f32 v55, v46;
	vm13 =	vgt.f32 v62, $-Inf;
	vm8 =	vgt.f32 v58, v52;
	v45 =	vld [tilespmem:s0+$0x20]  }
0x506: {  	v46 =	vsel vm10, v55, v46;
	v47 =	vnsel vm13, $0xFF800000, v62;
	v52 =	vsel vm8, v58, v52;
	v62 =	vld [tilespmem:s13+$0x4030]  }
0x507: {  	vm13 =	vgt.f32 v54, v63;
	vm0 =	vgt.f32 v57, v47;
	vm2 =	vgt.f32 v59, v46  }
0x508: {  	v47 =	vsel vm0, v57, v47;
	v46 =	vsel vm2, v59, v46;
	vm9 =	vgt.f32 v61, v52  }
0x509: {  	v53 =	vld [tilespmem:s0+$0x30];
	vm3 =	vgt.f32 v60, v47;
	v52 =	vsel vm9, v61, v52;
	v61 =	vsel vm10, v2, v0  }
0x50a: {  	v51 =	vld [tilespmem:s12+$0x4030];
	v47 =	vsel vm3, v60, v47;
	v60 =	vsel vm4, v9, v0;
	vm10 =	vgt.f32 v56, v52  }
0x50b: {  	vm5 =	vgt.f32 v44, v48;
	vm12 =	vgt.f32 v45, v49;
	vm4 =	vgt.f32 v62, v46  }
0x50c: {  	v50 =	vld [tilespmem:s22+$0x4030];
	v55 =	vsel vm14, v10, v60;
	v60 =	vsel vm7, v2, v0;
	v52 =	vsel vm10, v56, v52  }
0x50d: {  	v58 =	vld [tilespmem:s12+$0x4040];
	v44 =	vsel vm5, v44, v48;
	v45 =	vsel vm12, v45, v49;
	v49 =	vsel vm13, v54, v63  }
0x50e: {  	v59 =	vld [tilespmem:s0+$0x40];
	v63 =	vsel vm1, v9, v0;
	v46 =	vsel vm4, v62, v46;
	v55 =	vsel vm13, v11, v55  }
0x50f: {  	v56 =	vld [tilespmem:s12+$0x4050];
	v60 =	vsel vm5, v3, v60;
	vm1 =	vgt.f32 v51, v44;
	vm11 =	vgt.f32 v53, v45  }
0x510: {  	v48 =	vld [tilespmem:s8+$0x30];
	v44 =	vsel vm1, v51, v44;
	v51 =	vsel vm6, v9, v0;
	v45 =	vsel vm11, v53, v45  }
0x511: {  	v54 =	vld [tilespmem:s13+$0x4040];
	v53 =	vsel vm15, v10, v63;
	vm6 =	vgt.f32 v50, v47;
	v60 =	vsel vm1, v4, v60  }
0x512: {  	v57 =	vld [tilespmem:s8+$0x40];
	v47 =	vsel vm6, v50, v47;
	vm7 =	vgt.f32 v58, v44;
	v51 =	vsel vm8, v10, v51  }
0x513: {  	v62 =	vld [tilespmem:s8+$0x50];
	vm14 =	vgt.f32 v59, v45;
	v53 =	vsel vm12, v11, v53;
	v44 =	vsel vm7, v58, v44  }
0x514: {  	v50 =	vld [tilespmem:s5+$0x40];
	v58 =	vsel vm0, v2, v0;
	v45 =	vsel vm14, v59, v45;
	v51 =	vsel vm9, v11, v51  }
0x515: {  	v59 =	vld [tilespmem:s0+$0x50];
	v53 =	vsel vm11, v12, v53;
	v60 =	vsel vm7, v5, v60;
	vm15 =	vgt.f32 v48, v49  }
0x516: {  	vm8 =	vgt.f32 v54, v46;
	vm0 =	vgt.f32 v56, v44;
	v48 =	vsel vm15, v48, v49;
	v49 =	vld [tilespmem:s22+$0x4040]  }
0x517: {  	v58 =	vsel vm3, v3, v58;
	v51 =	vsel vm10, v12, v51;
	v46 =	vsel vm8, v54, v46;
	v54 =	vld [tilespmem:s13+$0x4050]  }
0x518: {  	v53 =	vsel vm14, v13, v53;
	v44 =	vsel vm0, v56, v44;
	v56 =	vld [tilespmem:s5+$0x50];
	vm12 =	vgt.f32 v57, v48  }
0x519: {  	v55 =	vsel vm15, v12, v55;
	v48 =	vsel vm12, v57, v48;
	vm13 =	vgt.f32 v50, v52  }
0x51a: {  	v57 =	vld [tilespmem:s13+$0x4060];
	v55 =	vsel vm12, v13, v55;
	v50 =	vsel vm13, v50, v52;
	vm9 =	vgt.f32 v59, v45  }
0x51b: {  	v52 =	vsel vm2, v3, v61;
	v45 =	vsel vm9, v59, v45;
	v59 =	vld [tilespmem:s0+$0x60];
	vm5 =	vgt.f32 v49, v47  }
0x51c: {  	vm3 =	vgt.f32 v62, v48;
	vm2 =	vgt.f32 v54, v46;
	v47 =	vsel vm5, v49, v47;
	v49 =	vld [tilespmem:s22+$0x4050]  }
0x51d: {  	v52 =	vsel vm4, v4, v52;
	vm4 =	vgt.f32 v56, v50;
	v46 =	vsel vm2, v54, v46;
	v54 =	vld [tilespmem:s12+$0x4060]  }
0x51e: {  	v51 =	vsel vm13, v13, v51;
	v36 =	vsel vm4, v56, v50;
	v50 =	vsel vm6, v4, v58;
	v58 =	vld [tilespmem:s5+$0x60]  }
0x51f: {  	v63 =	vld [tilespmem:s0+$0x70];
	v48 =	vsel vm3, v62, v48;
	v53 =	vsel vm9, v14, v53;
	v52 =	vsel vm8, v5, v52  }
0x520: {  	v55 =	vsel vm3, v14, v55;
	v52 =	vsel vm2, v6, v52;
	v51 =	vsel vm4, v14, v51  }
0x521: {  	v56 =	vld [tilespmem:s22+$0x4060];
	vm7 =	vgt.f32 v57, v46;
	v50 =	vsel vm5, v5, v50;
	vm1 =	vgt.f32 v49, v47  }
0x522: {  	vm14 =	vgt.f32 v59, v45;
	vm6 =	vgt.f32 v54, v44;
	v47 =	vsel vm1, v49, v47;
	v49 =	vld [tilespmem:s8+$0x60]  }
0x523: {  	v45 =	vsel vm14, v59, v45;
	vm5 =	vgt.f32 v58, v36;
	v44 =	vsel vm6, v54, v44;
	v54 =	vld [tilespmem:s12+$0x4070]  }
0x524: {  	v46 =	vsel vm7, v57, v46;
	vm9 =	vgt.f32 v63, v45;
	v36 =	vsel vm5, v58, v36;
	v58 =	vld [tilespmem:s22+$0x4070]  }
0x525: {  	v62 =	vld [tilespmem:s5+$0x70];
	v52 =	vsel vm7, v7, v52;
	v53 =	vsel vm14, v15, v53;
	v45 =	vsel vm9, v63, v45  }
0x526: {  	v61 =	vld [tilespmem:s8+$0x70];
	v63 =	vsel vm0, v6, v60;
	v50 =	vsel vm1, v6, v50;
	vm11 =	vgt.f32 v56, v47  }
0x527: {  	v51 =	vsel vm5, v15, v51;
	v53 =	vsel vm9, v16, v53;
	v35 =	vsel vm11, v56, v47  }
0x528: {  	v56 =	vsel vm6, v7, v63;
	v50 =	vsel vm11, v7, v50;
	vm15 =	vgt.f32 v49, v48  }
0x529: {  	vm12 =	vgt.f32 v54, v44;
	vm8 =	vgt.f32 v58, v35;
	v48 =	vsel vm15, v49, v48  }
0x52a: {  	v49 =	vld [tilespmem:s13+$0x4070];
	v55 =	vsel vm15, v15, v55;
	vm15 =	vgt.f32 v62, v36;
	v44 =	vsel vm12, v54, v44  }
0x52b: {  	v60 =	vsel vm12, v8, v56;
	v35 =	vsel vm8, v58, v35;
	vm13 =	vgt.f32 v61, v48  }
0x52c: {  	v36 =	vsel vm15, v62, v36;
	v62 =	vsel vm8, v8, v50;
	v63 =	vsel vm15, v16, v51  }
0x52d: {  	vm9 =	veq.f32 v45, v44;
	vm10 =	vlt.u32 v53, v60;
	vm12 =	vgt.f32 v45, v44  }
0x52e: {  	[tilespmem:v34+s17+$0x0] =	vst.idx.msk $0xffff, v37;
	v48 =	vsel vm13, v61, v48;
	v55 =	vsel vm13, v16, v55;
	vm0 =	vmand vm9, vm10  }
0x52f: {  	[tilespmem:v38+s16+$0x0] =	vst.idx.msk $0xffff, v42;
	vm6 =	vlt.u32 v63, v62;
	vm0 =	vmor vm12, vm0;
	vm14 =	vgt.f32 v49, v46  }
0x530: {  	vm7 =	vgt.f32 v36, v35;
	v54 =	vsel vm0, v53, v60;
	v46 =	vsel vm14, v49, v46  }
0x531: {  	v61 =	vsel vm14, v8, v52;
	vm14 =	veq.f32 v36, v35;
	v52 =	vsel vm0, v45, v44  }
0x532: {  	[tilespmem:v38+s17+$0x0] =	vst.idx.msk $0xffff, v43;
	vm11 =	veq.f32 v48, v46;
	vm13 =	vlt.u32 v55, v61;
	vm8 =	vmand vm14, vm6  }
0x533: {  	vm15 =	vgt.f32 v48, v46;
	[tilespmem:v41+s16+$0x0] =	vst.idx.msk $0xffff, v52;
	vm1 =	vmand vm11, vm13;
	vm0 =	vmor vm7, vm8  }
0x534: {  	[tilespmem:v41+s17+$0x0] =	vst.idx.msk $0xffff, v54;
	vm1 =	vmor vm15, vm1;
	v58 =	vsel vm0, v36, v35  }
0x535: {  	v56 =	vsel vm1, v48, v46;
	[tilespmem:v39+s16+$0x0] =	vst.idx.msk $0xffff, v58  }
0x536: {  	v59 =	vsel vm0, v63, v62;
	[tilespmem:v40+s16+$0x0] =	vst.idx.msk $0xffff, v56  }
0x537: {  	v57 =	vsel vm1, v55, v61;
	[tilespmem:v39+s17+$0x0] =	vst.idx.msk $0xffff, v59  }
0x538: {  	[tilespmem:v40+s17+$0x0] =	vst.idx.msk $0xffff, v57  }
0x539: {  	v34 =	vld.idx.msk [tilespmem:v0+s16+$0x0], $0xffff  }
0x53a: {  	v35 =	vld.idx.msk [tilespmem:v0+s17+$0x0], $0xffff  }
0x53b: {  	v36 =	vld.idx.msk [tilespmem:v19+s16+$0x0], $0xffff  }
0x53c: {  	v37 =	vld.idx.msk [tilespmem:v19+s17+$0x0], $0xffff  }
0x53d: {  	v38 =	vld.idx.msk [tilespmem:v20+s16+$0x0], $0xffff  }
0x53e: {  	v39 =	vld.idx.msk [tilespmem:v20+s17+$0x0], $0xffff  }
0x53f: {  	v40 =	vld.idx.msk [tilespmem:v21+s16+$0x0], $0xffff  }
0x540: {  	v41 =	vld.idx.msk [tilespmem:v21+s17+$0x0], $0xffff  }
0x541: {  	v42 =	vld.idx.msk [tilespmem:v22+s16+$0x0], $0xffff  }
0x542: {  	v43 =	vld.idx.msk [tilespmem:v22+s17+$0x0], $0xffff  }
0x543: {  	v44 =	vld.idx.msk [tilespmem:v23+s16+$0x0], $0xffff  }
0x544: {  	v45 =	vld.idx.msk [tilespmem:v23+s17+$0x0], $0xffff  }
0x545: {  	v46 =	vld.idx.msk [tilespmem:v24+s16+$0x0], $0xffff  }
0x546: {  	v47 =	vld.idx.msk [tilespmem:v24+s17+$0x0], $0xffff  }
0x547: {  	v48 =	vld.idx.msk [tilespmem:v25+s16+$0x0], $0xffff  }
0x548: {  	v49 =	vld.idx.msk [tilespmem:v25+s17+$0x0], $0xffff  }
0x549: {  	v50 =	vld.idx.msk [tilespmem:v26+s16+$0x0], $0xffff  }
0x54a: {  	v51 =	vld.idx.msk [tilespmem:v26+s17+$0x0], $0xffff  }
0x54b: {  	v54 =	vld.idx.msk [tilespmem:v28+s16+$0x0], $0xffff  }
0x54c: {  	v55 =	vld.idx.msk [tilespmem:v28+s17+$0x0], $0xffff  }
0x54d: {  	v62 =	vld.idx.msk [tilespmem:v29+s16+$0x0], $0xffff;
	vm9 =	vgt.f32 v36, v34;
	vm10 =	veq.f32 v36, v34;
	vm11 =	vlt.s32 v37, v35  }
0x54e: {  	v63 =	vld.idx.msk [tilespmem:v29+s17+$0x0], $0xffff;
	vm12 =	veq.f32 v40, v38;
	vm13 =	vlt.s32 v41, v39;
	vm14 =	vgt.f32 v40, v38  }
0x54f: {  	v60 =	vld.idx.msk [tilespmem:v27+s16+$0x0], $0xffff;
	vm8 =	vgt.f32 v44, v42;
	vm1 =	vmand vm10, vm11;
	vm2 =	vmand vm12, vm13  }
0x550: {  	v61 =	vld.idx.msk [tilespmem:v27+s17+$0x0], $0xffff;
	vm10 =	vlt.s32 v45, v43;
	vm11 =	veq.f32 v48, v46;
	vm12 =	vlt.s32 v49, v47  }
0x551: {  	vm13 =	vgt.f32 v48, v46;
	vm0 =	vmor vm9, vm1;
	vm15 =	vmor vm14, vm2  }
0x552: {  	v58 =	vld.idx.msk [tilespmem:v30+s16+$0x0], $0xffff;
	vm9 =	veq.f32 v44, v42;
	vm4 =	vmand vm11, vm12;
	vm11 =	veq.f32 v62, v54  }
0x553: {  	v59 =	vld.idx.msk [tilespmem:v33+s17+$0x0], $0xffff;
	vm12 =	vlt.s32 v63, v55;
	v34 =	vsel vm0, v36, v34;
	v35 =	vsel vm0, v37, v35  }
0x554: {  	v36 =	vld.idx.msk [tilespmem:v30+s17+$0x0], $0xffff;
	v37 =	vsel vm15, v40, v38;
	vm2 =	vmand vm9, vm10;
	v39 =	vsel vm15, v41, v39  }
0x555: {  	v38 =	vld.idx.msk [tilespmem:v31+s16+$0x0], $0xffff;
	vm15 =	vmor vm13, vm4;
	vm9 =	veq.f32 v60, v50;
	vm10 =	vlt.s32 v61, v51  }
0x556: {  	v40 =	vld.idx.msk [tilespmem:v31+s17+$0x0], $0xffff;
	vm13 =	vgt.f32 v62, v54;
	vm3 =	vmand vm11, vm12;
	vm14 =	vmor vm8, vm2  }
0x557: {  	v41 =	vld.idx.msk [tilespmem:v32+s16+$0x0], $0xffff;
	vm8 =	vgt.f32 v60, v50;
	vm2 =	vmand vm9, vm10;
	v47 =	vsel vm15, v49, v47  }
0x558: {  	vm11 =	vgt.f32 v37, v34;
	v43 =	vsel vm14, v45, v43;
	v45 =	vsel vm15, v48, v46;
	v46 =	vld.idx.msk [tilespmem:v33+s16+$0x0], $0xffff  }
0x559: {  	vm12 =	veq.f32 v37, v34;
	v42 =	vsel vm14, v44, v42;
	v44 =	vld.idx.msk [tilespmem:v32+s17+$0x0], $0xffff;
	vm0 =	vmor vm8, vm2  }
0x55a: {  	vm14 =	vmor vm13, vm3;
	vm13 =	vlt.s32 v39, v35;
	v60 =	vsel vm0, v60, v50  }
0x55b: {  	v61 =	vsel vm0, v61, v51;
	v62 =	vsel vm14, v62, v54;
	v63 =	vsel vm14, v63, v55  }
0x55c: {  	vm14 =	veq.f32 v45, v42;
	vm5 =	veq.f32 v38, v58;
	vm6 =	vlt.s32 v40, v36  }
0x55d: {  	vm15 =	vgt.f32 v38, v58;
	vm1 =	vmand vm5, vm6;
	vm7 =	veq.f32 v46, v41  }
0x55e: {  	vm8 =	vlt.s32 v59, v44;
	vm0 =	vmor vm15, vm1;
	vm9 =	vgt.f32 v46, v41  }
0x55f: {  	vm15 =	vlt.s32 v47, v43;
	vm2 =	vmand vm7, vm8;
	v38 =	vsel vm0, v38, v58  }
0x560: {  	v36 =	vsel vm0, v40, v36;
	vm8 =	vgt.f32 v45, v42;
	vm4 =	vmand vm14, vm15  }
0x561: {  	vm10 =	vmor vm9, vm2;
	vm2 =	vmand vm12, vm13;
	vm12 =	veq.f32 v62, v60  }
0x562: {  	vm13 =	vlt.s32 v63, v61;
	v56 =	vsel vm10, v46, v41;
	v57 =	vsel vm10, v59, v44  }
0x563: {  	vm9 =	vmor vm11, vm2;
	vm10 =	vmor vm8, vm4;
	vm11 =	vgt.f32 v62, v60  }
0x564: {  	vm2 =	vmand vm12, vm13;
	v34 =	vsel vm9, v37, v34;
	v35 =	vsel vm9, v39, v35  }
0x565: {  	v58 =	vsel vm10, v45, v42;
	vm14 =	veq.f32 v56, v38;
	vm15 =	vlt.s32 v57, v36  }
0x566: {  	vm0 =	vmor vm11, vm2;
	vm6 =	vgt.f32 v56, v38;
	v59 =	vsel vm10, v47, v43  }
0x567: {  	vm3 =	vmand vm14, vm15;
	v60 =	vsel vm0, v62, v60;
	v61 =	vsel vm0, v63, v61  }
0x568: {  	vm8 =	vgt.f32 v58, v34;
	vm9 =	veq.f32 v58, v34;
	vm7 =	vmor vm6, vm3  }
0x569: {  	vm10 =	vlt.s32 v59, v35;
	v38 =	vsel vm7, v56, v38;
	v36 =	vsel vm7, v57, v36  }
0x56a: {  	vm1 =	vmand vm9, vm10;
	vm11 =	veq.f32 v38, v60;
	vm12 =	vlt.s32 v36, v61  }
0x56b: {  	vm0 =	vmor vm8, vm1;
	vm13 =	vgt.f32 v38, v60;
	vm2 =	vmand vm11, vm12  }
0x56c: {  	v34 =	vsel vm0, v58, v34;
	vm1 =	vmor vm13, vm2  }
0x56d: {  	v35 =	vsel vm0, v59, v35;
	v62 =	vsel vm1, v38, v60;
	v36 =	vsel vm1, v36, v61  }
0x56e: {  	vm14 =	veq.f32 v62, v34;
	vm1 =	vlt.s32 v36, v35  }
0x56f: {  	vm15 =	vgt.f32 v62, v34;
	vm0 =	vmand vm14, vm1  }
0x570: {  	s28 =	sadd.s32 $0x1, s28;
	vm0 =	vmor vm15, vm0  }
0x571: {  	p1 =	sne.s32 s28, $0x4;
	v63 =	vsel vm0, v36, v35  }
.Ltmp11:
0x572: {  	_ = 	snop;
	(pc) =	sbr.rel @p1 .LBB2_18-.Ltmp11, $2  }
0x573: {  	_ =	sdelay $0x2  }
0x574: {  	s26 =	sadd.s32 $0x1000, s26;
	[tilespmem:v63+s18+$0x0] =	vst.idx.msk $0xffff, v18  }
.Ltmp12:
0x575: {  	(pc) =	sbr.rel @p0 .LBB2_23-.Ltmp12, $1  }
0x576: {  	_ =	sdelay $0x3  }
.Ltmp13:
0x577: {  	(pc) =	sbr.rel .LBB2_13-.Ltmp13, $4  }
0x578: {  	s0 =	sadd.s32 s24, s11  }
0x579: {  	s0 =	sshrl.u32 s0, $0x3  }
0x57a: {  	s23 =	sadd.s32 $0x1, s23;
	s0 =	sadd.s32 s2, s0  }
0x57b: {  	[tilespmem:s14], [sflag:$0x2] =	stream.linear.gather [hbm4b:s0+s3], $0x4000, $0x38;
	[tilespmem:$0x8500] =	vst v63  }
.LBB2_24:
0x57c: {  	_ =	sfence.sel $0x180000  }
0x57d: {  	[bflag:$0x0] =	sbarrier.arrive $0xFFFF  }
0x57e: {  	_ =	strace $0x90000047  }
0x57f: {  	s0 =	stileid.u32;
	[bflag:$0x2] =	sbarrier.arrive $0xFFFF  }
0x580: {  	p0 =	sne.s32 s0, $0x0;
	s0 =	rddreg [dreg:$0x2]  }
0x581: {  	s0 =	sadd.s32 @!p0 $0x100000, s0  }
0x582: {  	[sflag:s0] =	ssyncadd.tile.s32 @!p0 $0x1;
	_ =	shalt  }
.Lfunc_end2:
_tile_overlayer_lowered:
.L_overlay_start_2:
0x583: {  	(tag) =	ssettag $0x2  }
0x584: {  	s0 =	rddreg [dreg:$0x0];
	s2 =	stileid.u32  }
0x585: {  	s1 =	rddreg [dreg:$0x1];
	p0 =	sne.s32 s2, $0x0  }
0x586: {  	s3 =	rddreg [dreg:$0x2];
	[bflag:$0x3] =	sbarrier.arrive $0xFFFF;
	s2 =	simm.s32 @!p0 $0x1C03  }
0x587: {  	[timem:s3], [sflag:s2] =	dma.local @!p0 [hbm:s0], s1  }
0x588: {  	s0 =	simm.s32 @!p0 $0x3  }
0x589: {  	_ =	swait.ge @!p0 [sflag:s0], s1  }
0x58a: {  	s1 =	ssub.s32 @!p0 $0x0, s1;
	[sflag:s0] =	ssyncset.done @!p0 $0x0  }
0x58b: {  	[sflag:s0] =	ssyncadd.s32 @!p0 s1  }
0x58c: {  	[bflag:$0x3] =	sbarrier.arrive $0xFFFF  }
0x58d: {  	_ =	shalt  }

</sc_bundles>
